<compile_context>
chip_gen: v7x
topology: tpu7x:2x2x1
jax: 0.10.2.dev20260603
libtpu: 0.0.44.dev20260713+nightly
codegen_flags: <defaults>
</compile_context>

<pallas_src>
import math

import numpy as np
import jax
import jax.numpy as jnp
from jax import lax
from jax.experimental import pallas as pl
from jax.experimental.pallas import tpu as pltpu
from jax.experimental.pallas import tpu_sc as plsc

IMG_H = 2048
IMG_W = 2048
N_LEVELS = 16
LOG2T = 19
T = 1 << LOG2T
BASE = 16
FINEST = 2048
N_POINTS = 262144

_B = np.exp((np.log(np.float32(FINEST)) - np.log(np.float32(BASE)))
            / np.float32(N_LEVELS - 1)).astype(np.float32)
RES = [int(math.floor(float(np.float32(BASE) * (_B ** np.float32(i)))))
       for i in range(N_LEVELS)]
TABLE_SIZES = [(r + 1) ** 2 if r * r < T else T for r in RES]
FINE_LEVELS = [l for l in range(N_LEVELS) if (RES[l] + 1) ** 2 > T]
N_FINE = len(FINE_LEVELS)
IDX2RAD = 2.0 * math.pi / T
HASH_MULT = np.int32(np.uint32(2654435761).astype(np.int64) - (1 << 32))
GS = [np.float32(IMG_H / r) for r in RES]


def _build_remaps():
    remaps = []
    for lvl in FINE_LEVELS:
        r = RES[lvl]
        a = np.arange(r + 1)
        xg, yg = np.meshgrid(a, a, indexing='xy')
        xy = np.stack([xg, yg], axis=-1).reshape(-1, 2)
        h = ((xy[:, 0].astype(np.uint32) * np.uint32(1))
             ^ (xy[:, 1].astype(np.uint32) * np.uint32(2654435761)))
        h = (h & np.uint32(T - 1)).astype(np.int64)
        rad = h.astype(np.float32) * np.float32(IDX2RAD)
        order = np.argsort(rad, kind='stable')
        rad_s = rad[order]
        h_s = h[order]
        tkey = (rad_s + np.concatenate(
            [rad_s[1:], np.array([2.0 * np.pi], dtype=np.float32)])
        ) / np.float32(2.0)
        q = np.arange(T, dtype=np.int64).astype(np.float32) * np.float32(IDX2RAD)
        pos = np.searchsorted(tkey, q, side='left') % tkey.shape[0]
        remaps.append(h_s[pos].astype(np.int32))
    return remaps


REMAPS = _build_remaps()

RESIDENT = [l for l in range(N_LEVELS) if l <= 6]
HBM_LEVELS = [l for l in range(N_LEVELS) if l > 6]

NW = 32
NPW = N_POINTS // NW
C = 256
NCH = NPW // C
NCHUNK_TOT = N_POINTS // C
K = 4 * C


def _body(*refs):
    it = iter(refs)
    x0_hbm = next(it)
    x1_hbm = next(it)
    tabsA = [next(it) for _ in range(N_LEVELS)]
    tabsB = [next(it) for _ in range(N_LEVELS)]
    rems = [next(it) for _ in range(N_FINE)]
    out_hbm = next(it)
    hids = [next(it) for _ in range(N_LEVELS)]
    x0b = next(it)
    x1b = next(it)
    outb = next(it)
    hbs = [next(it) for _ in range(N_LEVELS)]
    hss = [next(it) for _ in range(N_FINE)]
    ras = {l: next(it) for l in HBM_LEVELS}
    rbs = {l: next(it) for l in HBM_LEVELS}
    tavs = {l: next(it) for l in RESIDENT}
    tbvs = {l: next(it) for l in RESIDENT}
    gsem = next(it)
    osem = next(it)

    cid = lax.axis_index("c")
    sid = lax.axis_index("s")
    wid = sid * 2 + cid

    for l in RESIDENT:
        pltpu.sync_copy(tabsA[l], tavs[l])
        pltpu.sync_copy(tabsB[l], tbvs[l])

    lanes = lax.iota(jnp.int32, 16)

    def chunk_body(g, carry):
        chunk = wid * NCH + g
        pltpu.sync_copy(x0_hbm.at[chunk], x0b)
        pltpu.sync_copy(x1_hbm.at[chunk], x1b)

        def p1f(v, c2):
            s = pl.multiple_of(v * 16, 16)
            x0 = x0b[pl.ds(s, 16)]
            x1 = x1b[pl.ds(s, 16)]
            pbase = pl.multiple_of((v // 8) * 512 + (v % 8) * 16, 16)
            for l in FINE_LEVELS:
                b0 = (x0 / GS[l]).astype(jnp.int32)
                b1 = (x1 / GS[l]).astype(jnp.int32)
                m1 = b1 * HASH_MULT
                m1b = (b1 + 1) * HASH_MULT
                dst = hss[FINE_LEVELS.index(l)]
                dst[pl.ds(pbase, 16)] = (b0 ^ m1) & (T - 1)
                dst[pl.ds(pbase + 128, 16)] = (b0 ^ m1b) & (T - 1)
                dst[pl.ds(pbase + 256, 16)] = ((b0 + 1) ^ m1) & (T - 1)
                dst[pl.ds(pbase + 384, 16)] = ((b0 + 1) ^ m1b) & (T - 1)
            return c2

        lax.fori_loop(0, C // 16, p1f, 0)
        rcopies = [pltpu.async_copy(rems[k].at[hss[k]], hbs[l], gsem)
                   for k, l in enumerate(FINE_LEVELS)]

        def p1(v, c2):
            s = pl.multiple_of(v * 16, 16)
            x0 = x0b[pl.ds(s, 16)]
            x1 = x1b[pl.ds(s, 16)]
            pbase = pl.multiple_of((v // 8) * 512 + (v % 8) * 16, 16)
            for l in range(N_LEVELS):
                if l in FINE_LEVELS:
                    continue
                res = RES[l]
                b0 = (x0 / GS[l]).astype(jnp.int32)
                b1 = (x1 / GS[l]).astype(jnp.int32)
                base_i = b0 * res + b1
                dst = hbs[l]
                dst[pl.ds(pbase, 16)] = base_i
                dst[pl.ds(pbase + 128, 16)] = base_i + 1
                dst[pl.ds(pbase + 256, 16)] = base_i + res
                dst[pl.ds(pbase + 384, 16)] = base_i + res + 1
            return c2

        lax.fori_loop(0, C // 16, p1, 0)

        gcopies = []
        for l in HBM_LEVELS:
            if l not in FINE_LEVELS:
                gcopies.append(pltpu.async_copy(tabsA[l].at[hbs[l]], ras[l], gsem))
                gcopies.append(pltpu.async_copy(tabsB[l].at[hbs[l]], rbs[l], gsem))
        for cp in rcopies:
            cp.wait()
        for l in FINE_LEVELS:
            gcopies.append(pltpu.async_copy(tabsA[l].at[hbs[l]], ras[l], gsem))
            gcopies.append(pltpu.async_copy(tabsB[l].at[hbs[l]], rbs[l], gsem))
        for cp in gcopies:
            cp.wait()

        def p2(v, c2):
            s = pl.multiple_of(v * 16, 16)
            x0 = x0b[pl.ds(s, 16)]
            x1 = x1b[pl.ds(s, 16)]
            pbase = pl.multiple_of((v // 8) * 512 + (v % 8) * 16, 16)
            obase = pl.multiple_of((v // 8) * 1024 + (v % 8) * 16, 16)
            for l in range(N_LEVELS):
                gs = GS[l]
                b0f = (x0 / gs).astype(jnp.int32).astype(jnp.float32)
                b1f = (x1 / gs).astype(jnp.int32).astype(jnp.float32)
                g0 = b0f * gs
                g1 = b1f * gs
                d0 = (g0 + gs) - g0
                d1 = (g1 + gs) - g1
                w0 = (x0 - g0) / d0
                w1 = (x1 - g1) / d1
                if l in RESIDENT:
                    res = RES[l]
                    i00 = (x0 / gs).astype(jnp.int32) * res \
                        + (x1 / gs).astype(jnp.int32)
                    i01 = i00 + 1
                    i10 = i00 + res
                    i11 = i00 + res + 1
                    e0a = plsc.load_gather(tavs[l], [i00])
                    e0b = plsc.load_gather(tbvs[l], [i00])
                    e1a = plsc.load_gather(tavs[l], [i01])
                    e1b = plsc.load_gather(tbvs[l], [i01])
                    e2a = plsc.load_gather(tavs[l], [i10])
                    e2b = plsc.load_gather(tbvs[l], [i10])
                    e3a = plsc.load_gather(tavs[l], [i11])
                    e3b = plsc.load_gather(tbvs[l], [i11])
                else:
                    e0a = ras[l][pl.ds(pbase, 16)]
                    e0b = rbs[l][pl.ds(pbase, 16)]
                    e1a = ras[l][pl.ds(pbase + 128, 16)]
                    e1b = rbs[l][pl.ds(pbase + 128, 16)]
                    e2a = ras[l][pl.ds(pbase + 256, 16)]
                    e2b = rbs[l][pl.ds(pbase + 256, 16)]
                    e3a = ras[l][pl.ds(pbase + 384, 16)]
                    e3b = rbs[l][pl.ds(pbase + 384, 16)]
                t1 = 1.0 - w1
                t0 = 1.0 - w0
                ca = (e0a * t1 + e1a * w1) * t0 + (e2a * t1 + e3a * w1) * w0
                cb = (e0b * t1 + e1b * w1) * t0 + (e2b * t1 + e3b * w1) * w0
                fa, fb_ = 2 * l, 2 * l + 1
                outb[pl.ds(obase + (fa // 8) * 2048 + (fa % 8) * 128, 16)] = ca
                outb[pl.ds(obase + (fb_ // 8) * 2048 + (fb_ % 8) * 128, 16)] = cb
            return c2

        lax.fori_loop(0, C // 16, p2, 0)

        ocs = []
        for fb in range(4):
            ocs.append(pltpu.async_copy(
                outb.at[pl.ds(fb * 2048, 2048)],
                out_hbm.at[pl.ds((fb * (N_POINTS // 128) + chunk * 2) * 1024,
                                 2048)],
                osem))
        for l in range(N_LEVELS):
            ocs.append(pltpu.async_copy(hbs[l],
                                        hids[l].at[pl.ds(chunk * K, K)],
                                        osem))
        for cp in ocs:
            cp.wait()
        return carry

    lax.fori_loop(0, NCH, chunk_body, 0)


_OUT_TYPE = ([jax.ShapeDtypeStruct((N_POINTS * 2 * N_LEVELS,), jnp.float32)]
             + [jax.ShapeDtypeStruct((N_POINTS * 4,), jnp.int32)
                for _ in range(N_LEVELS)])

_SCRATCH = ([pltpu.VMEM((C,), jnp.float32),
             pltpu.VMEM((C,), jnp.float32),
             pltpu.VMEM((C * 2 * N_LEVELS,), jnp.float32)]
            + [pltpu.VMEM((K,), jnp.int32) for _ in range(N_LEVELS)]
            + [pltpu.VMEM((K,), jnp.int32) for _ in range(N_FINE)]
            + [pltpu.VMEM((K,), jnp.float32) for _ in HBM_LEVELS]
            + [pltpu.VMEM((K,), jnp.float32) for _ in HBM_LEVELS]
            + [pltpu.VMEM((TABLE_SIZES[l],), jnp.float32) for l in RESIDENT]
            + [pltpu.VMEM((TABLE_SIZES[l],), jnp.float32) for l in RESIDENT]
            + [pltpu.SemaphoreType.DMA, pltpu.SemaphoreType.DMA])


def _make_kfn():
    mesh = plsc.VectorSubcoreMesh(core_axis_name="c", subcore_axis_name="s",
                                  num_cores=2, num_subcores=16)
    return pl.kernel(
        _body, out_type=_OUT_TYPE, mesh=mesh, scratch_types=_SCRATCH,
        compiler_params=pltpu.CompilerParams(needs_layout_passes=False))


@jax.jit
def _run(x, *tables):
    x0 = x[:, 0].reshape(NCHUNK_TOT, C)
    x1 = x[:, 1].reshape(NCHUNK_TOT, C)
    tabsA = [t[:, 0] for t in tables]
    tabsB = [t[:, 1] for t in tables]
    rems = [jnp.asarray(r) for r in REMAPS]
    outs = _make_kfn()(x0, x1, *tabsA, *tabsB, *rems)
    out = (outs[0].reshape(4, N_POINTS // 128, 8, 128)
           .transpose(1, 3, 0, 2).reshape(N_POINTS, 2 * N_LEVELS))
    hid = [o.reshape(N_POINTS // 128, 4, 128).transpose(0, 2, 1)
           .reshape(N_POINTS, 4) for o in outs[1:]]
    return (out,) + tuple(hid)


def kernel(x, table_0, table_1, table_2, table_3, table_4, table_5, table_6,
           table_7, table_8, table_9, table_10, table_11, table_12, table_13,
           table_14, table_15):
    return _run(x, table_0, table_1, table_2, table_3, table_4, table_5,
                table_6, table_7, table_8, table_9, table_10, table_11,
                table_12, table_13, table_14, table_15)

# --- scband reference (transcript-rebuilt; emitter-appended) ---
"""Pipeline reference for scband-consistent-hash-embedder-11768210391673 (READ-ONLY COPY).

The authoritative reference and input builder live on the scoring server;
editing this copy changes nothing except your own understanding.
"""

import math
import jax, jax.numpy as jnp
import numpy as np

IMG_H = 2048
IMG_W = 2048
N_LEVELS = 16
F_PER_LEVEL = 2
LOG2T = 19
T = 1 << LOG2T
BASE = 16
FINEST = 2048
N_POINTS = 262144

_B = np.exp((np.log(np.float32(FINEST)) - np.log(np.float32(BASE))) / np.float32(N_LEVELS - 1)).astype(np.float32)
RES = [int(math.floor(float(np.float32(BASE) * (_B ** np.float32(i))))) for i in range(N_LEVELS)]
TABLE_SIZES = [(r + 1) ** 2 if r * r < T else T for r in RES]
FINE_LEVELS = [lvl for lvl in range(N_LEVELS) if (RES[lvl] + 1) ** 2 > T]
IDX2RAD = 2.0 * math.pi / T
GRID_OFFSET = jnp.array([[0, 0], [0, 1], [1, 0], [1, 1]], dtype=jnp.int32)

def _hash2d_np(c0, c1):
    h = (c0.astype(np.uint32) * np.uint32(1)) ^ (c1.astype(np.uint32) * np.uint32(2654435761))
    return h & np.uint32(T - 1)

def _build_targets():
    keys, vals = [], []
    for lvl in FINE_LEVELS:
        r = RES[lvl]
        a = np.arange(r + 1)
        xg, yg = np.meshgrid(a, a, indexing='xy')
        xy = np.stack([xg, yg], axis=-1).reshape(-1, 2)
        h = _hash2d_np(xy[:, 0], xy[:, 1]).astype(np.int64)
        rad = h.astype(np.float32) * np.float32(IDX2RAD)
        order = np.argsort(rad, kind='stable')
        rad_s = rad[order]
        h_s = h[order]
        tkey = (rad_s + np.concatenate([rad_s[1:], np.array([2.0 * np.pi], dtype=np.float32)])) / np.float32(2.0)
        keys.append(jnp.asarray(tkey))
        vals.append(jnp.asarray(h_s.astype(np.int32)))
    return keys, vals

TARGET_KEYS, TARGET_VALUES = _build_targets()

def _hash2d(coords):
    c = coords.astype(jnp.uint32)
    h = (c[..., 0] * jnp.uint32(1)) ^ (c[..., 1] * jnp.uint32(2654435761))
    return (h & jnp.uint32(T - 1)).astype(jnp.int32)

def _forward(x, tables):
    outs = []
    hashed_all = []
    for lvl in range(N_LEVELS):
        res = RES[lvl]
        grid_size = jnp.array([IMG_H / res, IMG_W / res], dtype=jnp.float32)
        bl = jnp.floor(x / grid_size).astype(jnp.int32)
        gmin = bl.astype(jnp.float32) * grid_size
        gmax = gmin + grid_size
        gi = bl[:, None, :] + GRID_OFFSET[None, :, :]
        if (res + 1) ** 2 <= T:
            hidx = gi[..., 0] * res + gi[..., 1]
        else:
            k = FINE_LEVELS.index(lvl)
            h = _hash2d(gi)
            q = h.astype(jnp.float32) * jnp.float32(IDX2RAD)
            pos = jnp.searchsorted(TARGET_KEYS[k], q, method='sort')
            pos = pos % TARGET_KEYS[k].shape[0]
            hidx = TARGET_VALUES[k][pos]
        emb = jnp.take(tables[lvl], hidx, axis=0)
        w = (x - gmin) / (gmax - gmin)
        w0 = w[:, 0][:, None]
        w1 = w[:, 1][:, None]
        c0 = emb[:, 0] * (1.0 - w1) + emb[:, 1] * w1
        c1 = emb[:, 2] * (1.0 - w1) + emb[:, 3] * w1
        c = c0 * (1.0 - w0) + c1 * w0
        outs.append(c)
        hashed_all.append(hidx)
    return jnp.concatenate(outs, axis=-1), hashed_all

def setup_inputs(seed: int = 0):
    key = jax.random.key(seed)
    ks = jax.random.split(key, N_LEVELS + 1)
    inp = {}
    inp['x'] = jax.random.uniform(ks[0], (N_POINTS, 2), dtype=jnp.float32) * jnp.array([float(IMG_H), float(IMG_W)], dtype=jnp.float32)
    for i in range(N_LEVELS):
        inp['table_%d' % i] = jax.random.uniform(ks[i + 1], (TABLE_SIZES[i], F_PER_LEVEL), dtype=jnp.float32, minval=-0.0001, maxval=0.0001)
    return inp

def reference(x, table_0, table_1, table_2, table_3, table_4, table_5, table_6, table_7, table_8, table_9, table_10, table_11, table_12, table_13, table_14, table_15):
    tables = [table_0, table_1, table_2, table_3, table_4, table_5, table_6, table_7, table_8, table_9, table_10, table_11, table_12, table_13, table_14, table_15]
    out, hashed_all = _forward(x, tables)
    return (out,) + tuple(hashed_all)

if __name__ == "__main__":
    import jax
    _d = setup_inputs()
    print(jax.jit(kernel)(*tuple(_d.values())))

</pallas_src>

<mosaic_0001>
#map = affine_map<(d0, d1) -> (0, 0)>
#map1 = affine_map<(d0, d1) -> (0)>
module attributes {stable_mosaic.version = 14 : i64} {
  func.func @_body(%arg0: i32, %arg1: i32, %arg2: memref<1024x256xf32, #tpu.memory_space<hbm>>, %arg3: memref<1024x256xf32, #tpu.memory_space<hbm>>, %arg4: memref<289xf32, #tpu.memory_space<hbm>>, %arg5: memref<529xf32, #tpu.memory_space<hbm>>, %arg6: memref<961xf32, #tpu.memory_space<hbm>>, %arg7: memref<1849xf32, #tpu.memory_space<hbm>>, %arg8: memref<3481xf32, #tpu.memory_space<hbm>>, %arg9: memref<6561xf32, #tpu.memory_space<hbm>>, %arg10: memref<12544xf32, #tpu.memory_space<hbm>>, %arg11: memref<23716xf32, #tpu.memory_space<hbm>>, %arg12: memref<45369xf32, #tpu.memory_space<hbm>>, %arg13: memref<87025xf32, #tpu.memory_space<hbm>>, %arg14: memref<165649xf32, #tpu.memory_space<hbm>>, %arg15: memref<315844xf32, #tpu.memory_space<hbm>>, %arg16: memref<524288xf32, #tpu.memory_space<hbm>>, %arg17: memref<524288xf32, #tpu.memory_space<hbm>>, %arg18: memref<524288xf32, #tpu.memory_space<hbm>>, %arg19: memref<524288xf32, #tpu.memory_space<hbm>>, %arg20: memref<289xf32, #tpu.memory_space<hbm>>, %arg21: memref<529xf32, #tpu.memory_space<hbm>>, %arg22: memref<961xf32, #tpu.memory_space<hbm>>, %arg23: memref<1849xf32, #tpu.memory_space<hbm>>, %arg24: memref<3481xf32, #tpu.memory_space<hbm>>, %arg25: memref<6561xf32, #tpu.memory_space<hbm>>, %arg26: memref<12544xf32, #tpu.memory_space<hbm>>, %arg27: memref<23716xf32, #tpu.memory_space<hbm>>, %arg28: memref<45369xf32, #tpu.memory_space<hbm>>, %arg29: memref<87025xf32, #tpu.memory_space<hbm>>, %arg30: memref<165649xf32, #tpu.memory_space<hbm>>, %arg31: memref<315844xf32, #tpu.memory_space<hbm>>, %arg32: memref<524288xf32, #tpu.memory_space<hbm>>, %arg33: memref<524288xf32, #tpu.memory_space<hbm>>, %arg34: memref<524288xf32, #tpu.memory_space<hbm>>, %arg35: memref<524288xf32, #tpu.memory_space<hbm>>, %arg36: memref<524288xi32, #tpu.memory_space<hbm>>, %arg37: memref<524288xi32, #tpu.memory_space<hbm>>, %arg38: memref<524288xi32, #tpu.memory_space<hbm>>, %arg39: memref<524288xi32, #tpu.memory_space<hbm>>, %arg40: memref<8388608xf32, #tpu.memory_space<hbm>>, %arg41: memref<1048576xi32, #tpu.memory_space<hbm>>, %arg42: memref<1048576xi32, #tpu.memory_space<hbm>>, %arg43: memref<1048576xi32, #tpu.memory_space<hbm>>, %arg44: memref<1048576xi32, #tpu.memory_space<hbm>>, %arg45: memref<1048576xi32, #tpu.memory_space<hbm>>, %arg46: memref<1048576xi32, #tpu.memory_space<hbm>>, %arg47: memref<1048576xi32, #tpu.memory_space<hbm>>, %arg48: memref<1048576xi32, #tpu.memory_space<hbm>>, %arg49: memref<1048576xi32, #tpu.memory_space<hbm>>, %arg50: memref<1048576xi32, #tpu.memory_space<hbm>>, %arg51: memref<1048576xi32, #tpu.memory_space<hbm>>, %arg52: memref<1048576xi32, #tpu.memory_space<hbm>>, %arg53: memref<1048576xi32, #tpu.memory_space<hbm>>, %arg54: memref<1048576xi32, #tpu.memory_space<hbm>>, %arg55: memref<1048576xi32, #tpu.memory_space<hbm>>, %arg56: memref<1048576xi32, #tpu.memory_space<hbm>>, %arg57: memref<256xf32, #tpu.memory_space<vmem>>, %arg58: memref<256xf32, #tpu.memory_space<vmem>>, %arg59: memref<8192xf32, #tpu.memory_space<vmem>>, %arg60: memref<1024xi32, #tpu.memory_space<vmem>>, %arg61: memref<1024xi32, #tpu.memory_space<vmem>>, %arg62: memref<1024xi32, #tpu.memory_space<vmem>>, %arg63: memref<1024xi32, #tpu.memory_space<vmem>>, %arg64: memref<1024xi32, #tpu.memory_space<vmem>>, %arg65: memref<1024xi32, #tpu.memory_space<vmem>>, %arg66: memref<1024xi32, #tpu.memory_space<vmem>>, %arg67: memref<1024xi32, #tpu.memory_space<vmem>>, %arg68: memref<1024xi32, #tpu.memory_space<vmem>>, %arg69: memref<1024xi32, #tpu.memory_space<vmem>>, %arg70: memref<1024xi32, #tpu.memory_space<vmem>>, %arg71: memref<1024xi32, #tpu.memory_space<vmem>>, %arg72: memref<1024xi32, #tpu.memory_space<vmem>>, %arg73: memref<1024xi32, #tpu.memory_space<vmem>>, %arg74: memref<1024xi32, #tpu.memory_space<vmem>>, %arg75: memref<1024xi32, #tpu.memory_space<vmem>>, %arg76: memref<1024xi32, #tpu.memory_space<vmem>>, %arg77: memref<1024xi32, #tpu.memory_space<vmem>>, %arg78: memref<1024xi32, #tpu.memory_space<vmem>>, %arg79: memref<1024xi32, #tpu.memory_space<vmem>>, %arg80: memref<1024xf32, #tpu.memory_space<vmem>>, %arg81: memref<1024xf32, #tpu.memory_space<vmem>>, %arg82: memref<1024xf32, #tpu.memory_space<vmem>>, %arg83: memref<1024xf32, #tpu.memory_space<vmem>>, %arg84: memref<1024xf32, #tpu.memory_space<vmem>>, %arg85: memref<1024xf32, #tpu.memory_space<vmem>>, %arg86: memref<1024xf32, #tpu.memory_space<vmem>>, %arg87: memref<1024xf32, #tpu.memory_space<vmem>>, %arg88: memref<1024xf32, #tpu.memory_space<vmem>>, %arg89: memref<1024xf32, #tpu.memory_space<vmem>>, %arg90: memref<1024xf32, #tpu.memory_space<vmem>>, %arg91: memref<1024xf32, #tpu.memory_space<vmem>>, %arg92: memref<1024xf32, #tpu.memory_space<vmem>>, %arg93: memref<1024xf32, #tpu.memory_space<vmem>>, %arg94: memref<1024xf32, #tpu.memory_space<vmem>>, %arg95: memref<1024xf32, #tpu.memory_space<vmem>>, %arg96: memref<1024xf32, #tpu.memory_space<vmem>>, %arg97: memref<1024xf32, #tpu.memory_space<vmem>>, %arg98: memref<289xf32, #tpu.memory_space<vmem>>, %arg99: memref<529xf32, #tpu.memory_space<vmem>>, %arg100: memref<961xf32, #tpu.memory_space<vmem>>, %arg101: memref<1849xf32, #tpu.memory_space<vmem>>, %arg102: memref<3481xf32, #tpu.memory_space<vmem>>, %arg103: memref<6561xf32, #tpu.memory_space<vmem>>, %arg104: memref<12544xf32, #tpu.memory_space<vmem>>, %arg105: memref<289xf32, #tpu.memory_space<vmem>>, %arg106: memref<529xf32, #tpu.memory_space<vmem>>, %arg107: memref<961xf32, #tpu.memory_space<vmem>>, %arg108: memref<1849xf32, #tpu.memory_space<vmem>>, %arg109: memref<3481xf32, #tpu.memory_space<vmem>>, %arg110: memref<6561xf32, #tpu.memory_space<vmem>>, %arg111: memref<12544xf32, #tpu.memory_space<vmem>>, %arg112: memref<!tpu.dma_semaphore, #tpu.memory_space<semaphore_mem>>, %arg113: memref<!tpu.dma_semaphore, #tpu.memory_space<semaphore_mem>>) attributes {dimension_semantics = [#tpu.dimension_semantics<core_parallel>, #tpu.dimension_semantics<subcore_parallel>], iteration_bounds = array<i64: 2, 16>, scalar_prefetch = 0 : i64, scratch_operands = 57 : i64, tpu.core_type = #tpu.core_type<sc_vector_subcore>, window_params = [{transform_indices = #map}, {transform_indices = #map}, {transform_indices = #map1}, {transform_indices = #map1}, {transform_indices = #map1}, {transform_indices = #map1}, {transform_indices = #map1}, {transform_indices = #map1}, {transform_indices = #map1}, {transform_indices = #map1}, {transform_indices = #map1}, {transform_indices = #map1}, {transform_indices = #map1}, {transform_indices = #map1}, {transform_indices = #map1}, {transform_indices = #map1}, {transform_indices = #map1}, {transform_indices = #map1}, {transform_indices = #map1}, {transform_indices = #map1}, {transform_indices = #map1}, {transform_indices = #map1}, {transform_indices = #map1}, {transform_indices = #map1}, {transform_indices = #map1}, {transform_indices = #map1}, {transform_indices = #map1}, {transform_indices = #map1}, {transform_indices = #map1}, {transform_indices = #map1}, {transform_indices = #map1}, {transform_indices = #map1}, {transform_indices = #map1}, {transform_indices = #map1}, {transform_indices = #map1}, {transform_indices = #map1}, {transform_indices = #map1}, {transform_indices = #map1}, {transform_indices = #map1}, {transform_indices = #map1}, {transform_indices = #map1}, {transform_indices = #map1}, {transform_indices = #map1}, {transform_indices = #map1}, {transform_indices = #map1}, {transform_indices = #map1}, {transform_indices = #map1}, {transform_indices = #map1}, {transform_indices = #map1}, {transform_indices = #map1}, {transform_indices = #map1}, {transform_indices = #map1}, {transform_indices = #map1}, {transform_indices = #map1}, {transform_indices = #map1}]} {
    %mul3A = arith.constant 2 : i32
    %mul3A_0 = arith.muli %arg1, %mul3A : i32
    %add3A = arith.addi %mul3A_0, %arg0 : i32
    "tpu.region"() ({
      %run_scoped3A = tpu.sem_alloc : memref<!tpu.dma_semaphore, #tpu.memory_space<semaphore_mem>>
      tpu.enqueue_dma source(%arg4 : memref<289xf32, #tpu.memory_space<hbm>>) target(%arg98 : memref<289xf32, #tpu.memory_space<vmem>>) target_semaphore(%run_scoped3A : memref<!tpu.dma_semaphore, #tpu.memory_space<semaphore_mem>>)
      tpu.wait_dma2 semaphore(%run_scoped3A : memref<!tpu.dma_semaphore, #tpu.memory_space<semaphore_mem>>) src(%arg4 : memref<289xf32, #tpu.memory_space<hbm>>) dst(%arg98 : memref<289xf32, #tpu.memory_space<vmem>>)
      tpu.yield
    }) : () -> ()
    "tpu.region"() ({
      %run_scoped3A = tpu.sem_alloc : memref<!tpu.dma_semaphore, #tpu.memory_space<semaphore_mem>>
      tpu.enqueue_dma source(%arg20 : memref<289xf32, #tpu.memory_space<hbm>>) target(%arg105 : memref<289xf32, #tpu.memory_space<vmem>>) target_semaphore(%run_scoped3A : memref<!tpu.dma_semaphore, #tpu.memory_space<semaphore_mem>>)
      tpu.wait_dma2 semaphore(%run_scoped3A : memref<!tpu.dma_semaphore, #tpu.memory_space<semaphore_mem>>) src(%arg20 : memref<289xf32, #tpu.memory_space<hbm>>) dst(%arg105 : memref<289xf32, #tpu.memory_space<vmem>>)
      tpu.yield
    }) : () -> ()
    "tpu.region"() ({
      %run_scoped3A = tpu.sem_alloc : memref<!tpu.dma_semaphore, #tpu.memory_space<semaphore_mem>>
      tpu.enqueue_dma source(%arg5 : memref<529xf32, #tpu.memory_space<hbm>>) target(%arg99 : memref<529xf32, #tpu.memory_space<vmem>>) target_semaphore(%run_scoped3A : memref<!tpu.dma_semaphore, #tpu.memory_space<semaphore_mem>>)
      tpu.wait_dma2 semaphore(%run_scoped3A : memref<!tpu.dma_semaphore, #tpu.memory_space<semaphore_mem>>) src(%arg5 : memref<529xf32, #tpu.memory_space<hbm>>) dst(%arg99 : memref<529xf32, #tpu.memory_space<vmem>>)
      tpu.yield
    }) : () -> ()
    "tpu.region"() ({
      %run_scoped3A = tpu.sem_alloc : memref<!tpu.dma_semaphore, #tpu.memory_space<semaphore_mem>>
      tpu.enqueue_dma source(%arg21 : memref<529xf32, #tpu.memory_space<hbm>>) target(%arg106 : memref<529xf32, #tpu.memory_space<vmem>>) target_semaphore(%run_scoped3A : memref<!tpu.dma_semaphore, #tpu.memory_space<semaphore_mem>>)
      tpu.wait_dma2 semaphore(%run_scoped3A : memref<!tpu.dma_semaphore, #tpu.memory_space<semaphore_mem>>) src(%arg21 : memref<529xf32, #tpu.memory_space<hbm>>) dst(%arg106 : memref<529xf32, #tpu.memory_space<vmem>>)
      tpu.yield
    }) : () -> ()
    "tpu.region"() ({
      %run_scoped3A = tpu.sem_alloc : memref<!tpu.dma_semaphore, #tpu.memory_space<semaphore_mem>>
      tpu.enqueue_dma source(%arg6 : memref<961xf32, #tpu.memory_space<hbm>>) target(%arg100 : memref<961xf32, #tpu.memory_space<vmem>>) target_semaphore(%run_scoped3A : memref<!tpu.dma_semaphore, #tpu.memory_space<semaphore_mem>>)
      tpu.wait_dma2 semaphore(%run_scoped3A : memref<!tpu.dma_semaphore, #tpu.memory_space<semaphore_mem>>) src(%arg6 : memref<961xf32, #tpu.memory_space<hbm>>) dst(%arg100 : memref<961xf32, #tpu.memory_space<vmem>>)
      tpu.yield
    }) : () -> ()
    "tpu.region"() ({
      %run_scoped3A = tpu.sem_alloc : memref<!tpu.dma_semaphore, #tpu.memory_space<semaphore_mem>>
      tpu.enqueue_dma source(%arg22 : memref<961xf32, #tpu.memory_space<hbm>>) target(%arg107 : memref<961xf32, #tpu.memory_space<vmem>>) target_semaphore(%run_scoped3A : memref<!tpu.dma_semaphore, #tpu.memory_space<semaphore_mem>>)
      tpu.wait_dma2 semaphore(%run_scoped3A : memref<!tpu.dma_semaphore, #tpu.memory_space<semaphore_mem>>) src(%arg22 : memref<961xf32, #tpu.memory_space<hbm>>) dst(%arg107 : memref<961xf32, #tpu.memory_space<vmem>>)
      tpu.yield
    }) : () -> ()
    "tpu.region"() ({
      %run_scoped3A = tpu.sem_alloc : memref<!tpu.dma_semaphore, #tpu.memory_space<semaphore_mem>>
      tpu.enqueue_dma source(%arg7 : memref<1849xf32, #tpu.memory_space<hbm>>) target(%arg101 : memref<1849xf32, #tpu.memory_space<vmem>>) target_semaphore(%run_scoped3A : memref<!tpu.dma_semaphore, #tpu.memory_space<semaphore_mem>>)
      tpu.wait_dma2 semaphore(%run_scoped3A : memref<!tpu.dma_semaphore, #tpu.memory_space<semaphore_mem>>) src(%arg7 : memref<1849xf32, #tpu.memory_space<hbm>>) dst(%arg101 : memref<1849xf32, #tpu.memory_space<vmem>>)
      tpu.yield
    }) : () -> ()
    "tpu.region"() ({
      %run_scoped3A = tpu.sem_alloc : memref<!tpu.dma_semaphore, #tpu.memory_space<semaphore_mem>>
      tpu.enqueue_dma source(%arg23 : memref<1849xf32, #tpu.memory_space<hbm>>) target(%arg108 : memref<1849xf32, #tpu.memory_space<vmem>>) target_semaphore(%run_scoped3A : memref<!tpu.dma_semaphore, #tpu.memory_space<semaphore_mem>>)
      tpu.wait_dma2 semaphore(%run_scoped3A : memref<!tpu.dma_semaphore, #tpu.memory_space<semaphore_mem>>) src(%arg23 : memref<1849xf32, #tpu.memory_space<hbm>>) dst(%arg108 : memref<1849xf32, #tpu.memory_space<vmem>>)
      tpu.yield
    }) : () -> ()
    "tpu.region"() ({
      %run_scoped3A = tpu.sem_alloc : memref<!tpu.dma_semaphore, #tpu.memory_space<semaphore_mem>>
      tpu.enqueue_dma source(%arg8 : memref<3481xf32, #tpu.memory_space<hbm>>) target(%arg102 : memref<3481xf32, #tpu.memory_space<vmem>>) target_semaphore(%run_scoped3A : memref<!tpu.dma_semaphore, #tpu.memory_space<semaphore_mem>>)
      tpu.wait_dma2 semaphore(%run_scoped3A : memref<!tpu.dma_semaphore, #tpu.memory_space<semaphore_mem>>) src(%arg8 : memref<3481xf32, #tpu.memory_space<hbm>>) dst(%arg102 : memref<3481xf32, #tpu.memory_space<vmem>>)
      tpu.yield
    }) : () -> ()
    "tpu.region"() ({
      %run_scoped3A = tpu.sem_alloc : memref<!tpu.dma_semaphore, #tpu.memory_space<semaphore_mem>>
      tpu.enqueue_dma source(%arg24 : memref<3481xf32, #tpu.memory_space<hbm>>) target(%arg109 : memref<3481xf32, #tpu.memory_space<vmem>>) target_semaphore(%run_scoped3A : memref<!tpu.dma_semaphore, #tpu.memory_space<semaphore_mem>>)
      tpu.wait_dma2 semaphore(%run_scoped3A : memref<!tpu.dma_semaphore, #tpu.memory_space<semaphore_mem>>) src(%arg24 : memref<3481xf32, #tpu.memory_space<hbm>>) dst(%arg109 : memref<3481xf32, #tpu.memory_space<vmem>>)
      tpu.yield
    }) : () -> ()
    "tpu.region"() ({
      %run_scoped3A = tpu.sem_alloc : memref<!tpu.dma_semaphore, #tpu.memory_space<semaphore_mem>>
      tpu.enqueue_dma source(%arg9 : memref<6561xf32, #tpu.memory_space<hbm>>) target(%arg103 : memref<6561xf32, #tpu.memory_space<vmem>>) target_semaphore(%run_scoped3A : memref<!tpu.dma_semaphore, #tpu.memory_space<semaphore_mem>>)
      tpu.wait_dma2 semaphore(%run_scoped3A : memref<!tpu.dma_semaphore, #tpu.memory_space<semaphore_mem>>) src(%arg9 : memref<6561xf32, #tpu.memory_space<hbm>>) dst(%arg103 : memref<6561xf32, #tpu.memory_space<vmem>>)
      tpu.yield
    }) : () -> ()
    "tpu.region"() ({
      %run_scoped3A = tpu.sem_alloc : memref<!tpu.dma_semaphore, #tpu.memory_space<semaphore_mem>>
      tpu.enqueue_dma source(%arg25 : memref<6561xf32, #tpu.memory_space<hbm>>) target(%arg110 : memref<6561xf32, #tpu.memory_space<vmem>>) target_semaphore(%run_scoped3A : memref<!tpu.dma_semaphore, #tpu.memory_space<semaphore_mem>>)
      tpu.wait_dma2 semaphore(%run_scoped3A : memref<!tpu.dma_semaphore, #tpu.memory_space<semaphore_mem>>) src(%arg25 : memref<6561xf32, #tpu.memory_space<hbm>>) dst(%arg110 : memref<6561xf32, #tpu.memory_space<vmem>>)
      tpu.yield
    }) : () -> ()
    "tpu.region"() ({
      %run_scoped3A = tpu.sem_alloc : memref<!tpu.dma_semaphore, #tpu.memory_space<semaphore_mem>>
      tpu.enqueue_dma source(%arg10 : memref<12544xf32, #tpu.memory_space<hbm>>) target(%arg104 : memref<12544xf32, #tpu.memory_space<vmem>>) target_semaphore(%run_scoped3A : memref<!tpu.dma_semaphore, #tpu.memory_space<semaphore_mem>>)
      tpu.wait_dma2 semaphore(%run_scoped3A : memref<!tpu.dma_semaphore, #tpu.memory_space<semaphore_mem>>) src(%arg10 : memref<12544xf32, #tpu.memory_space<hbm>>) dst(%arg104 : memref<12544xf32, #tpu.memory_space<vmem>>)
      tpu.yield
    }) : () -> ()
    "tpu.region"() ({
      %run_scoped3A = tpu.sem_alloc : memref<!tpu.dma_semaphore, #tpu.memory_space<semaphore_mem>>
      tpu.enqueue_dma source(%arg26 : memref<12544xf32, #tpu.memory_space<hbm>>) target(%arg111 : memref<12544xf32, #tpu.memory_space<vmem>>) target_semaphore(%run_scoped3A : memref<!tpu.dma_semaphore, #tpu.memory_space<semaphore_mem>>)
      tpu.wait_dma2 semaphore(%run_scoped3A : memref<!tpu.dma_semaphore, #tpu.memory_space<semaphore_mem>>) src(%arg26 : memref<12544xf32, #tpu.memory_space<hbm>>) dst(%arg111 : memref<12544xf32, #tpu.memory_space<vmem>>)
      tpu.yield
    }) : () -> ()
    %iota3A = tpu.iota {dimensions = array<i32: 0>} : vector<16xi32>
    %scan3A = arith.constant 0 : i32
    %scan3A_1 = arith.constant 0 : i32
    %scan3A_2 = arith.constant 32 : i32
    %scan3A_3 = arith.addi %scan3A_1, %scan3A_2 : i32
    %scan3A_4 = arith.constant 1 : i32
    scf.for %scan3A_6 = %scan3A_1 to %scan3A_3 step %scan3A_4  : i32 {
      %mul3A_7 = arith.constant 32 : i32
      %mul3A_8 = arith.muli %add3A, %mul3A_7 : i32
      %add3A_9 = arith.addi %mul3A_8, %scan3A_6 : i32
      "tpu.region"() ({
        %run_scoped3A = tpu.sem_alloc : memref<!tpu.dma_semaphore, #tpu.memory_space<semaphore_mem>>
        %dma_start3A_282 = arith.constant 0 : i32
        %dma_start3A_283 = tpu.memref_slice %arg2[%add3A_9, %dma_start3A_282] : memref<1024x256xf32, #tpu.memory_space<hbm>> -> memref<1x256xf32, #tpu.memory_space<hbm>>
        %dma_start3A_284 = tpu.memref_squeeze %dma_start3A_283 : memref<1x256xf32, #tpu.memory_space<hbm>> -> memref<256xf32, #tpu.memory_space<hbm>>
        %dma_start3A_285 = arith.constant 0 : i32
        %dma_start3A_286 = tpu.memref_slice %arg2[%add3A_9, %dma_start3A_285] : memref<1024x256xf32, #tpu.memory_space<hbm>> -> memref<1x256xf32, #tpu.memory_space<hbm>>
        %dma_start3A_287 = tpu.memref_squeeze %dma_start3A_286 : memref<1x256xf32, #tpu.memory_space<hbm>> -> memref<256xf32, #tpu.memory_space<hbm>>
        tpu.enqueue_dma source(%dma_start3A_287 : memref<256xf32, #tpu.memory_space<hbm>>) target(%arg57 : memref<256xf32, #tpu.memory_space<vmem>>) target_semaphore(%run_scoped3A : memref<!tpu.dma_semaphore, #tpu.memory_space<semaphore_mem>>)
        %dma_wait3A_288 = arith.constant 0 : i32
        %dma_wait3A_289 = tpu.memref_slice %arg2[%add3A_9, %dma_wait3A_288] : memref<1024x256xf32, #tpu.memory_space<hbm>> -> memref<1x256xf32, #tpu.memory_space<hbm>>
        %dma_wait3A_290 = tpu.memref_squeeze %dma_wait3A_289 : memref<1x256xf32, #tpu.memory_space<hbm>> -> memref<256xf32, #tpu.memory_space<hbm>>
        %dma_wait3A_291 = arith.constant 0 : i32
        %dma_wait3A_292 = tpu.memref_slice %arg2[%add3A_9, %dma_wait3A_291] : memref<1024x256xf32, #tpu.memory_space<hbm>> -> memref<1x256xf32, #tpu.memory_space<hbm>>
        %dma_wait3A_293 = tpu.memref_squeeze %dma_wait3A_292 : memref<1x256xf32, #tpu.memory_space<hbm>> -> memref<256xf32, #tpu.memory_space<hbm>>
        tpu.wait_dma2 semaphore(%run_scoped3A : memref<!tpu.dma_semaphore, #tpu.memory_space<semaphore_mem>>) src(%dma_wait3A_293 : memref<256xf32, #tpu.memory_space<hbm>>) dst(%arg57 : memref<256xf32, #tpu.memory_space<vmem>>)
        tpu.yield
      }) : () -> ()
      "tpu.region"() ({
        %run_scoped3A = tpu.sem_alloc : memref<!tpu.dma_semaphore, #tpu.memory_space<semaphore_mem>>
        %dma_start3A_282 = arith.constant 0 : i32
        %dma_start3A_283 = tpu.memref_slice %arg3[%add3A_9, %dma_start3A_282] : memref<1024x256xf32, #tpu.memory_space<hbm>> -> memref<1x256xf32, #tpu.memory_space<hbm>>
        %dma_start3A_284 = tpu.memref_squeeze %dma_start3A_283 : memref<1x256xf32, #tpu.memory_space<hbm>> -> memref<256xf32, #tpu.memory_space<hbm>>
        %dma_start3A_285 = arith.constant 0 : i32
        %dma_start3A_286 = tpu.memref_slice %arg3[%add3A_9, %dma_start3A_285] : memref<1024x256xf32, #tpu.memory_space<hbm>> -> memref<1x256xf32, #tpu.memory_space<hbm>>
        %dma_start3A_287 = tpu.memref_squeeze %dma_start3A_286 : memref<1x256xf32, #tpu.memory_space<hbm>> -> memref<256xf32, #tpu.memory_space<hbm>>
        tpu.enqueue_dma source(%dma_start3A_287 : memref<256xf32, #tpu.memory_space<hbm>>) target(%arg58 : memref<256xf32, #tpu.memory_space<vmem>>) target_semaphore(%run_scoped3A : memref<!tpu.dma_semaphore, #tpu.memory_space<semaphore_mem>>)
        %dma_wait3A_288 = arith.constant 0 : i32
        %dma_wait3A_289 = tpu.memref_slice %arg3[%add3A_9, %dma_wait3A_288] : memref<1024x256xf32, #tpu.memory_space<hbm>> -> memref<1x256xf32, #tpu.memory_space<hbm>>
        %dma_wait3A_290 = tpu.memref_squeeze %dma_wait3A_289 : memref<1x256xf32, #tpu.memory_space<hbm>> -> memref<256xf32, #tpu.memory_space<hbm>>
        %dma_wait3A_291 = arith.constant 0 : i32
        %dma_wait3A_292 = tpu.memref_slice %arg3[%add3A_9, %dma_wait3A_291] : memref<1024x256xf32, #tpu.memory_space<hbm>> -> memref<1x256xf32, #tpu.memory_space<hbm>>
        %dma_wait3A_293 = tpu.memref_squeeze %dma_wait3A_292 : memref<1x256xf32, #tpu.memory_space<hbm>> -> memref<256xf32, #tpu.memory_space<hbm>>
        tpu.wait_dma2 semaphore(%run_scoped3A : memref<!tpu.dma_semaphore, #tpu.memory_space<semaphore_mem>>) src(%dma_wait3A_293 : memref<256xf32, #tpu.memory_space<hbm>>) dst(%arg58 : memref<256xf32, #tpu.memory_space<vmem>>)
        tpu.yield
      }) : () -> ()
      %scan3A_10 = arith.constant 0 : i32
      %scan3A_11 = arith.constant 0 : i32
      %scan3A_12 = arith.constant 16 : i32
      %scan3A_13 = arith.addi %scan3A_11, %scan3A_12 : i32
      %scan3A_14 = arith.constant 1 : i32
      scf.for %scan3A_282 = %scan3A_11 to %scan3A_13 step %scan3A_14  : i32 {
        %mul3A_283 = arith.constant 16 : i32
        %mul3A_284 = arith.muli %scan3A_282, %mul3A_283 : i32
        %multiple_of3A = tpu.assume_multiple %mul3A_284, 16 : i32
        %get3A = arith.index_cast %multiple_of3A : i32 to index
        %get3A_285 = tpu.vector_load %arg57[%get3A] {strides = array<i32>} : memref<256xf32, #tpu.memory_space<vmem>>, vector<16xf32>,
        %get3A_286 = arith.index_cast %multiple_of3A : i32 to index
        %get3A_287 = tpu.vector_load %arg58[%get3A_286] {strides = array<i32>} : memref<256xf32, #tpu.memory_space<vmem>>, vector<16xf32>,
        %jit3A = arith.constant 8 : i32
        %div3A = arith.divsi %scan3A_282, %jit3A : i32
        %sign3A = arith.constant 0 : i32
        %sign3A_288 = arith.cmpi sgt, %scan3A_282, %sign3A : i32
        %sign3A_289 = arith.extui %sign3A_288 : i1 to i32
        %sign3A_290 = arith.constant 0 : i32
        %sign3A_291 = arith.cmpi slt, %scan3A_282, %sign3A_290 : i32
        %sign3A_292 = arith.extui %sign3A_291 : i1 to i32
        %sign3A_293 = arith.subi %sign3A_289, %sign3A_292 : i32
        %sign3A_294 = arith.constant 0 : i32
        %sign3A_295 = arith.cmpi sgt, %jit3A, %sign3A_294 : i32
        %sign3A_296 = arith.extui %sign3A_295 : i1 to i32
        %sign3A_297 = arith.constant 0 : i32
        %sign3A_298 = arith.cmpi slt, %jit3A, %sign3A_297 : i32
        %sign3A_299 = arith.extui %sign3A_298 : i1 to i32
        %sign3A_300 = arith.subi %sign3A_296, %sign3A_299 : i32
        %ne3A = arith.cmpi ne, %sign3A_293, %sign3A_300 : i32
        %rem3A = arith.remsi %scan3A_282, %jit3A : i32
        %ne3A_301 = arith.constant 0 : i32
        %ne3A_302 = arith.cmpi ne, %rem3A, %ne3A_301 : i32
        %and3A = arith.andi %ne3A, %ne3A_302 : i1
        %sub3A = arith.constant 1 : i32
        %sub3A_303 = arith.subi %div3A, %sub3A : i32
        %select_n3A = arith.select %and3A, %sub3A_303, %div3A : i32
        %mul3A_304 = arith.constant 512 : i32
        %mul3A_305 = arith.muli %select_n3A, %mul3A_304 : i32
        %jit3A_306 = arith.constant 8 : i32
        %eq3A = arith.constant 0 : i32
        %eq3A_307 = arith.cmpi eq, %jit3A_306, %eq3A : i32
        %jit3A_308 = arith.constant 1 : i32
        %select_n3A_309 = arith.select %eq3A_307, %jit3A_308, %jit3A_306 : i32
        %rem3A_310 = arith.remsi %scan3A_282, %select_n3A_309 : i32
        %ne3A_311 = arith.constant 0 : i32
        %ne3A_312 = arith.cmpi ne, %rem3A_310, %ne3A_311 : i32
        %lt3A = arith.constant 0 : i32
        %lt3A_313 = arith.cmpi slt, %rem3A_310, %lt3A : i32
        %lt3A_314 = arith.constant 0 : i32
        %lt3A_315 = arith.cmpi slt, %select_n3A_309, %lt3A_314 : i32
        %ne3A_316 = arith.xori %lt3A_313, %lt3A_315 : i1
        %and3A_317 = arith.andi %ne3A_316, %ne3A_312 : i1
        %add3A_318 = arith.addi %rem3A_310, %select_n3A_309 : i32
        %select_n3A_319 = arith.select %and3A_317, %add3A_318, %rem3A_310 : i32
        %mul3A_320 = arith.constant 16 : i32
        %mul3A_321 = arith.muli %select_n3A_319, %mul3A_320 : i32
        %add3A_322 = arith.addi %mul3A_305, %mul3A_321 : i32
        %multiple_of3A_323 = tpu.assume_multiple %add3A_322, 16 : i32
        %div3A_324 = arith.constant 2.63917518 : f32
        %div3A_325 = vector.broadcast %div3A_324 : f32 to vector<16xf32>
        %div3A_326 = arith.divf %get3A_285, %div3A_325 : vector<16xf32>
        %convert_element_type3A = arith.fptosi %div3A_326 : vector<16xf32> to vector<16xi32>
        %div3A_327 = arith.constant 2.63917518 : f32
        %div3A_328 = vector.broadcast %div3A_327 : f32 to vector<16xf32>
        %div3A_329 = arith.divf %get3A_287, %div3A_328 : vector<16xf32>
        %convert_element_type3A_330 = arith.fptosi %div3A_329 : vector<16xf32> to vector<16xi32>
        %mul3A_331 = arith.constant -1640531535 : i32
        %mul3A_332 = vector.broadcast %mul3A_331 : i32 to vector<16xi32>
        %mul3A_333 = arith.muli %convert_element_type3A_330, %mul3A_332 : vector<16xi32>
        %add3A_334 = arith.constant 1 : i32
        %add3A_335 = vector.broadcast %add3A_334 : i32 to vector<16xi32>
        %add3A_336 = arith.addi %convert_element_type3A_330, %add3A_335 : vector<16xi32>
        %mul3A_337 = arith.constant -1640531535 : i32
        %mul3A_338 = vector.broadcast %mul3A_337 : i32 to vector<16xi32>
        %mul3A_339 = arith.muli %add3A_336, %mul3A_338 : vector<16xi32>
        %xor3A = arith.xori %convert_element_type3A, %mul3A_333 : vector<16xi32>
        %and3A_340 = arith.constant 524287 : i32
        %and3A_341 = vector.broadcast %and3A_340 : i32 to vector<16xi32>
        %and3A_342 = arith.andi %xor3A, %and3A_341 : vector<16xi32>
        %swap3A = arith.index_cast %multiple_of3A_323 : i32 to index
        %swap3A_343 = tpu.vector_load %arg76[%swap3A] {strides = array<i32>} : memref<1024xi32, #tpu.memory_space<vmem>>, vector<16xi32>,
        tpu.vector_store %arg76[%swap3A], %and3A_342 {strides = array<i32>} : memref<1024xi32, #tpu.memory_space<vmem>>, vector<16xi32>,
        %xor3A_344 = arith.xori %convert_element_type3A, %mul3A_339 : vector<16xi32>
        %and3A_345 = arith.constant 524287 : i32
        %and3A_346 = vector.broadcast %and3A_345 : i32 to vector<16xi32>
        %and3A_347 = arith.andi %xor3A_344, %and3A_346 : vector<16xi32>
        %add3A_348 = arith.constant 128 : i32
        %add3A_349 = arith.addi %multiple_of3A_323, %add3A_348 : i32
        %swap3A_350 = arith.index_cast %add3A_349 : i32 to index
        %swap3A_351 = tpu.vector_load %arg76[%swap3A_350] {strides = array<i32>} : memref<1024xi32, #tpu.memory_space<vmem>>, vector<16xi32>,
        tpu.vector_store %arg76[%swap3A_350], %and3A_347 {strides = array<i32>} : memref<1024xi32, #tpu.memory_space<vmem>>, vector<16xi32>,
        %add3A_352 = arith.constant 1 : i32
        %add3A_353 = vector.broadcast %add3A_352 : i32 to vector<16xi32>
        %add3A_354 = arith.addi %convert_element_type3A, %add3A_353 : vector<16xi32>
        %xor3A_355 = arith.xori %add3A_354, %mul3A_333 : vector<16xi32>
        %and3A_356 = arith.constant 524287 : i32
        %and3A_357 = vector.broadcast %and3A_356 : i32 to vector<16xi32>
        %and3A_358 = arith.andi %xor3A_355, %and3A_357 : vector<16xi32>
        %add3A_359 = arith.constant 256 : i32
        %add3A_360 = arith.addi %multiple_of3A_323, %add3A_359 : i32
        %swap3A_361 = arith.index_cast %add3A_360 : i32 to index
        %swap3A_362 = tpu.vector_load %arg76[%swap3A_361] {strides = array<i32>} : memref<1024xi32, #tpu.memory_space<vmem>>, vector<16xi32>,
        tpu.vector_store %arg76[%swap3A_361], %and3A_358 {strides = array<i32>} : memref<1024xi32, #tpu.memory_space<vmem>>, vector<16xi32>,
        %add3A_363 = arith.constant 1 : i32
        %add3A_364 = vector.broadcast %add3A_363 : i32 to vector<16xi32>
        %add3A_365 = arith.addi %convert_element_type3A, %add3A_364 : vector<16xi32>
        %xor3A_366 = arith.xori %add3A_365, %mul3A_339 : vector<16xi32>
        %and3A_367 = arith.constant 524287 : i32
        %and3A_368 = vector.broadcast %and3A_367 : i32 to vector<16xi32>
        %and3A_369 = arith.andi %xor3A_366, %and3A_368 : vector<16xi32>
        %add3A_370 = arith.constant 384 : i32
        %add3A_371 = arith.addi %multiple_of3A_323, %add3A_370 : i32
        %swap3A_372 = arith.index_cast %add3A_371 : i32 to index
        %swap3A_373 = tpu.vector_load %arg76[%swap3A_372] {strides = array<i32>} : memref<1024xi32, #tpu.memory_space<vmem>>, vector<16xi32>,
        tpu.vector_store %arg76[%swap3A_372], %and3A_369 {strides = array<i32>} : memref<1024xi32, #tpu.memory_space<vmem>>, vector<16xi32>,
        %div3A_374 = arith.constant 1.91044772 : f32
        %div3A_375 = vector.broadcast %div3A_374 : f32 to vector<16xf32>
        %div3A_376 = arith.divf %get3A_285, %div3A_375 : vector<16xf32>
        %convert_element_type3A_377 = arith.fptosi %div3A_376 : vector<16xf32> to vector<16xi32>
        %div3A_378 = arith.constant 1.91044772 : f32
        %div3A_379 = vector.broadcast %div3A_378 : f32 to vector<16xf32>
        %div3A_380 = arith.divf %get3A_287, %div3A_379 : vector<16xf32>
        %convert_element_type3A_381 = arith.fptosi %div3A_380 : vector<16xf32> to vector<16xi32>
        %mul3A_382 = arith.constant -1640531535 : i32
        %mul3A_383 = vector.broadcast %mul3A_382 : i32 to vector<16xi32>
        %mul3A_384 = arith.muli %convert_element_type3A_381, %mul3A_383 : vector<16xi32>
        %add3A_385 = arith.constant 1 : i32
        %add3A_386 = vector.broadcast %add3A_385 : i32 to vector<16xi32>
        %add3A_387 = arith.addi %convert_element_type3A_381, %add3A_386 : vector<16xi32>
        %mul3A_388 = arith.constant -1640531535 : i32
        %mul3A_389 = vector.broadcast %mul3A_388 : i32 to vector<16xi32>
        %mul3A_390 = arith.muli %add3A_387, %mul3A_389 : vector<16xi32>
        %xor3A_391 = arith.xori %convert_element_type3A_377, %mul3A_384 : vector<16xi32>
        %and3A_392 = arith.constant 524287 : i32
        %and3A_393 = vector.broadcast %and3A_392 : i32 to vector<16xi32>
        %and3A_394 = arith.andi %xor3A_391, %and3A_393 : vector<16xi32>
        %swap3A_395 = arith.index_cast %multiple_of3A_323 : i32 to index
        %swap3A_396 = tpu.vector_load %arg77[%swap3A_395] {strides = array<i32>} : memref<1024xi32, #tpu.memory_space<vmem>>, vector<16xi32>,
        tpu.vector_store %arg77[%swap3A_395], %and3A_394 {strides = array<i32>} : memref<1024xi32, #tpu.memory_space<vmem>>, vector<16xi32>,
        %xor3A_397 = arith.xori %convert_element_type3A_377, %mul3A_390 : vector<16xi32>
        %and3A_398 = arith.constant 524287 : i32
        %and3A_399 = vector.broadcast %and3A_398 : i32 to vector<16xi32>
        %and3A_400 = arith.andi %xor3A_397, %and3A_399 : vector<16xi32>
        %add3A_401 = arith.constant 128 : i32
        %add3A_402 = arith.addi %multiple_of3A_323, %add3A_401 : i32
        %swap3A_403 = arith.index_cast %add3A_402 : i32 to index
        %swap3A_404 = tpu.vector_load %arg77[%swap3A_403] {strides = array<i32>} : memref<1024xi32, #tpu.memory_space<vmem>>, vector<16xi32>,
        tpu.vector_store %arg77[%swap3A_403], %and3A_400 {strides = array<i32>} : memref<1024xi32, #tpu.memory_space<vmem>>, vector<16xi32>,
        %add3A_405 = arith.constant 1 : i32
        %add3A_406 = vector.broadcast %add3A_405 : i32 to vector<16xi32>
        %add3A_407 = arith.addi %convert_element_type3A_377, %add3A_406 : vector<16xi32>
        %xor3A_408 = arith.xori %add3A_407, %mul3A_384 : vector<16xi32>
        %and3A_409 = arith.constant 524287 : i32
        %and3A_410 = vector.broadcast %and3A_409 : i32 to vector<16xi32>
        %and3A_411 = arith.andi %xor3A_408, %and3A_410 : vector<16xi32>
        %add3A_412 = arith.constant 256 : i32
        %add3A_413 = arith.addi %multiple_of3A_323, %add3A_412 : i32
        %swap3A_414 = arith.index_cast %add3A_413 : i32 to index
        %swap3A_415 = tpu.vector_load %arg77[%swap3A_414] {strides = array<i32>} : memref<1024xi32, #tpu.memory_space<vmem>>, vector<16xi32>,
        tpu.vector_store %arg77[%swap3A_414], %and3A_411 {strides = array<i32>} : memref<1024xi32, #tpu.memory_space<vmem>>, vector<16xi32>,
        %add3A_416 = arith.constant 1 : i32
        %add3A_417 = vector.broadcast %add3A_416 : i32 to vector<16xi32>
        %add3A_418 = arith.addi %convert_element_type3A_377, %add3A_417 : vector<16xi32>
        %xor3A_419 = arith.xori %add3A_418, %mul3A_390 : vector<16xi32>
        %and3A_420 = arith.constant 524287 : i32
        %and3A_421 = vector.broadcast %and3A_420 : i32 to vector<16xi32>
        %and3A_422 = arith.andi %xor3A_419, %and3A_421 : vector<16xi32>
        %add3A_423 = arith.constant 384 : i32
        %add3A_424 = arith.addi %multiple_of3A_323, %add3A_423 : i32
        %swap3A_425 = arith.index_cast %add3A_424 : i32 to index
        %swap3A_426 = tpu.vector_load %arg77[%swap3A_425] {strides = array<i32>} : memref<1024xi32, #tpu.memory_space<vmem>>, vector<16xi32>,
        tpu.vector_store %arg77[%swap3A_425], %and3A_422 {strides = array<i32>} : memref<1024xi32, #tpu.memory_space<vmem>>, vector<16xi32>,
        %div3A_427 = arith.constant 1.38191628 : f32
        %div3A_428 = vector.broadcast %div3A_427 : f32 to vector<16xf32>
        %div3A_429 = arith.divf %get3A_285, %div3A_428 : vector<16xf32>
        %convert_element_type3A_430 = arith.fptosi %div3A_429 : vector<16xf32> to vector<16xi32>
        %div3A_431 = arith.constant 1.38191628 : f32
        %div3A_432 = vector.broadcast %div3A_431 : f32 to vector<16xf32>
        %div3A_433 = arith.divf %get3A_287, %div3A_432 : vector<16xf32>
        %convert_element_type3A_434 = arith.fptosi %div3A_433 : vector<16xf32> to vector<16xi32>
        %mul3A_435 = arith.constant -1640531535 : i32
        %mul3A_436 = vector.broadcast %mul3A_435 : i32 to vector<16xi32>
        %mul3A_437 = arith.muli %convert_element_type3A_434, %mul3A_436 : vector<16xi32>
        %add3A_438 = arith.constant 1 : i32
        %add3A_439 = vector.broadcast %add3A_438 : i32 to vector<16xi32>
        %add3A_440 = arith.addi %convert_element_type3A_434, %add3A_439 : vector<16xi32>
        %mul3A_441 = arith.constant -1640531535 : i32
        %mul3A_442 = vector.broadcast %mul3A_441 : i32 to vector<16xi32>
        %mul3A_443 = arith.muli %add3A_440, %mul3A_442 : vector<16xi32>
        %xor3A_444 = arith.xori %convert_element_type3A_430, %mul3A_437 : vector<16xi32>
        %and3A_445 = arith.constant 524287 : i32
        %and3A_446 = vector.broadcast %and3A_445 : i32 to vector<16xi32>
        %and3A_447 = arith.andi %xor3A_444, %and3A_446 : vector<16xi32>
        %swap3A_448 = arith.index_cast %multiple_of3A_323 : i32 to index
        %swap3A_449 = tpu.vector_load %arg78[%swap3A_448] {strides = array<i32>} : memref<1024xi32, #tpu.memory_space<vmem>>, vector<16xi32>,
        tpu.vector_store %arg78[%swap3A_448], %and3A_447 {strides = array<i32>} : memref<1024xi32, #tpu.memory_space<vmem>>, vector<16xi32>,
        %xor3A_450 = arith.xori %convert_element_type3A_430, %mul3A_443 : vector<16xi32>
        %and3A_451 = arith.constant 524287 : i32
        %and3A_452 = vector.broadcast %and3A_451 : i32 to vector<16xi32>
        %and3A_453 = arith.andi %xor3A_450, %and3A_452 : vector<16xi32>
        %add3A_454 = arith.constant 128 : i32
        %add3A_455 = arith.addi %multiple_of3A_323, %add3A_454 : i32
        %swap3A_456 = arith.index_cast %add3A_455 : i32 to index
        %swap3A_457 = tpu.vector_load %arg78[%swap3A_456] {strides = array<i32>} : memref<1024xi32, #tpu.memory_space<vmem>>, vector<16xi32>,
        tpu.vector_store %arg78[%swap3A_456], %and3A_453 {strides = array<i32>} : memref<1024xi32, #tpu.memory_space<vmem>>, vector<16xi32>,
        %add3A_458 = arith.constant 1 : i32
        %add3A_459 = vector.broadcast %add3A_458 : i32 to vector<16xi32>
        %add3A_460 = arith.addi %convert_element_type3A_430, %add3A_459 : vector<16xi32>
        %xor3A_461 = arith.xori %add3A_460, %mul3A_437 : vector<16xi32>
        %and3A_462 = arith.constant 524287 : i32
        %and3A_463 = vector.broadcast %and3A_462 : i32 to vector<16xi32>
        %and3A_464 = arith.andi %xor3A_461, %and3A_463 : vector<16xi32>
        %add3A_465 = arith.constant 256 : i32
        %add3A_466 = arith.addi %multiple_of3A_323, %add3A_465 : i32
        %swap3A_467 = arith.index_cast %add3A_466 : i32 to index
        %swap3A_468 = tpu.vector_load %arg78[%swap3A_467] {strides = array<i32>} : memref<1024xi32, #tpu.memory_space<vmem>>, vector<16xi32>,
        tpu.vector_store %arg78[%swap3A_467], %and3A_464 {strides = array<i32>} : memref<1024xi32, #tpu.memory_space<vmem>>, vector<16xi32>,
        %add3A_469 = arith.constant 1 : i32
        %add3A_470 = vector.broadcast %add3A_469 : i32 to vector<16xi32>
        %add3A_471 = arith.addi %convert_element_type3A_430, %add3A_470 : vector<16xi32>
        %xor3A_472 = arith.xori %add3A_471, %mul3A_443 : vector<16xi32>
        %and3A_473 = arith.constant 524287 : i32
        %and3A_474 = vector.broadcast %and3A_473 : i32 to vector<16xi32>
        %and3A_475 = arith.andi %xor3A_472, %and3A_474 : vector<16xi32>
        %add3A_476 = arith.constant 384 : i32
        %add3A_477 = arith.addi %multiple_of3A_323, %add3A_476 : i32
        %swap3A_478 = arith.index_cast %add3A_477 : i32 to index
        %swap3A_479 = tpu.vector_load %arg78[%swap3A_478] {strides = array<i32>} : memref<1024xi32, #tpu.memory_space<vmem>>, vector<16xi32>,
        tpu.vector_store %arg78[%swap3A_478], %and3A_475 {strides = array<i32>} : memref<1024xi32, #tpu.memory_space<vmem>>, vector<16xi32>,
        %div3A_480 = arith.constant 1.00048852 : f32
        %div3A_481 = vector.broadcast %div3A_480 : f32 to vector<16xf32>
        %div3A_482 = arith.divf %get3A_285, %div3A_481 : vector<16xf32>
        %convert_element_type3A_483 = arith.fptosi %div3A_482 : vector<16xf32> to vector<16xi32>
        %div3A_484 = arith.constant 1.00048852 : f32
        %div3A_485 = vector.broadcast %div3A_484 : f32 to vector<16xf32>
        %div3A_486 = arith.divf %get3A_287, %div3A_485 : vector<16xf32>
        %convert_element_type3A_487 = arith.fptosi %div3A_486 : vector<16xf32> to vector<16xi32>
        %mul3A_488 = arith.constant -1640531535 : i32
        %mul3A_489 = vector.broadcast %mul3A_488 : i32 to vector<16xi32>
        %mul3A_490 = arith.muli %convert_element_type3A_487, %mul3A_489 : vector<16xi32>
        %add3A_491 = arith.constant 1 : i32
        %add3A_492 = vector.broadcast %add3A_491 : i32 to vector<16xi32>
        %add3A_493 = arith.addi %convert_element_type3A_487, %add3A_492 : vector<16xi32>
        %mul3A_494 = arith.constant -1640531535 : i32
        %mul3A_495 = vector.broadcast %mul3A_494 : i32 to vector<16xi32>
        %mul3A_496 = arith.muli %add3A_493, %mul3A_495 : vector<16xi32>
        %xor3A_497 = arith.xori %convert_element_type3A_483, %mul3A_490 : vector<16xi32>
        %and3A_498 = arith.constant 524287 : i32
        %and3A_499 = vector.broadcast %and3A_498 : i32 to vector<16xi32>
        %and3A_500 = arith.andi %xor3A_497, %and3A_499 : vector<16xi32>
        %swap3A_501 = arith.index_cast %multiple_of3A_323 : i32 to index
        %swap3A_502 = tpu.vector_load %arg79[%swap3A_501] {strides = array<i32>} : memref<1024xi32, #tpu.memory_space<vmem>>, vector<16xi32>,
        tpu.vector_store %arg79[%swap3A_501], %and3A_500 {strides = array<i32>} : memref<1024xi32, #tpu.memory_space<vmem>>, vector<16xi32>,
        %xor3A_503 = arith.xori %convert_element_type3A_483, %mul3A_496 : vector<16xi32>
        %and3A_504 = arith.constant 524287 : i32
        %and3A_505 = vector.broadcast %and3A_504 : i32 to vector<16xi32>
        %and3A_506 = arith.andi %xor3A_503, %and3A_505 : vector<16xi32>
        %add3A_507 = arith.constant 128 : i32
        %add3A_508 = arith.addi %multiple_of3A_323, %add3A_507 : i32
        %swap3A_509 = arith.index_cast %add3A_508 : i32 to index
        %swap3A_510 = tpu.vector_load %arg79[%swap3A_509] {strides = array<i32>} : memref<1024xi32, #tpu.memory_space<vmem>>, vector<16xi32>,
        tpu.vector_store %arg79[%swap3A_509], %and3A_506 {strides = array<i32>} : memref<1024xi32, #tpu.memory_space<vmem>>, vector<16xi32>,
        %add3A_511 = arith.constant 1 : i32
        %add3A_512 = vector.broadcast %add3A_511 : i32 to vector<16xi32>
        %add3A_513 = arith.addi %convert_element_type3A_483, %add3A_512 : vector<16xi32>
        %xor3A_514 = arith.xori %add3A_513, %mul3A_490 : vector<16xi32>
        %and3A_515 = arith.constant 524287 : i32
        %and3A_516 = vector.broadcast %and3A_515 : i32 to vector<16xi32>
        %and3A_517 = arith.andi %xor3A_514, %and3A_516 : vector<16xi32>
        %add3A_518 = arith.constant 256 : i32
        %add3A_519 = arith.addi %multiple_of3A_323, %add3A_518 : i32
        %swap3A_520 = arith.index_cast %add3A_519 : i32 to index
        %swap3A_521 = tpu.vector_load %arg79[%swap3A_520] {strides = array<i32>} : memref<1024xi32, #tpu.memory_space<vmem>>, vector<16xi32>,
        tpu.vector_store %arg79[%swap3A_520], %and3A_517 {strides = array<i32>} : memref<1024xi32, #tpu.memory_space<vmem>>, vector<16xi32>,
        %add3A_522 = arith.constant 1 : i32
        %add3A_523 = vector.broadcast %add3A_522 : i32 to vector<16xi32>
        %add3A_524 = arith.addi %convert_element_type3A_483, %add3A_523 : vector<16xi32>
        %xor3A_525 = arith.xori %add3A_524, %mul3A_496 : vector<16xi32>
        %and3A_526 = arith.constant 524287 : i32
        %and3A_527 = vector.broadcast %and3A_526 : i32 to vector<16xi32>
        %and3A_528 = arith.andi %xor3A_525, %and3A_527 : vector<16xi32>
        %add3A_529 = arith.constant 384 : i32
        %add3A_530 = arith.addi %multiple_of3A_323, %add3A_529 : i32
        %swap3A_531 = arith.index_cast %add3A_530 : i32 to index
        %swap3A_532 = tpu.vector_load %arg79[%swap3A_531] {strides = array<i32>} : memref<1024xi32, #tpu.memory_space<vmem>>, vector<16xi32>,
        tpu.vector_store %arg79[%swap3A_531], %and3A_528 {strides = array<i32>} : memref<1024xi32, #tpu.memory_space<vmem>>, vector<16xi32>,
      }
      %scan3A_15 = arith.constant 16 : i32
      %dma_start3A = arith.constant 0 : i32
      %dma_start3A_16 = tpu.memref_slice %arg36[%dma_start3A] : memref<524288xi32, #tpu.memory_space<hbm>> -> memref<524288xi32, #tpu.memory_space<hbm>>
      tpu.enqueue_indirect_dma source(%dma_start3A_16 : memref<524288xi32, #tpu.memory_space<hbm>>) target(%arg72 : memref<1024xi32, #tpu.memory_space<vmem>>) offsets(%arg76 : memref<1024xi32, #tpu.memory_space<vmem>>) semaphore(%arg112 : memref<!tpu.dma_semaphore, #tpu.memory_space<semaphore_mem>>)
      %dma_start3A_17 = arith.constant 0 : i32
      %dma_start3A_18 = tpu.memref_slice %arg37[%dma_start3A_17] : memref<524288xi32, #tpu.memory_space<hbm>> -> memref<524288xi32, #tpu.memory_space<hbm>>
      tpu.enqueue_indirect_dma source(%dma_start3A_18 : memref<524288xi32, #tpu.memory_space<hbm>>) target(%arg73 : memref<1024xi32, #tpu.memory_space<vmem>>) offsets(%arg77 : memref<1024xi32, #tpu.memory_space<vmem>>) semaphore(%arg112 : memref<!tpu.dma_semaphore, #tpu.memory_space<semaphore_mem>>)
      %dma_start3A_19 = arith.constant 0 : i32
      %dma_start3A_20 = tpu.memref_slice %arg38[%dma_start3A_19] : memref<524288xi32, #tpu.memory_space<hbm>> -> memref<524288xi32, #tpu.memory_space<hbm>>
      tpu.enqueue_indirect_dma source(%dma_start3A_20 : memref<524288xi32, #tpu.memory_space<hbm>>) target(%arg74 : memref<1024xi32, #tpu.memory_space<vmem>>) offsets(%arg78 : memref<1024xi32, #tpu.memory_space<vmem>>) semaphore(%arg112 : memref<!tpu.dma_semaphore, #tpu.memory_space<semaphore_mem>>)
      %dma_start3A_21 = arith.constant 0 : i32
      %dma_start3A_22 = tpu.memref_slice %arg39[%dma_start3A_21] : memref<524288xi32, #tpu.memory_space<hbm>> -> memref<524288xi32, #tpu.memory_space<hbm>>
      tpu.enqueue_indirect_dma source(%dma_start3A_22 : memref<524288xi32, #tpu.memory_space<hbm>>) target(%arg75 : memref<1024xi32, #tpu.memory_space<vmem>>) offsets(%arg79 : memref<1024xi32, #tpu.memory_space<vmem>>) semaphore(%arg112 : memref<!tpu.dma_semaphore, #tpu.memory_space<semaphore_mem>>)
      %scan3A_23 = arith.constant 0 : i32
      %scan3A_24 = arith.constant 0 : i32
      %scan3A_25 = arith.constant 16 : i32
      %scan3A_26 = arith.addi %scan3A_24, %scan3A_25 : i32
      %scan3A_27 = arith.constant 1 : i32
      scf.for %scan3A_282 = %scan3A_24 to %scan3A_26 step %scan3A_27  : i32 {
        %mul3A_283 = arith.constant 16 : i32
        %mul3A_284 = arith.muli %scan3A_282, %mul3A_283 : i32
        %multiple_of3A = tpu.assume_multiple %mul3A_284, 16 : i32
        %get3A = arith.index_cast %multiple_of3A : i32 to index
        %get3A_285 = tpu.vector_load %arg57[%get3A] {strides = array<i32>} : memref<256xf32, #tpu.memory_space<vmem>>, vector<16xf32>,
        %get3A_286 = arith.index_cast %multiple_of3A : i32 to index
        %get3A_287 = tpu.vector_load %arg58[%get3A_286] {strides = array<i32>} : memref<256xf32, #tpu.memory_space<vmem>>, vector<16xf32>,
        %jit3A = arith.constant 8 : i32
        %div3A = arith.divsi %scan3A_282, %jit3A : i32
        %sign3A = arith.constant 0 : i32
        %sign3A_288 = arith.cmpi sgt, %scan3A_282, %sign3A : i32
        %sign3A_289 = arith.extui %sign3A_288 : i1 to i32
        %sign3A_290 = arith.constant 0 : i32
        %sign3A_291 = arith.cmpi slt, %scan3A_282, %sign3A_290 : i32
        %sign3A_292 = arith.extui %sign3A_291 : i1 to i32
        %sign3A_293 = arith.subi %sign3A_289, %sign3A_292 : i32
        %sign3A_294 = arith.constant 0 : i32
        %sign3A_295 = arith.cmpi sgt, %jit3A, %sign3A_294 : i32
        %sign3A_296 = arith.extui %sign3A_295 : i1 to i32
        %sign3A_297 = arith.constant 0 : i32
        %sign3A_298 = arith.cmpi slt, %jit3A, %sign3A_297 : i32
        %sign3A_299 = arith.extui %sign3A_298 : i1 to i32
        %sign3A_300 = arith.subi %sign3A_296, %sign3A_299 : i32
        %ne3A = arith.cmpi ne, %sign3A_293, %sign3A_300 : i32
        %rem3A = arith.remsi %scan3A_282, %jit3A : i32
        %ne3A_301 = arith.constant 0 : i32
        %ne3A_302 = arith.cmpi ne, %rem3A, %ne3A_301 : i32
        %and3A = arith.andi %ne3A, %ne3A_302 : i1
        %sub3A = arith.constant 1 : i32
        %sub3A_303 = arith.subi %div3A, %sub3A : i32
        %select_n3A = arith.select %and3A, %sub3A_303, %div3A : i32
        %mul3A_304 = arith.constant 512 : i32
        %mul3A_305 = arith.muli %select_n3A, %mul3A_304 : i32
        %jit3A_306 = arith.constant 8 : i32
        %eq3A = arith.constant 0 : i32
        %eq3A_307 = arith.cmpi eq, %jit3A_306, %eq3A : i32
        %jit3A_308 = arith.constant 1 : i32
        %select_n3A_309 = arith.select %eq3A_307, %jit3A_308, %jit3A_306 : i32
        %rem3A_310 = arith.remsi %scan3A_282, %select_n3A_309 : i32
        %ne3A_311 = arith.constant 0 : i32
        %ne3A_312 = arith.cmpi ne, %rem3A_310, %ne3A_311 : i32
        %lt3A = arith.constant 0 : i32
        %lt3A_313 = arith.cmpi slt, %rem3A_310, %lt3A : i32
        %lt3A_314 = arith.constant 0 : i32
        %lt3A_315 = arith.cmpi slt, %select_n3A_309, %lt3A_314 : i32
        %ne3A_316 = arith.xori %lt3A_313, %lt3A_315 : i1
        %and3A_317 = arith.andi %ne3A_316, %ne3A_312 : i1
        %add3A_318 = arith.addi %rem3A_310, %select_n3A_309 : i32
        %select_n3A_319 = arith.select %and3A_317, %add3A_318, %rem3A_310 : i32
        %mul3A_320 = arith.constant 16 : i32
        %mul3A_321 = arith.muli %select_n3A_319, %mul3A_320 : i32
        %add3A_322 = arith.addi %mul3A_305, %mul3A_321 : i32
        %multiple_of3A_323 = tpu.assume_multiple %add3A_322, 16 : i32
        %div3A_324 = arith.constant 1.280000e+02 : f32
        %div3A_325 = vector.broadcast %div3A_324 : f32 to vector<16xf32>
        %div3A_326 = arith.divf %get3A_285, %div3A_325 : vector<16xf32>
        %convert_element_type3A = arith.fptosi %div3A_326 : vector<16xf32> to vector<16xi32>
        %div3A_327 = arith.constant 1.280000e+02 : f32
        %div3A_328 = vector.broadcast %div3A_327 : f32 to vector<16xf32>
        %div3A_329 = arith.divf %get3A_287, %div3A_328 : vector<16xf32>
        %convert_element_type3A_330 = arith.fptosi %div3A_329 : vector<16xf32> to vector<16xi32>
        %mul3A_331 = arith.constant 16 : i32
        %mul3A_332 = vector.broadcast %mul3A_331 : i32 to vector<16xi32>
        %mul3A_333 = arith.muli %convert_element_type3A, %mul3A_332 : vector<16xi32>
        %add3A_334 = arith.addi %mul3A_333, %convert_element_type3A_330 : vector<16xi32>
        %swap3A = arith.index_cast %multiple_of3A_323 : i32 to index
        %swap3A_335 = tpu.vector_load %arg60[%swap3A] {strides = array<i32>} : memref<1024xi32, #tpu.memory_space<vmem>>, vector<16xi32>,
        tpu.vector_store %arg60[%swap3A], %add3A_334 {strides = array<i32>} : memref<1024xi32, #tpu.memory_space<vmem>>, vector<16xi32>,
        %add3A_336 = arith.constant 1 : i32
        %add3A_337 = vector.broadcast %add3A_336 : i32 to vector<16xi32>
        %add3A_338 = arith.addi %add3A_334, %add3A_337 : vector<16xi32>
        %add3A_339 = arith.constant 128 : i32
        %add3A_340 = arith.addi %multiple_of3A_323, %add3A_339 : i32
        %swap3A_341 = arith.index_cast %add3A_340 : i32 to index
        %swap3A_342 = tpu.vector_load %arg60[%swap3A_341] {strides = array<i32>} : memref<1024xi32, #tpu.memory_space<vmem>>, vector<16xi32>,
        tpu.vector_store %arg60[%swap3A_341], %add3A_338 {strides = array<i32>} : memref<1024xi32, #tpu.memory_space<vmem>>, vector<16xi32>,
        %add3A_343 = arith.constant 16 : i32
        %add3A_344 = vector.broadcast %add3A_343 : i32 to vector<16xi32>
        %add3A_345 = arith.addi %add3A_334, %add3A_344 : vector<16xi32>
        %add3A_346 = arith.constant 256 : i32
        %add3A_347 = arith.addi %multiple_of3A_323, %add3A_346 : i32
        %swap3A_348 = arith.index_cast %add3A_347 : i32 to index
        %swap3A_349 = tpu.vector_load %arg60[%swap3A_348] {strides = array<i32>} : memref<1024xi32, #tpu.memory_space<vmem>>, vector<16xi32>,
        tpu.vector_store %arg60[%swap3A_348], %add3A_345 {strides = array<i32>} : memref<1024xi32, #tpu.memory_space<vmem>>, vector<16xi32>,
        %add3A_350 = arith.constant 16 : i32
        %add3A_351 = vector.broadcast %add3A_350 : i32 to vector<16xi32>
        %add3A_352 = arith.addi %add3A_334, %add3A_351 : vector<16xi32>
        %add3A_353 = arith.constant 1 : i32
        %add3A_354 = vector.broadcast %add3A_353 : i32 to vector<16xi32>
        %add3A_355 = arith.addi %add3A_352, %add3A_354 : vector<16xi32>
        %add3A_356 = arith.constant 384 : i32
        %add3A_357 = arith.addi %multiple_of3A_323, %add3A_356 : i32
        %swap3A_358 = arith.index_cast %add3A_357 : i32 to index
        %swap3A_359 = tpu.vector_load %arg60[%swap3A_358] {strides = array<i32>} : memref<1024xi32, #tpu.memory_space<vmem>>, vector<16xi32>,
        tpu.vector_store %arg60[%swap3A_358], %add3A_355 {strides = array<i32>} : memref<1024xi32, #tpu.memory_space<vmem>>, vector<16xi32>,
        %div3A_360 = arith.constant 93.0909118 : f32
        %div3A_361 = vector.broadcast %div3A_360 : f32 to vector<16xf32>
        %div3A_362 = arith.divf %get3A_285, %div3A_361 : vector<16xf32>
        %convert_element_type3A_363 = arith.fptosi %div3A_362 : vector<16xf32> to vector<16xi32>
        %div3A_364 = arith.constant 93.0909118 : f32
        %div3A_365 = vector.broadcast %div3A_364 : f32 to vector<16xf32>
        %div3A_366 = arith.divf %get3A_287, %div3A_365 : vector<16xf32>
        %convert_element_type3A_367 = arith.fptosi %div3A_366 : vector<16xf32> to vector<16xi32>
        %mul3A_368 = arith.constant 22 : i32
        %mul3A_369 = vector.broadcast %mul3A_368 : i32 to vector<16xi32>
        %mul3A_370 = arith.muli %convert_element_type3A_363, %mul3A_369 : vector<16xi32>
        %add3A_371 = arith.addi %mul3A_370, %convert_element_type3A_367 : vector<16xi32>
        %swap3A_372 = arith.index_cast %multiple_of3A_323 : i32 to index
        %swap3A_373 = tpu.vector_load %arg61[%swap3A_372] {strides = array<i32>} : memref<1024xi32, #tpu.memory_space<vmem>>, vector<16xi32>,
        tpu.vector_store %arg61[%swap3A_372], %add3A_371 {strides = array<i32>} : memref<1024xi32, #tpu.memory_space<vmem>>, vector<16xi32>,
        %add3A_374 = arith.constant 1 : i32
        %add3A_375 = vector.broadcast %add3A_374 : i32 to vector<16xi32>
        %add3A_376 = arith.addi %add3A_371, %add3A_375 : vector<16xi32>
        %add3A_377 = arith.constant 128 : i32
        %add3A_378 = arith.addi %multiple_of3A_323, %add3A_377 : i32
        %swap3A_379 = arith.index_cast %add3A_378 : i32 to index
        %swap3A_380 = tpu.vector_load %arg61[%swap3A_379] {strides = array<i32>} : memref<1024xi32, #tpu.memory_space<vmem>>, vector<16xi32>,
        tpu.vector_store %arg61[%swap3A_379], %add3A_376 {strides = array<i32>} : memref<1024xi32, #tpu.memory_space<vmem>>, vector<16xi32>,
        %add3A_381 = arith.constant 22 : i32
        %add3A_382 = vector.broadcast %add3A_381 : i32 to vector<16xi32>
        %add3A_383 = arith.addi %add3A_371, %add3A_382 : vector<16xi32>
        %add3A_384 = arith.constant 256 : i32
        %add3A_385 = arith.addi %multiple_of3A_323, %add3A_384 : i32
        %swap3A_386 = arith.index_cast %add3A_385 : i32 to index
        %swap3A_387 = tpu.vector_load %arg61[%swap3A_386] {strides = array<i32>} : memref<1024xi32, #tpu.memory_space<vmem>>, vector<16xi32>,
        tpu.vector_store %arg61[%swap3A_386], %add3A_383 {strides = array<i32>} : memref<1024xi32, #tpu.memory_space<vmem>>, vector<16xi32>,
        %add3A_388 = arith.constant 22 : i32
        %add3A_389 = vector.broadcast %add3A_388 : i32 to vector<16xi32>
        %add3A_390 = arith.addi %add3A_371, %add3A_389 : vector<16xi32>
        %add3A_391 = arith.constant 1 : i32
        %add3A_392 = vector.broadcast %add3A_391 : i32 to vector<16xi32>
        %add3A_393 = arith.addi %add3A_390, %add3A_392 : vector<16xi32>
        %add3A_394 = arith.constant 384 : i32
        %add3A_395 = arith.addi %multiple_of3A_323, %add3A_394 : i32
        %swap3A_396 = arith.index_cast %add3A_395 : i32 to index
        %swap3A_397 = tpu.vector_load %arg61[%swap3A_396] {strides = array<i32>} : memref<1024xi32, #tpu.memory_space<vmem>>, vector<16xi32>,
        tpu.vector_store %arg61[%swap3A_396], %add3A_393 {strides = array<i32>} : memref<1024xi32, #tpu.memory_space<vmem>>, vector<16xi32>,
        %div3A_398 = arith.constant 68.2666702 : f32
        %div3A_399 = vector.broadcast %div3A_398 : f32 to vector<16xf32>
        %div3A_400 = arith.divf %get3A_285, %div3A_399 : vector<16xf32>
        %convert_element_type3A_401 = arith.fptosi %div3A_400 : vector<16xf32> to vector<16xi32>
        %div3A_402 = arith.constant 68.2666702 : f32
        %div3A_403 = vector.broadcast %div3A_402 : f32 to vector<16xf32>
        %div3A_404 = arith.divf %get3A_287, %div3A_403 : vector<16xf32>
        %convert_element_type3A_405 = arith.fptosi %div3A_404 : vector<16xf32> to vector<16xi32>
        %mul3A_406 = arith.constant 30 : i32
        %mul3A_407 = vector.broadcast %mul3A_406 : i32 to vector<16xi32>
        %mul3A_408 = arith.muli %convert_element_type3A_401, %mul3A_407 : vector<16xi32>
        %add3A_409 = arith.addi %mul3A_408, %convert_element_type3A_405 : vector<16xi32>
        %swap3A_410 = arith.index_cast %multiple_of3A_323 : i32 to index
        %swap3A_411 = tpu.vector_load %arg62[%swap3A_410] {strides = array<i32>} : memref<1024xi32, #tpu.memory_space<vmem>>, vector<16xi32>,
        tpu.vector_store %arg62[%swap3A_410], %add3A_409 {strides = array<i32>} : memref<1024xi32, #tpu.memory_space<vmem>>, vector<16xi32>,
        %add3A_412 = arith.constant 1 : i32
        %add3A_413 = vector.broadcast %add3A_412 : i32 to vector<16xi32>
        %add3A_414 = arith.addi %add3A_409, %add3A_413 : vector<16xi32>
        %add3A_415 = arith.constant 128 : i32
        %add3A_416 = arith.addi %multiple_of3A_323, %add3A_415 : i32
        %swap3A_417 = arith.index_cast %add3A_416 : i32 to index
        %swap3A_418 = tpu.vector_load %arg62[%swap3A_417] {strides = array<i32>} : memref<1024xi32, #tpu.memory_space<vmem>>, vector<16xi32>,
        tpu.vector_store %arg62[%swap3A_417], %add3A_414 {strides = array<i32>} : memref<1024xi32, #tpu.memory_space<vmem>>, vector<16xi32>,
        %add3A_419 = arith.constant 30 : i32
        %add3A_420 = vector.broadcast %add3A_419 : i32 to vector<16xi32>
        %add3A_421 = arith.addi %add3A_409, %add3A_420 : vector<16xi32>
        %add3A_422 = arith.constant 256 : i32
        %add3A_423 = arith.addi %multiple_of3A_323, %add3A_422 : i32
        %swap3A_424 = arith.index_cast %add3A_423 : i32 to index
        %swap3A_425 = tpu.vector_load %arg62[%swap3A_424] {strides = array<i32>} : memref<1024xi32, #tpu.memory_space<vmem>>, vector<16xi32>,
        tpu.vector_store %arg62[%swap3A_424], %add3A_421 {strides = array<i32>} : memref<1024xi32, #tpu.memory_space<vmem>>, vector<16xi32>,
        %add3A_426 = arith.constant 30 : i32
        %add3A_427 = vector.broadcast %add3A_426 : i32 to vector<16xi32>
        %add3A_428 = arith.addi %add3A_409, %add3A_427 : vector<16xi32>
        %add3A_429 = arith.constant 1 : i32
        %add3A_430 = vector.broadcast %add3A_429 : i32 to vector<16xi32>
        %add3A_431 = arith.addi %add3A_428, %add3A_430 : vector<16xi32>
        %add3A_432 = arith.constant 384 : i32
        %add3A_433 = arith.addi %multiple_of3A_323, %add3A_432 : i32
        %swap3A_434 = arith.index_cast %add3A_433 : i32 to index
        %swap3A_435 = tpu.vector_load %arg62[%swap3A_434] {strides = array<i32>} : memref<1024xi32, #tpu.memory_space<vmem>>, vector<16xi32>,
        tpu.vector_store %arg62[%swap3A_434], %add3A_431 {strides = array<i32>} : memref<1024xi32, #tpu.memory_space<vmem>>, vector<16xi32>,
        %div3A_436 = arith.constant 48.7619057 : f32
        %div3A_437 = vector.broadcast %div3A_436 : f32 to vector<16xf32>
        %div3A_438 = arith.divf %get3A_285, %div3A_437 : vector<16xf32>
        %convert_element_type3A_439 = arith.fptosi %div3A_438 : vector<16xf32> to vector<16xi32>
        %div3A_440 = arith.constant 48.7619057 : f32
        %div3A_441 = vector.broadcast %div3A_440 : f32 to vector<16xf32>
        %div3A_442 = arith.divf %get3A_287, %div3A_441 : vector<16xf32>
        %convert_element_type3A_443 = arith.fptosi %div3A_442 : vector<16xf32> to vector<16xi32>
        %mul3A_444 = arith.constant 42 : i32
        %mul3A_445 = vector.broadcast %mul3A_444 : i32 to vector<16xi32>
        %mul3A_446 = arith.muli %convert_element_type3A_439, %mul3A_445 : vector<16xi32>
        %add3A_447 = arith.addi %mul3A_446, %convert_element_type3A_443 : vector<16xi32>
        %swap3A_448 = arith.index_cast %multiple_of3A_323 : i32 to index
        %swap3A_449 = tpu.vector_load %arg63[%swap3A_448] {strides = array<i32>} : memref<1024xi32, #tpu.memory_space<vmem>>, vector<16xi32>,
        tpu.vector_store %arg63[%swap3A_448], %add3A_447 {strides = array<i32>} : memref<1024xi32, #tpu.memory_space<vmem>>, vector<16xi32>,
        %add3A_450 = arith.constant 1 : i32
        %add3A_451 = vector.broadcast %add3A_450 : i32 to vector<16xi32>
        %add3A_452 = arith.addi %add3A_447, %add3A_451 : vector<16xi32>
        %add3A_453 = arith.constant 128 : i32
        %add3A_454 = arith.addi %multiple_of3A_323, %add3A_453 : i32
        %swap3A_455 = arith.index_cast %add3A_454 : i32 to index
        %swap3A_456 = tpu.vector_load %arg63[%swap3A_455] {strides = array<i32>} : memref<1024xi32, #tpu.memory_space<vmem>>, vector<16xi32>,
        tpu.vector_store %arg63[%swap3A_455], %add3A_452 {strides = array<i32>} : memref<1024xi32, #tpu.memory_space<vmem>>, vector<16xi32>,
        %add3A_457 = arith.constant 42 : i32
        %add3A_458 = vector.broadcast %add3A_457 : i32 to vector<16xi32>
        %add3A_459 = arith.addi %add3A_447, %add3A_458 : vector<16xi32>
        %add3A_460 = arith.constant 256 : i32
        %add3A_461 = arith.addi %multiple_of3A_323, %add3A_460 : i32
        %swap3A_462 = arith.index_cast %add3A_461 : i32 to index
        %swap3A_463 = tpu.vector_load %arg63[%swap3A_462] {strides = array<i32>} : memref<1024xi32, #tpu.memory_space<vmem>>, vector<16xi32>,
        tpu.vector_store %arg63[%swap3A_462], %add3A_459 {strides = array<i32>} : memref<1024xi32, #tpu.memory_space<vmem>>, vector<16xi32>,
        %add3A_464 = arith.constant 42 : i32
        %add3A_465 = vector.broadcast %add3A_464 : i32 to vector<16xi32>
        %add3A_466 = arith.addi %add3A_447, %add3A_465 : vector<16xi32>
        %add3A_467 = arith.constant 1 : i32
        %add3A_468 = vector.broadcast %add3A_467 : i32 to vector<16xi32>
        %add3A_469 = arith.addi %add3A_466, %add3A_468 : vector<16xi32>
        %add3A_470 = arith.constant 384 : i32
        %add3A_471 = arith.addi %multiple_of3A_323, %add3A_470 : i32
        %swap3A_472 = arith.index_cast %add3A_471 : i32 to index
        %swap3A_473 = tpu.vector_load %arg63[%swap3A_472] {strides = array<i32>} : memref<1024xi32, #tpu.memory_space<vmem>>, vector<16xi32>,
        tpu.vector_store %arg63[%swap3A_472], %add3A_469 {strides = array<i32>} : memref<1024xi32, #tpu.memory_space<vmem>>, vector<16xi32>,
        %div3A_474 = arith.constant 35.3103447 : f32
        %div3A_475 = vector.broadcast %div3A_474 : f32 to vector<16xf32>
        %div3A_476 = arith.divf %get3A_285, %div3A_475 : vector<16xf32>
        %convert_element_type3A_477 = arith.fptosi %div3A_476 : vector<16xf32> to vector<16xi32>
        %div3A_478 = arith.constant 35.3103447 : f32
        %div3A_479 = vector.broadcast %div3A_478 : f32 to vector<16xf32>
        %div3A_480 = arith.divf %get3A_287, %div3A_479 : vector<16xf32>
        %convert_element_type3A_481 = arith.fptosi %div3A_480 : vector<16xf32> to vector<16xi32>
        %mul3A_482 = arith.constant 58 : i32
        %mul3A_483 = vector.broadcast %mul3A_482 : i32 to vector<16xi32>
        %mul3A_484 = arith.muli %convert_element_type3A_477, %mul3A_483 : vector<16xi32>
        %add3A_485 = arith.addi %mul3A_484, %convert_element_type3A_481 : vector<16xi32>
        %swap3A_486 = arith.index_cast %multiple_of3A_323 : i32 to index
        %swap3A_487 = tpu.vector_load %arg64[%swap3A_486] {strides = array<i32>} : memref<1024xi32, #tpu.memory_space<vmem>>, vector<16xi32>,
        tpu.vector_store %arg64[%swap3A_486], %add3A_485 {strides = array<i32>} : memref<1024xi32, #tpu.memory_space<vmem>>, vector<16xi32>,
        %add3A_488 = arith.constant 1 : i32
        %add3A_489 = vector.broadcast %add3A_488 : i32 to vector<16xi32>
        %add3A_490 = arith.addi %add3A_485, %add3A_489 : vector<16xi32>
        %add3A_491 = arith.constant 128 : i32
        %add3A_492 = arith.addi %multiple_of3A_323, %add3A_491 : i32
        %swap3A_493 = arith.index_cast %add3A_492 : i32 to index
        %swap3A_494 = tpu.vector_load %arg64[%swap3A_493] {strides = array<i32>} : memref<1024xi32, #tpu.memory_space<vmem>>, vector<16xi32>,
        tpu.vector_store %arg64[%swap3A_493], %add3A_490 {strides = array<i32>} : memref<1024xi32, #tpu.memory_space<vmem>>, vector<16xi32>,
        %add3A_495 = arith.constant 58 : i32
        %add3A_496 = vector.broadcast %add3A_495 : i32 to vector<16xi32>
        %add3A_497 = arith.addi %add3A_485, %add3A_496 : vector<16xi32>
        %add3A_498 = arith.constant 256 : i32
        %add3A_499 = arith.addi %multiple_of3A_323, %add3A_498 : i32
        %swap3A_500 = arith.index_cast %add3A_499 : i32 to index
        %swap3A_501 = tpu.vector_load %arg64[%swap3A_500] {strides = array<i32>} : memref<1024xi32, #tpu.memory_space<vmem>>, vector<16xi32>,
        tpu.vector_store %arg64[%swap3A_500], %add3A_497 {strides = array<i32>} : memref<1024xi32, #tpu.memory_space<vmem>>, vector<16xi32>,
        %add3A_502 = arith.constant 58 : i32
        %add3A_503 = vector.broadcast %add3A_502 : i32 to vector<16xi32>
        %add3A_504 = arith.addi %add3A_485, %add3A_503 : vector<16xi32>
        %add3A_505 = arith.constant 1 : i32
        %add3A_506 = vector.broadcast %add3A_505 : i32 to vector<16xi32>
        %add3A_507 = arith.addi %add3A_504, %add3A_506 : vector<16xi32>
        %add3A_508 = arith.constant 384 : i32
        %add3A_509 = arith.addi %multiple_of3A_323, %add3A_508 : i32
        %swap3A_510 = arith.index_cast %add3A_509 : i32 to index
        %swap3A_511 = tpu.vector_load %arg64[%swap3A_510] {strides = array<i32>} : memref<1024xi32, #tpu.memory_space<vmem>>, vector<16xi32>,
        tpu.vector_store %arg64[%swap3A_510], %add3A_507 {strides = array<i32>} : memref<1024xi32, #tpu.memory_space<vmem>>, vector<16xi32>,
        %div3A_512 = arith.constant 2.560000e+01 : f32
        %div3A_513 = vector.broadcast %div3A_512 : f32 to vector<16xf32>
        %div3A_514 = arith.divf %get3A_285, %div3A_513 : vector<16xf32>
        %convert_element_type3A_515 = arith.fptosi %div3A_514 : vector<16xf32> to vector<16xi32>
        %div3A_516 = arith.constant 2.560000e+01 : f32
        %div3A_517 = vector.broadcast %div3A_516 : f32 to vector<16xf32>
        %div3A_518 = arith.divf %get3A_287, %div3A_517 : vector<16xf32>
        %convert_element_type3A_519 = arith.fptosi %div3A_518 : vector<16xf32> to vector<16xi32>
        %mul3A_520 = arith.constant 80 : i32
        %mul3A_521 = vector.broadcast %mul3A_520 : i32 to vector<16xi32>
        %mul3A_522 = arith.muli %convert_element_type3A_515, %mul3A_521 : vector<16xi32>
        %add3A_523 = arith.addi %mul3A_522, %convert_element_type3A_519 : vector<16xi32>
        %swap3A_524 = arith.index_cast %multiple_of3A_323 : i32 to index
        %swap3A_525 = tpu.vector_load %arg65[%swap3A_524] {strides = array<i32>} : memref<1024xi32, #tpu.memory_space<vmem>>, vector<16xi32>,
        tpu.vector_store %arg65[%swap3A_524], %add3A_523 {strides = array<i32>} : memref<1024xi32, #tpu.memory_space<vmem>>, vector<16xi32>,
        %add3A_526 = arith.constant 1 : i32
        %add3A_527 = vector.broadcast %add3A_526 : i32 to vector<16xi32>
        %add3A_528 = arith.addi %add3A_523, %add3A_527 : vector<16xi32>
        %add3A_529 = arith.constant 128 : i32
        %add3A_530 = arith.addi %multiple_of3A_323, %add3A_529 : i32
        %swap3A_531 = arith.index_cast %add3A_530 : i32 to index
        %swap3A_532 = tpu.vector_load %arg65[%swap3A_531] {strides = array<i32>} : memref<1024xi32, #tpu.memory_space<vmem>>, vector<16xi32>,
        tpu.vector_store %arg65[%swap3A_531], %add3A_528 {strides = array<i32>} : memref<1024xi32, #tpu.memory_space<vmem>>, vector<16xi32>,
        %add3A_533 = arith.constant 80 : i32
        %add3A_534 = vector.broadcast %add3A_533 : i32 to vector<16xi32>
        %add3A_535 = arith.addi %add3A_523, %add3A_534 : vector<16xi32>
        %add3A_536 = arith.constant 256 : i32
        %add3A_537 = arith.addi %multiple_of3A_323, %add3A_536 : i32
        %swap3A_538 = arith.index_cast %add3A_537 : i32 to index
        %swap3A_539 = tpu.vector_load %arg65[%swap3A_538] {strides = array<i32>} : memref<1024xi32, #tpu.memory_space<vmem>>, vector<16xi32>,
        tpu.vector_store %arg65[%swap3A_538], %add3A_535 {strides = array<i32>} : memref<1024xi32, #tpu.memory_space<vmem>>, vector<16xi32>,
        %add3A_540 = arith.constant 80 : i32
        %add3A_541 = vector.broadcast %add3A_540 : i32 to vector<16xi32>
        %add3A_542 = arith.addi %add3A_523, %add3A_541 : vector<16xi32>
        %add3A_543 = arith.constant 1 : i32
        %add3A_544 = vector.broadcast %add3A_543 : i32 to vector<16xi32>
        %add3A_545 = arith.addi %add3A_542, %add3A_544 : vector<16xi32>
        %add3A_546 = arith.constant 384 : i32
        %add3A_547 = arith.addi %multiple_of3A_323, %add3A_546 : i32
        %swap3A_548 = arith.index_cast %add3A_547 : i32 to index
        %swap3A_549 = tpu.vector_load %arg65[%swap3A_548] {strides = array<i32>} : memref<1024xi32, #tpu.memory_space<vmem>>, vector<16xi32>,
        tpu.vector_store %arg65[%swap3A_548], %add3A_545 {strides = array<i32>} : memref<1024xi32, #tpu.memory_space<vmem>>, vector<16xi32>,
        %div3A_550 = arith.constant 18.4504509 : f32
        %div3A_551 = vector.broadcast %div3A_550 : f32 to vector<16xf32>
        %div3A_552 = arith.divf %get3A_285, %div3A_551 : vector<16xf32>
        %convert_element_type3A_553 = arith.fptosi %div3A_552 : vector<16xf32> to vector<16xi32>
        %div3A_554 = arith.constant 18.4504509 : f32
        %div3A_555 = vector.broadcast %div3A_554 : f32 to vector<16xf32>
        %div3A_556 = arith.divf %get3A_287, %div3A_555 : vector<16xf32>
        %convert_element_type3A_557 = arith.fptosi %div3A_556 : vector<16xf32> to vector<16xi32>
        %mul3A_558 = arith.constant 111 : i32
        %mul3A_559 = vector.broadcast %mul3A_558 : i32 to vector<16xi32>
        %mul3A_560 = arith.muli %convert_element_type3A_553, %mul3A_559 : vector<16xi32>
        %add3A_561 = arith.addi %mul3A_560, %convert_element_type3A_557 : vector<16xi32>
        %swap3A_562 = arith.index_cast %multiple_of3A_323 : i32 to index
        %swap3A_563 = tpu.vector_load %arg66[%swap3A_562] {strides = array<i32>} : memref<1024xi32, #tpu.memory_space<vmem>>, vector<16xi32>,
        tpu.vector_store %arg66[%swap3A_562], %add3A_561 {strides = array<i32>} : memref<1024xi32, #tpu.memory_space<vmem>>, vector<16xi32>,
        %add3A_564 = arith.constant 1 : i32
        %add3A_565 = vector.broadcast %add3A_564 : i32 to vector<16xi32>
        %add3A_566 = arith.addi %add3A_561, %add3A_565 : vector<16xi32>
        %add3A_567 = arith.constant 128 : i32
        %add3A_568 = arith.addi %multiple_of3A_323, %add3A_567 : i32
        %swap3A_569 = arith.index_cast %add3A_568 : i32 to index
        %swap3A_570 = tpu.vector_load %arg66[%swap3A_569] {strides = array<i32>} : memref<1024xi32, #tpu.memory_space<vmem>>, vector<16xi32>,
        tpu.vector_store %arg66[%swap3A_569], %add3A_566 {strides = array<i32>} : memref<1024xi32, #tpu.memory_space<vmem>>, vector<16xi32>,
        %add3A_571 = arith.constant 111 : i32
        %add3A_572 = vector.broadcast %add3A_571 : i32 to vector<16xi32>
        %add3A_573 = arith.addi %add3A_561, %add3A_572 : vector<16xi32>
        %add3A_574 = arith.constant 256 : i32
        %add3A_575 = arith.addi %multiple_of3A_323, %add3A_574 : i32
        %swap3A_576 = arith.index_cast %add3A_575 : i32 to index
        %swap3A_577 = tpu.vector_load %arg66[%swap3A_576] {strides = array<i32>} : memref<1024xi32, #tpu.memory_space<vmem>>, vector<16xi32>,
        tpu.vector_store %arg66[%swap3A_576], %add3A_573 {strides = array<i32>} : memref<1024xi32, #tpu.memory_space<vmem>>, vector<16xi32>,
        %add3A_578 = arith.constant 111 : i32
        %add3A_579 = vector.broadcast %add3A_578 : i32 to vector<16xi32>
        %add3A_580 = arith.addi %add3A_561, %add3A_579 : vector<16xi32>
        %add3A_581 = arith.constant 1 : i32
        %add3A_582 = vector.broadcast %add3A_581 : i32 to vector<16xi32>
        %add3A_583 = arith.addi %add3A_580, %add3A_582 : vector<16xi32>
        %add3A_584 = arith.constant 384 : i32
        %add3A_585 = arith.addi %multiple_of3A_323, %add3A_584 : i32
        %swap3A_586 = arith.index_cast %add3A_585 : i32 to index
        %swap3A_587 = tpu.vector_load %arg66[%swap3A_586] {strides = array<i32>} : memref<1024xi32, #tpu.memory_space<vmem>>, vector<16xi32>,
        tpu.vector_store %arg66[%swap3A_586], %add3A_583 {strides = array<i32>} : memref<1024xi32, #tpu.memory_space<vmem>>, vector<16xi32>,
        %div3A_588 = arith.constant 13.3856211 : f32
        %div3A_589 = vector.broadcast %div3A_588 : f32 to vector<16xf32>
        %div3A_590 = arith.divf %get3A_285, %div3A_589 : vector<16xf32>
        %convert_element_type3A_591 = arith.fptosi %div3A_590 : vector<16xf32> to vector<16xi32>
        %div3A_592 = arith.constant 13.3856211 : f32
        %div3A_593 = vector.broadcast %div3A_592 : f32 to vector<16xf32>
        %div3A_594 = arith.divf %get3A_287, %div3A_593 : vector<16xf32>
        %convert_element_type3A_595 = arith.fptosi %div3A_594 : vector<16xf32> to vector<16xi32>
        %mul3A_596 = arith.constant 153 : i32
        %mul3A_597 = vector.broadcast %mul3A_596 : i32 to vector<16xi32>
        %mul3A_598 = arith.muli %convert_element_type3A_591, %mul3A_597 : vector<16xi32>
        %add3A_599 = arith.addi %mul3A_598, %convert_element_type3A_595 : vector<16xi32>
        %swap3A_600 = arith.index_cast %multiple_of3A_323 : i32 to index
        %swap3A_601 = tpu.vector_load %arg67[%swap3A_600] {strides = array<i32>} : memref<1024xi32, #tpu.memory_space<vmem>>, vector<16xi32>,
        tpu.vector_store %arg67[%swap3A_600], %add3A_599 {strides = array<i32>} : memref<1024xi32, #tpu.memory_space<vmem>>, vector<16xi32>,
        %add3A_602 = arith.constant 1 : i32
        %add3A_603 = vector.broadcast %add3A_602 : i32 to vector<16xi32>
        %add3A_604 = arith.addi %add3A_599, %add3A_603 : vector<16xi32>
        %add3A_605 = arith.constant 128 : i32
        %add3A_606 = arith.addi %multiple_of3A_323, %add3A_605 : i32
        %swap3A_607 = arith.index_cast %add3A_606 : i32 to index
        %swap3A_608 = tpu.vector_load %arg67[%swap3A_607] {strides = array<i32>} : memref<1024xi32, #tpu.memory_space<vmem>>, vector<16xi32>,
        tpu.vector_store %arg67[%swap3A_607], %add3A_604 {strides = array<i32>} : memref<1024xi32, #tpu.memory_space<vmem>>, vector<16xi32>,
        %add3A_609 = arith.constant 153 : i32
        %add3A_610 = vector.broadcast %add3A_609 : i32 to vector<16xi32>
        %add3A_611 = arith.addi %add3A_599, %add3A_610 : vector<16xi32>
        %add3A_612 = arith.constant 256 : i32
        %add3A_613 = arith.addi %multiple_of3A_323, %add3A_612 : i32
        %swap3A_614 = arith.index_cast %add3A_613 : i32 to index
        %swap3A_615 = tpu.vector_load %arg67[%swap3A_614] {strides = array<i32>} : memref<1024xi32, #tpu.memory_space<vmem>>, vector<16xi32>,
        tpu.vector_store %arg67[%swap3A_614], %add3A_611 {strides = array<i32>} : memref<1024xi32, #tpu.memory_space<vmem>>, vector<16xi32>,
        %add3A_616 = arith.constant 153 : i32
        %add3A_617 = vector.broadcast %add3A_616 : i32 to vector<16xi32>
        %add3A_618 = arith.addi %add3A_599, %add3A_617 : vector<16xi32>
        %add3A_619 = arith.constant 1 : i32
        %add3A_620 = vector.broadcast %add3A_619 : i32 to vector<16xi32>
        %add3A_621 = arith.addi %add3A_618, %add3A_620 : vector<16xi32>
        %add3A_622 = arith.constant 384 : i32
        %add3A_623 = arith.addi %multiple_of3A_323, %add3A_622 : i32
        %swap3A_624 = arith.index_cast %add3A_623 : i32 to index
        %swap3A_625 = tpu.vector_load %arg67[%swap3A_624] {strides = array<i32>} : memref<1024xi32, #tpu.memory_space<vmem>>, vector<16xi32>,
        tpu.vector_store %arg67[%swap3A_624], %add3A_621 {strides = array<i32>} : memref<1024xi32, #tpu.memory_space<vmem>>, vector<16xi32>,
        %div3A_626 = arith.constant 9.6603775 : f32
        %div3A_627 = vector.broadcast %div3A_626 : f32 to vector<16xf32>
        %div3A_628 = arith.divf %get3A_285, %div3A_627 : vector<16xf32>
        %convert_element_type3A_629 = arith.fptosi %div3A_628 : vector<16xf32> to vector<16xi32>
        %div3A_630 = arith.constant 9.6603775 : f32
        %div3A_631 = vector.broadcast %div3A_630 : f32 to vector<16xf32>
        %div3A_632 = arith.divf %get3A_287, %div3A_631 : vector<16xf32>
        %convert_element_type3A_633 = arith.fptosi %div3A_632 : vector<16xf32> to vector<16xi32>
        %mul3A_634 = arith.constant 212 : i32
        %mul3A_635 = vector.broadcast %mul3A_634 : i32 to vector<16xi32>
        %mul3A_636 = arith.muli %convert_element_type3A_629, %mul3A_635 : vector<16xi32>
        %add3A_637 = arith.addi %mul3A_636, %convert_element_type3A_633 : vector<16xi32>
        %swap3A_638 = arith.index_cast %multiple_of3A_323 : i32 to index
        %swap3A_639 = tpu.vector_load %arg68[%swap3A_638] {strides = array<i32>} : memref<1024xi32, #tpu.memory_space<vmem>>, vector<16xi32>,
        tpu.vector_store %arg68[%swap3A_638], %add3A_637 {strides = array<i32>} : memref<1024xi32, #tpu.memory_space<vmem>>, vector<16xi32>,
        %add3A_640 = arith.constant 1 : i32
        %add3A_641 = vector.broadcast %add3A_640 : i32 to vector<16xi32>
        %add3A_642 = arith.addi %add3A_637, %add3A_641 : vector<16xi32>
        %add3A_643 = arith.constant 128 : i32
        %add3A_644 = arith.addi %multiple_of3A_323, %add3A_643 : i32
        %swap3A_645 = arith.index_cast %add3A_644 : i32 to index
        %swap3A_646 = tpu.vector_load %arg68[%swap3A_645] {strides = array<i32>} : memref<1024xi32, #tpu.memory_space<vmem>>, vector<16xi32>,
        tpu.vector_store %arg68[%swap3A_645], %add3A_642 {strides = array<i32>} : memref<1024xi32, #tpu.memory_space<vmem>>, vector<16xi32>,
        %add3A_647 = arith.constant 212 : i32
        %add3A_648 = vector.broadcast %add3A_647 : i32 to vector<16xi32>
        %add3A_649 = arith.addi %add3A_637, %add3A_648 : vector<16xi32>
        %add3A_650 = arith.constant 256 : i32
        %add3A_651 = arith.addi %multiple_of3A_323, %add3A_650 : i32
        %swap3A_652 = arith.index_cast %add3A_651 : i32 to index
        %swap3A_653 = tpu.vector_load %arg68[%swap3A_652] {strides = array<i32>} : memref<1024xi32, #tpu.memory_space<vmem>>, vector<16xi32>,
        tpu.vector_store %arg68[%swap3A_652], %add3A_649 {strides = array<i32>} : memref<1024xi32, #tpu.memory_space<vmem>>, vector<16xi32>,
        %add3A_654 = arith.constant 212 : i32
        %add3A_655 = vector.broadcast %add3A_654 : i32 to vector<16xi32>
        %add3A_656 = arith.addi %add3A_637, %add3A_655 : vector<16xi32>
        %add3A_657 = arith.constant 1 : i32
        %add3A_658 = vector.broadcast %add3A_657 : i32 to vector<16xi32>
        %add3A_659 = arith.addi %add3A_656, %add3A_658 : vector<16xi32>
        %add3A_660 = arith.constant 384 : i32
        %add3A_661 = arith.addi %multiple_of3A_323, %add3A_660 : i32
        %swap3A_662 = arith.index_cast %add3A_661 : i32 to index
        %swap3A_663 = tpu.vector_load %arg68[%swap3A_662] {strides = array<i32>} : memref<1024xi32, #tpu.memory_space<vmem>>, vector<16xi32>,
        tpu.vector_store %arg68[%swap3A_662], %add3A_659 {strides = array<i32>} : memref<1024xi32, #tpu.memory_space<vmem>>, vector<16xi32>,
        %div3A_664 = arith.constant 6.96598625 : f32
        %div3A_665 = vector.broadcast %div3A_664 : f32 to vector<16xf32>
        %div3A_666 = arith.divf %get3A_285, %div3A_665 : vector<16xf32>
        %convert_element_type3A_667 = arith.fptosi %div3A_666 : vector<16xf32> to vector<16xi32>
        %div3A_668 = arith.constant 6.96598625 : f32
        %div3A_669 = vector.broadcast %div3A_668 : f32 to vector<16xf32>
        %div3A_670 = arith.divf %get3A_287, %div3A_669 : vector<16xf32>
        %convert_element_type3A_671 = arith.fptosi %div3A_670 : vector<16xf32> to vector<16xi32>
        %mul3A_672 = arith.constant 294 : i32
        %mul3A_673 = vector.broadcast %mul3A_672 : i32 to vector<16xi32>
        %mul3A_674 = arith.muli %convert_element_type3A_667, %mul3A_673 : vector<16xi32>
        %add3A_675 = arith.addi %mul3A_674, %convert_element_type3A_671 : vector<16xi32>
        %swap3A_676 = arith.index_cast %multiple_of3A_323 : i32 to index
        %swap3A_677 = tpu.vector_load %arg69[%swap3A_676] {strides = array<i32>} : memref<1024xi32, #tpu.memory_space<vmem>>, vector<16xi32>,
        tpu.vector_store %arg69[%swap3A_676], %add3A_675 {strides = array<i32>} : memref<1024xi32, #tpu.memory_space<vmem>>, vector<16xi32>,
        %add3A_678 = arith.constant 1 : i32
        %add3A_679 = vector.broadcast %add3A_678 : i32 to vector<16xi32>
        %add3A_680 = arith.addi %add3A_675, %add3A_679 : vector<16xi32>
        %add3A_681 = arith.constant 128 : i32
        %add3A_682 = arith.addi %multiple_of3A_323, %add3A_681 : i32
        %swap3A_683 = arith.index_cast %add3A_682 : i32 to index
        %swap3A_684 = tpu.vector_load %arg69[%swap3A_683] {strides = array<i32>} : memref<1024xi32, #tpu.memory_space<vmem>>, vector<16xi32>,
        tpu.vector_store %arg69[%swap3A_683], %add3A_680 {strides = array<i32>} : memref<1024xi32, #tpu.memory_space<vmem>>, vector<16xi32>,
        %add3A_685 = arith.constant 294 : i32
        %add3A_686 = vector.broadcast %add3A_685 : i32 to vector<16xi32>
        %add3A_687 = arith.addi %add3A_675, %add3A_686 : vector<16xi32>
        %add3A_688 = arith.constant 256 : i32
        %add3A_689 = arith.addi %multiple_of3A_323, %add3A_688 : i32
        %swap3A_690 = arith.index_cast %add3A_689 : i32 to index
        %swap3A_691 = tpu.vector_load %arg69[%swap3A_690] {strides = array<i32>} : memref<1024xi32, #tpu.memory_space<vmem>>, vector<16xi32>,
        tpu.vector_store %arg69[%swap3A_690], %add3A_687 {strides = array<i32>} : memref<1024xi32, #tpu.memory_space<vmem>>, vector<16xi32>,
        %add3A_692 = arith.constant 294 : i32
        %add3A_693 = vector.broadcast %add3A_692 : i32 to vector<16xi32>
        %add3A_694 = arith.addi %add3A_675, %add3A_693 : vector<16xi32>
        %add3A_695 = arith.constant 1 : i32
        %add3A_696 = vector.broadcast %add3A_695 : i32 to vector<16xi32>
        %add3A_697 = arith.addi %add3A_694, %add3A_696 : vector<16xi32>
        %add3A_698 = arith.constant 384 : i32
        %add3A_699 = arith.addi %multiple_of3A_323, %add3A_698 : i32
        %swap3A_700 = arith.index_cast %add3A_699 : i32 to index
        %swap3A_701 = tpu.vector_load %arg69[%swap3A_700] {strides = array<i32>} : memref<1024xi32, #tpu.memory_space<vmem>>, vector<16xi32>,
        tpu.vector_store %arg69[%swap3A_700], %add3A_697 {strides = array<i32>} : memref<1024xi32, #tpu.memory_space<vmem>>, vector<16xi32>,
        %div3A_702 = arith.constant 5.04433489 : f32
        %div3A_703 = vector.broadcast %div3A_702 : f32 to vector<16xf32>
        %div3A_704 = arith.divf %get3A_285, %div3A_703 : vector<16xf32>
        %convert_element_type3A_705 = arith.fptosi %div3A_704 : vector<16xf32> to vector<16xi32>
        %div3A_706 = arith.constant 5.04433489 : f32
        %div3A_707 = vector.broadcast %div3A_706 : f32 to vector<16xf32>
        %div3A_708 = arith.divf %get3A_287, %div3A_707 : vector<16xf32>
        %convert_element_type3A_709 = arith.fptosi %div3A_708 : vector<16xf32> to vector<16xi32>
        %mul3A_710 = arith.constant 406 : i32
        %mul3A_711 = vector.broadcast %mul3A_710 : i32 to vector<16xi32>
        %mul3A_712 = arith.muli %convert_element_type3A_705, %mul3A_711 : vector<16xi32>
        %add3A_713 = arith.addi %mul3A_712, %convert_element_type3A_709 : vector<16xi32>
        %swap3A_714 = arith.index_cast %multiple_of3A_323 : i32 to index
        %swap3A_715 = tpu.vector_load %arg70[%swap3A_714] {strides = array<i32>} : memref<1024xi32, #tpu.memory_space<vmem>>, vector<16xi32>,
        tpu.vector_store %arg70[%swap3A_714], %add3A_713 {strides = array<i32>} : memref<1024xi32, #tpu.memory_space<vmem>>, vector<16xi32>,
        %add3A_716 = arith.constant 1 : i32
        %add3A_717 = vector.broadcast %add3A_716 : i32 to vector<16xi32>
        %add3A_718 = arith.addi %add3A_713, %add3A_717 : vector<16xi32>
        %add3A_719 = arith.constant 128 : i32
        %add3A_720 = arith.addi %multiple_of3A_323, %add3A_719 : i32
        %swap3A_721 = arith.index_cast %add3A_720 : i32 to index
        %swap3A_722 = tpu.vector_load %arg70[%swap3A_721] {strides = array<i32>} : memref<1024xi32, #tpu.memory_space<vmem>>, vector<16xi32>,
        tpu.vector_store %arg70[%swap3A_721], %add3A_718 {strides = array<i32>} : memref<1024xi32, #tpu.memory_space<vmem>>, vector<16xi32>,
        %add3A_723 = arith.constant 406 : i32
        %add3A_724 = vector.broadcast %add3A_723 : i32 to vector<16xi32>
        %add3A_725 = arith.addi %add3A_713, %add3A_724 : vector<16xi32>
        %add3A_726 = arith.constant 256 : i32
        %add3A_727 = arith.addi %multiple_of3A_323, %add3A_726 : i32
        %swap3A_728 = arith.index_cast %add3A_727 : i32 to index
        %swap3A_729 = tpu.vector_load %arg70[%swap3A_728] {strides = array<i32>} : memref<1024xi32, #tpu.memory_space<vmem>>, vector<16xi32>,
        tpu.vector_store %arg70[%swap3A_728], %add3A_725 {strides = array<i32>} : memref<1024xi32, #tpu.memory_space<vmem>>, vector<16xi32>,
        %add3A_730 = arith.constant 406 : i32
        %add3A_731 = vector.broadcast %add3A_730 : i32 to vector<16xi32>
        %add3A_732 = arith.addi %add3A_713, %add3A_731 : vector<16xi32>
        %add3A_733 = arith.constant 1 : i32
        %add3A_734 = vector.broadcast %add3A_733 : i32 to vector<16xi32>
        %add3A_735 = arith.addi %add3A_732, %add3A_734 : vector<16xi32>
        %add3A_736 = arith.constant 384 : i32
        %add3A_737 = arith.addi %multiple_of3A_323, %add3A_736 : i32
        %swap3A_738 = arith.index_cast %add3A_737 : i32 to index
        %swap3A_739 = tpu.vector_load %arg70[%swap3A_738] {strides = array<i32>} : memref<1024xi32, #tpu.memory_space<vmem>>, vector<16xi32>,
        tpu.vector_store %arg70[%swap3A_738], %add3A_735 {strides = array<i32>} : memref<1024xi32, #tpu.memory_space<vmem>>, vector<16xi32>,
        %div3A_740 = arith.constant 3.6506238 : f32
        %div3A_741 = vector.broadcast %div3A_740 : f32 to vector<16xf32>
        %div3A_742 = arith.divf %get3A_285, %div3A_741 : vector<16xf32>
        %convert_element_type3A_743 = arith.fptosi %div3A_742 : vector<16xf32> to vector<16xi32>
        %div3A_744 = arith.constant 3.6506238 : f32
        %div3A_745 = vector.broadcast %div3A_744 : f32 to vector<16xf32>
        %div3A_746 = arith.divf %get3A_287, %div3A_745 : vector<16xf32>
        %convert_element_type3A_747 = arith.fptosi %div3A_746 : vector<16xf32> to vector<16xi32>
        %mul3A_748 = arith.constant 561 : i32
        %mul3A_749 = vector.broadcast %mul3A_748 : i32 to vector<16xi32>
        %mul3A_750 = arith.muli %convert_element_type3A_743, %mul3A_749 : vector<16xi32>
        %add3A_751 = arith.addi %mul3A_750, %convert_element_type3A_747 : vector<16xi32>
        %swap3A_752 = arith.index_cast %multiple_of3A_323 : i32 to index
        %swap3A_753 = tpu.vector_load %arg71[%swap3A_752] {strides = array<i32>} : memref<1024xi32, #tpu.memory_space<vmem>>, vector<16xi32>,
        tpu.vector_store %arg71[%swap3A_752], %add3A_751 {strides = array<i32>} : memref<1024xi32, #tpu.memory_space<vmem>>, vector<16xi32>,
        %add3A_754 = arith.constant 1 : i32
        %add3A_755 = vector.broadcast %add3A_754 : i32 to vector<16xi32>
        %add3A_756 = arith.addi %add3A_751, %add3A_755 : vector<16xi32>
        %add3A_757 = arith.constant 128 : i32
        %add3A_758 = arith.addi %multiple_of3A_323, %add3A_757 : i32
        %swap3A_759 = arith.index_cast %add3A_758 : i32 to index
        %swap3A_760 = tpu.vector_load %arg71[%swap3A_759] {strides = array<i32>} : memref<1024xi32, #tpu.memory_space<vmem>>, vector<16xi32>,
        tpu.vector_store %arg71[%swap3A_759], %add3A_756 {strides = array<i32>} : memref<1024xi32, #tpu.memory_space<vmem>>, vector<16xi32>,
        %add3A_761 = arith.constant 561 : i32
        %add3A_762 = vector.broadcast %add3A_761 : i32 to vector<16xi32>
        %add3A_763 = arith.addi %add3A_751, %add3A_762 : vector<16xi32>
        %add3A_764 = arith.constant 256 : i32
        %add3A_765 = arith.addi %multiple_of3A_323, %add3A_764 : i32
        %swap3A_766 = arith.index_cast %add3A_765 : i32 to index
        %swap3A_767 = tpu.vector_load %arg71[%swap3A_766] {strides = array<i32>} : memref<1024xi32, #tpu.memory_space<vmem>>, vector<16xi32>,
        tpu.vector_store %arg71[%swap3A_766], %add3A_763 {strides = array<i32>} : memref<1024xi32, #tpu.memory_space<vmem>>, vector<16xi32>,
        %add3A_768 = arith.constant 561 : i32
        %add3A_769 = vector.broadcast %add3A_768 : i32 to vector<16xi32>
        %add3A_770 = arith.addi %add3A_751, %add3A_769 : vector<16xi32>
        %add3A_771 = arith.constant 1 : i32
        %add3A_772 = vector.broadcast %add3A_771 : i32 to vector<16xi32>
        %add3A_773 = arith.addi %add3A_770, %add3A_772 : vector<16xi32>
        %add3A_774 = arith.constant 384 : i32
        %add3A_775 = arith.addi %multiple_of3A_323, %add3A_774 : i32
        %swap3A_776 = arith.index_cast %add3A_775 : i32 to index
        %swap3A_777 = tpu.vector_load %arg71[%swap3A_776] {strides = array<i32>} : memref<1024xi32, #tpu.memory_space<vmem>>, vector<16xi32>,
        tpu.vector_store %arg71[%swap3A_776], %add3A_773 {strides = array<i32>} : memref<1024xi32, #tpu.memory_space<vmem>>, vector<16xi32>,
      }
      %scan3A_28 = arith.constant 16 : i32
      %dma_start3A_29 = arith.constant 0 : i32
      %dma_start3A_30 = tpu.memref_slice %arg11[%dma_start3A_29] : memref<23716xf32, #tpu.memory_space<hbm>> -> memref<23716xf32, #tpu.memory_space<hbm>>
      tpu.enqueue_indirect_dma source(%dma_start3A_30 : memref<23716xf32, #tpu.memory_space<hbm>>) target(%arg80 : memref<1024xf32, #tpu.memory_space<vmem>>) offsets(%arg67 : memref<1024xi32, #tpu.memory_space<vmem>>) semaphore(%arg112 : memref<!tpu.dma_semaphore, #tpu.memory_space<semaphore_mem>>)
      %dma_start3A_31 = arith.constant 0 : i32
      %dma_start3A_32 = tpu.memref_slice %arg27[%dma_start3A_31] : memref<23716xf32, #tpu.memory_space<hbm>> -> memref<23716xf32, #tpu.memory_space<hbm>>
      tpu.enqueue_indirect_dma source(%dma_start3A_32 : memref<23716xf32, #tpu.memory_space<hbm>>) target(%arg89 : memref<1024xf32, #tpu.memory_space<vmem>>) offsets(%arg67 : memref<1024xi32, #tpu.memory_space<vmem>>) semaphore(%arg112 : memref<!tpu.dma_semaphore, #tpu.memory_space<semaphore_mem>>)
      %dma_start3A_33 = arith.constant 0 : i32
      %dma_start3A_34 = tpu.memref_slice %arg12[%dma_start3A_33] : memref<45369xf32, #tpu.memory_space<hbm>> -> memref<45369xf32, #tpu.memory_space<hbm>>
      tpu.enqueue_indirect_dma source(%dma_start3A_34 : memref<45369xf32, #tpu.memory_space<hbm>>) target(%arg81 : memref<1024xf32, #tpu.memory_space<vmem>>) offsets(%arg68 : memref<1024xi32, #tpu.memory_space<vmem>>) semaphore(%arg112 : memref<!tpu.dma_semaphore, #tpu.memory_space<semaphore_mem>>)
      %dma_start3A_35 = arith.constant 0 : i32
      %dma_start3A_36 = tpu.memref_slice %arg28[%dma_start3A_35] : memref<45369xf32, #tpu.memory_space<hbm>> -> memref<45369xf32, #tpu.memory_space<hbm>>
      tpu.enqueue_indirect_dma source(%dma_start3A_36 : memref<45369xf32, #tpu.memory_space<hbm>>) target(%arg90 : memref<1024xf32, #tpu.memory_space<vmem>>) offsets(%arg68 : memref<1024xi32, #tpu.memory_space<vmem>>) semaphore(%arg112 : memref<!tpu.dma_semaphore, #tpu.memory_space<semaphore_mem>>)
      %dma_start3A_37 = arith.constant 0 : i32
      %dma_start3A_38 = tpu.memref_slice %arg13[%dma_start3A_37] : memref<87025xf32, #tpu.memory_space<hbm>> -> memref<87025xf32, #tpu.memory_space<hbm>>
      tpu.enqueue_indirect_dma source(%dma_start3A_38 : memref<87025xf32, #tpu.memory_space<hbm>>) target(%arg82 : memref<1024xf32, #tpu.memory_space<vmem>>) offsets(%arg69 : memref<1024xi32, #tpu.memory_space<vmem>>) semaphore(%arg112 : memref<!tpu.dma_semaphore, #tpu.memory_space<semaphore_mem>>)
      %dma_start3A_39 = arith.constant 0 : i32
      %dma_start3A_40 = tpu.memref_slice %arg29[%dma_start3A_39] : memref<87025xf32, #tpu.memory_space<hbm>> -> memref<87025xf32, #tpu.memory_space<hbm>>
      tpu.enqueue_indirect_dma source(%dma_start3A_40 : memref<87025xf32, #tpu.memory_space<hbm>>) target(%arg91 : memref<1024xf32, #tpu.memory_space<vmem>>) offsets(%arg69 : memref<1024xi32, #tpu.memory_space<vmem>>) semaphore(%arg112 : memref<!tpu.dma_semaphore, #tpu.memory_space<semaphore_mem>>)
      %dma_start3A_41 = arith.constant 0 : i32
      %dma_start3A_42 = tpu.memref_slice %arg14[%dma_start3A_41] : memref<165649xf32, #tpu.memory_space<hbm>> -> memref<165649xf32, #tpu.memory_space<hbm>>
      tpu.enqueue_indirect_dma source(%dma_start3A_42 : memref<165649xf32, #tpu.memory_space<hbm>>) target(%arg83 : memref<1024xf32, #tpu.memory_space<vmem>>) offsets(%arg70 : memref<1024xi32, #tpu.memory_space<vmem>>) semaphore(%arg112 : memref<!tpu.dma_semaphore, #tpu.memory_space<semaphore_mem>>)
      %dma_start3A_43 = arith.constant 0 : i32
      %dma_start3A_44 = tpu.memref_slice %arg30[%dma_start3A_43] : memref<165649xf32, #tpu.memory_space<hbm>> -> memref<165649xf32, #tpu.memory_space<hbm>>
      tpu.enqueue_indirect_dma source(%dma_start3A_44 : memref<165649xf32, #tpu.memory_space<hbm>>) target(%arg92 : memref<1024xf32, #tpu.memory_space<vmem>>) offsets(%arg70 : memref<1024xi32, #tpu.memory_space<vmem>>) semaphore(%arg112 : memref<!tpu.dma_semaphore, #tpu.memory_space<semaphore_mem>>)
      %dma_start3A_45 = arith.constant 0 : i32
      %dma_start3A_46 = tpu.memref_slice %arg15[%dma_start3A_45] : memref<315844xf32, #tpu.memory_space<hbm>> -> memref<315844xf32, #tpu.memory_space<hbm>>
      tpu.enqueue_indirect_dma source(%dma_start3A_46 : memref<315844xf32, #tpu.memory_space<hbm>>) target(%arg84 : memref<1024xf32, #tpu.memory_space<vmem>>) offsets(%arg71 : memref<1024xi32, #tpu.memory_space<vmem>>) semaphore(%arg112 : memref<!tpu.dma_semaphore, #tpu.memory_space<semaphore_mem>>)
      %dma_start3A_47 = arith.constant 0 : i32
      %dma_start3A_48 = tpu.memref_slice %arg31[%dma_start3A_47] : memref<315844xf32, #tpu.memory_space<hbm>> -> memref<315844xf32, #tpu.memory_space<hbm>>
      tpu.enqueue_indirect_dma source(%dma_start3A_48 : memref<315844xf32, #tpu.memory_space<hbm>>) target(%arg93 : memref<1024xf32, #tpu.memory_space<vmem>>) offsets(%arg71 : memref<1024xi32, #tpu.memory_space<vmem>>) semaphore(%arg112 : memref<!tpu.dma_semaphore, #tpu.memory_space<semaphore_mem>>)
      %dma_wait3A = arith.constant 0 : i32
      %dma_wait3A_49 = tpu.memref_slice %arg36[%dma_wait3A] : memref<524288xi32, #tpu.memory_space<hbm>> -> memref<524288xi32, #tpu.memory_space<hbm>>
      tpu.wait_indirect_dma semaphore(%arg112 : memref<!tpu.dma_semaphore, #tpu.memory_space<semaphore_mem>>) src(%dma_wait3A_49 : memref<524288xi32, #tpu.memory_space<hbm>>) dst(%arg72 : memref<1024xi32, #tpu.memory_space<vmem>>)
      %dma_wait3A_50 = arith.constant 0 : i32
      %dma_wait3A_51 = tpu.memref_slice %arg37[%dma_wait3A_50] : memref<524288xi32, #tpu.memory_space<hbm>> -> memref<524288xi32, #tpu.memory_space<hbm>>
      tpu.wait_indirect_dma semaphore(%arg112 : memref<!tpu.dma_semaphore, #tpu.memory_space<semaphore_mem>>) src(%dma_wait3A_51 : memref<524288xi32, #tpu.memory_space<hbm>>) dst(%arg73 : memref<1024xi32, #tpu.memory_space<vmem>>)
      %dma_wait3A_52 = arith.constant 0 : i32
      %dma_wait3A_53 = tpu.memref_slice %arg38[%dma_wait3A_52] : memref<524288xi32, #tpu.memory_space<hbm>> -> memref<524288xi32, #tpu.memory_space<hbm>>
      tpu.wait_indirect_dma semaphore(%arg112 : memref<!tpu.dma_semaphore, #tpu.memory_space<semaphore_mem>>) src(%dma_wait3A_53 : memref<524288xi32, #tpu.memory_space<hbm>>) dst(%arg74 : memref<1024xi32, #tpu.memory_space<vmem>>)
      %dma_wait3A_54 = arith.constant 0 : i32
      %dma_wait3A_55 = tpu.memref_slice %arg39[%dma_wait3A_54] : memref<524288xi32, #tpu.memory_space<hbm>> -> memref<524288xi32, #tpu.memory_space<hbm>>
      tpu.wait_indirect_dma semaphore(%arg112 : memref<!tpu.dma_semaphore, #tpu.memory_space<semaphore_mem>>) src(%dma_wait3A_55 : memref<524288xi32, #tpu.memory_space<hbm>>) dst(%arg75 : memref<1024xi32, #tpu.memory_space<vmem>>)
      %dma_start3A_56 = arith.constant 0 : i32
      %dma_start3A_57 = tpu.memref_slice %arg16[%dma_start3A_56] : memref<524288xf32, #tpu.memory_space<hbm>> -> memref<524288xf32, #tpu.memory_space<hbm>>
      tpu.enqueue_indirect_dma source(%dma_start3A_57 : memref<524288xf32, #tpu.memory_space<hbm>>) target(%arg85 : memref<1024xf32, #tpu.memory_space<vmem>>) offsets(%arg72 : memref<1024xi32, #tpu.memory_space<vmem>>) semaphore(%arg112 : memref<!tpu.dma_semaphore, #tpu.memory_space<semaphore_mem>>)
      %dma_start3A_58 = arith.constant 0 : i32
      %dma_start3A_59 = tpu.memref_slice %arg32[%dma_start3A_58] : memref<524288xf32, #tpu.memory_space<hbm>> -> memref<524288xf32, #tpu.memory_space<hbm>>
      tpu.enqueue_indirect_dma source(%dma_start3A_59 : memref<524288xf32, #tpu.memory_space<hbm>>) target(%arg94 : memref<1024xf32, #tpu.memory_space<vmem>>) offsets(%arg72 : memref<1024xi32, #tpu.memory_space<vmem>>) semaphore(%arg112 : memref<!tpu.dma_semaphore, #tpu.memory_space<semaphore_mem>>)
      %dma_start3A_60 = arith.constant 0 : i32
      %dma_start3A_61 = tpu.memref_slice %arg17[%dma_start3A_60] : memref<524288xf32, #tpu.memory_space<hbm>> -> memref<524288xf32, #tpu.memory_space<hbm>>
      tpu.enqueue_indirect_dma source(%dma_start3A_61 : memref<524288xf32, #tpu.memory_space<hbm>>) target(%arg86 : memref<1024xf32, #tpu.memory_space<vmem>>) offsets(%arg73 : memref<1024xi32, #tpu.memory_space<vmem>>) semaphore(%arg112 : memref<!tpu.dma_semaphore, #tpu.memory_space<semaphore_mem>>)
      %dma_start3A_62 = arith.constant 0 : i32
      %dma_start3A_63 = tpu.memref_slice %arg33[%dma_start3A_62] : memref<524288xf32, #tpu.memory_space<hbm>> -> memref<524288xf32, #tpu.memory_space<hbm>>
      tpu.enqueue_indirect_dma source(%dma_start3A_63 : memref<524288xf32, #tpu.memory_space<hbm>>) target(%arg95 : memref<1024xf32, #tpu.memory_space<vmem>>) offsets(%arg73 : memref<1024xi32, #tpu.memory_space<vmem>>) semaphore(%arg112 : memref<!tpu.dma_semaphore, #tpu.memory_space<semaphore_mem>>)
      %dma_start3A_64 = arith.constant 0 : i32
      %dma_start3A_65 = tpu.memref_slice %arg18[%dma_start3A_64] : memref<524288xf32, #tpu.memory_space<hbm>> -> memref<524288xf32, #tpu.memory_space<hbm>>
      tpu.enqueue_indirect_dma source(%dma_start3A_65 : memref<524288xf32, #tpu.memory_space<hbm>>) target(%arg87 : memref<1024xf32, #tpu.memory_space<vmem>>) offsets(%arg74 : memref<1024xi32, #tpu.memory_space<vmem>>) semaphore(%arg112 : memref<!tpu.dma_semaphore, #tpu.memory_space<semaphore_mem>>)
      %dma_start3A_66 = arith.constant 0 : i32
      %dma_start3A_67 = tpu.memref_slice %arg34[%dma_start3A_66] : memref<524288xf32, #tpu.memory_space<hbm>> -> memref<524288xf32, #tpu.memory_space<hbm>>
      tpu.enqueue_indirect_dma source(%dma_start3A_67 : memref<524288xf32, #tpu.memory_space<hbm>>) target(%arg96 : memref<1024xf32, #tpu.memory_space<vmem>>) offsets(%arg74 : memref<1024xi32, #tpu.memory_space<vmem>>) semaphore(%arg112 : memref<!tpu.dma_semaphore, #tpu.memory_space<semaphore_mem>>)
      %dma_start3A_68 = arith.constant 0 : i32
      %dma_start3A_69 = tpu.memref_slice %arg19[%dma_start3A_68] : memref<524288xf32, #tpu.memory_space<hbm>> -> memref<524288xf32, #tpu.memory_space<hbm>>
      tpu.enqueue_indirect_dma source(%dma_start3A_69 : memref<524288xf32, #tpu.memory_space<hbm>>) target(%arg88 : memref<1024xf32, #tpu.memory_space<vmem>>) offsets(%arg75 : memref<1024xi32, #tpu.memory_space<vmem>>) semaphore(%arg112 : memref<!tpu.dma_semaphore, #tpu.memory_space<semaphore_mem>>)
      %dma_start3A_70 = arith.constant 0 : i32
      %dma_start3A_71 = tpu.memref_slice %arg35[%dma_start3A_70] : memref<524288xf32, #tpu.memory_space<hbm>> -> memref<524288xf32, #tpu.memory_space<hbm>>
      tpu.enqueue_indirect_dma source(%dma_start3A_71 : memref<524288xf32, #tpu.memory_space<hbm>>) target(%arg97 : memref<1024xf32, #tpu.memory_space<vmem>>) offsets(%arg75 : memref<1024xi32, #tpu.memory_space<vmem>>) semaphore(%arg112 : memref<!tpu.dma_semaphore, #tpu.memory_space<semaphore_mem>>)
      %dma_wait3A_72 = arith.constant 0 : i32
      %dma_wait3A_73 = tpu.memref_slice %arg11[%dma_wait3A_72] : memref<23716xf32, #tpu.memory_space<hbm>> -> memref<23716xf32, #tpu.memory_space<hbm>>
      tpu.wait_indirect_dma semaphore(%arg112 : memref<!tpu.dma_semaphore, #tpu.memory_space<semaphore_mem>>) src(%dma_wait3A_73 : memref<23716xf32, #tpu.memory_space<hbm>>) dst(%arg80 : memref<1024xf32, #tpu.memory_space<vmem>>)
      %dma_wait3A_74 = arith.constant 0 : i32
      %dma_wait3A_75 = tpu.memref_slice %arg27[%dma_wait3A_74] : memref<23716xf32, #tpu.memory_space<hbm>> -> memref<23716xf32, #tpu.memory_space<hbm>>
      tpu.wait_indirect_dma semaphore(%arg112 : memref<!tpu.dma_semaphore, #tpu.memory_space<semaphore_mem>>) src(%dma_wait3A_75 : memref<23716xf32, #tpu.memory_space<hbm>>) dst(%arg89 : memref<1024xf32, #tpu.memory_space<vmem>>)
      %dma_wait3A_76 = arith.constant 0 : i32
      %dma_wait3A_77 = tpu.memref_slice %arg12[%dma_wait3A_76] : memref<45369xf32, #tpu.memory_space<hbm>> -> memref<45369xf32, #tpu.memory_space<hbm>>
      tpu.wait_indirect_dma semaphore(%arg112 : memref<!tpu.dma_semaphore, #tpu.memory_space<semaphore_mem>>) src(%dma_wait3A_77 : memref<45369xf32, #tpu.memory_space<hbm>>) dst(%arg81 : memref<1024xf32, #tpu.memory_space<vmem>>)
      %dma_wait3A_78 = arith.constant 0 : i32
      %dma_wait3A_79 = tpu.memref_slice %arg28[%dma_wait3A_78] : memref<45369xf32, #tpu.memory_space<hbm>> -> memref<45369xf32, #tpu.memory_space<hbm>>
      tpu.wait_indirect_dma semaphore(%arg112 : memref<!tpu.dma_semaphore, #tpu.memory_space<semaphore_mem>>) src(%dma_wait3A_79 : memref<45369xf32, #tpu.memory_space<hbm>>) dst(%arg90 : memref<1024xf32, #tpu.memory_space<vmem>>)
      %dma_wait3A_80 = arith.constant 0 : i32
      %dma_wait3A_81 = tpu.memref_slice %arg13[%dma_wait3A_80] : memref<87025xf32, #tpu.memory_space<hbm>> -> memref<87025xf32, #tpu.memory_space<hbm>>
      tpu.wait_indirect_dma semaphore(%arg112 : memref<!tpu.dma_semaphore, #tpu.memory_space<semaphore_mem>>) src(%dma_wait3A_81 : memref<87025xf32, #tpu.memory_space<hbm>>) dst(%arg82 : memref<1024xf32, #tpu.memory_space<vmem>>)
      %dma_wait3A_82 = arith.constant 0 : i32
      %dma_wait3A_83 = tpu.memref_slice %arg29[%dma_wait3A_82] : memref<87025xf32, #tpu.memory_space<hbm>> -> memref<87025xf32, #tpu.memory_space<hbm>>
      tpu.wait_indirect_dma semaphore(%arg112 : memref<!tpu.dma_semaphore, #tpu.memory_space<semaphore_mem>>) src(%dma_wait3A_83 : memref<87025xf32, #tpu.memory_space<hbm>>) dst(%arg91 : memref<1024xf32, #tpu.memory_space<vmem>>)
      %dma_wait3A_84 = arith.constant 0 : i32
      %dma_wait3A_85 = tpu.memref_slice %arg14[%dma_wait3A_84] : memref<165649xf32, #tpu.memory_space<hbm>> -> memref<165649xf32, #tpu.memory_space<hbm>>
      tpu.wait_indirect_dma semaphore(%arg112 : memref<!tpu.dma_semaphore, #tpu.memory_space<semaphore_mem>>) src(%dma_wait3A_85 : memref<165649xf32, #tpu.memory_space<hbm>>) dst(%arg83 : memref<1024xf32, #tpu.memory_space<vmem>>)
      %dma_wait3A_86 = arith.constant 0 : i32
      %dma_wait3A_87 = tpu.memref_slice %arg30[%dma_wait3A_86] : memref<165649xf32, #tpu.memory_space<hbm>> -> memref<165649xf32, #tpu.memory_space<hbm>>
      tpu.wait_indirect_dma semaphore(%arg112 : memref<!tpu.dma_semaphore, #tpu.memory_space<semaphore_mem>>) src(%dma_wait3A_87 : memref<165649xf32, #tpu.memory_space<hbm>>) dst(%arg92 : memref<1024xf32, #tpu.memory_space<vmem>>)
      %dma_wait3A_88 = arith.constant 0 : i32
      %dma_wait3A_89 = tpu.memref_slice %arg15[%dma_wait3A_88] : memref<315844xf32, #tpu.memory_space<hbm>> -> memref<315844xf32, #tpu.memory_space<hbm>>
      tpu.wait_indirect_dma semaphore(%arg112 : memref<!tpu.dma_semaphore, #tpu.memory_space<semaphore_mem>>) src(%dma_wait3A_89 : memref<315844xf32, #tpu.memory_space<hbm>>) dst(%arg84 : memref<1024xf32, #tpu.memory_space<vmem>>)
      %dma_wait3A_90 = arith.constant 0 : i32
      %dma_wait3A_91 = tpu.memref_slice %arg31[%dma_wait3A_90] : memref<315844xf32, #tpu.memory_space<hbm>> -> memref<315844xf32, #tpu.memory_space<hbm>>
      tpu.wait_indirect_dma semaphore(%arg112 : memref<!tpu.dma_semaphore, #tpu.memory_space<semaphore_mem>>) src(%dma_wait3A_91 : memref<315844xf32, #tpu.memory_space<hbm>>) dst(%arg93 : memref<1024xf32, #tpu.memory_space<vmem>>)
      %dma_wait3A_92 = arith.constant 0 : i32
      %dma_wait3A_93 = tpu.memref_slice %arg16[%dma_wait3A_92] : memref<524288xf32, #tpu.memory_space<hbm>> -> memref<524288xf32, #tpu.memory_space<hbm>>
      tpu.wait_indirect_dma semaphore(%arg112 : memref<!tpu.dma_semaphore, #tpu.memory_space<semaphore_mem>>) src(%dma_wait3A_93 : memref<524288xf32, #tpu.memory_space<hbm>>) dst(%arg85 : memref<1024xf32, #tpu.memory_space<vmem>>)
      %dma_wait3A_94 = arith.constant 0 : i32
      %dma_wait3A_95 = tpu.memref_slice %arg32[%dma_wait3A_94] : memref<524288xf32, #tpu.memory_space<hbm>> -> memref<524288xf32, #tpu.memory_space<hbm>>
      tpu.wait_indirect_dma semaphore(%arg112 : memref<!tpu.dma_semaphore, #tpu.memory_space<semaphore_mem>>) src(%dma_wait3A_95 : memref<524288xf32, #tpu.memory_space<hbm>>) dst(%arg94 : memref<1024xf32, #tpu.memory_space<vmem>>)
      %dma_wait3A_96 = arith.constant 0 : i32
      %dma_wait3A_97 = tpu.memref_slice %arg17[%dma_wait3A_96] : memref<524288xf32, #tpu.memory_space<hbm>> -> memref<524288xf32, #tpu.memory_space<hbm>>
      tpu.wait_indirect_dma semaphore(%arg112 : memref<!tpu.dma_semaphore, #tpu.memory_space<semaphore_mem>>) src(%dma_wait3A_97 : memref<524288xf32, #tpu.memory_space<hbm>>) dst(%arg86 : memref<1024xf32, #tpu.memory_space<vmem>>)
      %dma_wait3A_98 = arith.constant 0 : i32
      %dma_wait3A_99 = tpu.memref_slice %arg33[%dma_wait3A_98] : memref<524288xf32, #tpu.memory_space<hbm>> -> memref<524288xf32, #tpu.memory_space<hbm>>
      tpu.wait_indirect_dma semaphore(%arg112 : memref<!tpu.dma_semaphore, #tpu.memory_space<semaphore_mem>>) src(%dma_wait3A_99 : memref<524288xf32, #tpu.memory_space<hbm>>) dst(%arg95 : memref<1024xf32, #tpu.memory_space<vmem>>)
      %dma_wait3A_100 = arith.constant 0 : i32
      %dma_wait3A_101 = tpu.memref_slice %arg18[%dma_wait3A_100] : memref<524288xf32, #tpu.memory_space<hbm>> -> memref<524288xf32, #tpu.memory_space<hbm>>
      tpu.wait_indirect_dma semaphore(%arg112 : memref<!tpu.dma_semaphore, #tpu.memory_space<semaphore_mem>>) src(%dma_wait3A_101 : memref<524288xf32, #tpu.memory_space<hbm>>) dst(%arg87 : memref<1024xf32, #tpu.memory_space<vmem>>)
      %dma_wait3A_102 = arith.constant 0 : i32
      %dma_wait3A_103 = tpu.memref_slice %arg34[%dma_wait3A_102] : memref<524288xf32, #tpu.memory_space<hbm>> -> memref<524288xf32, #tpu.memory_space<hbm>>
      tpu.wait_indirect_dma semaphore(%arg112 : memref<!tpu.dma_semaphore, #tpu.memory_space<semaphore_mem>>) src(%dma_wait3A_103 : memref<524288xf32, #tpu.memory_space<hbm>>) dst(%arg96 : memref<1024xf32, #tpu.memory_space<vmem>>)
      %dma_wait3A_104 = arith.constant 0 : i32
      %dma_wait3A_105 = tpu.memref_slice %arg19[%dma_wait3A_104] : memref<524288xf32, #tpu.memory_space<hbm>> -> memref<524288xf32, #tpu.memory_space<hbm>>
      tpu.wait_indirect_dma semaphore(%arg112 : memref<!tpu.dma_semaphore, #tpu.memory_space<semaphore_mem>>) src(%dma_wait3A_105 : memref<524288xf32, #tpu.memory_space<hbm>>) dst(%arg88 : memref<1024xf32, #tpu.memory_space<vmem>>)
      %dma_wait3A_106 = arith.constant 0 : i32
      %dma_wait3A_107 = tpu.memref_slice %arg35[%dma_wait3A_106] : memref<524288xf32, #tpu.memory_space<hbm>> -> memref<524288xf32, #tpu.memory_space<hbm>>
      tpu.wait_indirect_dma semaphore(%arg112 : memref<!tpu.dma_semaphore, #tpu.memory_space<semaphore_mem>>) src(%dma_wait3A_107 : memref<524288xf32, #tpu.memory_space<hbm>>) dst(%arg97 : memref<1024xf32, #tpu.memory_space<vmem>>)
      %scan3A_108 = arith.constant 0 : i32
      %scan3A_109 = arith.constant 0 : i32
      %scan3A_110 = arith.constant 16 : i32
      %scan3A_111 = arith.addi %scan3A_109, %scan3A_110 : i32
      %scan3A_112 = arith.constant 1 : i32
      scf.for %scan3A_282 = %scan3A_109 to %scan3A_111 step %scan3A_112  : i32 {
        %mul3A_283 = arith.constant 16 : i32
        %mul3A_284 = arith.muli %scan3A_282, %mul3A_283 : i32
        %multiple_of3A = tpu.assume_multiple %mul3A_284, 16 : i32
        %get3A = arith.index_cast %multiple_of3A : i32 to index
        %get3A_285 = tpu.vector_load %arg57[%get3A] {strides = array<i32>} : memref<256xf32, #tpu.memory_space<vmem>>, vector<16xf32>,
        %get3A_286 = arith.index_cast %multiple_of3A : i32 to index
        %get3A_287 = tpu.vector_load %arg58[%get3A_286] {strides = array<i32>} : memref<256xf32, #tpu.memory_space<vmem>>, vector<16xf32>,
        %jit3A = arith.constant 8 : i32
        %div3A = arith.divsi %scan3A_282, %jit3A : i32
        %sign3A = arith.constant 0 : i32
        %sign3A_288 = arith.cmpi sgt, %scan3A_282, %sign3A : i32
        %sign3A_289 = arith.extui %sign3A_288 : i1 to i32
        %sign3A_290 = arith.constant 0 : i32
        %sign3A_291 = arith.cmpi slt, %scan3A_282, %sign3A_290 : i32
        %sign3A_292 = arith.extui %sign3A_291 : i1 to i32
        %sign3A_293 = arith.subi %sign3A_289, %sign3A_292 : i32
        %sign3A_294 = arith.constant 0 : i32
        %sign3A_295 = arith.cmpi sgt, %jit3A, %sign3A_294 : i32
        %sign3A_296 = arith.extui %sign3A_295 : i1 to i32
        %sign3A_297 = arith.constant 0 : i32
        %sign3A_298 = arith.cmpi slt, %jit3A, %sign3A_297 : i32
        %sign3A_299 = arith.extui %sign3A_298 : i1 to i32
        %sign3A_300 = arith.subi %sign3A_296, %sign3A_299 : i32
        %ne3A = arith.cmpi ne, %sign3A_293, %sign3A_300 : i32
        %rem3A = arith.remsi %scan3A_282, %jit3A : i32
        %ne3A_301 = arith.constant 0 : i32
        %ne3A_302 = arith.cmpi ne, %rem3A, %ne3A_301 : i32
        %and3A = arith.andi %ne3A, %ne3A_302 : i1
        %sub3A = arith.constant 1 : i32
        %sub3A_303 = arith.subi %div3A, %sub3A : i32
        %select_n3A = arith.select %and3A, %sub3A_303, %div3A : i32
        %mul3A_304 = arith.constant 512 : i32
        %mul3A_305 = arith.muli %select_n3A, %mul3A_304 : i32
        %jit3A_306 = arith.constant 8 : i32
        %eq3A = arith.constant 0 : i32
        %eq3A_307 = arith.cmpi eq, %jit3A_306, %eq3A : i32
        %jit3A_308 = arith.constant 1 : i32
        %select_n3A_309 = arith.select %eq3A_307, %jit3A_308, %jit3A_306 : i32
        %rem3A_310 = arith.remsi %scan3A_282, %select_n3A_309 : i32
        %ne3A_311 = arith.constant 0 : i32
        %ne3A_312 = arith.cmpi ne, %rem3A_310, %ne3A_311 : i32
        %lt3A = arith.constant 0 : i32
        %lt3A_313 = arith.cmpi slt, %rem3A_310, %lt3A : i32
        %lt3A_314 = arith.constant 0 : i32
        %lt3A_315 = arith.cmpi slt, %select_n3A_309, %lt3A_314 : i32
        %ne3A_316 = arith.xori %lt3A_313, %lt3A_315 : i1
        %and3A_317 = arith.andi %ne3A_316, %ne3A_312 : i1
        %add3A_318 = arith.addi %rem3A_310, %select_n3A_309 : i32
        %select_n3A_319 = arith.select %and3A_317, %add3A_318, %rem3A_310 : i32
        %mul3A_320 = arith.constant 16 : i32
        %mul3A_321 = arith.muli %select_n3A_319, %mul3A_320 : i32
        %add3A_322 = arith.addi %mul3A_305, %mul3A_321 : i32
        %multiple_of3A_323 = tpu.assume_multiple %add3A_322, 16 : i32
        %jit3A_324 = arith.constant 8 : i32
        %div3A_325 = arith.divsi %scan3A_282, %jit3A_324 : i32
        %sign3A_326 = arith.constant 0 : i32
        %sign3A_327 = arith.cmpi sgt, %scan3A_282, %sign3A_326 : i32
        %sign3A_328 = arith.extui %sign3A_327 : i1 to i32
        %sign3A_329 = arith.constant 0 : i32
        %sign3A_330 = arith.cmpi slt, %scan3A_282, %sign3A_329 : i32
        %sign3A_331 = arith.extui %sign3A_330 : i1 to i32
        %sign3A_332 = arith.subi %sign3A_328, %sign3A_331 : i32
        %sign3A_333 = arith.constant 0 : i32
        %sign3A_334 = arith.cmpi sgt, %jit3A_324, %sign3A_333 : i32
        %sign3A_335 = arith.extui %sign3A_334 : i1 to i32
        %sign3A_336 = arith.constant 0 : i32
        %sign3A_337 = arith.cmpi slt, %jit3A_324, %sign3A_336 : i32
        %sign3A_338 = arith.extui %sign3A_337 : i1 to i32
        %sign3A_339 = arith.subi %sign3A_335, %sign3A_338 : i32
        %ne3A_340 = arith.cmpi ne, %sign3A_332, %sign3A_339 : i32
        %rem3A_341 = arith.remsi %scan3A_282, %jit3A_324 : i32
        %ne3A_342 = arith.constant 0 : i32
        %ne3A_343 = arith.cmpi ne, %rem3A_341, %ne3A_342 : i32
        %and3A_344 = arith.andi %ne3A_340, %ne3A_343 : i1
        %sub3A_345 = arith.constant 1 : i32
        %sub3A_346 = arith.subi %div3A_325, %sub3A_345 : i32
        %select_n3A_347 = arith.select %and3A_344, %sub3A_346, %div3A_325 : i32
        %mul3A_348 = arith.constant 1024 : i32
        %mul3A_349 = arith.muli %select_n3A_347, %mul3A_348 : i32
        %jit3A_350 = arith.constant 8 : i32
        %eq3A_351 = arith.constant 0 : i32
        %eq3A_352 = arith.cmpi eq, %jit3A_350, %eq3A_351 : i32
        %jit3A_353 = arith.constant 1 : i32
        %select_n3A_354 = arith.select %eq3A_352, %jit3A_353, %jit3A_350 : i32
        %rem3A_355 = arith.remsi %scan3A_282, %select_n3A_354 : i32
        %ne3A_356 = arith.constant 0 : i32
        %ne3A_357 = arith.cmpi ne, %rem3A_355, %ne3A_356 : i32
        %lt3A_358 = arith.constant 0 : i32
        %lt3A_359 = arith.cmpi slt, %rem3A_355, %lt3A_358 : i32
        %lt3A_360 = arith.constant 0 : i32
        %lt3A_361 = arith.cmpi slt, %select_n3A_354, %lt3A_360 : i32
        %ne3A_362 = arith.xori %lt3A_359, %lt3A_361 : i1
        %and3A_363 = arith.andi %ne3A_362, %ne3A_357 : i1
        %add3A_364 = arith.addi %rem3A_355, %select_n3A_354 : i32
        %select_n3A_365 = arith.select %and3A_363, %add3A_364, %rem3A_355 : i32
        %mul3A_366 = arith.constant 16 : i32
        %mul3A_367 = arith.muli %select_n3A_365, %mul3A_366 : i32
        %add3A_368 = arith.addi %mul3A_349, %mul3A_367 : i32
        %multiple_of3A_369 = tpu.assume_multiple %add3A_368, 16 : i32
        %div3A_370 = arith.constant 1.280000e+02 : f32
        %div3A_371 = vector.broadcast %div3A_370 : f32 to vector<16xf32>
        %div3A_372 = arith.divf %get3A_285, %div3A_371 : vector<16xf32>
        %convert_element_type3A = arith.fptosi %div3A_372 : vector<16xf32> to vector<16xi32>
        %convert_element_type3A_373 = arith.sitofp %convert_element_type3A : vector<16xi32> to vector<16xf32>
        %div3A_374 = arith.constant 1.280000e+02 : f32
        %div3A_375 = vector.broadcast %div3A_374 : f32 to vector<16xf32>
        %div3A_376 = arith.divf %get3A_287, %div3A_375 : vector<16xf32>
        %convert_element_type3A_377 = arith.fptosi %div3A_376 : vector<16xf32> to vector<16xi32>
        %convert_element_type3A_378 = arith.sitofp %convert_element_type3A_377 : vector<16xi32> to vector<16xf32>
        %mul3A_379 = arith.constant 1.280000e+02 : f32
        %mul3A_380 = vector.broadcast %mul3A_379 : f32 to vector<16xf32>
        %mul3A_381 = arith.mulf %convert_element_type3A_373, %mul3A_380 : vector<16xf32>
        %mul3A_382 = arith.constant 1.280000e+02 : f32
        %mul3A_383 = vector.broadcast %mul3A_382 : f32 to vector<16xf32>
        %mul3A_384 = arith.mulf %convert_element_type3A_378, %mul3A_383 : vector<16xf32>
        %add3A_385 = arith.constant 1.280000e+02 : f32
        %add3A_386 = vector.broadcast %add3A_385 : f32 to vector<16xf32>
        %add3A_387 = arith.addf %mul3A_381, %add3A_386 : vector<16xf32>
        %sub3A_388 = arith.subf %add3A_387, %mul3A_381 : vector<16xf32>
        %add3A_389 = arith.constant 1.280000e+02 : f32
        %add3A_390 = vector.broadcast %add3A_389 : f32 to vector<16xf32>
        %add3A_391 = arith.addf %mul3A_384, %add3A_390 : vector<16xf32>
        %sub3A_392 = arith.subf %add3A_391, %mul3A_384 : vector<16xf32>
        %sub3A_393 = arith.subf %get3A_285, %mul3A_381 : vector<16xf32>
        %div3A_394 = arith.divf %sub3A_393, %sub3A_388 : vector<16xf32>
        %sub3A_395 = arith.subf %get3A_287, %mul3A_384 : vector<16xf32>
        %div3A_396 = arith.divf %sub3A_395, %sub3A_392 : vector<16xf32>
        %div3A_397 = arith.constant 1.280000e+02 : f32
        %div3A_398 = vector.broadcast %div3A_397 : f32 to vector<16xf32>
        %div3A_399 = arith.divf %get3A_285, %div3A_398 : vector<16xf32>
        %convert_element_type3A_400 = arith.fptosi %div3A_399 : vector<16xf32> to vector<16xi32>
        %mul3A_401 = arith.constant 16 : i32
        %mul3A_402 = vector.broadcast %mul3A_401 : i32 to vector<16xi32>
        %mul3A_403 = arith.muli %convert_element_type3A_400, %mul3A_402 : vector<16xi32>
        %div3A_404 = arith.constant 1.280000e+02 : f32
        %div3A_405 = vector.broadcast %div3A_404 : f32 to vector<16xf32>
        %div3A_406 = arith.divf %get3A_287, %div3A_405 : vector<16xf32>
        %convert_element_type3A_407 = arith.fptosi %div3A_406 : vector<16xf32> to vector<16xi32>
        %add3A_408 = arith.addi %mul3A_403, %convert_element_type3A_407 : vector<16xi32>
        %add3A_409 = arith.constant 1 : i32
        %add3A_410 = vector.broadcast %add3A_409 : i32 to vector<16xi32>
        %add3A_411 = arith.addi %add3A_408, %add3A_410 : vector<16xi32>
        %add3A_412 = arith.constant 16 : i32
        %add3A_413 = vector.broadcast %add3A_412 : i32 to vector<16xi32>
        %add3A_414 = arith.addi %add3A_408, %add3A_413 : vector<16xi32>
        %add3A_415 = arith.constant 16 : i32
        %add3A_416 = vector.broadcast %add3A_415 : i32 to vector<16xi32>
        %add3A_417 = arith.addi %add3A_408, %add3A_416 : vector<16xi32>
        %add3A_418 = arith.constant 1 : i32
        %add3A_419 = vector.broadcast %add3A_418 : i32 to vector<16xi32>
        %add3A_420 = arith.addi %add3A_417, %add3A_419 : vector<16xi32>
        %gather3A = tpu.vector_load_idx %arg98[%add3A_408] : memref<289xf32, #tpu.memory_space<vmem>>[vector<16xi32>], vector<16xf32>,
        %gather3A_421 = tpu.vector_load_idx %arg105[%add3A_408] : memref<289xf32, #tpu.memory_space<vmem>>[vector<16xi32>], vector<16xf32>,
        %gather3A_422 = tpu.vector_load_idx %arg98[%add3A_411] : memref<289xf32, #tpu.memory_space<vmem>>[vector<16xi32>], vector<16xf32>,
        %gather3A_423 = tpu.vector_load_idx %arg105[%add3A_411] : memref<289xf32, #tpu.memory_space<vmem>>[vector<16xi32>], vector<16xf32>,
        %gather3A_424 = tpu.vector_load_idx %arg98[%add3A_414] : memref<289xf32, #tpu.memory_space<vmem>>[vector<16xi32>], vector<16xf32>,
        %gather3A_425 = tpu.vector_load_idx %arg105[%add3A_414] : memref<289xf32, #tpu.memory_space<vmem>>[vector<16xi32>], vector<16xf32>,
        %gather3A_426 = tpu.vector_load_idx %arg98[%add3A_420] : memref<289xf32, #tpu.memory_space<vmem>>[vector<16xi32>], vector<16xf32>,
        %gather3A_427 = tpu.vector_load_idx %arg105[%add3A_420] : memref<289xf32, #tpu.memory_space<vmem>>[vector<16xi32>], vector<16xf32>,
        %sub3A_428 = arith.constant 1.000000e+00 : f32
        %sub3A_429 = vector.broadcast %sub3A_428 : f32 to vector<16xf32>
        %sub3A_430 = arith.subf %sub3A_429, %div3A_396 : vector<16xf32>
        %sub3A_431 = arith.constant 1.000000e+00 : f32
        %sub3A_432 = vector.broadcast %sub3A_431 : f32 to vector<16xf32>
        %sub3A_433 = arith.subf %sub3A_432, %div3A_394 : vector<16xf32>
        %mul3A_434 = arith.mulf %gather3A, %sub3A_430 : vector<16xf32>
        %mul3A_435 = arith.mulf %gather3A_422, %div3A_396 : vector<16xf32>
        %add3A_436 = arith.addf %mul3A_434, %mul3A_435 : vector<16xf32>
        %mul3A_437 = arith.mulf %add3A_436, %sub3A_433 : vector<16xf32>
        %mul3A_438 = arith.mulf %gather3A_424, %sub3A_430 : vector<16xf32>
        %mul3A_439 = arith.mulf %gather3A_426, %div3A_396 : vector<16xf32>
        %add3A_440 = arith.addf %mul3A_438, %mul3A_439 : vector<16xf32>
        %mul3A_441 = arith.mulf %add3A_440, %div3A_394 : vector<16xf32>
        %add3A_442 = arith.addf %mul3A_437, %mul3A_441 : vector<16xf32>
        %mul3A_443 = arith.mulf %gather3A_421, %sub3A_430 : vector<16xf32>
        %mul3A_444 = arith.mulf %gather3A_423, %div3A_396 : vector<16xf32>
        %add3A_445 = arith.addf %mul3A_443, %mul3A_444 : vector<16xf32>
        %mul3A_446 = arith.mulf %add3A_445, %sub3A_433 : vector<16xf32>
        %mul3A_447 = arith.mulf %gather3A_425, %sub3A_430 : vector<16xf32>
        %mul3A_448 = arith.mulf %gather3A_427, %div3A_396 : vector<16xf32>
        %add3A_449 = arith.addf %mul3A_447, %mul3A_448 : vector<16xf32>
        %mul3A_450 = arith.mulf %add3A_449, %div3A_394 : vector<16xf32>
        %add3A_451 = arith.addf %mul3A_446, %mul3A_450 : vector<16xf32>
        %add3A_452 = arith.constant 0 : i32
        %add3A_453 = arith.addi %multiple_of3A_369, %add3A_452 : i32
        %add3A_454 = arith.constant 0 : i32
        %add3A_455 = arith.addi %add3A_453, %add3A_454 : i32
        %swap3A = arith.index_cast %add3A_455 : i32 to index
        %swap3A_456 = tpu.vector_load %arg59[%swap3A] {strides = array<i32>} : memref<8192xf32, #tpu.memory_space<vmem>>, vector<16xf32>,
        tpu.vector_store %arg59[%swap3A], %add3A_442 {strides = array<i32>} : memref<8192xf32, #tpu.memory_space<vmem>>, vector<16xf32>,
        %add3A_457 = arith.constant 0 : i32
        %add3A_458 = arith.addi %multiple_of3A_369, %add3A_457 : i32
        %add3A_459 = arith.constant 128 : i32
        %add3A_460 = arith.addi %add3A_458, %add3A_459 : i32
        %swap3A_461 = arith.index_cast %add3A_460 : i32 to index
        %swap3A_462 = tpu.vector_load %arg59[%swap3A_461] {strides = array<i32>} : memref<8192xf32, #tpu.memory_space<vmem>>, vector<16xf32>,
        tpu.vector_store %arg59[%swap3A_461], %add3A_451 {strides = array<i32>} : memref<8192xf32, #tpu.memory_space<vmem>>, vector<16xf32>,
        %div3A_463 = arith.constant 93.0909118 : f32
        %div3A_464 = vector.broadcast %div3A_463 : f32 to vector<16xf32>
        %div3A_465 = arith.divf %get3A_285, %div3A_464 : vector<16xf32>
        %convert_element_type3A_466 = arith.fptosi %div3A_465 : vector<16xf32> to vector<16xi32>
        %convert_element_type3A_467 = arith.sitofp %convert_element_type3A_466 : vector<16xi32> to vector<16xf32>
        %div3A_468 = arith.constant 93.0909118 : f32
        %div3A_469 = vector.broadcast %div3A_468 : f32 to vector<16xf32>
        %div3A_470 = arith.divf %get3A_287, %div3A_469 : vector<16xf32>
        %convert_element_type3A_471 = arith.fptosi %div3A_470 : vector<16xf32> to vector<16xi32>
        %convert_element_type3A_472 = arith.sitofp %convert_element_type3A_471 : vector<16xi32> to vector<16xf32>
        %mul3A_473 = arith.constant 93.0909118 : f32
        %mul3A_474 = vector.broadcast %mul3A_473 : f32 to vector<16xf32>
        %mul3A_475 = arith.mulf %convert_element_type3A_467, %mul3A_474 : vector<16xf32>
        %mul3A_476 = arith.constant 93.0909118 : f32
        %mul3A_477 = vector.broadcast %mul3A_476 : f32 to vector<16xf32>
        %mul3A_478 = arith.mulf %convert_element_type3A_472, %mul3A_477 : vector<16xf32>
        %add3A_479 = arith.constant 93.0909118 : f32
        %add3A_480 = vector.broadcast %add3A_479 : f32 to vector<16xf32>
        %add3A_481 = arith.addf %mul3A_475, %add3A_480 : vector<16xf32>
        %sub3A_482 = arith.subf %add3A_481, %mul3A_475 : vector<16xf32>
        %add3A_483 = arith.constant 93.0909118 : f32
        %add3A_484 = vector.broadcast %add3A_483 : f32 to vector<16xf32>
        %add3A_485 = arith.addf %mul3A_478, %add3A_484 : vector<16xf32>
        %sub3A_486 = arith.subf %add3A_485, %mul3A_478 : vector<16xf32>
        %sub3A_487 = arith.subf %get3A_285, %mul3A_475 : vector<16xf32>
        %div3A_488 = arith.divf %sub3A_487, %sub3A_482 : vector<16xf32>
        %sub3A_489 = arith.subf %get3A_287, %mul3A_478 : vector<16xf32>
        %div3A_490 = arith.divf %sub3A_489, %sub3A_486 : vector<16xf32>
        %div3A_491 = arith.constant 93.0909118 : f32
        %div3A_492 = vector.broadcast %div3A_491 : f32 to vector<16xf32>
        %div3A_493 = arith.divf %get3A_285, %div3A_492 : vector<16xf32>
        %convert_element_type3A_494 = arith.fptosi %div3A_493 : vector<16xf32> to vector<16xi32>
        %mul3A_495 = arith.constant 22 : i32
        %mul3A_496 = vector.broadcast %mul3A_495 : i32 to vector<16xi32>
        %mul3A_497 = arith.muli %convert_element_type3A_494, %mul3A_496 : vector<16xi32>
        %div3A_498 = arith.constant 93.0909118 : f32
        %div3A_499 = vector.broadcast %div3A_498 : f32 to vector<16xf32>
        %div3A_500 = arith.divf %get3A_287, %div3A_499 : vector<16xf32>
        %convert_element_type3A_501 = arith.fptosi %div3A_500 : vector<16xf32> to vector<16xi32>
        %add3A_502 = arith.addi %mul3A_497, %convert_element_type3A_501 : vector<16xi32>
        %add3A_503 = arith.constant 1 : i32
        %add3A_504 = vector.broadcast %add3A_503 : i32 to vector<16xi32>
        %add3A_505 = arith.addi %add3A_502, %add3A_504 : vector<16xi32>
        %add3A_506 = arith.constant 22 : i32
        %add3A_507 = vector.broadcast %add3A_506 : i32 to vector<16xi32>
        %add3A_508 = arith.addi %add3A_502, %add3A_507 : vector<16xi32>
        %add3A_509 = arith.constant 22 : i32
        %add3A_510 = vector.broadcast %add3A_509 : i32 to vector<16xi32>
        %add3A_511 = arith.addi %add3A_502, %add3A_510 : vector<16xi32>
        %add3A_512 = arith.constant 1 : i32
        %add3A_513 = vector.broadcast %add3A_512 : i32 to vector<16xi32>
        %add3A_514 = arith.addi %add3A_511, %add3A_513 : vector<16xi32>
        %gather3A_515 = tpu.vector_load_idx %arg99[%add3A_502] : memref<529xf32, #tpu.memory_space<vmem>>[vector<16xi32>], vector<16xf32>,
        %gather3A_516 = tpu.vector_load_idx %arg106[%add3A_502] : memref<529xf32, #tpu.memory_space<vmem>>[vector<16xi32>], vector<16xf32>,
        %gather3A_517 = tpu.vector_load_idx %arg99[%add3A_505] : memref<529xf32, #tpu.memory_space<vmem>>[vector<16xi32>], vector<16xf32>,
        %gather3A_518 = tpu.vector_load_idx %arg106[%add3A_505] : memref<529xf32, #tpu.memory_space<vmem>>[vector<16xi32>], vector<16xf32>,
        %gather3A_519 = tpu.vector_load_idx %arg99[%add3A_508] : memref<529xf32, #tpu.memory_space<vmem>>[vector<16xi32>], vector<16xf32>,
        %gather3A_520 = tpu.vector_load_idx %arg106[%add3A_508] : memref<529xf32, #tpu.memory_space<vmem>>[vector<16xi32>], vector<16xf32>,
        %gather3A_521 = tpu.vector_load_idx %arg99[%add3A_514] : memref<529xf32, #tpu.memory_space<vmem>>[vector<16xi32>], vector<16xf32>,
        %gather3A_522 = tpu.vector_load_idx %arg106[%add3A_514] : memref<529xf32, #tpu.memory_space<vmem>>[vector<16xi32>], vector<16xf32>,
        %sub3A_523 = arith.constant 1.000000e+00 : f32
        %sub3A_524 = vector.broadcast %sub3A_523 : f32 to vector<16xf32>
        %sub3A_525 = arith.subf %sub3A_524, %div3A_490 : vector<16xf32>
        %sub3A_526 = arith.constant 1.000000e+00 : f32
        %sub3A_527 = vector.broadcast %sub3A_526 : f32 to vector<16xf32>
        %sub3A_528 = arith.subf %sub3A_527, %div3A_488 : vector<16xf32>
        %mul3A_529 = arith.mulf %gather3A_515, %sub3A_525 : vector<16xf32>
        %mul3A_530 = arith.mulf %gather3A_517, %div3A_490 : vector<16xf32>
        %add3A_531 = arith.addf %mul3A_529, %mul3A_530 : vector<16xf32>
        %mul3A_532 = arith.mulf %add3A_531, %sub3A_528 : vector<16xf32>
        %mul3A_533 = arith.mulf %gather3A_519, %sub3A_525 : vector<16xf32>
        %mul3A_534 = arith.mulf %gather3A_521, %div3A_490 : vector<16xf32>
        %add3A_535 = arith.addf %mul3A_533, %mul3A_534 : vector<16xf32>
        %mul3A_536 = arith.mulf %add3A_535, %div3A_488 : vector<16xf32>
        %add3A_537 = arith.addf %mul3A_532, %mul3A_536 : vector<16xf32>
        %mul3A_538 = arith.mulf %gather3A_516, %sub3A_525 : vector<16xf32>
        %mul3A_539 = arith.mulf %gather3A_518, %div3A_490 : vector<16xf32>
        %add3A_540 = arith.addf %mul3A_538, %mul3A_539 : vector<16xf32>
        %mul3A_541 = arith.mulf %add3A_540, %sub3A_528 : vector<16xf32>
        %mul3A_542 = arith.mulf %gather3A_520, %sub3A_525 : vector<16xf32>
        %mul3A_543 = arith.mulf %gather3A_522, %div3A_490 : vector<16xf32>
        %add3A_544 = arith.addf %mul3A_542, %mul3A_543 : vector<16xf32>
        %mul3A_545 = arith.mulf %add3A_544, %div3A_488 : vector<16xf32>
        %add3A_546 = arith.addf %mul3A_541, %mul3A_545 : vector<16xf32>
        %add3A_547 = arith.constant 0 : i32
        %add3A_548 = arith.addi %multiple_of3A_369, %add3A_547 : i32
        %add3A_549 = arith.constant 256 : i32
        %add3A_550 = arith.addi %add3A_548, %add3A_549 : i32
        %swap3A_551 = arith.index_cast %add3A_550 : i32 to index
        %swap3A_552 = tpu.vector_load %arg59[%swap3A_551] {strides = array<i32>} : memref<8192xf32, #tpu.memory_space<vmem>>, vector<16xf32>,
        tpu.vector_store %arg59[%swap3A_551], %add3A_537 {strides = array<i32>} : memref<8192xf32, #tpu.memory_space<vmem>>, vector<16xf32>,
        %add3A_553 = arith.constant 0 : i32
        %add3A_554 = arith.addi %multiple_of3A_369, %add3A_553 : i32
        %add3A_555 = arith.constant 384 : i32
        %add3A_556 = arith.addi %add3A_554, %add3A_555 : i32
        %swap3A_557 = arith.index_cast %add3A_556 : i32 to index
        %swap3A_558 = tpu.vector_load %arg59[%swap3A_557] {strides = array<i32>} : memref<8192xf32, #tpu.memory_space<vmem>>, vector<16xf32>,
        tpu.vector_store %arg59[%swap3A_557], %add3A_546 {strides = array<i32>} : memref<8192xf32, #tpu.memory_space<vmem>>, vector<16xf32>,
        %div3A_559 = arith.constant 68.2666702 : f32
        %div3A_560 = vector.broadcast %div3A_559 : f32 to vector<16xf32>
        %div3A_561 = arith.divf %get3A_285, %div3A_560 : vector<16xf32>
        %convert_element_type3A_562 = arith.fptosi %div3A_561 : vector<16xf32> to vector<16xi32>
        %convert_element_type3A_563 = arith.sitofp %convert_element_type3A_562 : vector<16xi32> to vector<16xf32>
        %div3A_564 = arith.constant 68.2666702 : f32
        %div3A_565 = vector.broadcast %div3A_564 : f32 to vector<16xf32>
        %div3A_566 = arith.divf %get3A_287, %div3A_565 : vector<16xf32>
        %convert_element_type3A_567 = arith.fptosi %div3A_566 : vector<16xf32> to vector<16xi32>
        %convert_element_type3A_568 = arith.sitofp %convert_element_type3A_567 : vector<16xi32> to vector<16xf32>
        %mul3A_569 = arith.constant 68.2666702 : f32
        %mul3A_570 = vector.broadcast %mul3A_569 : f32 to vector<16xf32>
        %mul3A_571 = arith.mulf %convert_element_type3A_563, %mul3A_570 : vector<16xf32>
        %mul3A_572 = arith.constant 68.2666702 : f32
        %mul3A_573 = vector.broadcast %mul3A_572 : f32 to vector<16xf32>
        %mul3A_574 = arith.mulf %convert_element_type3A_568, %mul3A_573 : vector<16xf32>
        %add3A_575 = arith.constant 68.2666702 : f32
        %add3A_576 = vector.broadcast %add3A_575 : f32 to vector<16xf32>
        %add3A_577 = arith.addf %mul3A_571, %add3A_576 : vector<16xf32>
        %sub3A_578 = arith.subf %add3A_577, %mul3A_571 : vector<16xf32>
        %add3A_579 = arith.constant 68.2666702 : f32
        %add3A_580 = vector.broadcast %add3A_579 : f32 to vector<16xf32>
        %add3A_581 = arith.addf %mul3A_574, %add3A_580 : vector<16xf32>
        %sub3A_582 = arith.subf %add3A_581, %mul3A_574 : vector<16xf32>
        %sub3A_583 = arith.subf %get3A_285, %mul3A_571 : vector<16xf32>
        %div3A_584 = arith.divf %sub3A_583, %sub3A_578 : vector<16xf32>
        %sub3A_585 = arith.subf %get3A_287, %mul3A_574 : vector<16xf32>
        %div3A_586 = arith.divf %sub3A_585, %sub3A_582 : vector<16xf32>
        %div3A_587 = arith.constant 68.2666702 : f32
        %div3A_588 = vector.broadcast %div3A_587 : f32 to vector<16xf32>
        %div3A_589 = arith.divf %get3A_285, %div3A_588 : vector<16xf32>
        %convert_element_type3A_590 = arith.fptosi %div3A_589 : vector<16xf32> to vector<16xi32>
        %mul3A_591 = arith.constant 30 : i32
        %mul3A_592 = vector.broadcast %mul3A_591 : i32 to vector<16xi32>
        %mul3A_593 = arith.muli %convert_element_type3A_590, %mul3A_592 : vector<16xi32>
        %div3A_594 = arith.constant 68.2666702 : f32
        %div3A_595 = vector.broadcast %div3A_594 : f32 to vector<16xf32>
        %div3A_596 = arith.divf %get3A_287, %div3A_595 : vector<16xf32>
        %convert_element_type3A_597 = arith.fptosi %div3A_596 : vector<16xf32> to vector<16xi32>
        %add3A_598 = arith.addi %mul3A_593, %convert_element_type3A_597 : vector<16xi32>
        %add3A_599 = arith.constant 1 : i32
        %add3A_600 = vector.broadcast %add3A_599 : i32 to vector<16xi32>
        %add3A_601 = arith.addi %add3A_598, %add3A_600 : vector<16xi32>
        %add3A_602 = arith.constant 30 : i32
        %add3A_603 = vector.broadcast %add3A_602 : i32 to vector<16xi32>
        %add3A_604 = arith.addi %add3A_598, %add3A_603 : vector<16xi32>
        %add3A_605 = arith.constant 30 : i32
        %add3A_606 = vector.broadcast %add3A_605 : i32 to vector<16xi32>
        %add3A_607 = arith.addi %add3A_598, %add3A_606 : vector<16xi32>
        %add3A_608 = arith.constant 1 : i32
        %add3A_609 = vector.broadcast %add3A_608 : i32 to vector<16xi32>
        %add3A_610 = arith.addi %add3A_607, %add3A_609 : vector<16xi32>
        %gather3A_611 = tpu.vector_load_idx %arg100[%add3A_598] : memref<961xf32, #tpu.memory_space<vmem>>[vector<16xi32>], vector<16xf32>,
        %gather3A_612 = tpu.vector_load_idx %arg107[%add3A_598] : memref<961xf32, #tpu.memory_space<vmem>>[vector<16xi32>], vector<16xf32>,
        %gather3A_613 = tpu.vector_load_idx %arg100[%add3A_601] : memref<961xf32, #tpu.memory_space<vmem>>[vector<16xi32>], vector<16xf32>,
        %gather3A_614 = tpu.vector_load_idx %arg107[%add3A_601] : memref<961xf32, #tpu.memory_space<vmem>>[vector<16xi32>], vector<16xf32>,
        %gather3A_615 = tpu.vector_load_idx %arg100[%add3A_604] : memref<961xf32, #tpu.memory_space<vmem>>[vector<16xi32>], vector<16xf32>,
        %gather3A_616 = tpu.vector_load_idx %arg107[%add3A_604] : memref<961xf32, #tpu.memory_space<vmem>>[vector<16xi32>], vector<16xf32>,
        %gather3A_617 = tpu.vector_load_idx %arg100[%add3A_610] : memref<961xf32, #tpu.memory_space<vmem>>[vector<16xi32>], vector<16xf32>,
        %gather3A_618 = tpu.vector_load_idx %arg107[%add3A_610] : memref<961xf32, #tpu.memory_space<vmem>>[vector<16xi32>], vector<16xf32>,
        %sub3A_619 = arith.constant 1.000000e+00 : f32
        %sub3A_620 = vector.broadcast %sub3A_619 : f32 to vector<16xf32>
        %sub3A_621 = arith.subf %sub3A_620, %div3A_586 : vector<16xf32>
        %sub3A_622 = arith.constant 1.000000e+00 : f32
        %sub3A_623 = vector.broadcast %sub3A_622 : f32 to vector<16xf32>
        %sub3A_624 = arith.subf %sub3A_623, %div3A_584 : vector<16xf32>
        %mul3A_625 = arith.mulf %gather3A_611, %sub3A_621 : vector<16xf32>
        %mul3A_626 = arith.mulf %gather3A_613, %div3A_586 : vector<16xf32>
        %add3A_627 = arith.addf %mul3A_625, %mul3A_626 : vector<16xf32>
        %mul3A_628 = arith.mulf %add3A_627, %sub3A_624 : vector<16xf32>
        %mul3A_629 = arith.mulf %gather3A_615, %sub3A_621 : vector<16xf32>
        %mul3A_630 = arith.mulf %gather3A_617, %div3A_586 : vector<16xf32>
        %add3A_631 = arith.addf %mul3A_629, %mul3A_630 : vector<16xf32>
        %mul3A_632 = arith.mulf %add3A_631, %div3A_584 : vector<16xf32>
        %add3A_633 = arith.addf %mul3A_628, %mul3A_632 : vector<16xf32>
        %mul3A_634 = arith.mulf %gather3A_612, %sub3A_621 : vector<16xf32>
        %mul3A_635 = arith.mulf %gather3A_614, %div3A_586 : vector<16xf32>
        %add3A_636 = arith.addf %mul3A_634, %mul3A_635 : vector<16xf32>
        %mul3A_637 = arith.mulf %add3A_636, %sub3A_624 : vector<16xf32>
        %mul3A_638 = arith.mulf %gather3A_616, %sub3A_621 : vector<16xf32>
        %mul3A_639 = arith.mulf %gather3A_618, %div3A_586 : vector<16xf32>
        %add3A_640 = arith.addf %mul3A_638, %mul3A_639 : vector<16xf32>
        %mul3A_641 = arith.mulf %add3A_640, %div3A_584 : vector<16xf32>
        %add3A_642 = arith.addf %mul3A_637, %mul3A_641 : vector<16xf32>
        %add3A_643 = arith.constant 0 : i32
        %add3A_644 = arith.addi %multiple_of3A_369, %add3A_643 : i32
        %add3A_645 = arith.constant 512 : i32
        %add3A_646 = arith.addi %add3A_644, %add3A_645 : i32
        %swap3A_647 = arith.index_cast %add3A_646 : i32 to index
        %swap3A_648 = tpu.vector_load %arg59[%swap3A_647] {strides = array<i32>} : memref<8192xf32, #tpu.memory_space<vmem>>, vector<16xf32>,
        tpu.vector_store %arg59[%swap3A_647], %add3A_633 {strides = array<i32>} : memref<8192xf32, #tpu.memory_space<vmem>>, vector<16xf32>,
        %add3A_649 = arith.constant 0 : i32
        %add3A_650 = arith.addi %multiple_of3A_369, %add3A_649 : i32
        %add3A_651 = arith.constant 640 : i32
        %add3A_652 = arith.addi %add3A_650, %add3A_651 : i32
        %swap3A_653 = arith.index_cast %add3A_652 : i32 to index
        %swap3A_654 = tpu.vector_load %arg59[%swap3A_653] {strides = array<i32>} : memref<8192xf32, #tpu.memory_space<vmem>>, vector<16xf32>,
        tpu.vector_store %arg59[%swap3A_653], %add3A_642 {strides = array<i32>} : memref<8192xf32, #tpu.memory_space<vmem>>, vector<16xf32>,
        %div3A_655 = arith.constant 48.7619057 : f32
        %div3A_656 = vector.broadcast %div3A_655 : f32 to vector<16xf32>
        %div3A_657 = arith.divf %get3A_285, %div3A_656 : vector<16xf32>
        %convert_element_type3A_658 = arith.fptosi %div3A_657 : vector<16xf32> to vector<16xi32>
        %convert_element_type3A_659 = arith.sitofp %convert_element_type3A_658 : vector<16xi32> to vector<16xf32>
        %div3A_660 = arith.constant 48.7619057 : f32
        %div3A_661 = vector.broadcast %div3A_660 : f32 to vector<16xf32>
        %div3A_662 = arith.divf %get3A_287, %div3A_661 : vector<16xf32>
        %convert_element_type3A_663 = arith.fptosi %div3A_662 : vector<16xf32> to vector<16xi32>
        %convert_element_type3A_664 = arith.sitofp %convert_element_type3A_663 : vector<16xi32> to vector<16xf32>
        %mul3A_665 = arith.constant 48.7619057 : f32
        %mul3A_666 = vector.broadcast %mul3A_665 : f32 to vector<16xf32>
        %mul3A_667 = arith.mulf %convert_element_type3A_659, %mul3A_666 : vector<16xf32>
        %mul3A_668 = arith.constant 48.7619057 : f32
        %mul3A_669 = vector.broadcast %mul3A_668 : f32 to vector<16xf32>
        %mul3A_670 = arith.mulf %convert_element_type3A_664, %mul3A_669 : vector<16xf32>
        %add3A_671 = arith.constant 48.7619057 : f32
        %add3A_672 = vector.broadcast %add3A_671 : f32 to vector<16xf32>
        %add3A_673 = arith.addf %mul3A_667, %add3A_672 : vector<16xf32>
        %sub3A_674 = arith.subf %add3A_673, %mul3A_667 : vector<16xf32>
        %add3A_675 = arith.constant 48.7619057 : f32
        %add3A_676 = vector.broadcast %add3A_675 : f32 to vector<16xf32>
        %add3A_677 = arith.addf %mul3A_670, %add3A_676 : vector<16xf32>
        %sub3A_678 = arith.subf %add3A_677, %mul3A_670 : vector<16xf32>
        %sub3A_679 = arith.subf %get3A_285, %mul3A_667 : vector<16xf32>
        %div3A_680 = arith.divf %sub3A_679, %sub3A_674 : vector<16xf32>
        %sub3A_681 = arith.subf %get3A_287, %mul3A_670 : vector<16xf32>
        %div3A_682 = arith.divf %sub3A_681, %sub3A_678 : vector<16xf32>
        %div3A_683 = arith.constant 48.7619057 : f32
        %div3A_684 = vector.broadcast %div3A_683 : f32 to vector<16xf32>
        %div3A_685 = arith.divf %get3A_285, %div3A_684 : vector<16xf32>
        %convert_element_type3A_686 = arith.fptosi %div3A_685 : vector<16xf32> to vector<16xi32>
        %mul3A_687 = arith.constant 42 : i32
        %mul3A_688 = vector.broadcast %mul3A_687 : i32 to vector<16xi32>
        %mul3A_689 = arith.muli %convert_element_type3A_686, %mul3A_688 : vector<16xi32>
        %div3A_690 = arith.constant 48.7619057 : f32
        %div3A_691 = vector.broadcast %div3A_690 : f32 to vector<16xf32>
        %div3A_692 = arith.divf %get3A_287, %div3A_691 : vector<16xf32>
        %convert_element_type3A_693 = arith.fptosi %div3A_692 : vector<16xf32> to vector<16xi32>
        %add3A_694 = arith.addi %mul3A_689, %convert_element_type3A_693 : vector<16xi32>
        %add3A_695 = arith.constant 1 : i32
        %add3A_696 = vector.broadcast %add3A_695 : i32 to vector<16xi32>
        %add3A_697 = arith.addi %add3A_694, %add3A_696 : vector<16xi32>
        %add3A_698 = arith.constant 42 : i32
        %add3A_699 = vector.broadcast %add3A_698 : i32 to vector<16xi32>
        %add3A_700 = arith.addi %add3A_694, %add3A_699 : vector<16xi32>
        %add3A_701 = arith.constant 42 : i32
        %add3A_702 = vector.broadcast %add3A_701 : i32 to vector<16xi32>
        %add3A_703 = arith.addi %add3A_694, %add3A_702 : vector<16xi32>
        %add3A_704 = arith.constant 1 : i32
        %add3A_705 = vector.broadcast %add3A_704 : i32 to vector<16xi32>
        %add3A_706 = arith.addi %add3A_703, %add3A_705 : vector<16xi32>
        %gather3A_707 = tpu.vector_load_idx %arg101[%add3A_694] : memref<1849xf32, #tpu.memory_space<vmem>>[vector<16xi32>], vector<16xf32>,
        %gather3A_708 = tpu.vector_load_idx %arg108[%add3A_694] : memref<1849xf32, #tpu.memory_space<vmem>>[vector<16xi32>], vector<16xf32>,
        %gather3A_709 = tpu.vector_load_idx %arg101[%add3A_697] : memref<1849xf32, #tpu.memory_space<vmem>>[vector<16xi32>], vector<16xf32>,
        %gather3A_710 = tpu.vector_load_idx %arg108[%add3A_697] : memref<1849xf32, #tpu.memory_space<vmem>>[vector<16xi32>], vector<16xf32>,
        %gather3A_711 = tpu.vector_load_idx %arg101[%add3A_700] : memref<1849xf32, #tpu.memory_space<vmem>>[vector<16xi32>], vector<16xf32>,
        %gather3A_712 = tpu.vector_load_idx %arg108[%add3A_700] : memref<1849xf32, #tpu.memory_space<vmem>>[vector<16xi32>], vector<16xf32>,
        %gather3A_713 = tpu.vector_load_idx %arg101[%add3A_706] : memref<1849xf32, #tpu.memory_space<vmem>>[vector<16xi32>], vector<16xf32>,
        %gather3A_714 = tpu.vector_load_idx %arg108[%add3A_706] : memref<1849xf32, #tpu.memory_space<vmem>>[vector<16xi32>], vector<16xf32>,
        %sub3A_715 = arith.constant 1.000000e+00 : f32
        %sub3A_716 = vector.broadcast %sub3A_715 : f32 to vector<16xf32>
        %sub3A_717 = arith.subf %sub3A_716, %div3A_682 : vector<16xf32>
        %sub3A_718 = arith.constant 1.000000e+00 : f32
        %sub3A_719 = vector.broadcast %sub3A_718 : f32 to vector<16xf32>
        %sub3A_720 = arith.subf %sub3A_719, %div3A_680 : vector<16xf32>
        %mul3A_721 = arith.mulf %gather3A_707, %sub3A_717 : vector<16xf32>
        %mul3A_722 = arith.mulf %gather3A_709, %div3A_682 : vector<16xf32>
        %add3A_723 = arith.addf %mul3A_721, %mul3A_722 : vector<16xf32>
        %mul3A_724 = arith.mulf %add3A_723, %sub3A_720 : vector<16xf32>
        %mul3A_725 = arith.mulf %gather3A_711, %sub3A_717 : vector<16xf32>
        %mul3A_726 = arith.mulf %gather3A_713, %div3A_682 : vector<16xf32>
        %add3A_727 = arith.addf %mul3A_725, %mul3A_726 : vector<16xf32>
        %mul3A_728 = arith.mulf %add3A_727, %div3A_680 : vector<16xf32>
        %add3A_729 = arith.addf %mul3A_724, %mul3A_728 : vector<16xf32>
        %mul3A_730 = arith.mulf %gather3A_708, %sub3A_717 : vector<16xf32>
        %mul3A_731 = arith.mulf %gather3A_710, %div3A_682 : vector<16xf32>
        %add3A_732 = arith.addf %mul3A_730, %mul3A_731 : vector<16xf32>
        %mul3A_733 = arith.mulf %add3A_732, %sub3A_720 : vector<16xf32>
        %mul3A_734 = arith.mulf %gather3A_712, %sub3A_717 : vector<16xf32>
        %mul3A_735 = arith.mulf %gather3A_714, %div3A_682 : vector<16xf32>
        %add3A_736 = arith.addf %mul3A_734, %mul3A_735 : vector<16xf32>
        %mul3A_737 = arith.mulf %add3A_736, %div3A_680 : vector<16xf32>
        %add3A_738 = arith.addf %mul3A_733, %mul3A_737 : vector<16xf32>
        %add3A_739 = arith.constant 0 : i32
        %add3A_740 = arith.addi %multiple_of3A_369, %add3A_739 : i32
        %add3A_741 = arith.constant 768 : i32
        %add3A_742 = arith.addi %add3A_740, %add3A_741 : i32
        %swap3A_743 = arith.index_cast %add3A_742 : i32 to index
        %swap3A_744 = tpu.vector_load %arg59[%swap3A_743] {strides = array<i32>} : memref<8192xf32, #tpu.memory_space<vmem>>, vector<16xf32>,
        tpu.vector_store %arg59[%swap3A_743], %add3A_729 {strides = array<i32>} : memref<8192xf32, #tpu.memory_space<vmem>>, vector<16xf32>,
        %add3A_745 = arith.constant 0 : i32
        %add3A_746 = arith.addi %multiple_of3A_369, %add3A_745 : i32
        %add3A_747 = arith.constant 896 : i32
        %add3A_748 = arith.addi %add3A_746, %add3A_747 : i32
        %swap3A_749 = arith.index_cast %add3A_748 : i32 to index
        %swap3A_750 = tpu.vector_load %arg59[%swap3A_749] {strides = array<i32>} : memref<8192xf32, #tpu.memory_space<vmem>>, vector<16xf32>,
        tpu.vector_store %arg59[%swap3A_749], %add3A_738 {strides = array<i32>} : memref<8192xf32, #tpu.memory_space<vmem>>, vector<16xf32>,
        %div3A_751 = arith.constant 35.3103447 : f32
        %div3A_752 = vector.broadcast %div3A_751 : f32 to vector<16xf32>
        %div3A_753 = arith.divf %get3A_285, %div3A_752 : vector<16xf32>
        %convert_element_type3A_754 = arith.fptosi %div3A_753 : vector<16xf32> to vector<16xi32>
        %convert_element_type3A_755 = arith.sitofp %convert_element_type3A_754 : vector<16xi32> to vector<16xf32>
        %div3A_756 = arith.constant 35.3103447 : f32
        %div3A_757 = vector.broadcast %div3A_756 : f32 to vector<16xf32>
        %div3A_758 = arith.divf %get3A_287, %div3A_757 : vector<16xf32>
        %convert_element_type3A_759 = arith.fptosi %div3A_758 : vector<16xf32> to vector<16xi32>
        %convert_element_type3A_760 = arith.sitofp %convert_element_type3A_759 : vector<16xi32> to vector<16xf32>
        %mul3A_761 = arith.constant 35.3103447 : f32
        %mul3A_762 = vector.broadcast %mul3A_761 : f32 to vector<16xf32>
        %mul3A_763 = arith.mulf %convert_element_type3A_755, %mul3A_762 : vector<16xf32>
        %mul3A_764 = arith.constant 35.3103447 : f32
        %mul3A_765 = vector.broadcast %mul3A_764 : f32 to vector<16xf32>
        %mul3A_766 = arith.mulf %convert_element_type3A_760, %mul3A_765 : vector<16xf32>
        %add3A_767 = arith.constant 35.3103447 : f32
        %add3A_768 = vector.broadcast %add3A_767 : f32 to vector<16xf32>
        %add3A_769 = arith.addf %mul3A_763, %add3A_768 : vector<16xf32>
        %sub3A_770 = arith.subf %add3A_769, %mul3A_763 : vector<16xf32>
        %add3A_771 = arith.constant 35.3103447 : f32
        %add3A_772 = vector.broadcast %add3A_771 : f32 to vector<16xf32>
        %add3A_773 = arith.addf %mul3A_766, %add3A_772 : vector<16xf32>
        %sub3A_774 = arith.subf %add3A_773, %mul3A_766 : vector<16xf32>
        %sub3A_775 = arith.subf %get3A_285, %mul3A_763 : vector<16xf32>
        %div3A_776 = arith.divf %sub3A_775, %sub3A_770 : vector<16xf32>
        %sub3A_777 = arith.subf %get3A_287, %mul3A_766 : vector<16xf32>
        %div3A_778 = arith.divf %sub3A_777, %sub3A_774 : vector<16xf32>
        %div3A_779 = arith.constant 35.3103447 : f32
        %div3A_780 = vector.broadcast %div3A_779 : f32 to vector<16xf32>
        %div3A_781 = arith.divf %get3A_285, %div3A_780 : vector<16xf32>
        %convert_element_type3A_782 = arith.fptosi %div3A_781 : vector<16xf32> to vector<16xi32>
        %mul3A_783 = arith.constant 58 : i32
        %mul3A_784 = vector.broadcast %mul3A_783 : i32 to vector<16xi32>
        %mul3A_785 = arith.muli %convert_element_type3A_782, %mul3A_784 : vector<16xi32>
        %div3A_786 = arith.constant 35.3103447 : f32
        %div3A_787 = vector.broadcast %div3A_786 : f32 to vector<16xf32>
        %div3A_788 = arith.divf %get3A_287, %div3A_787 : vector<16xf32>
        %convert_element_type3A_789 = arith.fptosi %div3A_788 : vector<16xf32> to vector<16xi32>
        %add3A_790 = arith.addi %mul3A_785, %convert_element_type3A_789 : vector<16xi32>
        %add3A_791 = arith.constant 1 : i32
        %add3A_792 = vector.broadcast %add3A_791 : i32 to vector<16xi32>
        %add3A_793 = arith.addi %add3A_790, %add3A_792 : vector<16xi32>
        %add3A_794 = arith.constant 58 : i32
        %add3A_795 = vector.broadcast %add3A_794 : i32 to vector<16xi32>
        %add3A_796 = arith.addi %add3A_790, %add3A_795 : vector<16xi32>
        %add3A_797 = arith.constant 58 : i32
        %add3A_798 = vector.broadcast %add3A_797 : i32 to vector<16xi32>
        %add3A_799 = arith.addi %add3A_790, %add3A_798 : vector<16xi32>
        %add3A_800 = arith.constant 1 : i32
        %add3A_801 = vector.broadcast %add3A_800 : i32 to vector<16xi32>
        %add3A_802 = arith.addi %add3A_799, %add3A_801 : vector<16xi32>
        %gather3A_803 = tpu.vector_load_idx %arg102[%add3A_790] : memref<3481xf32, #tpu.memory_space<vmem>>[vector<16xi32>], vector<16xf32>,
        %gather3A_804 = tpu.vector_load_idx %arg109[%add3A_790] : memref<3481xf32, #tpu.memory_space<vmem>>[vector<16xi32>], vector<16xf32>,
        %gather3A_805 = tpu.vector_load_idx %arg102[%add3A_793] : memref<3481xf32, #tpu.memory_space<vmem>>[vector<16xi32>], vector<16xf32>,
        %gather3A_806 = tpu.vector_load_idx %arg109[%add3A_793] : memref<3481xf32, #tpu.memory_space<vmem>>[vector<16xi32>], vector<16xf32>,
        %gather3A_807 = tpu.vector_load_idx %arg102[%add3A_796] : memref<3481xf32, #tpu.memory_space<vmem>>[vector<16xi32>], vector<16xf32>,
        %gather3A_808 = tpu.vector_load_idx %arg109[%add3A_796] : memref<3481xf32, #tpu.memory_space<vmem>>[vector<16xi32>], vector<16xf32>,
        %gather3A_809 = tpu.vector_load_idx %arg102[%add3A_802] : memref<3481xf32, #tpu.memory_space<vmem>>[vector<16xi32>], vector<16xf32>,
        %gather3A_810 = tpu.vector_load_idx %arg109[%add3A_802] : memref<3481xf32, #tpu.memory_space<vmem>>[vector<16xi32>], vector<16xf32>,
        %sub3A_811 = arith.constant 1.000000e+00 : f32
        %sub3A_812 = vector.broadcast %sub3A_811 : f32 to vector<16xf32>
        %sub3A_813 = arith.subf %sub3A_812, %div3A_778 : vector<16xf32>
        %sub3A_814 = arith.constant 1.000000e+00 : f32
        %sub3A_815 = vector.broadcast %sub3A_814 : f32 to vector<16xf32>
        %sub3A_816 = arith.subf %sub3A_815, %div3A_776 : vector<16xf32>
        %mul3A_817 = arith.mulf %gather3A_803, %sub3A_813 : vector<16xf32>
        %mul3A_818 = arith.mulf %gather3A_805, %div3A_778 : vector<16xf32>
        %add3A_819 = arith.addf %mul3A_817, %mul3A_818 : vector<16xf32>
        %mul3A_820 = arith.mulf %add3A_819, %sub3A_816 : vector<16xf32>
        %mul3A_821 = arith.mulf %gather3A_807, %sub3A_813 : vector<16xf32>
        %mul3A_822 = arith.mulf %gather3A_809, %div3A_778 : vector<16xf32>
        %add3A_823 = arith.addf %mul3A_821, %mul3A_822 : vector<16xf32>
        %mul3A_824 = arith.mulf %add3A_823, %div3A_776 : vector<16xf32>
        %add3A_825 = arith.addf %mul3A_820, %mul3A_824 : vector<16xf32>
        %mul3A_826 = arith.mulf %gather3A_804, %sub3A_813 : vector<16xf32>
        %mul3A_827 = arith.mulf %gather3A_806, %div3A_778 : vector<16xf32>
        %add3A_828 = arith.addf %mul3A_826, %mul3A_827 : vector<16xf32>
        %mul3A_829 = arith.mulf %add3A_828, %sub3A_816 : vector<16xf32>
        %mul3A_830 = arith.mulf %gather3A_808, %sub3A_813 : vector<16xf32>
        %mul3A_831 = arith.mulf %gather3A_810, %div3A_778 : vector<16xf32>
        %add3A_832 = arith.addf %mul3A_830, %mul3A_831 : vector<16xf32>
        %mul3A_833 = arith.mulf %add3A_832, %div3A_776 : vector<16xf32>
        %add3A_834 = arith.addf %mul3A_829, %mul3A_833 : vector<16xf32>
        %add3A_835 = arith.constant 2048 : i32
        %add3A_836 = arith.addi %multiple_of3A_369, %add3A_835 : i32
        %add3A_837 = arith.constant 0 : i32
        %add3A_838 = arith.addi %add3A_836, %add3A_837 : i32
        %swap3A_839 = arith.index_cast %add3A_838 : i32 to index
        %swap3A_840 = tpu.vector_load %arg59[%swap3A_839] {strides = array<i32>} : memref<8192xf32, #tpu.memory_space<vmem>>, vector<16xf32>,
        tpu.vector_store %arg59[%swap3A_839], %add3A_825 {strides = array<i32>} : memref<8192xf32, #tpu.memory_space<vmem>>, vector<16xf32>,
        %add3A_841 = arith.constant 2048 : i32
        %add3A_842 = arith.addi %multiple_of3A_369, %add3A_841 : i32
        %add3A_843 = arith.constant 128 : i32
        %add3A_844 = arith.addi %add3A_842, %add3A_843 : i32
        %swap3A_845 = arith.index_cast %add3A_844 : i32 to index
        %swap3A_846 = tpu.vector_load %arg59[%swap3A_845] {strides = array<i32>} : memref<8192xf32, #tpu.memory_space<vmem>>, vector<16xf32>,
        tpu.vector_store %arg59[%swap3A_845], %add3A_834 {strides = array<i32>} : memref<8192xf32, #tpu.memory_space<vmem>>, vector<16xf32>,
        %div3A_847 = arith.constant 2.560000e+01 : f32
        %div3A_848 = vector.broadcast %div3A_847 : f32 to vector<16xf32>
        %div3A_849 = arith.divf %get3A_285, %div3A_848 : vector<16xf32>
        %convert_element_type3A_850 = arith.fptosi %div3A_849 : vector<16xf32> to vector<16xi32>
        %convert_element_type3A_851 = arith.sitofp %convert_element_type3A_850 : vector<16xi32> to vector<16xf32>
        %div3A_852 = arith.constant 2.560000e+01 : f32
        %div3A_853 = vector.broadcast %div3A_852 : f32 to vector<16xf32>
        %div3A_854 = arith.divf %get3A_287, %div3A_853 : vector<16xf32>
        %convert_element_type3A_855 = arith.fptosi %div3A_854 : vector<16xf32> to vector<16xi32>
        %convert_element_type3A_856 = arith.sitofp %convert_element_type3A_855 : vector<16xi32> to vector<16xf32>
        %mul3A_857 = arith.constant 2.560000e+01 : f32
        %mul3A_858 = vector.broadcast %mul3A_857 : f32 to vector<16xf32>
        %mul3A_859 = arith.mulf %convert_element_type3A_851, %mul3A_858 : vector<16xf32>
        %mul3A_860 = arith.constant 2.560000e+01 : f32
        %mul3A_861 = vector.broadcast %mul3A_860 : f32 to vector<16xf32>
        %mul3A_862 = arith.mulf %convert_element_type3A_856, %mul3A_861 : vector<16xf32>
        %add3A_863 = arith.constant 2.560000e+01 : f32
        %add3A_864 = vector.broadcast %add3A_863 : f32 to vector<16xf32>
        %add3A_865 = arith.addf %mul3A_859, %add3A_864 : vector<16xf32>
        %sub3A_866 = arith.subf %add3A_865, %mul3A_859 : vector<16xf32>
        %add3A_867 = arith.constant 2.560000e+01 : f32
        %add3A_868 = vector.broadcast %add3A_867 : f32 to vector<16xf32>
        %add3A_869 = arith.addf %mul3A_862, %add3A_868 : vector<16xf32>
        %sub3A_870 = arith.subf %add3A_869, %mul3A_862 : vector<16xf32>
        %sub3A_871 = arith.subf %get3A_285, %mul3A_859 : vector<16xf32>
        %div3A_872 = arith.divf %sub3A_871, %sub3A_866 : vector<16xf32>
        %sub3A_873 = arith.subf %get3A_287, %mul3A_862 : vector<16xf32>
        %div3A_874 = arith.divf %sub3A_873, %sub3A_870 : vector<16xf32>
        %div3A_875 = arith.constant 2.560000e+01 : f32
        %div3A_876 = vector.broadcast %div3A_875 : f32 to vector<16xf32>
        %div3A_877 = arith.divf %get3A_285, %div3A_876 : vector<16xf32>
        %convert_element_type3A_878 = arith.fptosi %div3A_877 : vector<16xf32> to vector<16xi32>
        %mul3A_879 = arith.constant 80 : i32
        %mul3A_880 = vector.broadcast %mul3A_879 : i32 to vector<16xi32>
        %mul3A_881 = arith.muli %convert_element_type3A_878, %mul3A_880 : vector<16xi32>
        %div3A_882 = arith.constant 2.560000e+01 : f32
        %div3A_883 = vector.broadcast %div3A_882 : f32 to vector<16xf32>
        %div3A_884 = arith.divf %get3A_287, %div3A_883 : vector<16xf32>
        %convert_element_type3A_885 = arith.fptosi %div3A_884 : vector<16xf32> to vector<16xi32>
        %add3A_886 = arith.addi %mul3A_881, %convert_element_type3A_885 : vector<16xi32>
        %add3A_887 = arith.constant 1 : i32
        %add3A_888 = vector.broadcast %add3A_887 : i32 to vector<16xi32>
        %add3A_889 = arith.addi %add3A_886, %add3A_888 : vector<16xi32>
        %add3A_890 = arith.constant 80 : i32
        %add3A_891 = vector.broadcast %add3A_890 : i32 to vector<16xi32>
        %add3A_892 = arith.addi %add3A_886, %add3A_891 : vector<16xi32>
        %add3A_893 = arith.constant 80 : i32
        %add3A_894 = vector.broadcast %add3A_893 : i32 to vector<16xi32>
        %add3A_895 = arith.addi %add3A_886, %add3A_894 : vector<16xi32>
        %add3A_896 = arith.constant 1 : i32
        %add3A_897 = vector.broadcast %add3A_896 : i32 to vector<16xi32>
        %add3A_898 = arith.addi %add3A_895, %add3A_897 : vector<16xi32>
        %gather3A_899 = tpu.vector_load_idx %arg103[%add3A_886] : memref<6561xf32, #tpu.memory_space<vmem>>[vector<16xi32>], vector<16xf32>,
        %gather3A_900 = tpu.vector_load_idx %arg110[%add3A_886] : memref<6561xf32, #tpu.memory_space<vmem>>[vector<16xi32>], vector<16xf32>,
        %gather3A_901 = tpu.vector_load_idx %arg103[%add3A_889] : memref<6561xf32, #tpu.memory_space<vmem>>[vector<16xi32>], vector<16xf32>,
        %gather3A_902 = tpu.vector_load_idx %arg110[%add3A_889] : memref<6561xf32, #tpu.memory_space<vmem>>[vector<16xi32>], vector<16xf32>,
        %gather3A_903 = tpu.vector_load_idx %arg103[%add3A_892] : memref<6561xf32, #tpu.memory_space<vmem>>[vector<16xi32>], vector<16xf32>,
        %gather3A_904 = tpu.vector_load_idx %arg110[%add3A_892] : memref<6561xf32, #tpu.memory_space<vmem>>[vector<16xi32>], vector<16xf32>,
        %gather3A_905 = tpu.vector_load_idx %arg103[%add3A_898] : memref<6561xf32, #tpu.memory_space<vmem>>[vector<16xi32>], vector<16xf32>,
        %gather3A_906 = tpu.vector_load_idx %arg110[%add3A_898] : memref<6561xf32, #tpu.memory_space<vmem>>[vector<16xi32>], vector<16xf32>,
        %sub3A_907 = arith.constant 1.000000e+00 : f32
        %sub3A_908 = vector.broadcast %sub3A_907 : f32 to vector<16xf32>
        %sub3A_909 = arith.subf %sub3A_908, %div3A_874 : vector<16xf32>
        %sub3A_910 = arith.constant 1.000000e+00 : f32
        %sub3A_911 = vector.broadcast %sub3A_910 : f32 to vector<16xf32>
        %sub3A_912 = arith.subf %sub3A_911, %div3A_872 : vector<16xf32>
        %mul3A_913 = arith.mulf %gather3A_899, %sub3A_909 : vector<16xf32>
        %mul3A_914 = arith.mulf %gather3A_901, %div3A_874 : vector<16xf32>
        %add3A_915 = arith.addf %mul3A_913, %mul3A_914 : vector<16xf32>
        %mul3A_916 = arith.mulf %add3A_915, %sub3A_912 : vector<16xf32>
        %mul3A_917 = arith.mulf %gather3A_903, %sub3A_909 : vector<16xf32>
        %mul3A_918 = arith.mulf %gather3A_905, %div3A_874 : vector<16xf32>
        %add3A_919 = arith.addf %mul3A_917, %mul3A_918 : vector<16xf32>
        %mul3A_920 = arith.mulf %add3A_919, %div3A_872 : vector<16xf32>
        %add3A_921 = arith.addf %mul3A_916, %mul3A_920 : vector<16xf32>
        %mul3A_922 = arith.mulf %gather3A_900, %sub3A_909 : vector<16xf32>
        %mul3A_923 = arith.mulf %gather3A_902, %div3A_874 : vector<16xf32>
        %add3A_924 = arith.addf %mul3A_922, %mul3A_923 : vector<16xf32>
        %mul3A_925 = arith.mulf %add3A_924, %sub3A_912 : vector<16xf32>
        %mul3A_926 = arith.mulf %gather3A_904, %sub3A_909 : vector<16xf32>
        %mul3A_927 = arith.mulf %gather3A_906, %div3A_874 : vector<16xf32>
        %add3A_928 = arith.addf %mul3A_926, %mul3A_927 : vector<16xf32>
        %mul3A_929 = arith.mulf %add3A_928, %div3A_872 : vector<16xf32>
        %add3A_930 = arith.addf %mul3A_925, %mul3A_929 : vector<16xf32>
        %add3A_931 = arith.constant 2048 : i32
        %add3A_932 = arith.addi %multiple_of3A_369, %add3A_931 : i32
        %add3A_933 = arith.constant 256 : i32
        %add3A_934 = arith.addi %add3A_932, %add3A_933 : i32
        %swap3A_935 = arith.index_cast %add3A_934 : i32 to index
        %swap3A_936 = tpu.vector_load %arg59[%swap3A_935] {strides = array<i32>} : memref<8192xf32, #tpu.memory_space<vmem>>, vector<16xf32>,
        tpu.vector_store %arg59[%swap3A_935], %add3A_921 {strides = array<i32>} : memref<8192xf32, #tpu.memory_space<vmem>>, vector<16xf32>,
        %add3A_937 = arith.constant 2048 : i32
        %add3A_938 = arith.addi %multiple_of3A_369, %add3A_937 : i32
        %add3A_939 = arith.constant 384 : i32
        %add3A_940 = arith.addi %add3A_938, %add3A_939 : i32
        %swap3A_941 = arith.index_cast %add3A_940 : i32 to index
        %swap3A_942 = tpu.vector_load %arg59[%swap3A_941] {strides = array<i32>} : memref<8192xf32, #tpu.memory_space<vmem>>, vector<16xf32>,
        tpu.vector_store %arg59[%swap3A_941], %add3A_930 {strides = array<i32>} : memref<8192xf32, #tpu.memory_space<vmem>>, vector<16xf32>,
        %div3A_943 = arith.constant 18.4504509 : f32
        %div3A_944 = vector.broadcast %div3A_943 : f32 to vector<16xf32>
        %div3A_945 = arith.divf %get3A_285, %div3A_944 : vector<16xf32>
        %convert_element_type3A_946 = arith.fptosi %div3A_945 : vector<16xf32> to vector<16xi32>
        %convert_element_type3A_947 = arith.sitofp %convert_element_type3A_946 : vector<16xi32> to vector<16xf32>
        %div3A_948 = arith.constant 18.4504509 : f32
        %div3A_949 = vector.broadcast %div3A_948 : f32 to vector<16xf32>
        %div3A_950 = arith.divf %get3A_287, %div3A_949 : vector<16xf32>
        %convert_element_type3A_951 = arith.fptosi %div3A_950 : vector<16xf32> to vector<16xi32>
        %convert_element_type3A_952 = arith.sitofp %convert_element_type3A_951 : vector<16xi32> to vector<16xf32>
        %mul3A_953 = arith.constant 18.4504509 : f32
        %mul3A_954 = vector.broadcast %mul3A_953 : f32 to vector<16xf32>
        %mul3A_955 = arith.mulf %convert_element_type3A_947, %mul3A_954 : vector<16xf32>
        %mul3A_956 = arith.constant 18.4504509 : f32
        %mul3A_957 = vector.broadcast %mul3A_956 : f32 to vector<16xf32>
        %mul3A_958 = arith.mulf %convert_element_type3A_952, %mul3A_957 : vector<16xf32>
        %add3A_959 = arith.constant 18.4504509 : f32
        %add3A_960 = vector.broadcast %add3A_959 : f32 to vector<16xf32>
        %add3A_961 = arith.addf %mul3A_955, %add3A_960 : vector<16xf32>
        %sub3A_962 = arith.subf %add3A_961, %mul3A_955 : vector<16xf32>
        %add3A_963 = arith.constant 18.4504509 : f32
        %add3A_964 = vector.broadcast %add3A_963 : f32 to vector<16xf32>
        %add3A_965 = arith.addf %mul3A_958, %add3A_964 : vector<16xf32>
        %sub3A_966 = arith.subf %add3A_965, %mul3A_958 : vector<16xf32>
        %sub3A_967 = arith.subf %get3A_285, %mul3A_955 : vector<16xf32>
        %div3A_968 = arith.divf %sub3A_967, %sub3A_962 : vector<16xf32>
        %sub3A_969 = arith.subf %get3A_287, %mul3A_958 : vector<16xf32>
        %div3A_970 = arith.divf %sub3A_969, %sub3A_966 : vector<16xf32>
        %div3A_971 = arith.constant 18.4504509 : f32
        %div3A_972 = vector.broadcast %div3A_971 : f32 to vector<16xf32>
        %div3A_973 = arith.divf %get3A_285, %div3A_972 : vector<16xf32>
        %convert_element_type3A_974 = arith.fptosi %div3A_973 : vector<16xf32> to vector<16xi32>
        %mul3A_975 = arith.constant 111 : i32
        %mul3A_976 = vector.broadcast %mul3A_975 : i32 to vector<16xi32>
        %mul3A_977 = arith.muli %convert_element_type3A_974, %mul3A_976 : vector<16xi32>
        %div3A_978 = arith.constant 18.4504509 : f32
        %div3A_979 = vector.broadcast %div3A_978 : f32 to vector<16xf32>
        %div3A_980 = arith.divf %get3A_287, %div3A_979 : vector<16xf32>
        %convert_element_type3A_981 = arith.fptosi %div3A_980 : vector<16xf32> to vector<16xi32>
        %add3A_982 = arith.addi %mul3A_977, %convert_element_type3A_981 : vector<16xi32>
        %add3A_983 = arith.constant 1 : i32
        %add3A_984 = vector.broadcast %add3A_983 : i32 to vector<16xi32>
        %add3A_985 = arith.addi %add3A_982, %add3A_984 : vector<16xi32>
        %add3A_986 = arith.constant 111 : i32
        %add3A_987 = vector.broadcast %add3A_986 : i32 to vector<16xi32>
        %add3A_988 = arith.addi %add3A_982, %add3A_987 : vector<16xi32>
        %add3A_989 = arith.constant 111 : i32
        %add3A_990 = vector.broadcast %add3A_989 : i32 to vector<16xi32>
        %add3A_991 = arith.addi %add3A_982, %add3A_990 : vector<16xi32>
        %add3A_992 = arith.constant 1 : i32
        %add3A_993 = vector.broadcast %add3A_992 : i32 to vector<16xi32>
        %add3A_994 = arith.addi %add3A_991, %add3A_993 : vector<16xi32>
        %gather3A_995 = tpu.vector_load_idx %arg104[%add3A_982] : memref<12544xf32, #tpu.memory_space<vmem>>[vector<16xi32>], vector<16xf32>,
        %gather3A_996 = tpu.vector_load_idx %arg111[%add3A_982] : memref<12544xf32, #tpu.memory_space<vmem>>[vector<16xi32>], vector<16xf32>,
        %gather3A_997 = tpu.vector_load_idx %arg104[%add3A_985] : memref<12544xf32, #tpu.memory_space<vmem>>[vector<16xi32>], vector<16xf32>,
        %gather3A_998 = tpu.vector_load_idx %arg111[%add3A_985] : memref<12544xf32, #tpu.memory_space<vmem>>[vector<16xi32>], vector<16xf32>,
        %gather3A_999 = tpu.vector_load_idx %arg104[%add3A_988] : memref<12544xf32, #tpu.memory_space<vmem>>[vector<16xi32>], vector<16xf32>,
        %gather3A_1000 = tpu.vector_load_idx %arg111[%add3A_988] : memref<12544xf32, #tpu.memory_space<vmem>>[vector<16xi32>], vector<16xf32>,
        %gather3A_1001 = tpu.vector_load_idx %arg104[%add3A_994] : memref<12544xf32, #tpu.memory_space<vmem>>[vector<16xi32>], vector<16xf32>,
        %gather3A_1002 = tpu.vector_load_idx %arg111[%add3A_994] : memref<12544xf32, #tpu.memory_space<vmem>>[vector<16xi32>], vector<16xf32>,
        %sub3A_1003 = arith.constant 1.000000e+00 : f32
        %sub3A_1004 = vector.broadcast %sub3A_1003 : f32 to vector<16xf32>
        %sub3A_1005 = arith.subf %sub3A_1004, %div3A_970 : vector<16xf32>
        %sub3A_1006 = arith.constant 1.000000e+00 : f32
        %sub3A_1007 = vector.broadcast %sub3A_1006 : f32 to vector<16xf32>
        %sub3A_1008 = arith.subf %sub3A_1007, %div3A_968 : vector<16xf32>
        %mul3A_1009 = arith.mulf %gather3A_995, %sub3A_1005 : vector<16xf32>
        %mul3A_1010 = arith.mulf %gather3A_997, %div3A_970 : vector<16xf32>
        %add3A_1011 = arith.addf %mul3A_1009, %mul3A_1010 : vector<16xf32>
        %mul3A_1012 = arith.mulf %add3A_1011, %sub3A_1008 : vector<16xf32>
        %mul3A_1013 = arith.mulf %gather3A_999, %sub3A_1005 : vector<16xf32>
        %mul3A_1014 = arith.mulf %gather3A_1001, %div3A_970 : vector<16xf32>
        %add3A_1015 = arith.addf %mul3A_1013, %mul3A_1014 : vector<16xf32>
        %mul3A_1016 = arith.mulf %add3A_1015, %div3A_968 : vector<16xf32>
        %add3A_1017 = arith.addf %mul3A_1012, %mul3A_1016 : vector<16xf32>
        %mul3A_1018 = arith.mulf %gather3A_996, %sub3A_1005 : vector<16xf32>
        %mul3A_1019 = arith.mulf %gather3A_998, %div3A_970 : vector<16xf32>
        %add3A_1020 = arith.addf %mul3A_1018, %mul3A_1019 : vector<16xf32>
        %mul3A_1021 = arith.mulf %add3A_1020, %sub3A_1008 : vector<16xf32>
        %mul3A_1022 = arith.mulf %gather3A_1000, %sub3A_1005 : vector<16xf32>
        %mul3A_1023 = arith.mulf %gather3A_1002, %div3A_970 : vector<16xf32>
        %add3A_1024 = arith.addf %mul3A_1022, %mul3A_1023 : vector<16xf32>
        %mul3A_1025 = arith.mulf %add3A_1024, %div3A_968 : vector<16xf32>
        %add3A_1026 = arith.addf %mul3A_1021, %mul3A_1025 : vector<16xf32>
        %add3A_1027 = arith.constant 2048 : i32
        %add3A_1028 = arith.addi %multiple_of3A_369, %add3A_1027 : i32
        %add3A_1029 = arith.constant 512 : i32
        %add3A_1030 = arith.addi %add3A_1028, %add3A_1029 : i32
        %swap3A_1031 = arith.index_cast %add3A_1030 : i32 to index
        %swap3A_1032 = tpu.vector_load %arg59[%swap3A_1031] {strides = array<i32>} : memref<8192xf32, #tpu.memory_space<vmem>>, vector<16xf32>,
        tpu.vector_store %arg59[%swap3A_1031], %add3A_1017 {strides = array<i32>} : memref<8192xf32, #tpu.memory_space<vmem>>, vector<16xf32>,
        %add3A_1033 = arith.constant 2048 : i32
        %add3A_1034 = arith.addi %multiple_of3A_369, %add3A_1033 : i32
        %add3A_1035 = arith.constant 640 : i32
        %add3A_1036 = arith.addi %add3A_1034, %add3A_1035 : i32
        %swap3A_1037 = arith.index_cast %add3A_1036 : i32 to index
        %swap3A_1038 = tpu.vector_load %arg59[%swap3A_1037] {strides = array<i32>} : memref<8192xf32, #tpu.memory_space<vmem>>, vector<16xf32>,
        tpu.vector_store %arg59[%swap3A_1037], %add3A_1026 {strides = array<i32>} : memref<8192xf32, #tpu.memory_space<vmem>>, vector<16xf32>,
        %div3A_1039 = arith.constant 13.3856211 : f32
        %div3A_1040 = vector.broadcast %div3A_1039 : f32 to vector<16xf32>
        %div3A_1041 = arith.divf %get3A_285, %div3A_1040 : vector<16xf32>
        %convert_element_type3A_1042 = arith.fptosi %div3A_1041 : vector<16xf32> to vector<16xi32>
        %convert_element_type3A_1043 = arith.sitofp %convert_element_type3A_1042 : vector<16xi32> to vector<16xf32>
        %div3A_1044 = arith.constant 13.3856211 : f32
        %div3A_1045 = vector.broadcast %div3A_1044 : f32 to vector<16xf32>
        %div3A_1046 = arith.divf %get3A_287, %div3A_1045 : vector<16xf32>
        %convert_element_type3A_1047 = arith.fptosi %div3A_1046 : vector<16xf32> to vector<16xi32>
        %convert_element_type3A_1048 = arith.sitofp %convert_element_type3A_1047 : vector<16xi32> to vector<16xf32>
        %mul3A_1049 = arith.constant 13.3856211 : f32
        %mul3A_1050 = vector.broadcast %mul3A_1049 : f32 to vector<16xf32>
        %mul3A_1051 = arith.mulf %convert_element_type3A_1043, %mul3A_1050 : vector<16xf32>
        %mul3A_1052 = arith.constant 13.3856211 : f32
        %mul3A_1053 = vector.broadcast %mul3A_1052 : f32 to vector<16xf32>
        %mul3A_1054 = arith.mulf %convert_element_type3A_1048, %mul3A_1053 : vector<16xf32>
        %add3A_1055 = arith.constant 13.3856211 : f32
        %add3A_1056 = vector.broadcast %add3A_1055 : f32 to vector<16xf32>
        %add3A_1057 = arith.addf %mul3A_1051, %add3A_1056 : vector<16xf32>
        %sub3A_1058 = arith.subf %add3A_1057, %mul3A_1051 : vector<16xf32>
        %add3A_1059 = arith.constant 13.3856211 : f32
        %add3A_1060 = vector.broadcast %add3A_1059 : f32 to vector<16xf32>
        %add3A_1061 = arith.addf %mul3A_1054, %add3A_1060 : vector<16xf32>
        %sub3A_1062 = arith.subf %add3A_1061, %mul3A_1054 : vector<16xf32>
        %sub3A_1063 = arith.subf %get3A_285, %mul3A_1051 : vector<16xf32>
        %div3A_1064 = arith.divf %sub3A_1063, %sub3A_1058 : vector<16xf32>
        %sub3A_1065 = arith.subf %get3A_287, %mul3A_1054 : vector<16xf32>
        %div3A_1066 = arith.divf %sub3A_1065, %sub3A_1062 : vector<16xf32>
        %get3A_1067 = arith.index_cast %multiple_of3A_323 : i32 to index
        %get3A_1068 = tpu.vector_load %arg80[%get3A_1067] {strides = array<i32>} : memref<1024xf32, #tpu.memory_space<vmem>>, vector<16xf32>,
        %get3A_1069 = arith.index_cast %multiple_of3A_323 : i32 to index
        %get3A_1070 = tpu.vector_load %arg89[%get3A_1069] {strides = array<i32>} : memref<1024xf32, #tpu.memory_space<vmem>>, vector<16xf32>,
        %add3A_1071 = arith.constant 128 : i32
        %add3A_1072 = arith.addi %multiple_of3A_323, %add3A_1071 : i32
        %get3A_1073 = arith.index_cast %add3A_1072 : i32 to index
        %get3A_1074 = tpu.vector_load %arg80[%get3A_1073] {strides = array<i32>} : memref<1024xf32, #tpu.memory_space<vmem>>, vector<16xf32>,
        %add3A_1075 = arith.constant 128 : i32
        %add3A_1076 = arith.addi %multiple_of3A_323, %add3A_1075 : i32
        %get3A_1077 = arith.index_cast %add3A_1076 : i32 to index
        %get3A_1078 = tpu.vector_load %arg89[%get3A_1077] {strides = array<i32>} : memref<1024xf32, #tpu.memory_space<vmem>>, vector<16xf32>,
        %add3A_1079 = arith.constant 256 : i32
        %add3A_1080 = arith.addi %multiple_of3A_323, %add3A_1079 : i32
        %get3A_1081 = arith.index_cast %add3A_1080 : i32 to index
        %get3A_1082 = tpu.vector_load %arg80[%get3A_1081] {strides = array<i32>} : memref<1024xf32, #tpu.memory_space<vmem>>, vector<16xf32>,
        %add3A_1083 = arith.constant 256 : i32
        %add3A_1084 = arith.addi %multiple_of3A_323, %add3A_1083 : i32
        %get3A_1085 = arith.index_cast %add3A_1084 : i32 to index
        %get3A_1086 = tpu.vector_load %arg89[%get3A_1085] {strides = array<i32>} : memref<1024xf32, #tpu.memory_space<vmem>>, vector<16xf32>,
        %add3A_1087 = arith.constant 384 : i32
        %add3A_1088 = arith.addi %multiple_of3A_323, %add3A_1087 : i32
        %get3A_1089 = arith.index_cast %add3A_1088 : i32 to index
        %get3A_1090 = tpu.vector_load %arg80[%get3A_1089] {strides = array<i32>} : memref<1024xf32, #tpu.memory_space<vmem>>, vector<16xf32>,
        %add3A_1091 = arith.constant 384 : i32
        %add3A_1092 = arith.addi %multiple_of3A_323, %add3A_1091 : i32
        %get3A_1093 = arith.index_cast %add3A_1092 : i32 to index
        %get3A_1094 = tpu.vector_load %arg89[%get3A_1093] {strides = array<i32>} : memref<1024xf32, #tpu.memory_space<vmem>>, vector<16xf32>,
        %sub3A_1095 = arith.constant 1.000000e+00 : f32
        %sub3A_1096 = vector.broadcast %sub3A_1095 : f32 to vector<16xf32>
        %sub3A_1097 = arith.subf %sub3A_1096, %div3A_1066 : vector<16xf32>
        %sub3A_1098 = arith.constant 1.000000e+00 : f32
        %sub3A_1099 = vector.broadcast %sub3A_1098 : f32 to vector<16xf32>
        %sub3A_1100 = arith.subf %sub3A_1099, %div3A_1064 : vector<16xf32>
        %mul3A_1101 = arith.mulf %get3A_1068, %sub3A_1097 : vector<16xf32>
        %mul3A_1102 = arith.mulf %get3A_1074, %div3A_1066 : vector<16xf32>
        %add3A_1103 = arith.addf %mul3A_1101, %mul3A_1102 : vector<16xf32>
        %mul3A_1104 = arith.mulf %add3A_1103, %sub3A_1100 : vector<16xf32>
        %mul3A_1105 = arith.mulf %get3A_1082, %sub3A_1097 : vector<16xf32>
        %mul3A_1106 = arith.mulf %get3A_1090, %div3A_1066 : vector<16xf32>
        %add3A_1107 = arith.addf %mul3A_1105, %mul3A_1106 : vector<16xf32>
        %mul3A_1108 = arith.mulf %add3A_1107, %div3A_1064 : vector<16xf32>
        %add3A_1109 = arith.addf %mul3A_1104, %mul3A_1108 : vector<16xf32>
        %mul3A_1110 = arith.mulf %get3A_1070, %sub3A_1097 : vector<16xf32>
        %mul3A_1111 = arith.mulf %get3A_1078, %div3A_1066 : vector<16xf32>
        %add3A_1112 = arith.addf %mul3A_1110, %mul3A_1111 : vector<16xf32>
        %mul3A_1113 = arith.mulf %add3A_1112, %sub3A_1100 : vector<16xf32>
        %mul3A_1114 = arith.mulf %get3A_1086, %sub3A_1097 : vector<16xf32>
        %mul3A_1115 = arith.mulf %get3A_1094, %div3A_1066 : vector<16xf32>
        %add3A_1116 = arith.addf %mul3A_1114, %mul3A_1115 : vector<16xf32>
        %mul3A_1117 = arith.mulf %add3A_1116, %div3A_1064 : vector<16xf32>
        %add3A_1118 = arith.addf %mul3A_1113, %mul3A_1117 : vector<16xf32>
        %add3A_1119 = arith.constant 2048 : i32
        %add3A_1120 = arith.addi %multiple_of3A_369, %add3A_1119 : i32
        %add3A_1121 = arith.constant 768 : i32
        %add3A_1122 = arith.addi %add3A_1120, %add3A_1121 : i32
        %swap3A_1123 = arith.index_cast %add3A_1122 : i32 to index
        %swap3A_1124 = tpu.vector_load %arg59[%swap3A_1123] {strides = array<i32>} : memref<8192xf32, #tpu.memory_space<vmem>>, vector<16xf32>,
        tpu.vector_store %arg59[%swap3A_1123], %add3A_1109 {strides = array<i32>} : memref<8192xf32, #tpu.memory_space<vmem>>, vector<16xf32>,
        %add3A_1125 = arith.constant 2048 : i32
        %add3A_1126 = arith.addi %multiple_of3A_369, %add3A_1125 : i32
        %add3A_1127 = arith.constant 896 : i32
        %add3A_1128 = arith.addi %add3A_1126, %add3A_1127 : i32
        %swap3A_1129 = arith.index_cast %add3A_1128 : i32 to index
        %swap3A_1130 = tpu.vector_load %arg59[%swap3A_1129] {strides = array<i32>} : memref<8192xf32, #tpu.memory_space<vmem>>, vector<16xf32>,
        tpu.vector_store %arg59[%swap3A_1129], %add3A_1118 {strides = array<i32>} : memref<8192xf32, #tpu.memory_space<vmem>>, vector<16xf32>,
        %div3A_1131 = arith.constant 9.6603775 : f32
        %div3A_1132 = vector.broadcast %div3A_1131 : f32 to vector<16xf32>
        %div3A_1133 = arith.divf %get3A_285, %div3A_1132 : vector<16xf32>
        %convert_element_type3A_1134 = arith.fptosi %div3A_1133 : vector<16xf32> to vector<16xi32>
        %convert_element_type3A_1135 = arith.sitofp %convert_element_type3A_1134 : vector<16xi32> to vector<16xf32>
        %div3A_1136 = arith.constant 9.6603775 : f32
        %div3A_1137 = vector.broadcast %div3A_1136 : f32 to vector<16xf32>
        %div3A_1138 = arith.divf %get3A_287, %div3A_1137 : vector<16xf32>
        %convert_element_type3A_1139 = arith.fptosi %div3A_1138 : vector<16xf32> to vector<16xi32>
        %convert_element_type3A_1140 = arith.sitofp %convert_element_type3A_1139 : vector<16xi32> to vector<16xf32>
        %mul3A_1141 = arith.constant 9.6603775 : f32
        %mul3A_1142 = vector.broadcast %mul3A_1141 : f32 to vector<16xf32>
        %mul3A_1143 = arith.mulf %convert_element_type3A_1135, %mul3A_1142 : vector<16xf32>
        %mul3A_1144 = arith.constant 9.6603775 : f32
        %mul3A_1145 = vector.broadcast %mul3A_1144 : f32 to vector<16xf32>
        %mul3A_1146 = arith.mulf %convert_element_type3A_1140, %mul3A_1145 : vector<16xf32>
        %add3A_1147 = arith.constant 9.6603775 : f32
        %add3A_1148 = vector.broadcast %add3A_1147 : f32 to vector<16xf32>
        %add3A_1149 = arith.addf %mul3A_1143, %add3A_1148 : vector<16xf32>
        %sub3A_1150 = arith.subf %add3A_1149, %mul3A_1143 : vector<16xf32>
        %add3A_1151 = arith.constant 9.6603775 : f32
        %add3A_1152 = vector.broadcast %add3A_1151 : f32 to vector<16xf32>
        %add3A_1153 = arith.addf %mul3A_1146, %add3A_1152 : vector<16xf32>
        %sub3A_1154 = arith.subf %add3A_1153, %mul3A_1146 : vector<16xf32>
        %sub3A_1155 = arith.subf %get3A_285, %mul3A_1143 : vector<16xf32>
        %div3A_1156 = arith.divf %sub3A_1155, %sub3A_1150 : vector<16xf32>
        %sub3A_1157 = arith.subf %get3A_287, %mul3A_1146 : vector<16xf32>
        %div3A_1158 = arith.divf %sub3A_1157, %sub3A_1154 : vector<16xf32>
        %get3A_1159 = arith.index_cast %multiple_of3A_323 : i32 to index
        %get3A_1160 = tpu.vector_load %arg81[%get3A_1159] {strides = array<i32>} : memref<1024xf32, #tpu.memory_space<vmem>>, vector<16xf32>,
        %get3A_1161 = arith.index_cast %multiple_of3A_323 : i32 to index
        %get3A_1162 = tpu.vector_load %arg90[%get3A_1161] {strides = array<i32>} : memref<1024xf32, #tpu.memory_space<vmem>>, vector<16xf32>,
        %add3A_1163 = arith.constant 128 : i32
        %add3A_1164 = arith.addi %multiple_of3A_323, %add3A_1163 : i32
        %get3A_1165 = arith.index_cast %add3A_1164 : i32 to index
        %get3A_1166 = tpu.vector_load %arg81[%get3A_1165] {strides = array<i32>} : memref<1024xf32, #tpu.memory_space<vmem>>, vector<16xf32>,
        %add3A_1167 = arith.constant 128 : i32
        %add3A_1168 = arith.addi %multiple_of3A_323, %add3A_1167 : i32
        %get3A_1169 = arith.index_cast %add3A_1168 : i32 to index
        %get3A_1170 = tpu.vector_load %arg90[%get3A_1169] {strides = array<i32>} : memref<1024xf32, #tpu.memory_space<vmem>>, vector<16xf32>,
        %add3A_1171 = arith.constant 256 : i32
        %add3A_1172 = arith.addi %multiple_of3A_323, %add3A_1171 : i32
        %get3A_1173 = arith.index_cast %add3A_1172 : i32 to index
        %get3A_1174 = tpu.vector_load %arg81[%get3A_1173] {strides = array<i32>} : memref<1024xf32, #tpu.memory_space<vmem>>, vector<16xf32>,
        %add3A_1175 = arith.constant 256 : i32
        %add3A_1176 = arith.addi %multiple_of3A_323, %add3A_1175 : i32
        %get3A_1177 = arith.index_cast %add3A_1176 : i32 to index
        %get3A_1178 = tpu.vector_load %arg90[%get3A_1177] {strides = array<i32>} : memref<1024xf32, #tpu.memory_space<vmem>>, vector<16xf32>,
        %add3A_1179 = arith.constant 384 : i32
        %add3A_1180 = arith.addi %multiple_of3A_323, %add3A_1179 : i32
        %get3A_1181 = arith.index_cast %add3A_1180 : i32 to index
        %get3A_1182 = tpu.vector_load %arg81[%get3A_1181] {strides = array<i32>} : memref<1024xf32, #tpu.memory_space<vmem>>, vector<16xf32>,
        %add3A_1183 = arith.constant 384 : i32
        %add3A_1184 = arith.addi %multiple_of3A_323, %add3A_1183 : i32
        %get3A_1185 = arith.index_cast %add3A_1184 : i32 to index
        %get3A_1186 = tpu.vector_load %arg90[%get3A_1185] {strides = array<i32>} : memref<1024xf32, #tpu.memory_space<vmem>>, vector<16xf32>,
        %sub3A_1187 = arith.constant 1.000000e+00 : f32
        %sub3A_1188 = vector.broadcast %sub3A_1187 : f32 to vector<16xf32>
        %sub3A_1189 = arith.subf %sub3A_1188, %div3A_1158 : vector<16xf32>
        %sub3A_1190 = arith.constant 1.000000e+00 : f32
        %sub3A_1191 = vector.broadcast %sub3A_1190 : f32 to vector<16xf32>
        %sub3A_1192 = arith.subf %sub3A_1191, %div3A_1156 : vector<16xf32>
        %mul3A_1193 = arith.mulf %get3A_1160, %sub3A_1189 : vector<16xf32>
        %mul3A_1194 = arith.mulf %get3A_1166, %div3A_1158 : vector<16xf32>
        %add3A_1195 = arith.addf %mul3A_1193, %mul3A_1194 : vector<16xf32>
        %mul3A_1196 = arith.mulf %add3A_1195, %sub3A_1192 : vector<16xf32>
        %mul3A_1197 = arith.mulf %get3A_1174, %sub3A_1189 : vector<16xf32>
        %mul3A_1198 = arith.mulf %get3A_1182, %div3A_1158 : vector<16xf32>
        %add3A_1199 = arith.addf %mul3A_1197, %mul3A_1198 : vector<16xf32>
        %mul3A_1200 = arith.mulf %add3A_1199, %div3A_1156 : vector<16xf32>
        %add3A_1201 = arith.addf %mul3A_1196, %mul3A_1200 : vector<16xf32>
        %mul3A_1202 = arith.mulf %get3A_1162, %sub3A_1189 : vector<16xf32>
        %mul3A_1203 = arith.mulf %get3A_1170, %div3A_1158 : vector<16xf32>
        %add3A_1204 = arith.addf %mul3A_1202, %mul3A_1203 : vector<16xf32>
        %mul3A_1205 = arith.mulf %add3A_1204, %sub3A_1192 : vector<16xf32>
        %mul3A_1206 = arith.mulf %get3A_1178, %sub3A_1189 : vector<16xf32>
        %mul3A_1207 = arith.mulf %get3A_1186, %div3A_1158 : vector<16xf32>
        %add3A_1208 = arith.addf %mul3A_1206, %mul3A_1207 : vector<16xf32>
        %mul3A_1209 = arith.mulf %add3A_1208, %div3A_1156 : vector<16xf32>
        %add3A_1210 = arith.addf %mul3A_1205, %mul3A_1209 : vector<16xf32>
        %add3A_1211 = arith.constant 4096 : i32
        %add3A_1212 = arith.addi %multiple_of3A_369, %add3A_1211 : i32
        %add3A_1213 = arith.constant 0 : i32
        %add3A_1214 = arith.addi %add3A_1212, %add3A_1213 : i32
        %swap3A_1215 = arith.index_cast %add3A_1214 : i32 to index
        %swap3A_1216 = tpu.vector_load %arg59[%swap3A_1215] {strides = array<i32>} : memref<8192xf32, #tpu.memory_space<vmem>>, vector<16xf32>,
        tpu.vector_store %arg59[%swap3A_1215], %add3A_1201 {strides = array<i32>} : memref<8192xf32, #tpu.memory_space<vmem>>, vector<16xf32>,
        %add3A_1217 = arith.constant 4096 : i32
        %add3A_1218 = arith.addi %multiple_of3A_369, %add3A_1217 : i32
        %add3A_1219 = arith.constant 128 : i32
        %add3A_1220 = arith.addi %add3A_1218, %add3A_1219 : i32
        %swap3A_1221 = arith.index_cast %add3A_1220 : i32 to index
        %swap3A_1222 = tpu.vector_load %arg59[%swap3A_1221] {strides = array<i32>} : memref<8192xf32, #tpu.memory_space<vmem>>, vector<16xf32>,
        tpu.vector_store %arg59[%swap3A_1221], %add3A_1210 {strides = array<i32>} : memref<8192xf32, #tpu.memory_space<vmem>>, vector<16xf32>,
        %div3A_1223 = arith.constant 6.96598625 : f32
        %div3A_1224 = vector.broadcast %div3A_1223 : f32 to vector<16xf32>
        %div3A_1225 = arith.divf %get3A_285, %div3A_1224 : vector<16xf32>
        %convert_element_type3A_1226 = arith.fptosi %div3A_1225 : vector<16xf32> to vector<16xi32>
        %convert_element_type3A_1227 = arith.sitofp %convert_element_type3A_1226 : vector<16xi32> to vector<16xf32>
        %div3A_1228 = arith.constant 6.96598625 : f32
        %div3A_1229 = vector.broadcast %div3A_1228 : f32 to vector<16xf32>
        %div3A_1230 = arith.divf %get3A_287, %div3A_1229 : vector<16xf32>
        %convert_element_type3A_1231 = arith.fptosi %div3A_1230 : vector<16xf32> to vector<16xi32>
        %convert_element_type3A_1232 = arith.sitofp %convert_element_type3A_1231 : vector<16xi32> to vector<16xf32>
        %mul3A_1233 = arith.constant 6.96598625 : f32
        %mul3A_1234 = vector.broadcast %mul3A_1233 : f32 to vector<16xf32>
        %mul3A_1235 = arith.mulf %convert_element_type3A_1227, %mul3A_1234 : vector<16xf32>
        %mul3A_1236 = arith.constant 6.96598625 : f32
        %mul3A_1237 = vector.broadcast %mul3A_1236 : f32 to vector<16xf32>
        %mul3A_1238 = arith.mulf %convert_element_type3A_1232, %mul3A_1237 : vector<16xf32>
        %add3A_1239 = arith.constant 6.96598625 : f32
        %add3A_1240 = vector.broadcast %add3A_1239 : f32 to vector<16xf32>
        %add3A_1241 = arith.addf %mul3A_1235, %add3A_1240 : vector<16xf32>
        %sub3A_1242 = arith.subf %add3A_1241, %mul3A_1235 : vector<16xf32>
        %add3A_1243 = arith.constant 6.96598625 : f32
        %add3A_1244 = vector.broadcast %add3A_1243 : f32 to vector<16xf32>
        %add3A_1245 = arith.addf %mul3A_1238, %add3A_1244 : vector<16xf32>
        %sub3A_1246 = arith.subf %add3A_1245, %mul3A_1238 : vector<16xf32>
        %sub3A_1247 = arith.subf %get3A_285, %mul3A_1235 : vector<16xf32>
        %div3A_1248 = arith.divf %sub3A_1247, %sub3A_1242 : vector<16xf32>
        %sub3A_1249 = arith.subf %get3A_287, %mul3A_1238 : vector<16xf32>
        %div3A_1250 = arith.divf %sub3A_1249, %sub3A_1246 : vector<16xf32>
        %get3A_1251 = arith.index_cast %multiple_of3A_323 : i32 to index
        %get3A_1252 = tpu.vector_load %arg82[%get3A_1251] {strides = array<i32>} : memref<1024xf32, #tpu.memory_space<vmem>>, vector<16xf32>,
        %get3A_1253 = arith.index_cast %multiple_of3A_323 : i32 to index
        %get3A_1254 = tpu.vector_load %arg91[%get3A_1253] {strides = array<i32>} : memref<1024xf32, #tpu.memory_space<vmem>>, vector<16xf32>,
        %add3A_1255 = arith.constant 128 : i32
        %add3A_1256 = arith.addi %multiple_of3A_323, %add3A_1255 : i32
        %get3A_1257 = arith.index_cast %add3A_1256 : i32 to index
        %get3A_1258 = tpu.vector_load %arg82[%get3A_1257] {strides = array<i32>} : memref<1024xf32, #tpu.memory_space<vmem>>, vector<16xf32>,
        %add3A_1259 = arith.constant 128 : i32
        %add3A_1260 = arith.addi %multiple_of3A_323, %add3A_1259 : i32
        %get3A_1261 = arith.index_cast %add3A_1260 : i32 to index
        %get3A_1262 = tpu.vector_load %arg91[%get3A_1261] {strides = array<i32>} : memref<1024xf32, #tpu.memory_space<vmem>>, vector<16xf32>,
        %add3A_1263 = arith.constant 256 : i32
        %add3A_1264 = arith.addi %multiple_of3A_323, %add3A_1263 : i32
        %get3A_1265 = arith.index_cast %add3A_1264 : i32 to index
        %get3A_1266 = tpu.vector_load %arg82[%get3A_1265] {strides = array<i32>} : memref<1024xf32, #tpu.memory_space<vmem>>, vector<16xf32>,
        %add3A_1267 = arith.constant 256 : i32
        %add3A_1268 = arith.addi %multiple_of3A_323, %add3A_1267 : i32
        %get3A_1269 = arith.index_cast %add3A_1268 : i32 to index
        %get3A_1270 = tpu.vector_load %arg91[%get3A_1269] {strides = array<i32>} : memref<1024xf32, #tpu.memory_space<vmem>>, vector<16xf32>,
        %add3A_1271 = arith.constant 384 : i32
        %add3A_1272 = arith.addi %multiple_of3A_323, %add3A_1271 : i32
        %get3A_1273 = arith.index_cast %add3A_1272 : i32 to index
        %get3A_1274 = tpu.vector_load %arg82[%get3A_1273] {strides = array<i32>} : memref<1024xf32, #tpu.memory_space<vmem>>, vector<16xf32>,
        %add3A_1275 = arith.constant 384 : i32
        %add3A_1276 = arith.addi %multiple_of3A_323, %add3A_1275 : i32
        %get3A_1277 = arith.index_cast %add3A_1276 : i32 to index
        %get3A_1278 = tpu.vector_load %arg91[%get3A_1277] {strides = array<i32>} : memref<1024xf32, #tpu.memory_space<vmem>>, vector<16xf32>,
        %sub3A_1279 = arith.constant 1.000000e+00 : f32
        %sub3A_1280 = vector.broadcast %sub3A_1279 : f32 to vector<16xf32>
        %sub3A_1281 = arith.subf %sub3A_1280, %div3A_1250 : vector<16xf32>
        %sub3A_1282 = arith.constant 1.000000e+00 : f32
        %sub3A_1283 = vector.broadcast %sub3A_1282 : f32 to vector<16xf32>
        %sub3A_1284 = arith.subf %sub3A_1283, %div3A_1248 : vector<16xf32>
        %mul3A_1285 = arith.mulf %get3A_1252, %sub3A_1281 : vector<16xf32>
        %mul3A_1286 = arith.mulf %get3A_1258, %div3A_1250 : vector<16xf32>
        %add3A_1287 = arith.addf %mul3A_1285, %mul3A_1286 : vector<16xf32>
        %mul3A_1288 = arith.mulf %add3A_1287, %sub3A_1284 : vector<16xf32>
        %mul3A_1289 = arith.mulf %get3A_1266, %sub3A_1281 : vector<16xf32>
        %mul3A_1290 = arith.mulf %get3A_1274, %div3A_1250 : vector<16xf32>
        %add3A_1291 = arith.addf %mul3A_1289, %mul3A_1290 : vector<16xf32>
        %mul3A_1292 = arith.mulf %add3A_1291, %div3A_1248 : vector<16xf32>
        %add3A_1293 = arith.addf %mul3A_1288, %mul3A_1292 : vector<16xf32>
        %mul3A_1294 = arith.mulf %get3A_1254, %sub3A_1281 : vector<16xf32>
        %mul3A_1295 = arith.mulf %get3A_1262, %div3A_1250 : vector<16xf32>
        %add3A_1296 = arith.addf %mul3A_1294, %mul3A_1295 : vector<16xf32>
        %mul3A_1297 = arith.mulf %add3A_1296, %sub3A_1284 : vector<16xf32>
        %mul3A_1298 = arith.mulf %get3A_1270, %sub3A_1281 : vector<16xf32>
        %mul3A_1299 = arith.mulf %get3A_1278, %div3A_1250 : vector<16xf32>
        %add3A_1300 = arith.addf %mul3A_1298, %mul3A_1299 : vector<16xf32>
        %mul3A_1301 = arith.mulf %add3A_1300, %div3A_1248 : vector<16xf32>
        %add3A_1302 = arith.addf %mul3A_1297, %mul3A_1301 : vector<16xf32>
        %add3A_1303 = arith.constant 4096 : i32
        %add3A_1304 = arith.addi %multiple_of3A_369, %add3A_1303 : i32
        %add3A_1305 = arith.constant 256 : i32
        %add3A_1306 = arith.addi %add3A_1304, %add3A_1305 : i32
        %swap3A_1307 = arith.index_cast %add3A_1306 : i32 to index
        %swap3A_1308 = tpu.vector_load %arg59[%swap3A_1307] {strides = array<i32>} : memref<8192xf32, #tpu.memory_space<vmem>>, vector<16xf32>,
        tpu.vector_store %arg59[%swap3A_1307], %add3A_1293 {strides = array<i32>} : memref<8192xf32, #tpu.memory_space<vmem>>, vector<16xf32>,
        %add3A_1309 = arith.constant 4096 : i32
        %add3A_1310 = arith.addi %multiple_of3A_369, %add3A_1309 : i32
        %add3A_1311 = arith.constant 384 : i32
        %add3A_1312 = arith.addi %add3A_1310, %add3A_1311 : i32
        %swap3A_1313 = arith.index_cast %add3A_1312 : i32 to index
        %swap3A_1314 = tpu.vector_load %arg59[%swap3A_1313] {strides = array<i32>} : memref<8192xf32, #tpu.memory_space<vmem>>, vector<16xf32>,
        tpu.vector_store %arg59[%swap3A_1313], %add3A_1302 {strides = array<i32>} : memref<8192xf32, #tpu.memory_space<vmem>>, vector<16xf32>,
        %div3A_1315 = arith.constant 5.04433489 : f32
        %div3A_1316 = vector.broadcast %div3A_1315 : f32 to vector<16xf32>
        %div3A_1317 = arith.divf %get3A_285, %div3A_1316 : vector<16xf32>
        %convert_element_type3A_1318 = arith.fptosi %div3A_1317 : vector<16xf32> to vector<16xi32>
        %convert_element_type3A_1319 = arith.sitofp %convert_element_type3A_1318 : vector<16xi32> to vector<16xf32>
        %div3A_1320 = arith.constant 5.04433489 : f32
        %div3A_1321 = vector.broadcast %div3A_1320 : f32 to vector<16xf32>
        %div3A_1322 = arith.divf %get3A_287, %div3A_1321 : vector<16xf32>
        %convert_element_type3A_1323 = arith.fptosi %div3A_1322 : vector<16xf32> to vector<16xi32>
        %convert_element_type3A_1324 = arith.sitofp %convert_element_type3A_1323 : vector<16xi32> to vector<16xf32>
        %mul3A_1325 = arith.constant 5.04433489 : f32
        %mul3A_1326 = vector.broadcast %mul3A_1325 : f32 to vector<16xf32>
        %mul3A_1327 = arith.mulf %convert_element_type3A_1319, %mul3A_1326 : vector<16xf32>
        %mul3A_1328 = arith.constant 5.04433489 : f32
        %mul3A_1329 = vector.broadcast %mul3A_1328 : f32 to vector<16xf32>
        %mul3A_1330 = arith.mulf %convert_element_type3A_1324, %mul3A_1329 : vector<16xf32>
        %add3A_1331 = arith.constant 5.04433489 : f32
        %add3A_1332 = vector.broadcast %add3A_1331 : f32 to vector<16xf32>
        %add3A_1333 = arith.addf %mul3A_1327, %add3A_1332 : vector<16xf32>
        %sub3A_1334 = arith.subf %add3A_1333, %mul3A_1327 : vector<16xf32>
        %add3A_1335 = arith.constant 5.04433489 : f32
        %add3A_1336 = vector.broadcast %add3A_1335 : f32 to vector<16xf32>
        %add3A_1337 = arith.addf %mul3A_1330, %add3A_1336 : vector<16xf32>
        %sub3A_1338 = arith.subf %add3A_1337, %mul3A_1330 : vector<16xf32>
        %sub3A_1339 = arith.subf %get3A_285, %mul3A_1327 : vector<16xf32>
        %div3A_1340 = arith.divf %sub3A_1339, %sub3A_1334 : vector<16xf32>
        %sub3A_1341 = arith.subf %get3A_287, %mul3A_1330 : vector<16xf32>
        %div3A_1342 = arith.divf %sub3A_1341, %sub3A_1338 : vector<16xf32>
        %get3A_1343 = arith.index_cast %multiple_of3A_323 : i32 to index
        %get3A_1344 = tpu.vector_load %arg83[%get3A_1343] {strides = array<i32>} : memref<1024xf32, #tpu.memory_space<vmem>>, vector<16xf32>,
        %get3A_1345 = arith.index_cast %multiple_of3A_323 : i32 to index
        %get3A_1346 = tpu.vector_load %arg92[%get3A_1345] {strides = array<i32>} : memref<1024xf32, #tpu.memory_space<vmem>>, vector<16xf32>,
        %add3A_1347 = arith.constant 128 : i32
        %add3A_1348 = arith.addi %multiple_of3A_323, %add3A_1347 : i32
        %get3A_1349 = arith.index_cast %add3A_1348 : i32 to index
        %get3A_1350 = tpu.vector_load %arg83[%get3A_1349] {strides = array<i32>} : memref<1024xf32, #tpu.memory_space<vmem>>, vector<16xf32>,
        %add3A_1351 = arith.constant 128 : i32
        %add3A_1352 = arith.addi %multiple_of3A_323, %add3A_1351 : i32
        %get3A_1353 = arith.index_cast %add3A_1352 : i32 to index
        %get3A_1354 = tpu.vector_load %arg92[%get3A_1353] {strides = array<i32>} : memref<1024xf32, #tpu.memory_space<vmem>>, vector<16xf32>,
        %add3A_1355 = arith.constant 256 : i32
        %add3A_1356 = arith.addi %multiple_of3A_323, %add3A_1355 : i32
        %get3A_1357 = arith.index_cast %add3A_1356 : i32 to index
        %get3A_1358 = tpu.vector_load %arg83[%get3A_1357] {strides = array<i32>} : memref<1024xf32, #tpu.memory_space<vmem>>, vector<16xf32>,
        %add3A_1359 = arith.constant 256 : i32
        %add3A_1360 = arith.addi %multiple_of3A_323, %add3A_1359 : i32
        %get3A_1361 = arith.index_cast %add3A_1360 : i32 to index
        %get3A_1362 = tpu.vector_load %arg92[%get3A_1361] {strides = array<i32>} : memref<1024xf32, #tpu.memory_space<vmem>>, vector<16xf32>,
        %add3A_1363 = arith.constant 384 : i32
        %add3A_1364 = arith.addi %multiple_of3A_323, %add3A_1363 : i32
        %get3A_1365 = arith.index_cast %add3A_1364 : i32 to index
        %get3A_1366 = tpu.vector_load %arg83[%get3A_1365] {strides = array<i32>} : memref<1024xf32, #tpu.memory_space<vmem>>, vector<16xf32>,
        %add3A_1367 = arith.constant 384 : i32
        %add3A_1368 = arith.addi %multiple_of3A_323, %add3A_1367 : i32
        %get3A_1369 = arith.index_cast %add3A_1368 : i32 to index
        %get3A_1370 = tpu.vector_load %arg92[%get3A_1369] {strides = array<i32>} : memref<1024xf32, #tpu.memory_space<vmem>>, vector<16xf32>,
        %sub3A_1371 = arith.constant 1.000000e+00 : f32
        %sub3A_1372 = vector.broadcast %sub3A_1371 : f32 to vector<16xf32>
        %sub3A_1373 = arith.subf %sub3A_1372, %div3A_1342 : vector<16xf32>
        %sub3A_1374 = arith.constant 1.000000e+00 : f32
        %sub3A_1375 = vector.broadcast %sub3A_1374 : f32 to vector<16xf32>
        %sub3A_1376 = arith.subf %sub3A_1375, %div3A_1340 : vector<16xf32>
        %mul3A_1377 = arith.mulf %get3A_1344, %sub3A_1373 : vector<16xf32>
        %mul3A_1378 = arith.mulf %get3A_1350, %div3A_1342 : vector<16xf32>
        %add3A_1379 = arith.addf %mul3A_1377, %mul3A_1378 : vector<16xf32>
        %mul3A_1380 = arith.mulf %add3A_1379, %sub3A_1376 : vector<16xf32>
        %mul3A_1381 = arith.mulf %get3A_1358, %sub3A_1373 : vector<16xf32>
        %mul3A_1382 = arith.mulf %get3A_1366, %div3A_1342 : vector<16xf32>
        %add3A_1383 = arith.addf %mul3A_1381, %mul3A_1382 : vector<16xf32>
        %mul3A_1384 = arith.mulf %add3A_1383, %div3A_1340 : vector<16xf32>
        %add3A_1385 = arith.addf %mul3A_1380, %mul3A_1384 : vector<16xf32>
        %mul3A_1386 = arith.mulf %get3A_1346, %sub3A_1373 : vector<16xf32>
        %mul3A_1387 = arith.mulf %get3A_1354, %div3A_1342 : vector<16xf32>
        %add3A_1388 = arith.addf %mul3A_1386, %mul3A_1387 : vector<16xf32>
        %mul3A_1389 = arith.mulf %add3A_1388, %sub3A_1376 : vector<16xf32>
        %mul3A_1390 = arith.mulf %get3A_1362, %sub3A_1373 : vector<16xf32>
        %mul3A_1391 = arith.mulf %get3A_1370, %div3A_1342 : vector<16xf32>
        %add3A_1392 = arith.addf %mul3A_1390, %mul3A_1391 : vector<16xf32>
        %mul3A_1393 = arith.mulf %add3A_1392, %div3A_1340 : vector<16xf32>
        %add3A_1394 = arith.addf %mul3A_1389, %mul3A_1393 : vector<16xf32>
        %add3A_1395 = arith.constant 4096 : i32
        %add3A_1396 = arith.addi %multiple_of3A_369, %add3A_1395 : i32
        %add3A_1397 = arith.constant 512 : i32
        %add3A_1398 = arith.addi %add3A_1396, %add3A_1397 : i32
        %swap3A_1399 = arith.index_cast %add3A_1398 : i32 to index
        %swap3A_1400 = tpu.vector_load %arg59[%swap3A_1399] {strides = array<i32>} : memref<8192xf32, #tpu.memory_space<vmem>>, vector<16xf32>,
        tpu.vector_store %arg59[%swap3A_1399], %add3A_1385 {strides = array<i32>} : memref<8192xf32, #tpu.memory_space<vmem>>, vector<16xf32>,
        %add3A_1401 = arith.constant 4096 : i32
        %add3A_1402 = arith.addi %multiple_of3A_369, %add3A_1401 : i32
        %add3A_1403 = arith.constant 640 : i32
        %add3A_1404 = arith.addi %add3A_1402, %add3A_1403 : i32
        %swap3A_1405 = arith.index_cast %add3A_1404 : i32 to index
        %swap3A_1406 = tpu.vector_load %arg59[%swap3A_1405] {strides = array<i32>} : memref<8192xf32, #tpu.memory_space<vmem>>, vector<16xf32>,
        tpu.vector_store %arg59[%swap3A_1405], %add3A_1394 {strides = array<i32>} : memref<8192xf32, #tpu.memory_space<vmem>>, vector<16xf32>,
        %div3A_1407 = arith.constant 3.6506238 : f32
        %div3A_1408 = vector.broadcast %div3A_1407 : f32 to vector<16xf32>
        %div3A_1409 = arith.divf %get3A_285, %div3A_1408 : vector<16xf32>
        %convert_element_type3A_1410 = arith.fptosi %div3A_1409 : vector<16xf32> to vector<16xi32>
        %convert_element_type3A_1411 = arith.sitofp %convert_element_type3A_1410 : vector<16xi32> to vector<16xf32>
        %div3A_1412 = arith.constant 3.6506238 : f32
        %div3A_1413 = vector.broadcast %div3A_1412 : f32 to vector<16xf32>
        %div3A_1414 = arith.divf %get3A_287, %div3A_1413 : vector<16xf32>
        %convert_element_type3A_1415 = arith.fptosi %div3A_1414 : vector<16xf32> to vector<16xi32>
        %convert_element_type3A_1416 = arith.sitofp %convert_element_type3A_1415 : vector<16xi32> to vector<16xf32>
        %mul3A_1417 = arith.constant 3.6506238 : f32
        %mul3A_1418 = vector.broadcast %mul3A_1417 : f32 to vector<16xf32>
        %mul3A_1419 = arith.mulf %convert_element_type3A_1411, %mul3A_1418 : vector<16xf32>
        %mul3A_1420 = arith.constant 3.6506238 : f32
        %mul3A_1421 = vector.broadcast %mul3A_1420 : f32 to vector<16xf32>
        %mul3A_1422 = arith.mulf %convert_element_type3A_1416, %mul3A_1421 : vector<16xf32>
        %add3A_1423 = arith.constant 3.6506238 : f32
        %add3A_1424 = vector.broadcast %add3A_1423 : f32 to vector<16xf32>
        %add3A_1425 = arith.addf %mul3A_1419, %add3A_1424 : vector<16xf32>
        %sub3A_1426 = arith.subf %add3A_1425, %mul3A_1419 : vector<16xf32>
        %add3A_1427 = arith.constant 3.6506238 : f32
        %add3A_1428 = vector.broadcast %add3A_1427 : f32 to vector<16xf32>
        %add3A_1429 = arith.addf %mul3A_1422, %add3A_1428 : vector<16xf32>
        %sub3A_1430 = arith.subf %add3A_1429, %mul3A_1422 : vector<16xf32>
        %sub3A_1431 = arith.subf %get3A_285, %mul3A_1419 : vector<16xf32>
        %div3A_1432 = arith.divf %sub3A_1431, %sub3A_1426 : vector<16xf32>
        %sub3A_1433 = arith.subf %get3A_287, %mul3A_1422 : vector<16xf32>
        %div3A_1434 = arith.divf %sub3A_1433, %sub3A_1430 : vector<16xf32>
        %get3A_1435 = arith.index_cast %multiple_of3A_323 : i32 to index
        %get3A_1436 = tpu.vector_load %arg84[%get3A_1435] {strides = array<i32>} : memref<1024xf32, #tpu.memory_space<vmem>>, vector<16xf32>,
        %get3A_1437 = arith.index_cast %multiple_of3A_323 : i32 to index
        %get3A_1438 = tpu.vector_load %arg93[%get3A_1437] {strides = array<i32>} : memref<1024xf32, #tpu.memory_space<vmem>>, vector<16xf32>,
        %add3A_1439 = arith.constant 128 : i32
        %add3A_1440 = arith.addi %multiple_of3A_323, %add3A_1439 : i32
        %get3A_1441 = arith.index_cast %add3A_1440 : i32 to index
        %get3A_1442 = tpu.vector_load %arg84[%get3A_1441] {strides = array<i32>} : memref<1024xf32, #tpu.memory_space<vmem>>, vector<16xf32>,
        %add3A_1443 = arith.constant 128 : i32
        %add3A_1444 = arith.addi %multiple_of3A_323, %add3A_1443 : i32
        %get3A_1445 = arith.index_cast %add3A_1444 : i32 to index
        %get3A_1446 = tpu.vector_load %arg93[%get3A_1445] {strides = array<i32>} : memref<1024xf32, #tpu.memory_space<vmem>>, vector<16xf32>,
        %add3A_1447 = arith.constant 256 : i32
        %add3A_1448 = arith.addi %multiple_of3A_323, %add3A_1447 : i32
        %get3A_1449 = arith.index_cast %add3A_1448 : i32 to index
        %get3A_1450 = tpu.vector_load %arg84[%get3A_1449] {strides = array<i32>} : memref<1024xf32, #tpu.memory_space<vmem>>, vector<16xf32>,
        %add3A_1451 = arith.constant 256 : i32
        %add3A_1452 = arith.addi %multiple_of3A_323, %add3A_1451 : i32
        %get3A_1453 = arith.index_cast %add3A_1452 : i32 to index
        %get3A_1454 = tpu.vector_load %arg93[%get3A_1453] {strides = array<i32>} : memref<1024xf32, #tpu.memory_space<vmem>>, vector<16xf32>,
        %add3A_1455 = arith.constant 384 : i32
        %add3A_1456 = arith.addi %multiple_of3A_323, %add3A_1455 : i32
        %get3A_1457 = arith.index_cast %add3A_1456 : i32 to index
        %get3A_1458 = tpu.vector_load %arg84[%get3A_1457] {strides = array<i32>} : memref<1024xf32, #tpu.memory_space<vmem>>, vector<16xf32>,
        %add3A_1459 = arith.constant 384 : i32
        %add3A_1460 = arith.addi %multiple_of3A_323, %add3A_1459 : i32
        %get3A_1461 = arith.index_cast %add3A_1460 : i32 to index
        %get3A_1462 = tpu.vector_load %arg93[%get3A_1461] {strides = array<i32>} : memref<1024xf32, #tpu.memory_space<vmem>>, vector<16xf32>,
        %sub3A_1463 = arith.constant 1.000000e+00 : f32
        %sub3A_1464 = vector.broadcast %sub3A_1463 : f32 to vector<16xf32>
        %sub3A_1465 = arith.subf %sub3A_1464, %div3A_1434 : vector<16xf32>
        %sub3A_1466 = arith.constant 1.000000e+00 : f32
        %sub3A_1467 = vector.broadcast %sub3A_1466 : f32 to vector<16xf32>
        %sub3A_1468 = arith.subf %sub3A_1467, %div3A_1432 : vector<16xf32>
        %mul3A_1469 = arith.mulf %get3A_1436, %sub3A_1465 : vector<16xf32>
        %mul3A_1470 = arith.mulf %get3A_1442, %div3A_1434 : vector<16xf32>
        %add3A_1471 = arith.addf %mul3A_1469, %mul3A_1470 : vector<16xf32>
        %mul3A_1472 = arith.mulf %add3A_1471, %sub3A_1468 : vector<16xf32>
        %mul3A_1473 = arith.mulf %get3A_1450, %sub3A_1465 : vector<16xf32>
        %mul3A_1474 = arith.mulf %get3A_1458, %div3A_1434 : vector<16xf32>
        %add3A_1475 = arith.addf %mul3A_1473, %mul3A_1474 : vector<16xf32>
        %mul3A_1476 = arith.mulf %add3A_1475, %div3A_1432 : vector<16xf32>
        %add3A_1477 = arith.addf %mul3A_1472, %mul3A_1476 : vector<16xf32>
        %mul3A_1478 = arith.mulf %get3A_1438, %sub3A_1465 : vector<16xf32>
        %mul3A_1479 = arith.mulf %get3A_1446, %div3A_1434 : vector<16xf32>
        %add3A_1480 = arith.addf %mul3A_1478, %mul3A_1479 : vector<16xf32>
        %mul3A_1481 = arith.mulf %add3A_1480, %sub3A_1468 : vector<16xf32>
        %mul3A_1482 = arith.mulf %get3A_1454, %sub3A_1465 : vector<16xf32>
        %mul3A_1483 = arith.mulf %get3A_1462, %div3A_1434 : vector<16xf32>
        %add3A_1484 = arith.addf %mul3A_1482, %mul3A_1483 : vector<16xf32>
        %mul3A_1485 = arith.mulf %add3A_1484, %div3A_1432 : vector<16xf32>
        %add3A_1486 = arith.addf %mul3A_1481, %mul3A_1485 : vector<16xf32>
        %add3A_1487 = arith.constant 4096 : i32
        %add3A_1488 = arith.addi %multiple_of3A_369, %add3A_1487 : i32
        %add3A_1489 = arith.constant 768 : i32
        %add3A_1490 = arith.addi %add3A_1488, %add3A_1489 : i32
        %swap3A_1491 = arith.index_cast %add3A_1490 : i32 to index
        %swap3A_1492 = tpu.vector_load %arg59[%swap3A_1491] {strides = array<i32>} : memref<8192xf32, #tpu.memory_space<vmem>>, vector<16xf32>,
        tpu.vector_store %arg59[%swap3A_1491], %add3A_1477 {strides = array<i32>} : memref<8192xf32, #tpu.memory_space<vmem>>, vector<16xf32>,
        %add3A_1493 = arith.constant 4096 : i32
        %add3A_1494 = arith.addi %multiple_of3A_369, %add3A_1493 : i32
        %add3A_1495 = arith.constant 896 : i32
        %add3A_1496 = arith.addi %add3A_1494, %add3A_1495 : i32
        %swap3A_1497 = arith.index_cast %add3A_1496 : i32 to index
        %swap3A_1498 = tpu.vector_load %arg59[%swap3A_1497] {strides = array<i32>} : memref<8192xf32, #tpu.memory_space<vmem>>, vector<16xf32>,
        tpu.vector_store %arg59[%swap3A_1497], %add3A_1486 {strides = array<i32>} : memref<8192xf32, #tpu.memory_space<vmem>>, vector<16xf32>,
        %div3A_1499 = arith.constant 2.63917518 : f32
        %div3A_1500 = vector.broadcast %div3A_1499 : f32 to vector<16xf32>
        %div3A_1501 = arith.divf %get3A_285, %div3A_1500 : vector<16xf32>
        %convert_element_type3A_1502 = arith.fptosi %div3A_1501 : vector<16xf32> to vector<16xi32>
        %convert_element_type3A_1503 = arith.sitofp %convert_element_type3A_1502 : vector<16xi32> to vector<16xf32>
        %div3A_1504 = arith.constant 2.63917518 : f32
        %div3A_1505 = vector.broadcast %div3A_1504 : f32 to vector<16xf32>
        %div3A_1506 = arith.divf %get3A_287, %div3A_1505 : vector<16xf32>
        %convert_element_type3A_1507 = arith.fptosi %div3A_1506 : vector<16xf32> to vector<16xi32>
        %convert_element_type3A_1508 = arith.sitofp %convert_element_type3A_1507 : vector<16xi32> to vector<16xf32>
        %mul3A_1509 = arith.constant 2.63917518 : f32
        %mul3A_1510 = vector.broadcast %mul3A_1509 : f32 to vector<16xf32>
        %mul3A_1511 = arith.mulf %convert_element_type3A_1503, %mul3A_1510 : vector<16xf32>
        %mul3A_1512 = arith.constant 2.63917518 : f32
        %mul3A_1513 = vector.broadcast %mul3A_1512 : f32 to vector<16xf32>
        %mul3A_1514 = arith.mulf %convert_element_type3A_1508, %mul3A_1513 : vector<16xf32>
        %add3A_1515 = arith.constant 2.63917518 : f32
        %add3A_1516 = vector.broadcast %add3A_1515 : f32 to vector<16xf32>
        %add3A_1517 = arith.addf %mul3A_1511, %add3A_1516 : vector<16xf32>
        %sub3A_1518 = arith.subf %add3A_1517, %mul3A_1511 : vector<16xf32>
        %add3A_1519 = arith.constant 2.63917518 : f32
        %add3A_1520 = vector.broadcast %add3A_1519 : f32 to vector<16xf32>
        %add3A_1521 = arith.addf %mul3A_1514, %add3A_1520 : vector<16xf32>
        %sub3A_1522 = arith.subf %add3A_1521, %mul3A_1514 : vector<16xf32>
        %sub3A_1523 = arith.subf %get3A_285, %mul3A_1511 : vector<16xf32>
        %div3A_1524 = arith.divf %sub3A_1523, %sub3A_1518 : vector<16xf32>
        %sub3A_1525 = arith.subf %get3A_287, %mul3A_1514 : vector<16xf32>
        %div3A_1526 = arith.divf %sub3A_1525, %sub3A_1522 : vector<16xf32>
        %get3A_1527 = arith.index_cast %multiple_of3A_323 : i32 to index
        %get3A_1528 = tpu.vector_load %arg85[%get3A_1527] {strides = array<i32>} : memref<1024xf32, #tpu.memory_space<vmem>>, vector<16xf32>,
        %get3A_1529 = arith.index_cast %multiple_of3A_323 : i32 to index
        %get3A_1530 = tpu.vector_load %arg94[%get3A_1529] {strides = array<i32>} : memref<1024xf32, #tpu.memory_space<vmem>>, vector<16xf32>,
        %add3A_1531 = arith.constant 128 : i32
        %add3A_1532 = arith.addi %multiple_of3A_323, %add3A_1531 : i32
        %get3A_1533 = arith.index_cast %add3A_1532 : i32 to index
        %get3A_1534 = tpu.vector_load %arg85[%get3A_1533] {strides = array<i32>} : memref<1024xf32, #tpu.memory_space<vmem>>, vector<16xf32>,
        %add3A_1535 = arith.constant 128 : i32
        %add3A_1536 = arith.addi %multiple_of3A_323, %add3A_1535 : i32
        %get3A_1537 = arith.index_cast %add3A_1536 : i32 to index
        %get3A_1538 = tpu.vector_load %arg94[%get3A_1537] {strides = array<i32>} : memref<1024xf32, #tpu.memory_space<vmem>>, vector<16xf32>,
        %add3A_1539 = arith.constant 256 : i32
        %add3A_1540 = arith.addi %multiple_of3A_323, %add3A_1539 : i32
        %get3A_1541 = arith.index_cast %add3A_1540 : i32 to index
        %get3A_1542 = tpu.vector_load %arg85[%get3A_1541] {strides = array<i32>} : memref<1024xf32, #tpu.memory_space<vmem>>, vector<16xf32>,
        %add3A_1543 = arith.constant 256 : i32
        %add3A_1544 = arith.addi %multiple_of3A_323, %add3A_1543 : i32
        %get3A_1545 = arith.index_cast %add3A_1544 : i32 to index
        %get3A_1546 = tpu.vector_load %arg94[%get3A_1545] {strides = array<i32>} : memref<1024xf32, #tpu.memory_space<vmem>>, vector<16xf32>,
        %add3A_1547 = arith.constant 384 : i32
        %add3A_1548 = arith.addi %multiple_of3A_323, %add3A_1547 : i32
        %get3A_1549 = arith.index_cast %add3A_1548 : i32 to index
        %get3A_1550 = tpu.vector_load %arg85[%get3A_1549] {strides = array<i32>} : memref<1024xf32, #tpu.memory_space<vmem>>, vector<16xf32>,
        %add3A_1551 = arith.constant 384 : i32
        %add3A_1552 = arith.addi %multiple_of3A_323, %add3A_1551 : i32
        %get3A_1553 = arith.index_cast %add3A_1552 : i32 to index
        %get3A_1554 = tpu.vector_load %arg94[%get3A_1553] {strides = array<i32>} : memref<1024xf32, #tpu.memory_space<vmem>>, vector<16xf32>,
        %sub3A_1555 = arith.constant 1.000000e+00 : f32
        %sub3A_1556 = vector.broadcast %sub3A_1555 : f32 to vector<16xf32>
        %sub3A_1557 = arith.subf %sub3A_1556, %div3A_1526 : vector<16xf32>
        %sub3A_1558 = arith.constant 1.000000e+00 : f32
        %sub3A_1559 = vector.broadcast %sub3A_1558 : f32 to vector<16xf32>
        %sub3A_1560 = arith.subf %sub3A_1559, %div3A_1524 : vector<16xf32>
        %mul3A_1561 = arith.mulf %get3A_1528, %sub3A_1557 : vector<16xf32>
        %mul3A_1562 = arith.mulf %get3A_1534, %div3A_1526 : vector<16xf32>
        %add3A_1563 = arith.addf %mul3A_1561, %mul3A_1562 : vector<16xf32>
        %mul3A_1564 = arith.mulf %add3A_1563, %sub3A_1560 : vector<16xf32>
        %mul3A_1565 = arith.mulf %get3A_1542, %sub3A_1557 : vector<16xf32>
        %mul3A_1566 = arith.mulf %get3A_1550, %div3A_1526 : vector<16xf32>
        %add3A_1567 = arith.addf %mul3A_1565, %mul3A_1566 : vector<16xf32>
        %mul3A_1568 = arith.mulf %add3A_1567, %div3A_1524 : vector<16xf32>
        %add3A_1569 = arith.addf %mul3A_1564, %mul3A_1568 : vector<16xf32>
        %mul3A_1570 = arith.mulf %get3A_1530, %sub3A_1557 : vector<16xf32>
        %mul3A_1571 = arith.mulf %get3A_1538, %div3A_1526 : vector<16xf32>
        %add3A_1572 = arith.addf %mul3A_1570, %mul3A_1571 : vector<16xf32>
        %mul3A_1573 = arith.mulf %add3A_1572, %sub3A_1560 : vector<16xf32>
        %mul3A_1574 = arith.mulf %get3A_1546, %sub3A_1557 : vector<16xf32>
        %mul3A_1575 = arith.mulf %get3A_1554, %div3A_1526 : vector<16xf32>
        %add3A_1576 = arith.addf %mul3A_1574, %mul3A_1575 : vector<16xf32>
        %mul3A_1577 = arith.mulf %add3A_1576, %div3A_1524 : vector<16xf32>
        %add3A_1578 = arith.addf %mul3A_1573, %mul3A_1577 : vector<16xf32>
        %add3A_1579 = arith.constant 6144 : i32
        %add3A_1580 = arith.addi %multiple_of3A_369, %add3A_1579 : i32
        %add3A_1581 = arith.constant 0 : i32
        %add3A_1582 = arith.addi %add3A_1580, %add3A_1581 : i32
        %swap3A_1583 = arith.index_cast %add3A_1582 : i32 to index
        %swap3A_1584 = tpu.vector_load %arg59[%swap3A_1583] {strides = array<i32>} : memref<8192xf32, #tpu.memory_space<vmem>>, vector<16xf32>,
        tpu.vector_store %arg59[%swap3A_1583], %add3A_1569 {strides = array<i32>} : memref<8192xf32, #tpu.memory_space<vmem>>, vector<16xf32>,
        %add3A_1585 = arith.constant 6144 : i32
        %add3A_1586 = arith.addi %multiple_of3A_369, %add3A_1585 : i32
        %add3A_1587 = arith.constant 128 : i32
        %add3A_1588 = arith.addi %add3A_1586, %add3A_1587 : i32
        %swap3A_1589 = arith.index_cast %add3A_1588 : i32 to index
        %swap3A_1590 = tpu.vector_load %arg59[%swap3A_1589] {strides = array<i32>} : memref<8192xf32, #tpu.memory_space<vmem>>, vector<16xf32>,
        tpu.vector_store %arg59[%swap3A_1589], %add3A_1578 {strides = array<i32>} : memref<8192xf32, #tpu.memory_space<vmem>>, vector<16xf32>,
        %div3A_1591 = arith.constant 1.91044772 : f32
        %div3A_1592 = vector.broadcast %div3A_1591 : f32 to vector<16xf32>
        %div3A_1593 = arith.divf %get3A_285, %div3A_1592 : vector<16xf32>
        %convert_element_type3A_1594 = arith.fptosi %div3A_1593 : vector<16xf32> to vector<16xi32>
        %convert_element_type3A_1595 = arith.sitofp %convert_element_type3A_1594 : vector<16xi32> to vector<16xf32>
        %div3A_1596 = arith.constant 1.91044772 : f32
        %div3A_1597 = vector.broadcast %div3A_1596 : f32 to vector<16xf32>
        %div3A_1598 = arith.divf %get3A_287, %div3A_1597 : vector<16xf32>
        %convert_element_type3A_1599 = arith.fptosi %div3A_1598 : vector<16xf32> to vector<16xi32>
        %convert_element_type3A_1600 = arith.sitofp %convert_element_type3A_1599 : vector<16xi32> to vector<16xf32>
        %mul3A_1601 = arith.constant 1.91044772 : f32
        %mul3A_1602 = vector.broadcast %mul3A_1601 : f32 to vector<16xf32>
        %mul3A_1603 = arith.mulf %convert_element_type3A_1595, %mul3A_1602 : vector<16xf32>
        %mul3A_1604 = arith.constant 1.91044772 : f32
        %mul3A_1605 = vector.broadcast %mul3A_1604 : f32 to vector<16xf32>
        %mul3A_1606 = arith.mulf %convert_element_type3A_1600, %mul3A_1605 : vector<16xf32>
        %add3A_1607 = arith.constant 1.91044772 : f32
        %add3A_1608 = vector.broadcast %add3A_1607 : f32 to vector<16xf32>
        %add3A_1609 = arith.addf %mul3A_1603, %add3A_1608 : vector<16xf32>
        %sub3A_1610 = arith.subf %add3A_1609, %mul3A_1603 : vector<16xf32>
        %add3A_1611 = arith.constant 1.91044772 : f32
        %add3A_1612 = vector.broadcast %add3A_1611 : f32 to vector<16xf32>
        %add3A_1613 = arith.addf %mul3A_1606, %add3A_1612 : vector<16xf32>
        %sub3A_1614 = arith.subf %add3A_1613, %mul3A_1606 : vector<16xf32>
        %sub3A_1615 = arith.subf %get3A_285, %mul3A_1603 : vector<16xf32>
        %div3A_1616 = arith.divf %sub3A_1615, %sub3A_1610 : vector<16xf32>
        %sub3A_1617 = arith.subf %get3A_287, %mul3A_1606 : vector<16xf32>
        %div3A_1618 = arith.divf %sub3A_1617, %sub3A_1614 : vector<16xf32>
        %get3A_1619 = arith.index_cast %multiple_of3A_323 : i32 to index
        %get3A_1620 = tpu.vector_load %arg86[%get3A_1619] {strides = array<i32>} : memref<1024xf32, #tpu.memory_space<vmem>>, vector<16xf32>,
        %get3A_1621 = arith.index_cast %multiple_of3A_323 : i32 to index
        %get3A_1622 = tpu.vector_load %arg95[%get3A_1621] {strides = array<i32>} : memref<1024xf32, #tpu.memory_space<vmem>>, vector<16xf32>,
        %add3A_1623 = arith.constant 128 : i32
        %add3A_1624 = arith.addi %multiple_of3A_323, %add3A_1623 : i32
        %get3A_1625 = arith.index_cast %add3A_1624 : i32 to index
        %get3A_1626 = tpu.vector_load %arg86[%get3A_1625] {strides = array<i32>} : memref<1024xf32, #tpu.memory_space<vmem>>, vector<16xf32>,
        %add3A_1627 = arith.constant 128 : i32
        %add3A_1628 = arith.addi %multiple_of3A_323, %add3A_1627 : i32
        %get3A_1629 = arith.index_cast %add3A_1628 : i32 to index
        %get3A_1630 = tpu.vector_load %arg95[%get3A_1629] {strides = array<i32>} : memref<1024xf32, #tpu.memory_space<vmem>>, vector<16xf32>,
        %add3A_1631 = arith.constant 256 : i32
        %add3A_1632 = arith.addi %multiple_of3A_323, %add3A_1631 : i32
        %get3A_1633 = arith.index_cast %add3A_1632 : i32 to index
        %get3A_1634 = tpu.vector_load %arg86[%get3A_1633] {strides = array<i32>} : memref<1024xf32, #tpu.memory_space<vmem>>, vector<16xf32>,
        %add3A_1635 = arith.constant 256 : i32
        %add3A_1636 = arith.addi %multiple_of3A_323, %add3A_1635 : i32
        %get3A_1637 = arith.index_cast %add3A_1636 : i32 to index
        %get3A_1638 = tpu.vector_load %arg95[%get3A_1637] {strides = array<i32>} : memref<1024xf32, #tpu.memory_space<vmem>>, vector<16xf32>,
        %add3A_1639 = arith.constant 384 : i32
        %add3A_1640 = arith.addi %multiple_of3A_323, %add3A_1639 : i32
        %get3A_1641 = arith.index_cast %add3A_1640 : i32 to index
        %get3A_1642 = tpu.vector_load %arg86[%get3A_1641] {strides = array<i32>} : memref<1024xf32, #tpu.memory_space<vmem>>, vector<16xf32>,
        %add3A_1643 = arith.constant 384 : i32
        %add3A_1644 = arith.addi %multiple_of3A_323, %add3A_1643 : i32
        %get3A_1645 = arith.index_cast %add3A_1644 : i32 to index
        %get3A_1646 = tpu.vector_load %arg95[%get3A_1645] {strides = array<i32>} : memref<1024xf32, #tpu.memory_space<vmem>>, vector<16xf32>,
        %sub3A_1647 = arith.constant 1.000000e+00 : f32
        %sub3A_1648 = vector.broadcast %sub3A_1647 : f32 to vector<16xf32>
        %sub3A_1649 = arith.subf %sub3A_1648, %div3A_1618 : vector<16xf32>
        %sub3A_1650 = arith.constant 1.000000e+00 : f32
        %sub3A_1651 = vector.broadcast %sub3A_1650 : f32 to vector<16xf32>
        %sub3A_1652 = arith.subf %sub3A_1651, %div3A_1616 : vector<16xf32>
        %mul3A_1653 = arith.mulf %get3A_1620, %sub3A_1649 : vector<16xf32>
        %mul3A_1654 = arith.mulf %get3A_1626, %div3A_1618 : vector<16xf32>
        %add3A_1655 = arith.addf %mul3A_1653, %mul3A_1654 : vector<16xf32>
        %mul3A_1656 = arith.mulf %add3A_1655, %sub3A_1652 : vector<16xf32>
        %mul3A_1657 = arith.mulf %get3A_1634, %sub3A_1649 : vector<16xf32>
        %mul3A_1658 = arith.mulf %get3A_1642, %div3A_1618 : vector<16xf32>
        %add3A_1659 = arith.addf %mul3A_1657, %mul3A_1658 : vector<16xf32>
        %mul3A_1660 = arith.mulf %add3A_1659, %div3A_1616 : vector<16xf32>
        %add3A_1661 = arith.addf %mul3A_1656, %mul3A_1660 : vector<16xf32>
        %mul3A_1662 = arith.mulf %get3A_1622, %sub3A_1649 : vector<16xf32>
        %mul3A_1663 = arith.mulf %get3A_1630, %div3A_1618 : vector<16xf32>
        %add3A_1664 = arith.addf %mul3A_1662, %mul3A_1663 : vector<16xf32>
        %mul3A_1665 = arith.mulf %add3A_1664, %sub3A_1652 : vector<16xf32>
        %mul3A_1666 = arith.mulf %get3A_1638, %sub3A_1649 : vector<16xf32>
        %mul3A_1667 = arith.mulf %get3A_1646, %div3A_1618 : vector<16xf32>
        %add3A_1668 = arith.addf %mul3A_1666, %mul3A_1667 : vector<16xf32>
        %mul3A_1669 = arith.mulf %add3A_1668, %div3A_1616 : vector<16xf32>
        %add3A_1670 = arith.addf %mul3A_1665, %mul3A_1669 : vector<16xf32>
        %add3A_1671 = arith.constant 6144 : i32
        %add3A_1672 = arith.addi %multiple_of3A_369, %add3A_1671 : i32
        %add3A_1673 = arith.constant 256 : i32
        %add3A_1674 = arith.addi %add3A_1672, %add3A_1673 : i32
        %swap3A_1675 = arith.index_cast %add3A_1674 : i32 to index
        %swap3A_1676 = tpu.vector_load %arg59[%swap3A_1675] {strides = array<i32>} : memref<8192xf32, #tpu.memory_space<vmem>>, vector<16xf32>,
        tpu.vector_store %arg59[%swap3A_1675], %add3A_1661 {strides = array<i32>} : memref<8192xf32, #tpu.memory_space<vmem>>, vector<16xf32>,
        %add3A_1677 = arith.constant 6144 : i32
        %add3A_1678 = arith.addi %multiple_of3A_369, %add3A_1677 : i32
        %add3A_1679 = arith.constant 384 : i32
        %add3A_1680 = arith.addi %add3A_1678, %add3A_1679 : i32
        %swap3A_1681 = arith.index_cast %add3A_1680 : i32 to index
        %swap3A_1682 = tpu.vector_load %arg59[%swap3A_1681] {strides = array<i32>} : memref<8192xf32, #tpu.memory_space<vmem>>, vector<16xf32>,
        tpu.vector_store %arg59[%swap3A_1681], %add3A_1670 {strides = array<i32>} : memref<8192xf32, #tpu.memory_space<vmem>>, vector<16xf32>,
        %div3A_1683 = arith.constant 1.38191628 : f32
        %div3A_1684 = vector.broadcast %div3A_1683 : f32 to vector<16xf32>
        %div3A_1685 = arith.divf %get3A_285, %div3A_1684 : vector<16xf32>
        %convert_element_type3A_1686 = arith.fptosi %div3A_1685 : vector<16xf32> to vector<16xi32>
        %convert_element_type3A_1687 = arith.sitofp %convert_element_type3A_1686 : vector<16xi32> to vector<16xf32>
        %div3A_1688 = arith.constant 1.38191628 : f32
        %div3A_1689 = vector.broadcast %div3A_1688 : f32 to vector<16xf32>
        %div3A_1690 = arith.divf %get3A_287, %div3A_1689 : vector<16xf32>
        %convert_element_type3A_1691 = arith.fptosi %div3A_1690 : vector<16xf32> to vector<16xi32>
        %convert_element_type3A_1692 = arith.sitofp %convert_element_type3A_1691 : vector<16xi32> to vector<16xf32>
        %mul3A_1693 = arith.constant 1.38191628 : f32
        %mul3A_1694 = vector.broadcast %mul3A_1693 : f32 to vector<16xf32>
        %mul3A_1695 = arith.mulf %convert_element_type3A_1687, %mul3A_1694 : vector<16xf32>
        %mul3A_1696 = arith.constant 1.38191628 : f32
        %mul3A_1697 = vector.broadcast %mul3A_1696 : f32 to vector<16xf32>
        %mul3A_1698 = arith.mulf %convert_element_type3A_1692, %mul3A_1697 : vector<16xf32>
        %add3A_1699 = arith.constant 1.38191628 : f32
        %add3A_1700 = vector.broadcast %add3A_1699 : f32 to vector<16xf32>
        %add3A_1701 = arith.addf %mul3A_1695, %add3A_1700 : vector<16xf32>
        %sub3A_1702 = arith.subf %add3A_1701, %mul3A_1695 : vector<16xf32>
        %add3A_1703 = arith.constant 1.38191628 : f32
        %add3A_1704 = vector.broadcast %add3A_1703 : f32 to vector<16xf32>
        %add3A_1705 = arith.addf %mul3A_1698, %add3A_1704 : vector<16xf32>
        %sub3A_1706 = arith.subf %add3A_1705, %mul3A_1698 : vector<16xf32>
        %sub3A_1707 = arith.subf %get3A_285, %mul3A_1695 : vector<16xf32>
        %div3A_1708 = arith.divf %sub3A_1707, %sub3A_1702 : vector<16xf32>
        %sub3A_1709 = arith.subf %get3A_287, %mul3A_1698 : vector<16xf32>
        %div3A_1710 = arith.divf %sub3A_1709, %sub3A_1706 : vector<16xf32>
        %get3A_1711 = arith.index_cast %multiple_of3A_323 : i32 to index
        %get3A_1712 = tpu.vector_load %arg87[%get3A_1711] {strides = array<i32>} : memref<1024xf32, #tpu.memory_space<vmem>>, vector<16xf32>,
        %get3A_1713 = arith.index_cast %multiple_of3A_323 : i32 to index
        %get3A_1714 = tpu.vector_load %arg96[%get3A_1713] {strides = array<i32>} : memref<1024xf32, #tpu.memory_space<vmem>>, vector<16xf32>,
        %add3A_1715 = arith.constant 128 : i32
        %add3A_1716 = arith.addi %multiple_of3A_323, %add3A_1715 : i32
        %get3A_1717 = arith.index_cast %add3A_1716 : i32 to index
        %get3A_1718 = tpu.vector_load %arg87[%get3A_1717] {strides = array<i32>} : memref<1024xf32, #tpu.memory_space<vmem>>, vector<16xf32>,
        %add3A_1719 = arith.constant 128 : i32
        %add3A_1720 = arith.addi %multiple_of3A_323, %add3A_1719 : i32
        %get3A_1721 = arith.index_cast %add3A_1720 : i32 to index
        %get3A_1722 = tpu.vector_load %arg96[%get3A_1721] {strides = array<i32>} : memref<1024xf32, #tpu.memory_space<vmem>>, vector<16xf32>,
        %add3A_1723 = arith.constant 256 : i32
        %add3A_1724 = arith.addi %multiple_of3A_323, %add3A_1723 : i32
        %get3A_1725 = arith.index_cast %add3A_1724 : i32 to index
        %get3A_1726 = tpu.vector_load %arg87[%get3A_1725] {strides = array<i32>} : memref<1024xf32, #tpu.memory_space<vmem>>, vector<16xf32>,
        %add3A_1727 = arith.constant 256 : i32
        %add3A_1728 = arith.addi %multiple_of3A_323, %add3A_1727 : i32
        %get3A_1729 = arith.index_cast %add3A_1728 : i32 to index
        %get3A_1730 = tpu.vector_load %arg96[%get3A_1729] {strides = array<i32>} : memref<1024xf32, #tpu.memory_space<vmem>>, vector<16xf32>,
        %add3A_1731 = arith.constant 384 : i32
        %add3A_1732 = arith.addi %multiple_of3A_323, %add3A_1731 : i32
        %get3A_1733 = arith.index_cast %add3A_1732 : i32 to index
        %get3A_1734 = tpu.vector_load %arg87[%get3A_1733] {strides = array<i32>} : memref<1024xf32, #tpu.memory_space<vmem>>, vector<16xf32>,
        %add3A_1735 = arith.constant 384 : i32
        %add3A_1736 = arith.addi %multiple_of3A_323, %add3A_1735 : i32
        %get3A_1737 = arith.index_cast %add3A_1736 : i32 to index
        %get3A_1738 = tpu.vector_load %arg96[%get3A_1737] {strides = array<i32>} : memref<1024xf32, #tpu.memory_space<vmem>>, vector<16xf32>,
        %sub3A_1739 = arith.constant 1.000000e+00 : f32
        %sub3A_1740 = vector.broadcast %sub3A_1739 : f32 to vector<16xf32>
        %sub3A_1741 = arith.subf %sub3A_1740, %div3A_1710 : vector<16xf32>
        %sub3A_1742 = arith.constant 1.000000e+00 : f32
        %sub3A_1743 = vector.broadcast %sub3A_1742 : f32 to vector<16xf32>
        %sub3A_1744 = arith.subf %sub3A_1743, %div3A_1708 : vector<16xf32>
        %mul3A_1745 = arith.mulf %get3A_1712, %sub3A_1741 : vector<16xf32>
        %mul3A_1746 = arith.mulf %get3A_1718, %div3A_1710 : vector<16xf32>
        %add3A_1747 = arith.addf %mul3A_1745, %mul3A_1746 : vector<16xf32>
        %mul3A_1748 = arith.mulf %add3A_1747, %sub3A_1744 : vector<16xf32>
        %mul3A_1749 = arith.mulf %get3A_1726, %sub3A_1741 : vector<16xf32>
        %mul3A_1750 = arith.mulf %get3A_1734, %div3A_1710 : vector<16xf32>
        %add3A_1751 = arith.addf %mul3A_1749, %mul3A_1750 : vector<16xf32>
        %mul3A_1752 = arith.mulf %add3A_1751, %div3A_1708 : vector<16xf32>
        %add3A_1753 = arith.addf %mul3A_1748, %mul3A_1752 : vector<16xf32>
        %mul3A_1754 = arith.mulf %get3A_1714, %sub3A_1741 : vector<16xf32>
        %mul3A_1755 = arith.mulf %get3A_1722, %div3A_1710 : vector<16xf32>
        %add3A_1756 = arith.addf %mul3A_1754, %mul3A_1755 : vector<16xf32>
        %mul3A_1757 = arith.mulf %add3A_1756, %sub3A_1744 : vector<16xf32>
        %mul3A_1758 = arith.mulf %get3A_1730, %sub3A_1741 : vector<16xf32>
        %mul3A_1759 = arith.mulf %get3A_1738, %div3A_1710 : vector<16xf32>
        %add3A_1760 = arith.addf %mul3A_1758, %mul3A_1759 : vector<16xf32>
        %mul3A_1761 = arith.mulf %add3A_1760, %div3A_1708 : vector<16xf32>
        %add3A_1762 = arith.addf %mul3A_1757, %mul3A_1761 : vector<16xf32>
        %add3A_1763 = arith.constant 6144 : i32
        %add3A_1764 = arith.addi %multiple_of3A_369, %add3A_1763 : i32
        %add3A_1765 = arith.constant 512 : i32
        %add3A_1766 = arith.addi %add3A_1764, %add3A_1765 : i32
        %swap3A_1767 = arith.index_cast %add3A_1766 : i32 to index
        %swap3A_1768 = tpu.vector_load %arg59[%swap3A_1767] {strides = array<i32>} : memref<8192xf32, #tpu.memory_space<vmem>>, vector<16xf32>,
        tpu.vector_store %arg59[%swap3A_1767], %add3A_1753 {strides = array<i32>} : memref<8192xf32, #tpu.memory_space<vmem>>, vector<16xf32>,
        %add3A_1769 = arith.constant 6144 : i32
        %add3A_1770 = arith.addi %multiple_of3A_369, %add3A_1769 : i32
        %add3A_1771 = arith.constant 640 : i32
        %add3A_1772 = arith.addi %add3A_1770, %add3A_1771 : i32
        %swap3A_1773 = arith.index_cast %add3A_1772 : i32 to index
        %swap3A_1774 = tpu.vector_load %arg59[%swap3A_1773] {strides = array<i32>} : memref<8192xf32, #tpu.memory_space<vmem>>, vector<16xf32>,
        tpu.vector_store %arg59[%swap3A_1773], %add3A_1762 {strides = array<i32>} : memref<8192xf32, #tpu.memory_space<vmem>>, vector<16xf32>,
        %div3A_1775 = arith.constant 1.00048852 : f32
        %div3A_1776 = vector.broadcast %div3A_1775 : f32 to vector<16xf32>
        %div3A_1777 = arith.divf %get3A_285, %div3A_1776 : vector<16xf32>
        %convert_element_type3A_1778 = arith.fptosi %div3A_1777 : vector<16xf32> to vector<16xi32>
        %convert_element_type3A_1779 = arith.sitofp %convert_element_type3A_1778 : vector<16xi32> to vector<16xf32>
        %div3A_1780 = arith.constant 1.00048852 : f32
        %div3A_1781 = vector.broadcast %div3A_1780 : f32 to vector<16xf32>
        %div3A_1782 = arith.divf %get3A_287, %div3A_1781 : vector<16xf32>
        %convert_element_type3A_1783 = arith.fptosi %div3A_1782 : vector<16xf32> to vector<16xi32>
        %convert_element_type3A_1784 = arith.sitofp %convert_element_type3A_1783 : vector<16xi32> to vector<16xf32>
        %mul3A_1785 = arith.constant 1.00048852 : f32
        %mul3A_1786 = vector.broadcast %mul3A_1785 : f32 to vector<16xf32>
        %mul3A_1787 = arith.mulf %convert_element_type3A_1779, %mul3A_1786 : vector<16xf32>
        %mul3A_1788 = arith.constant 1.00048852 : f32
        %mul3A_1789 = vector.broadcast %mul3A_1788 : f32 to vector<16xf32>
        %mul3A_1790 = arith.mulf %convert_element_type3A_1784, %mul3A_1789 : vector<16xf32>
        %add3A_1791 = arith.constant 1.00048852 : f32
        %add3A_1792 = vector.broadcast %add3A_1791 : f32 to vector<16xf32>
        %add3A_1793 = arith.addf %mul3A_1787, %add3A_1792 : vector<16xf32>
        %sub3A_1794 = arith.subf %add3A_1793, %mul3A_1787 : vector<16xf32>
        %add3A_1795 = arith.constant 1.00048852 : f32
        %add3A_1796 = vector.broadcast %add3A_1795 : f32 to vector<16xf32>
        %add3A_1797 = arith.addf %mul3A_1790, %add3A_1796 : vector<16xf32>
        %sub3A_1798 = arith.subf %add3A_1797, %mul3A_1790 : vector<16xf32>
        %sub3A_1799 = arith.subf %get3A_285, %mul3A_1787 : vector<16xf32>
        %div3A_1800 = arith.divf %sub3A_1799, %sub3A_1794 : vector<16xf32>
        %sub3A_1801 = arith.subf %get3A_287, %mul3A_1790 : vector<16xf32>
        %div3A_1802 = arith.divf %sub3A_1801, %sub3A_1798 : vector<16xf32>
        %get3A_1803 = arith.index_cast %multiple_of3A_323 : i32 to index
        %get3A_1804 = tpu.vector_load %arg88[%get3A_1803] {strides = array<i32>} : memref<1024xf32, #tpu.memory_space<vmem>>, vector<16xf32>,
        %get3A_1805 = arith.index_cast %multiple_of3A_323 : i32 to index
        %get3A_1806 = tpu.vector_load %arg97[%get3A_1805] {strides = array<i32>} : memref<1024xf32, #tpu.memory_space<vmem>>, vector<16xf32>,
        %add3A_1807 = arith.constant 128 : i32
        %add3A_1808 = arith.addi %multiple_of3A_323, %add3A_1807 : i32
        %get3A_1809 = arith.index_cast %add3A_1808 : i32 to index
        %get3A_1810 = tpu.vector_load %arg88[%get3A_1809] {strides = array<i32>} : memref<1024xf32, #tpu.memory_space<vmem>>, vector<16xf32>,
        %add3A_1811 = arith.constant 128 : i32
        %add3A_1812 = arith.addi %multiple_of3A_323, %add3A_1811 : i32
        %get3A_1813 = arith.index_cast %add3A_1812 : i32 to index
        %get3A_1814 = tpu.vector_load %arg97[%get3A_1813] {strides = array<i32>} : memref<1024xf32, #tpu.memory_space<vmem>>, vector<16xf32>,
        %add3A_1815 = arith.constant 256 : i32
        %add3A_1816 = arith.addi %multiple_of3A_323, %add3A_1815 : i32
        %get3A_1817 = arith.index_cast %add3A_1816 : i32 to index
        %get3A_1818 = tpu.vector_load %arg88[%get3A_1817] {strides = array<i32>} : memref<1024xf32, #tpu.memory_space<vmem>>, vector<16xf32>,
        %add3A_1819 = arith.constant 256 : i32
        %add3A_1820 = arith.addi %multiple_of3A_323, %add3A_1819 : i32
        %get3A_1821 = arith.index_cast %add3A_1820 : i32 to index
        %get3A_1822 = tpu.vector_load %arg97[%get3A_1821] {strides = array<i32>} : memref<1024xf32, #tpu.memory_space<vmem>>, vector<16xf32>,
        %add3A_1823 = arith.constant 384 : i32
        %add3A_1824 = arith.addi %multiple_of3A_323, %add3A_1823 : i32
        %get3A_1825 = arith.index_cast %add3A_1824 : i32 to index
        %get3A_1826 = tpu.vector_load %arg88[%get3A_1825] {strides = array<i32>} : memref<1024xf32, #tpu.memory_space<vmem>>, vector<16xf32>,
        %add3A_1827 = arith.constant 384 : i32
        %add3A_1828 = arith.addi %multiple_of3A_323, %add3A_1827 : i32
        %get3A_1829 = arith.index_cast %add3A_1828 : i32 to index
        %get3A_1830 = tpu.vector_load %arg97[%get3A_1829] {strides = array<i32>} : memref<1024xf32, #tpu.memory_space<vmem>>, vector<16xf32>,
        %sub3A_1831 = arith.constant 1.000000e+00 : f32
        %sub3A_1832 = vector.broadcast %sub3A_1831 : f32 to vector<16xf32>
        %sub3A_1833 = arith.subf %sub3A_1832, %div3A_1802 : vector<16xf32>
        %sub3A_1834 = arith.constant 1.000000e+00 : f32
        %sub3A_1835 = vector.broadcast %sub3A_1834 : f32 to vector<16xf32>
        %sub3A_1836 = arith.subf %sub3A_1835, %div3A_1800 : vector<16xf32>
        %mul3A_1837 = arith.mulf %get3A_1804, %sub3A_1833 : vector<16xf32>
        %mul3A_1838 = arith.mulf %get3A_1810, %div3A_1802 : vector<16xf32>
        %add3A_1839 = arith.addf %mul3A_1837, %mul3A_1838 : vector<16xf32>
        %mul3A_1840 = arith.mulf %add3A_1839, %sub3A_1836 : vector<16xf32>
        %mul3A_1841 = arith.mulf %get3A_1818, %sub3A_1833 : vector<16xf32>
        %mul3A_1842 = arith.mulf %get3A_1826, %div3A_1802 : vector<16xf32>
        %add3A_1843 = arith.addf %mul3A_1841, %mul3A_1842 : vector<16xf32>
        %mul3A_1844 = arith.mulf %add3A_1843, %div3A_1800 : vector<16xf32>
        %add3A_1845 = arith.addf %mul3A_1840, %mul3A_1844 : vector<16xf32>
        %mul3A_1846 = arith.mulf %get3A_1806, %sub3A_1833 : vector<16xf32>
        %mul3A_1847 = arith.mulf %get3A_1814, %div3A_1802 : vector<16xf32>
        %add3A_1848 = arith.addf %mul3A_1846, %mul3A_1847 : vector<16xf32>
        %mul3A_1849 = arith.mulf %add3A_1848, %sub3A_1836 : vector<16xf32>
        %mul3A_1850 = arith.mulf %get3A_1822, %sub3A_1833 : vector<16xf32>
        %mul3A_1851 = arith.mulf %get3A_1830, %div3A_1802 : vector<16xf32>
        %add3A_1852 = arith.addf %mul3A_1850, %mul3A_1851 : vector<16xf32>
        %mul3A_1853 = arith.mulf %add3A_1852, %div3A_1800 : vector<16xf32>
        %add3A_1854 = arith.addf %mul3A_1849, %mul3A_1853 : vector<16xf32>
        %add3A_1855 = arith.constant 6144 : i32
        %add3A_1856 = arith.addi %multiple_of3A_369, %add3A_1855 : i32
        %add3A_1857 = arith.constant 768 : i32
        %add3A_1858 = arith.addi %add3A_1856, %add3A_1857 : i32
        %swap3A_1859 = arith.index_cast %add3A_1858 : i32 to index
        %swap3A_1860 = tpu.vector_load %arg59[%swap3A_1859] {strides = array<i32>} : memref<8192xf32, #tpu.memory_space<vmem>>, vector<16xf32>,
        tpu.vector_store %arg59[%swap3A_1859], %add3A_1845 {strides = array<i32>} : memref<8192xf32, #tpu.memory_space<vmem>>, vector<16xf32>,
        %add3A_1861 = arith.constant 6144 : i32
        %add3A_1862 = arith.addi %multiple_of3A_369, %add3A_1861 : i32
        %add3A_1863 = arith.constant 896 : i32
        %add3A_1864 = arith.addi %add3A_1862, %add3A_1863 : i32
        %swap3A_1865 = arith.index_cast %add3A_1864 : i32 to index
        %swap3A_1866 = tpu.vector_load %arg59[%swap3A_1865] {strides = array<i32>} : memref<8192xf32, #tpu.memory_space<vmem>>, vector<16xf32>,
        tpu.vector_store %arg59[%swap3A_1865], %add3A_1854 {strides = array<i32>} : memref<8192xf32, #tpu.memory_space<vmem>>, vector<16xf32>,
      }
      %scan3A_113 = arith.constant 16 : i32
      %mul3A_114 = arith.constant 2 : i32
      %mul3A_115 = arith.muli %add3A_9, %mul3A_114 : i32
      %add3A_116 = arith.constant 0 : i32
      %add3A_117 = arith.addi %add3A_116, %mul3A_115 : i32
      %mul3A_118 = arith.constant 1024 : i32
      %mul3A_119 = arith.muli %add3A_117, %mul3A_118 : i32
      %dma_start3A_120 = arith.constant 0 : i32
      %dma_start3A_121 = tpu.memref_slice %arg59[%dma_start3A_120] : memref<8192xf32, #tpu.memory_space<vmem>> -> memref<2048xf32, #tpu.memory_space<vmem>>
      %dma_start3A_122 = tpu.memref_slice %arg40[%mul3A_119] : memref<8388608xf32, #tpu.memory_space<hbm>> -> memref<2048xf32, #tpu.memory_space<hbm>>
      %dma_start3A_123 = tpu.memref_slice %arg40[%mul3A_119] : memref<8388608xf32, #tpu.memory_space<hbm>> -> memref<2048xf32, #tpu.memory_space<hbm>>
      %dma_start3A_124 = arith.constant 0 : i32
      %dma_start3A_125 = tpu.memref_slice %arg59[%dma_start3A_124] : memref<8192xf32, #tpu.memory_space<vmem>> -> memref<2048xf32, #tpu.memory_space<vmem>>
      tpu.enqueue_dma source(%dma_start3A_125 : memref<2048xf32, #tpu.memory_space<vmem>>) target(%dma_start3A_123 : memref<2048xf32, #tpu.memory_space<hbm>>) target_semaphore(%arg113 : memref<!tpu.dma_semaphore, #tpu.memory_space<semaphore_mem>>)
      %mul3A_126 = arith.constant 2 : i32
      %mul3A_127 = arith.muli %add3A_9, %mul3A_126 : i32
      %add3A_128 = arith.constant 2048 : i32
      %add3A_129 = arith.addi %add3A_128, %mul3A_127 : i32
      %mul3A_130 = arith.constant 1024 : i32
      %mul3A_131 = arith.muli %add3A_129, %mul3A_130 : i32
      %dma_start3A_132 = arith.constant 2048 : i32
      %dma_start3A_133 = tpu.memref_slice %arg59[%dma_start3A_132] : memref<8192xf32, #tpu.memory_space<vmem>> -> memref<2048xf32, #tpu.memory_space<vmem>>
      %dma_start3A_134 = tpu.memref_slice %arg40[%mul3A_131] : memref<8388608xf32, #tpu.memory_space<hbm>> -> memref<2048xf32, #tpu.memory_space<hbm>>
      %dma_start3A_135 = tpu.memref_slice %arg40[%mul3A_131] : memref<8388608xf32, #tpu.memory_space<hbm>> -> memref<2048xf32, #tpu.memory_space<hbm>>
      %dma_start3A_136 = arith.constant 2048 : i32
      %dma_start3A_137 = tpu.memref_slice %arg59[%dma_start3A_136] : memref<8192xf32, #tpu.memory_space<vmem>> -> memref<2048xf32, #tpu.memory_space<vmem>>
      tpu.enqueue_dma source(%dma_start3A_137 : memref<2048xf32, #tpu.memory_space<vmem>>) target(%dma_start3A_135 : memref<2048xf32, #tpu.memory_space<hbm>>) target_semaphore(%arg113 : memref<!tpu.dma_semaphore, #tpu.memory_space<semaphore_mem>>)
      %mul3A_138 = arith.constant 2 : i32
      %mul3A_139 = arith.muli %add3A_9, %mul3A_138 : i32
      %add3A_140 = arith.constant 4096 : i32
      %add3A_141 = arith.addi %add3A_140, %mul3A_139 : i32
      %mul3A_142 = arith.constant 1024 : i32
      %mul3A_143 = arith.muli %add3A_141, %mul3A_142 : i32
      %dma_start3A_144 = arith.constant 4096 : i32
      %dma_start3A_145 = tpu.memref_slice %arg59[%dma_start3A_144] : memref<8192xf32, #tpu.memory_space<vmem>> -> memref<2048xf32, #tpu.memory_space<vmem>>
      %dma_start3A_146 = tpu.memref_slice %arg40[%mul3A_143] : memref<8388608xf32, #tpu.memory_space<hbm>> -> memref<2048xf32, #tpu.memory_space<hbm>>
      %dma_start3A_147 = tpu.memref_slice %arg40[%mul3A_143] : memref<8388608xf32, #tpu.memory_space<hbm>> -> memref<2048xf32, #tpu.memory_space<hbm>>
      %dma_start3A_148 = arith.constant 4096 : i32
      %dma_start3A_149 = tpu.memref_slice %arg59[%dma_start3A_148] : memref<8192xf32, #tpu.memory_space<vmem>> -> memref<2048xf32, #tpu.memory_space<vmem>>
      tpu.enqueue_dma source(%dma_start3A_149 : memref<2048xf32, #tpu.memory_space<vmem>>) target(%dma_start3A_147 : memref<2048xf32, #tpu.memory_space<hbm>>) target_semaphore(%arg113 : memref<!tpu.dma_semaphore, #tpu.memory_space<semaphore_mem>>)
      %mul3A_150 = arith.constant 2 : i32
      %mul3A_151 = arith.muli %add3A_9, %mul3A_150 : i32
      %add3A_152 = arith.constant 6144 : i32
      %add3A_153 = arith.addi %add3A_152, %mul3A_151 : i32
      %mul3A_154 = arith.constant 1024 : i32
      %mul3A_155 = arith.muli %add3A_153, %mul3A_154 : i32
      %dma_start3A_156 = arith.constant 6144 : i32
      %dma_start3A_157 = tpu.memref_slice %arg59[%dma_start3A_156] : memref<8192xf32, #tpu.memory_space<vmem>> -> memref<2048xf32, #tpu.memory_space<vmem>>
      %dma_start3A_158 = tpu.memref_slice %arg40[%mul3A_155] : memref<8388608xf32, #tpu.memory_space<hbm>> -> memref<2048xf32, #tpu.memory_space<hbm>>
      %dma_start3A_159 = tpu.memref_slice %arg40[%mul3A_155] : memref<8388608xf32, #tpu.memory_space<hbm>> -> memref<2048xf32, #tpu.memory_space<hbm>>
      %dma_start3A_160 = arith.constant 6144 : i32
      %dma_start3A_161 = tpu.memref_slice %arg59[%dma_start3A_160] : memref<8192xf32, #tpu.memory_space<vmem>> -> memref<2048xf32, #tpu.memory_space<vmem>>
      tpu.enqueue_dma source(%dma_start3A_161 : memref<2048xf32, #tpu.memory_space<vmem>>) target(%dma_start3A_159 : memref<2048xf32, #tpu.memory_space<hbm>>) target_semaphore(%arg113 : memref<!tpu.dma_semaphore, #tpu.memory_space<semaphore_mem>>)
      %mul3A_162 = arith.constant 1024 : i32
      %mul3A_163 = arith.muli %add3A_9, %mul3A_162 : i32
      %dma_start3A_164 = tpu.memref_slice %arg41[%mul3A_163] : memref<1048576xi32, #tpu.memory_space<hbm>> -> memref<1024xi32, #tpu.memory_space<hbm>>
      %dma_start3A_165 = tpu.memref_slice %arg41[%mul3A_163] : memref<1048576xi32, #tpu.memory_space<hbm>> -> memref<1024xi32, #tpu.memory_space<hbm>>
      tpu.enqueue_dma source(%arg60 : memref<1024xi32, #tpu.memory_space<vmem>>) target(%dma_start3A_165 : memref<1024xi32, #tpu.memory_space<hbm>>) target_semaphore(%arg113 : memref<!tpu.dma_semaphore, #tpu.memory_space<semaphore_mem>>)
      %mul3A_166 = arith.constant 1024 : i32
      %mul3A_167 = arith.muli %add3A_9, %mul3A_166 : i32
      %dma_start3A_168 = tpu.memref_slice %arg42[%mul3A_167] : memref<1048576xi32, #tpu.memory_space<hbm>> -> memref<1024xi32, #tpu.memory_space<hbm>>
      %dma_start3A_169 = tpu.memref_slice %arg42[%mul3A_167] : memref<1048576xi32, #tpu.memory_space<hbm>> -> memref<1024xi32, #tpu.memory_space<hbm>>
      tpu.enqueue_dma source(%arg61 : memref<1024xi32, #tpu.memory_space<vmem>>) target(%dma_start3A_169 : memref<1024xi32, #tpu.memory_space<hbm>>) target_semaphore(%arg113 : memref<!tpu.dma_semaphore, #tpu.memory_space<semaphore_mem>>)
      %mul3A_170 = arith.constant 1024 : i32
      %mul3A_171 = arith.muli %add3A_9, %mul3A_170 : i32
      %dma_start3A_172 = tpu.memref_slice %arg43[%mul3A_171] : memref<1048576xi32, #tpu.memory_space<hbm>> -> memref<1024xi32, #tpu.memory_space<hbm>>
      %dma_start3A_173 = tpu.memref_slice %arg43[%mul3A_171] : memref<1048576xi32, #tpu.memory_space<hbm>> -> memref<1024xi32, #tpu.memory_space<hbm>>
      tpu.enqueue_dma source(%arg62 : memref<1024xi32, #tpu.memory_space<vmem>>) target(%dma_start3A_173 : memref<1024xi32, #tpu.memory_space<hbm>>) target_semaphore(%arg113 : memref<!tpu.dma_semaphore, #tpu.memory_space<semaphore_mem>>)
      %mul3A_174 = arith.constant 1024 : i32
      %mul3A_175 = arith.muli %add3A_9, %mul3A_174 : i32
      %dma_start3A_176 = tpu.memref_slice %arg44[%mul3A_175] : memref<1048576xi32, #tpu.memory_space<hbm>> -> memref<1024xi32, #tpu.memory_space<hbm>>
      %dma_start3A_177 = tpu.memref_slice %arg44[%mul3A_175] : memref<1048576xi32, #tpu.memory_space<hbm>> -> memref<1024xi32, #tpu.memory_space<hbm>>
      tpu.enqueue_dma source(%arg63 : memref<1024xi32, #tpu.memory_space<vmem>>) target(%dma_start3A_177 : memref<1024xi32, #tpu.memory_space<hbm>>) target_semaphore(%arg113 : memref<!tpu.dma_semaphore, #tpu.memory_space<semaphore_mem>>)
      %mul3A_178 = arith.constant 1024 : i32
      %mul3A_179 = arith.muli %add3A_9, %mul3A_178 : i32
      %dma_start3A_180 = tpu.memref_slice %arg45[%mul3A_179] : memref<1048576xi32, #tpu.memory_space<hbm>> -> memref<1024xi32, #tpu.memory_space<hbm>>
      %dma_start3A_181 = tpu.memref_slice %arg45[%mul3A_179] : memref<1048576xi32, #tpu.memory_space<hbm>> -> memref<1024xi32, #tpu.memory_space<hbm>>
      tpu.enqueue_dma source(%arg64 : memref<1024xi32, #tpu.memory_space<vmem>>) target(%dma_start3A_181 : memref<1024xi32, #tpu.memory_space<hbm>>) target_semaphore(%arg113 : memref<!tpu.dma_semaphore, #tpu.memory_space<semaphore_mem>>)
      %mul3A_182 = arith.constant 1024 : i32
      %mul3A_183 = arith.muli %add3A_9, %mul3A_182 : i32
      %dma_start3A_184 = tpu.memref_slice %arg46[%mul3A_183] : memref<1048576xi32, #tpu.memory_space<hbm>> -> memref<1024xi32, #tpu.memory_space<hbm>>
      %dma_start3A_185 = tpu.memref_slice %arg46[%mul3A_183] : memref<1048576xi32, #tpu.memory_space<hbm>> -> memref<1024xi32, #tpu.memory_space<hbm>>
      tpu.enqueue_dma source(%arg65 : memref<1024xi32, #tpu.memory_space<vmem>>) target(%dma_start3A_185 : memref<1024xi32, #tpu.memory_space<hbm>>) target_semaphore(%arg113 : memref<!tpu.dma_semaphore, #tpu.memory_space<semaphore_mem>>)
      %mul3A_186 = arith.constant 1024 : i32
      %mul3A_187 = arith.muli %add3A_9, %mul3A_186 : i32
      %dma_start3A_188 = tpu.memref_slice %arg47[%mul3A_187] : memref<1048576xi32, #tpu.memory_space<hbm>> -> memref<1024xi32, #tpu.memory_space<hbm>>
      %dma_start3A_189 = tpu.memref_slice %arg47[%mul3A_187] : memref<1048576xi32, #tpu.memory_space<hbm>> -> memref<1024xi32, #tpu.memory_space<hbm>>
      tpu.enqueue_dma source(%arg66 : memref<1024xi32, #tpu.memory_space<vmem>>) target(%dma_start3A_189 : memref<1024xi32, #tpu.memory_space<hbm>>) target_semaphore(%arg113 : memref<!tpu.dma_semaphore, #tpu.memory_space<semaphore_mem>>)
      %mul3A_190 = arith.constant 1024 : i32
      %mul3A_191 = arith.muli %add3A_9, %mul3A_190 : i32
      %dma_start3A_192 = tpu.memref_slice %arg48[%mul3A_191] : memref<1048576xi32, #tpu.memory_space<hbm>> -> memref<1024xi32, #tpu.memory_space<hbm>>
      %dma_start3A_193 = tpu.memref_slice %arg48[%mul3A_191] : memref<1048576xi32, #tpu.memory_space<hbm>> -> memref<1024xi32, #tpu.memory_space<hbm>>
      tpu.enqueue_dma source(%arg67 : memref<1024xi32, #tpu.memory_space<vmem>>) target(%dma_start3A_193 : memref<1024xi32, #tpu.memory_space<hbm>>) target_semaphore(%arg113 : memref<!tpu.dma_semaphore, #tpu.memory_space<semaphore_mem>>)
      %mul3A_194 = arith.constant 1024 : i32
      %mul3A_195 = arith.muli %add3A_9, %mul3A_194 : i32
      %dma_start3A_196 = tpu.memref_slice %arg49[%mul3A_195] : memref<1048576xi32, #tpu.memory_space<hbm>> -> memref<1024xi32, #tpu.memory_space<hbm>>
      %dma_start3A_197 = tpu.memref_slice %arg49[%mul3A_195] : memref<1048576xi32, #tpu.memory_space<hbm>> -> memref<1024xi32, #tpu.memory_space<hbm>>
      tpu.enqueue_dma source(%arg68 : memref<1024xi32, #tpu.memory_space<vmem>>) target(%dma_start3A_197 : memref<1024xi32, #tpu.memory_space<hbm>>) target_semaphore(%arg113 : memref<!tpu.dma_semaphore, #tpu.memory_space<semaphore_mem>>)
      %mul3A_198 = arith.constant 1024 : i32
      %mul3A_199 = arith.muli %add3A_9, %mul3A_198 : i32
      %dma_start3A_200 = tpu.memref_slice %arg50[%mul3A_199] : memref<1048576xi32, #tpu.memory_space<hbm>> -> memref<1024xi32, #tpu.memory_space<hbm>>
      %dma_start3A_201 = tpu.memref_slice %arg50[%mul3A_199] : memref<1048576xi32, #tpu.memory_space<hbm>> -> memref<1024xi32, #tpu.memory_space<hbm>>
      tpu.enqueue_dma source(%arg69 : memref<1024xi32, #tpu.memory_space<vmem>>) target(%dma_start3A_201 : memref<1024xi32, #tpu.memory_space<hbm>>) target_semaphore(%arg113 : memref<!tpu.dma_semaphore, #tpu.memory_space<semaphore_mem>>)
      %mul3A_202 = arith.constant 1024 : i32
      %mul3A_203 = arith.muli %add3A_9, %mul3A_202 : i32
      %dma_start3A_204 = tpu.memref_slice %arg51[%mul3A_203] : memref<1048576xi32, #tpu.memory_space<hbm>> -> memref<1024xi32, #tpu.memory_space<hbm>>
      %dma_start3A_205 = tpu.memref_slice %arg51[%mul3A_203] : memref<1048576xi32, #tpu.memory_space<hbm>> -> memref<1024xi32, #tpu.memory_space<hbm>>
      tpu.enqueue_dma source(%arg70 : memref<1024xi32, #tpu.memory_space<vmem>>) target(%dma_start3A_205 : memref<1024xi32, #tpu.memory_space<hbm>>) target_semaphore(%arg113 : memref<!tpu.dma_semaphore, #tpu.memory_space<semaphore_mem>>)
      %mul3A_206 = arith.constant 1024 : i32
      %mul3A_207 = arith.muli %add3A_9, %mul3A_206 : i32
      %dma_start3A_208 = tpu.memref_slice %arg52[%mul3A_207] : memref<1048576xi32, #tpu.memory_space<hbm>> -> memref<1024xi32, #tpu.memory_space<hbm>>
      %dma_start3A_209 = tpu.memref_slice %arg52[%mul3A_207] : memref<1048576xi32, #tpu.memory_space<hbm>> -> memref<1024xi32, #tpu.memory_space<hbm>>
      tpu.enqueue_dma source(%arg71 : memref<1024xi32, #tpu.memory_space<vmem>>) target(%dma_start3A_209 : memref<1024xi32, #tpu.memory_space<hbm>>) target_semaphore(%arg113 : memref<!tpu.dma_semaphore, #tpu.memory_space<semaphore_mem>>)
      %mul3A_210 = arith.constant 1024 : i32
      %mul3A_211 = arith.muli %add3A_9, %mul3A_210 : i32
      %dma_start3A_212 = tpu.memref_slice %arg53[%mul3A_211] : memref<1048576xi32, #tpu.memory_space<hbm>> -> memref<1024xi32, #tpu.memory_space<hbm>>
      %dma_start3A_213 = tpu.memref_slice %arg53[%mul3A_211] : memref<1048576xi32, #tpu.memory_space<hbm>> -> memref<1024xi32, #tpu.memory_space<hbm>>
      tpu.enqueue_dma source(%arg72 : memref<1024xi32, #tpu.memory_space<vmem>>) target(%dma_start3A_213 : memref<1024xi32, #tpu.memory_space<hbm>>) target_semaphore(%arg113 : memref<!tpu.dma_semaphore, #tpu.memory_space<semaphore_mem>>)
      %mul3A_214 = arith.constant 1024 : i32
      %mul3A_215 = arith.muli %add3A_9, %mul3A_214 : i32
      %dma_start3A_216 = tpu.memref_slice %arg54[%mul3A_215] : memref<1048576xi32, #tpu.memory_space<hbm>> -> memref<1024xi32, #tpu.memory_space<hbm>>
      %dma_start3A_217 = tpu.memref_slice %arg54[%mul3A_215] : memref<1048576xi32, #tpu.memory_space<hbm>> -> memref<1024xi32, #tpu.memory_space<hbm>>
      tpu.enqueue_dma source(%arg73 : memref<1024xi32, #tpu.memory_space<vmem>>) target(%dma_start3A_217 : memref<1024xi32, #tpu.memory_space<hbm>>) target_semaphore(%arg113 : memref<!tpu.dma_semaphore, #tpu.memory_space<semaphore_mem>>)
      %mul3A_218 = arith.constant 1024 : i32
      %mul3A_219 = arith.muli %add3A_9, %mul3A_218 : i32
      %dma_start3A_220 = tpu.memref_slice %arg55[%mul3A_219] : memref<1048576xi32, #tpu.memory_space<hbm>> -> memref<1024xi32, #tpu.memory_space<hbm>>
      %dma_start3A_221 = tpu.memref_slice %arg55[%mul3A_219] : memref<1048576xi32, #tpu.memory_space<hbm>> -> memref<1024xi32, #tpu.memory_space<hbm>>
      tpu.enqueue_dma source(%arg74 : memref<1024xi32, #tpu.memory_space<vmem>>) target(%dma_start3A_221 : memref<1024xi32, #tpu.memory_space<hbm>>) target_semaphore(%arg113 : memref<!tpu.dma_semaphore, #tpu.memory_space<semaphore_mem>>)
      %mul3A_222 = arith.constant 1024 : i32
      %mul3A_223 = arith.muli %add3A_9, %mul3A_222 : i32
      %dma_start3A_224 = tpu.memref_slice %arg56[%mul3A_223] : memref<1048576xi32, #tpu.memory_space<hbm>> -> memref<1024xi32, #tpu.memory_space<hbm>>
      %dma_start3A_225 = tpu.memref_slice %arg56[%mul3A_223] : memref<1048576xi32, #tpu.memory_space<hbm>> -> memref<1024xi32, #tpu.memory_space<hbm>>
      tpu.enqueue_dma source(%arg75 : memref<1024xi32, #tpu.memory_space<vmem>>) target(%dma_start3A_225 : memref<1024xi32, #tpu.memory_space<hbm>>) target_semaphore(%arg113 : memref<!tpu.dma_semaphore, #tpu.memory_space<semaphore_mem>>)
      %dma_wait3A_226 = arith.constant 0 : i32
      %dma_wait3A_227 = tpu.memref_slice %arg59[%dma_wait3A_226] : memref<8192xf32, #tpu.memory_space<vmem>> -> memref<2048xf32, #tpu.memory_space<vmem>>
      %dma_wait3A_228 = tpu.memref_slice %arg40[%mul3A_119] : memref<8388608xf32, #tpu.memory_space<hbm>> -> memref<2048xf32, #tpu.memory_space<hbm>>
      %dma_wait3A_229 = tpu.memref_slice %arg40[%mul3A_119] : memref<8388608xf32, #tpu.memory_space<hbm>> -> memref<2048xf32, #tpu.memory_space<hbm>>
      %dma_wait3A_230 = arith.constant 0 : i32
      %dma_wait3A_231 = tpu.memref_slice %arg59[%dma_wait3A_230] : memref<8192xf32, #tpu.memory_space<vmem>> -> memref<2048xf32, #tpu.memory_space<vmem>>
      tpu.wait_dma2 semaphore(%arg113 : memref<!tpu.dma_semaphore, #tpu.memory_space<semaphore_mem>>) src(%dma_wait3A_231 : memref<2048xf32, #tpu.memory_space<vmem>>) dst(%dma_wait3A_229 : memref<2048xf32, #tpu.memory_space<hbm>>)
      %dma_wait3A_232 = arith.constant 2048 : i32
      %dma_wait3A_233 = tpu.memref_slice %arg59[%dma_wait3A_232] : memref<8192xf32, #tpu.memory_space<vmem>> -> memref<2048xf32, #tpu.memory_space<vmem>>
      %dma_wait3A_234 = tpu.memref_slice %arg40[%mul3A_131] : memref<8388608xf32, #tpu.memory_space<hbm>> -> memref<2048xf32, #tpu.memory_space<hbm>>
      %dma_wait3A_235 = tpu.memref_slice %arg40[%mul3A_131] : memref<8388608xf32, #tpu.memory_space<hbm>> -> memref<2048xf32, #tpu.memory_space<hbm>>
      %dma_wait3A_236 = arith.constant 2048 : i32
      %dma_wait3A_237 = tpu.memref_slice %arg59[%dma_wait3A_236] : memref<8192xf32, #tpu.memory_space<vmem>> -> memref<2048xf32, #tpu.memory_space<vmem>>
      tpu.wait_dma2 semaphore(%arg113 : memref<!tpu.dma_semaphore, #tpu.memory_space<semaphore_mem>>) src(%dma_wait3A_237 : memref<2048xf32, #tpu.memory_space<vmem>>) dst(%dma_wait3A_235 : memref<2048xf32, #tpu.memory_space<hbm>>)
      %dma_wait3A_238 = arith.constant 4096 : i32
      %dma_wait3A_239 = tpu.memref_slice %arg59[%dma_wait3A_238] : memref<8192xf32, #tpu.memory_space<vmem>> -> memref<2048xf32, #tpu.memory_space<vmem>>
      %dma_wait3A_240 = tpu.memref_slice %arg40[%mul3A_143] : memref<8388608xf32, #tpu.memory_space<hbm>> -> memref<2048xf32, #tpu.memory_space<hbm>>
      %dma_wait3A_241 = tpu.memref_slice %arg40[%mul3A_143] : memref<8388608xf32, #tpu.memory_space<hbm>> -> memref<2048xf32, #tpu.memory_space<hbm>>
      %dma_wait3A_242 = arith.constant 4096 : i32
      %dma_wait3A_243 = tpu.memref_slice %arg59[%dma_wait3A_242] : memref<8192xf32, #tpu.memory_space<vmem>> -> memref<2048xf32, #tpu.memory_space<vmem>>
      tpu.wait_dma2 semaphore(%arg113 : memref<!tpu.dma_semaphore, #tpu.memory_space<semaphore_mem>>) src(%dma_wait3A_243 : memref<2048xf32, #tpu.memory_space<vmem>>) dst(%dma_wait3A_241 : memref<2048xf32, #tpu.memory_space<hbm>>)
      %dma_wait3A_244 = arith.constant 6144 : i32
      %dma_wait3A_245 = tpu.memref_slice %arg59[%dma_wait3A_244] : memref<8192xf32, #tpu.memory_space<vmem>> -> memref<2048xf32, #tpu.memory_space<vmem>>
      %dma_wait3A_246 = tpu.memref_slice %arg40[%mul3A_155] : memref<8388608xf32, #tpu.memory_space<hbm>> -> memref<2048xf32, #tpu.memory_space<hbm>>
      %dma_wait3A_247 = tpu.memref_slice %arg40[%mul3A_155] : memref<8388608xf32, #tpu.memory_space<hbm>> -> memref<2048xf32, #tpu.memory_space<hbm>>
      %dma_wait3A_248 = arith.constant 6144 : i32
      %dma_wait3A_249 = tpu.memref_slice %arg59[%dma_wait3A_248] : memref<8192xf32, #tpu.memory_space<vmem>> -> memref<2048xf32, #tpu.memory_space<vmem>>
      tpu.wait_dma2 semaphore(%arg113 : memref<!tpu.dma_semaphore, #tpu.memory_space<semaphore_mem>>) src(%dma_wait3A_249 : memref<2048xf32, #tpu.memory_space<vmem>>) dst(%dma_wait3A_247 : memref<2048xf32, #tpu.memory_space<hbm>>)
      %dma_wait3A_250 = tpu.memref_slice %arg41[%mul3A_163] : memref<1048576xi32, #tpu.memory_space<hbm>> -> memref<1024xi32, #tpu.memory_space<hbm>>
      %dma_wait3A_251 = tpu.memref_slice %arg41[%mul3A_163] : memref<1048576xi32, #tpu.memory_space<hbm>> -> memref<1024xi32, #tpu.memory_space<hbm>>
      tpu.wait_dma2 semaphore(%arg113 : memref<!tpu.dma_semaphore, #tpu.memory_space<semaphore_mem>>) src(%arg60 : memref<1024xi32, #tpu.memory_space<vmem>>) dst(%dma_wait3A_251 : memref<1024xi32, #tpu.memory_space<hbm>>)
      %dma_wait3A_252 = tpu.memref_slice %arg42[%mul3A_167] : memref<1048576xi32, #tpu.memory_space<hbm>> -> memref<1024xi32, #tpu.memory_space<hbm>>
      %dma_wait3A_253 = tpu.memref_slice %arg42[%mul3A_167] : memref<1048576xi32, #tpu.memory_space<hbm>> -> memref<1024xi32, #tpu.memory_space<hbm>>
      tpu.wait_dma2 semaphore(%arg113 : memref<!tpu.dma_semaphore, #tpu.memory_space<semaphore_mem>>) src(%arg61 : memref<1024xi32, #tpu.memory_space<vmem>>) dst(%dma_wait3A_253 : memref<1024xi32, #tpu.memory_space<hbm>>)
      %dma_wait3A_254 = tpu.memref_slice %arg43[%mul3A_171] : memref<1048576xi32, #tpu.memory_space<hbm>> -> memref<1024xi32, #tpu.memory_space<hbm>>
      %dma_wait3A_255 = tpu.memref_slice %arg43[%mul3A_171] : memref<1048576xi32, #tpu.memory_space<hbm>> -> memref<1024xi32, #tpu.memory_space<hbm>>
      tpu.wait_dma2 semaphore(%arg113 : memref<!tpu.dma_semaphore, #tpu.memory_space<semaphore_mem>>) src(%arg62 : memref<1024xi32, #tpu.memory_space<vmem>>) dst(%dma_wait3A_255 : memref<1024xi32, #tpu.memory_space<hbm>>)
      %dma_wait3A_256 = tpu.memref_slice %arg44[%mul3A_175] : memref<1048576xi32, #tpu.memory_space<hbm>> -> memref<1024xi32, #tpu.memory_space<hbm>>
      %dma_wait3A_257 = tpu.memref_slice %arg44[%mul3A_175] : memref<1048576xi32, #tpu.memory_space<hbm>> -> memref<1024xi32, #tpu.memory_space<hbm>>
      tpu.wait_dma2 semaphore(%arg113 : memref<!tpu.dma_semaphore, #tpu.memory_space<semaphore_mem>>) src(%arg63 : memref<1024xi32, #tpu.memory_space<vmem>>) dst(%dma_wait3A_257 : memref<1024xi32, #tpu.memory_space<hbm>>)
      %dma_wait3A_258 = tpu.memref_slice %arg45[%mul3A_179] : memref<1048576xi32, #tpu.memory_space<hbm>> -> memref<1024xi32, #tpu.memory_space<hbm>>
      %dma_wait3A_259 = tpu.memref_slice %arg45[%mul3A_179] : memref<1048576xi32, #tpu.memory_space<hbm>> -> memref<1024xi32, #tpu.memory_space<hbm>>
      tpu.wait_dma2 semaphore(%arg113 : memref<!tpu.dma_semaphore, #tpu.memory_space<semaphore_mem>>) src(%arg64 : memref<1024xi32, #tpu.memory_space<vmem>>) dst(%dma_wait3A_259 : memref<1024xi32, #tpu.memory_space<hbm>>)
      %dma_wait3A_260 = tpu.memref_slice %arg46[%mul3A_183] : memref<1048576xi32, #tpu.memory_space<hbm>> -> memref<1024xi32, #tpu.memory_space<hbm>>
      %dma_wait3A_261 = tpu.memref_slice %arg46[%mul3A_183] : memref<1048576xi32, #tpu.memory_space<hbm>> -> memref<1024xi32, #tpu.memory_space<hbm>>
      tpu.wait_dma2 semaphore(%arg113 : memref<!tpu.dma_semaphore, #tpu.memory_space<semaphore_mem>>) src(%arg65 : memref<1024xi32, #tpu.memory_space<vmem>>) dst(%dma_wait3A_261 : memref<1024xi32, #tpu.memory_space<hbm>>)
      %dma_wait3A_262 = tpu.memref_slice %arg47[%mul3A_187] : memref<1048576xi32, #tpu.memory_space<hbm>> -> memref<1024xi32, #tpu.memory_space<hbm>>
      %dma_wait3A_263 = tpu.memref_slice %arg47[%mul3A_187] : memref<1048576xi32, #tpu.memory_space<hbm>> -> memref<1024xi32, #tpu.memory_space<hbm>>
      tpu.wait_dma2 semaphore(%arg113 : memref<!tpu.dma_semaphore, #tpu.memory_space<semaphore_mem>>) src(%arg66 : memref<1024xi32, #tpu.memory_space<vmem>>) dst(%dma_wait3A_263 : memref<1024xi32, #tpu.memory_space<hbm>>)
      %dma_wait3A_264 = tpu.memref_slice %arg48[%mul3A_191] : memref<1048576xi32, #tpu.memory_space<hbm>> -> memref<1024xi32, #tpu.memory_space<hbm>>
      %dma_wait3A_265 = tpu.memref_slice %arg48[%mul3A_191] : memref<1048576xi32, #tpu.memory_space<hbm>> -> memref<1024xi32, #tpu.memory_space<hbm>>
      tpu.wait_dma2 semaphore(%arg113 : memref<!tpu.dma_semaphore, #tpu.memory_space<semaphore_mem>>) src(%arg67 : memref<1024xi32, #tpu.memory_space<vmem>>) dst(%dma_wait3A_265 : memref<1024xi32, #tpu.memory_space<hbm>>)
      %dma_wait3A_266 = tpu.memref_slice %arg49[%mul3A_195] : memref<1048576xi32, #tpu.memory_space<hbm>> -> memref<1024xi32, #tpu.memory_space<hbm>>
      %dma_wait3A_267 = tpu.memref_slice %arg49[%mul3A_195] : memref<1048576xi32, #tpu.memory_space<hbm>> -> memref<1024xi32, #tpu.memory_space<hbm>>
      tpu.wait_dma2 semaphore(%arg113 : memref<!tpu.dma_semaphore, #tpu.memory_space<semaphore_mem>>) src(%arg68 : memref<1024xi32, #tpu.memory_space<vmem>>) dst(%dma_wait3A_267 : memref<1024xi32, #tpu.memory_space<hbm>>)
      %dma_wait3A_268 = tpu.memref_slice %arg50[%mul3A_199] : memref<1048576xi32, #tpu.memory_space<hbm>> -> memref<1024xi32, #tpu.memory_space<hbm>>
      %dma_wait3A_269 = tpu.memref_slice %arg50[%mul3A_199] : memref<1048576xi32, #tpu.memory_space<hbm>> -> memref<1024xi32, #tpu.memory_space<hbm>>
      tpu.wait_dma2 semaphore(%arg113 : memref<!tpu.dma_semaphore, #tpu.memory_space<semaphore_mem>>) src(%arg69 : memref<1024xi32, #tpu.memory_space<vmem>>) dst(%dma_wait3A_269 : memref<1024xi32, #tpu.memory_space<hbm>>)
      %dma_wait3A_270 = tpu.memref_slice %arg51[%mul3A_203] : memref<1048576xi32, #tpu.memory_space<hbm>> -> memref<1024xi32, #tpu.memory_space<hbm>>
      %dma_wait3A_271 = tpu.memref_slice %arg51[%mul3A_203] : memref<1048576xi32, #tpu.memory_space<hbm>> -> memref<1024xi32, #tpu.memory_space<hbm>>
      tpu.wait_dma2 semaphore(%arg113 : memref<!tpu.dma_semaphore, #tpu.memory_space<semaphore_mem>>) src(%arg70 : memref<1024xi32, #tpu.memory_space<vmem>>) dst(%dma_wait3A_271 : memref<1024xi32, #tpu.memory_space<hbm>>)
      %dma_wait3A_272 = tpu.memref_slice %arg52[%mul3A_207] : memref<1048576xi32, #tpu.memory_space<hbm>> -> memref<1024xi32, #tpu.memory_space<hbm>>
      %dma_wait3A_273 = tpu.memref_slice %arg52[%mul3A_207] : memref<1048576xi32, #tpu.memory_space<hbm>> -> memref<1024xi32, #tpu.memory_space<hbm>>
      tpu.wait_dma2 semaphore(%arg113 : memref<!tpu.dma_semaphore, #tpu.memory_space<semaphore_mem>>) src(%arg71 : memref<1024xi32, #tpu.memory_space<vmem>>) dst(%dma_wait3A_273 : memref<1024xi32, #tpu.memory_space<hbm>>)
      %dma_wait3A_274 = tpu.memref_slice %arg53[%mul3A_211] : memref<1048576xi32, #tpu.memory_space<hbm>> -> memref<1024xi32, #tpu.memory_space<hbm>>
      %dma_wait3A_275 = tpu.memref_slice %arg53[%mul3A_211] : memref<1048576xi32, #tpu.memory_space<hbm>> -> memref<1024xi32, #tpu.memory_space<hbm>>
      tpu.wait_dma2 semaphore(%arg113 : memref<!tpu.dma_semaphore, #tpu.memory_space<semaphore_mem>>) src(%arg72 : memref<1024xi32, #tpu.memory_space<vmem>>) dst(%dma_wait3A_275 : memref<1024xi32, #tpu.memory_space<hbm>>)
      %dma_wait3A_276 = tpu.memref_slice %arg54[%mul3A_215] : memref<1048576xi32, #tpu.memory_space<hbm>> -> memref<1024xi32, #tpu.memory_space<hbm>>
      %dma_wait3A_277 = tpu.memref_slice %arg54[%mul3A_215] : memref<1048576xi32, #tpu.memory_space<hbm>> -> memref<1024xi32, #tpu.memory_space<hbm>>
      tpu.wait_dma2 semaphore(%arg113 : memref<!tpu.dma_semaphore, #tpu.memory_space<semaphore_mem>>) src(%arg73 : memref<1024xi32, #tpu.memory_space<vmem>>) dst(%dma_wait3A_277 : memref<1024xi32, #tpu.memory_space<hbm>>)
      %dma_wait3A_278 = tpu.memref_slice %arg55[%mul3A_219] : memref<1048576xi32, #tpu.memory_space<hbm>> -> memref<1024xi32, #tpu.memory_space<hbm>>
      %dma_wait3A_279 = tpu.memref_slice %arg55[%mul3A_219] : memref<1048576xi32, #tpu.memory_space<hbm>> -> memref<1024xi32, #tpu.memory_space<hbm>>
      tpu.wait_dma2 semaphore(%arg113 : memref<!tpu.dma_semaphore, #tpu.memory_space<semaphore_mem>>) src(%arg74 : memref<1024xi32, #tpu.memory_space<vmem>>) dst(%dma_wait3A_279 : memref<1024xi32, #tpu.memory_space<hbm>>)
      %dma_wait3A_280 = tpu.memref_slice %arg56[%mul3A_223] : memref<1048576xi32, #tpu.memory_space<hbm>> -> memref<1024xi32, #tpu.memory_space<hbm>>
      %dma_wait3A_281 = tpu.memref_slice %arg56[%mul3A_223] : memref<1048576xi32, #tpu.memory_space<hbm>> -> memref<1024xi32, #tpu.memory_space<hbm>>
      tpu.wait_dma2 semaphore(%arg113 : memref<!tpu.dma_semaphore, #tpu.memory_space<semaphore_mem>>) src(%arg75 : memref<1024xi32, #tpu.memory_space<vmem>>) dst(%dma_wait3A_281 : memref<1024xi32, #tpu.memory_space<hbm>>)
    }
    %scan3A_5 = arith.constant 32 : i32
    return
  }
}

</mosaic_0001>

<sc_bundles>
// kernel: _run.3.cloned.1.call-start
scs
__scs_entry_jumppad:
0x0: {  	(pc) =	sbr.rel $0x88, $3  }
0x1: {  	(tag) =	ssettag $0x0;
	lr =	simm.s32 $0x1  }
0x2: {  	[smem:$0x3F90] =	sst lr;
	_ =	strace $0xD0000000  }
0x3: {  	_ = 	snop  }
0x4: {  	_ = 	snop  }
0x5: {  	_ = 	snop  }
0x6: {  	_ = 	snop  }
0x7: {  	_ = 	snop  }
__scs_overlays_trampoline_lowered:
0x8: {  	[smem:$0x3F9F] =	sst s0  }
0x9: {  	[smem:$0x3FA0] =	sst s1  }
0xa: {  	[smem:$0x3FA1] =	sst s2  }
0xb: {  	[smem:$0x3FA2] =	sst s3  }
0xc: {  	[smem:$0x3FA3] =	sst s4  }
0xd: {  	[smem:$0x3FA4] =	sst s5  }
0xe: {  	[smem:$0x3FA5] =	sst s6  }
0xf: {  	[smem:$0x3FA6] =	sst s7  }
0x10: {  	[smem:$0x3FA7] =	sst s8  }
0x11: {  	[smem:$0x3FA8] =	sst s9;
	s0 =	simm.s32 @!p0 $0x0  }
0x12: {  	s1 =	sld [smem:$0x3F8E];
	s0 =	simm.s32 @p0 $0x1  }
0x13: {  	[smem:$0x3FA9] =	sst s0;
	s0 =	simm.s32 @!p1 $0x0  }
0x14: {  	s2 =	sld [smem:$0x3F8D];
	s0 =	simm.s32 @p1 $0x1  }
0x15: {  	[smem:$0x3FAA] =	sst s0;
	s0 =	simm.s32 @!p2 $0x0  }
0x16: {  	s3 =	sld [smem:$0x3FDB];
	s0 =	simm.s32 @p2 $0x1  }
0x17: {  	s4 =	simm.s32 $0x1BF5;
	[smem:$0x3FAC] =	sst s0  }
0x18: {  	s0 =	sld [smem:$0x3F8F];
	_ =	swait.ge [sflag:s4], $0x0  }
0x19: {  	s7 =	sld [smem:$0x3F90]  }
0x1a: {  	s8 =	sadd.s32 $0xFFFFE003, lr  }
0x1b: {  	s9 =	sadd.s32 $0xFFFFFEF7, lr;
	s5 =	simm.s32 $0xFFFFFFFF;
	p2 =	slt.u32 s8, $0xFFFFF086  }
0x1c: {  	p1 =	slt.u32 s9, $0xF7A;
	s5 =	simm.s32 @!p2 $0x0  }
0x1d: {  	s5 =	simm.s32 @p1 $0x1;
	p0 =	seq.s32 s7, s2  }
0x1e: {  	s7 =	smul.u32 @!p0 $0xF7A, s2;
	p2 =	seq.s32 @!p0 s5, $0x0  }
0x1f: {  	s9 =	smul.u32 $0xF7A, s1;
	s8 =	simm.s32 @!p0 $0x1BF5;
	p2 =	por !p2, p0  }
0x20: {  	[sflag:s8] =	ssyncset.s32 @!p0 $0xFFFFF086;
	s6 =	sadd.s32 @!p0 s3, s7;
	s7 =	simm.s32 @!p0 $0x108  }
0x21: {  	s3 =	sadd.s32 s3, s9;
	s6 =	sadd.s32 @!p0 $0x88, s6;
	s7 =	simm.s32 @p2 $0x1082  }
0x22: {  	[simem:s7], [sflag:s8] =	dma.local @!p0 [hbm:s6], $0xF7A  }
0x23: {  	s9 =	sor.u32 $0xD0000000, s2;
	s6 =	simm.s32 $0x108;
	_ =	swait.ge @!p0 [sflag:s8], $0x0  }
0x24: {  	s3 =	sadd.s32 $0x88, s3;
	s6 =	simm.s32 @!p1 $0x1082;
	[sflag:s4] =	ssyncset.s32 $0xFFFFF086  }
0x25: {  	[simem:s6], [sflag:s4] =	dma.local [hbm:s3], $0xF7A  }
0x26: {  	[smem:$0x3F90] =	sst s1;
	(tag) =	ssettag s2;
	_ =	strace s9  }
0x27: {  	s1 =	sld [smem:$0x3FA0]  }
0x28: {  	s2 =	sld [smem:$0x3FA1]  }
0x29: {  	s4 =	sld [smem:$0x3FA3]  }
0x2a: {  	p0 =	seq.s32 s5, $0x0;
	s5 =	sld [smem:$0x3FA4]  }
0x2b: {  	s6 =	sld [smem:$0x3FA5]  }
0x2c: {  	s7 =	sld [smem:$0x3FA6]  }
0x2d: {  	s3 =	simm.s32 $0x108;
	s8 =	sld [smem:$0x3FA7]  }
0x2e: {  	s3 =	simm.s32 @!p0 $0x1082;
	s9 =	sld [smem:$0x3FA8]  }
0x2f: {  	lr =	sadd.s32 s0, s3;
	s0 =	sld [smem:$0x3F9F]  }
0x30: {  	s3 =	sld [smem:$0x3FA2]  }
0x31: {  	[smem:$0x3FAB] =	sst s10  }
0x32: {  	s10 =	sld [smem:$0x3FA9];
	_ =	sdelay $0x3  }
0x33: {  	p0 =	seq.s32 s10, $0x1;
	s10 =	sld [smem:$0x3FAB];
	_ =	sdelay $0x3  }
0x34: {  	[smem:$0x3FAB] =	sst s10  }
0x35: {  	s10 =	sld [smem:$0x3FAA];
	_ =	sdelay $0x3  }
0x36: {  	p1 =	seq.s32 s10, $0x1;
	s10 =	sld [smem:$0x3FAB];
	_ =	sdelay $0x3  }
0x37: {  	[smem:$0x3FAB] =	sst s10  }
0x38: {  	s10 =	sld [smem:$0x3FAC]  }
0x39: {  	_ = 	snop;
	(pc) =	sbr.ind lr, $3  }
0x3a: {  	_ = 	snop  }
0x3b: {  	_ = 	snop  }
0x3c: {  	p2 =	seq.s32 s10, $0x1;
	s10 =	sld [smem:$0x3FAB]  }
0x3d: {  	_ =	shalt  }
0x3e: {  	_ =	shalt  }
0x3f: {  	_ =	shalt  }
0x40: {  	_ =	shalt  }
0x41: {  	_ =	shalt  }
0x42: {  	_ =	shalt  }
0x43: {  	_ =	shalt  }
0x44: {  	_ =	shalt  }
0x45: {  	_ =	shalt  }
0x46: {  	_ =	shalt  }
0x47: {  	_ =	shalt  }
0x48: {  	_ =	shalt  }
0x49: {  	_ =	shalt  }
0x4a: {  	_ =	shalt  }
0x4b: {  	_ =	shalt  }
0x4c: {  	_ =	shalt  }
0x4d: {  	_ =	shalt  }
0x4e: {  	_ =	shalt  }
0x4f: {  	_ =	shalt  }
0x50: {  	_ =	shalt  }
0x51: {  	_ =	shalt  }
0x52: {  	_ =	shalt  }
0x53: {  	_ =	shalt  }
0x54: {  	_ =	shalt  }
0x55: {  	_ =	shalt  }
0x56: {  	_ =	shalt  }
0x57: {  	_ =	shalt  }
0x58: {  	_ =	shalt  }
0x59: {  	_ =	shalt  }
0x5a: {  	_ =	shalt  }
0x5b: {  	_ =	shalt  }
0x5c: {  	_ =	shalt  }
0x5d: {  	_ =	shalt  }
0x5e: {  	_ =	shalt  }
0x5f: {  	_ =	shalt  }
0x60: {  	_ =	shalt  }
0x61: {  	_ =	shalt  }
0x62: {  	_ =	shalt  }
0x63: {  	_ =	shalt  }
0x64: {  	_ =	shalt  }
0x65: {  	_ =	shalt  }
0x66: {  	_ =	shalt  }
0x67: {  	_ =	shalt  }
0x68: {  	_ =	shalt  }
0x69: {  	_ =	shalt  }
0x6a: {  	_ =	shalt  }
0x6b: {  	_ =	shalt  }
0x6c: {  	_ =	shalt  }
0x6d: {  	_ =	shalt  }
0x6e: {  	_ =	shalt  }
0x6f: {  	_ =	shalt  }
0x70: {  	_ =	shalt  }
0x71: {  	_ =	shalt  }
0x72: {  	_ =	shalt  }
0x73: {  	_ =	shalt  }
0x74: {  	_ =	shalt  }
0x75: {  	_ =	shalt  }
0x76: {  	_ =	shalt  }
0x77: {  	_ =	shalt  }
0x78: {  	_ =	shalt  }
0x79: {  	_ =	shalt  }
0x7a: {  	_ =	shalt  }
0x7b: {  	_ =	shalt  }
0x7c: {  	_ =	shalt  }
0x7d: {  	_ =	shalt  }
0x7e: {  	_ =	shalt  }
0x7f: {  	_ =	shalt  }
0x80: {  	_ =	shalt  }
0x81: {  	_ =	shalt  }
0x82: {  	_ =	shalt  }
0x83: {  	_ =	shalt  }
0x84: {  	_ =	shalt  }
0x85: {  	_ =	shalt  }
0x86: {  	_ =	shalt  }
0x87: {  	_ =	shalt  }
.Lfunc_end0:
.L_simem_size_0:
called_computation_lowered:
.L_overlay_start_0:
0x88: {  	s2 =	sld [smem:$0x3FD9]  }
0x89: {  	s3 =	sld [smem:$0x3FFE];
	_ =	sdelay $0x1  }
0x8a: {  	s1 =	srdreg.scid  }
0x8b: {  	s0 =	sand.u32 $0x1, s1  }
0x8c: {  	s30 =	sshll.u32 s0, $0xA;
	s2 =	sadd.s32 s3, s2  }
0x8d: {  	s2 =	sadd.s32 s2, s30  }
0x8e: {  	[smem:$0x3FB7] =	sst s2  }
0x8f: {  	_ = 	snop  }
0x90: {  	s15 =	sld [smem:$0x3FD0];
	_ =	sdelay $0x2  }
0x91: {  	s19 =	simm.s32 $0xA;
	s20 =	simm.s32 $0x10  }
0x92: {  	[smem:s20], [sflag:s19] =	dma.local [hbm:s15], $0x1  }
0x93: {  	_ =	swait.eq [sflag:s19], $0x1  }
0x94: {  	s2 =	sld [smem:$0x10]  }
0x95: {  	s3 =	sld [smem:$0x11]  }
0x96: {  	s4 =	sld [smem:$0x12]  }
0x97: {  	s5 =	sld [smem:$0x13]  }
0x98: {  	s6 =	sld [smem:$0x14]  }
0x99: {  	s7 =	sld [smem:$0x15];
	[sflag:s19] =	ssyncset.done $0x0  }
0x9a: {  	s8 =	sld [smem:$0x16];
	[sflag:s19] =	ssyncadd.s32 $0xFFFFFFFF  }
0x9b: {  	s10 =	sadd.s32 $0x1, s15;
	s9 =	sld [smem:$0x17]  }
0x9c: {  	[smem:s20], [sflag:s19] =	dma.local [hbm:s10], $0x1  }
0x9d: {  	_ =	swait.eq [sflag:s19], $0x1  }
0x9e: {  	s10 =	sld [smem:$0x10]  }
0x9f: {  	s11 =	sld [smem:$0x11]  }
0xa0: {  	s12 =	sld [smem:$0x12]  }
0xa1: {  	s13 =	sld [smem:$0x13]  }
0xa2: {  	s14 =	sld [smem:$0x14]  }
0xa3: {  	s16 =	sld [smem:$0x15];
	[sflag:s19] =	ssyncset.done $0x0  }
0xa4: {  	s17 =	sld [smem:$0x16];
	[sflag:s19] =	ssyncadd.s32 $0xFFFFFFFF  }
0xa5: {  	s15 =	sadd.s32 $0x2, s15;
	s18 =	sld [smem:$0x17]  }
0xa6: {  	[smem:s20], [sflag:s19] =	dma.local [hbm:s15], $0x1  }
0xa7: {  	_ =	swait.eq [sflag:s19], $0x1  }
0xa8: {  	[sflag:s19] =	ssyncset.done $0x0  }
0xa9: {  	[sflag:s19] =	ssyncadd.s32 $0xFFFFFFFF  }
0xaa: {  	s19 =	sld [smem:$0x10];
	(tm) =	ssettm $0x1  }
0xab: {  	s31 =	sld [smem:$0x3FFB];
	_ =	sdelay $0x3  }
0xac: {  	_ =	strace s31  }
0xad: {  	s15 =	sld [smem:$0x3FFC];
	_ =	sdelay $0x3  }
0xae: {  	_ =	strace s15  }
0xaf: {  	s15 =	sld [smem:$0x3FFD];
	_ =	sdelay $0x3  }
0xb0: {  	_ =	strace s15  }
0xb1: {  	_ =	strace $0x8FFFFFFF  }
0xb2: {  	s20 =	sld [smem:$0x3FDB];
	_ =	sdelay $0x1  }
0xb3: {  	s23 =	simm.s32 $_scs_section_size  }
0xb4: {  	s21 =	simm.s32 $_size__tile_task_arg_handler_lowered;
	s22 =	simm.s32 $_tile_task_arg_handler_lowered  }
0xb5: {  	s26 =	simm.s32 $0x1BFF;
	s25 =	sshll.u32 s22, $0x1;
	s20 =	sadd.s32 s23, s20  }
0xb6: {  	s24 =	sshll.u32 s21, $0x1;
	s23 =	simm.s32 $0x60;
	s21 =	sadd.s32 s25, s20  }
0xb7: {  	[timem:s23], [sflag:s26] =	dma.local [hbm:s21], s24  }
0xb8: {  	_ =	swait.ge [sflag:s26], s24  }
0xb9: {  	s28 =	simm.s32 $_tile_overlayer_lowered;
	s15 =	ssub.s32 $0x0, s24;
	[sflag:s26] =	ssyncset.done $0x0  }
0xba: {  	s29 =	simm.s32 $_size__tile_overlayer_lowered;
	s21 =	sshll.u32 s28, $0x1;
	[sflag:s26] =	ssyncadd.s32 s15  }
0xbb: {  	s30 =	sshll.u32 s29, $0x1;
	s21 =	sadd.s32 s21, s20;
	s15 =	simm.s32 $0x0  }
0xbc: {  	[timem:s15], [sflag:s26] =	dma.local [hbm:s21], s30  }
0xbd: {  	_ =	swait.ge [sflag:s26], s30  }
0xbe: {  	s31 =	ssub.s32 $0x0, s30;
	[sflag:s26] =	ssyncset.done $0x0  }
0xbf: {  	[sflag:s26] =	ssyncadd.s32 s31;
	_ =	sdelay $0x1  }
0xc0: {  	s23 =	simm.s32 $0x1B8B  }
0xc1: {  	_ =	swait.ge [sflag:s23], $0x1  }
0xc2: {  	[sflag:s23] =	ssyncset.done $0x0  }
0xc3: {  	s25 =	simm.s32 $0x1B8E;
	s24 =	sld [smem:$0x3FFE];
	[sflag:s23] =	ssyncadd.s32 $0xFFFFFFFF  }
0xc4: {  	s26 =	simm.s32 $execute0_lowered;
	[smem:$0x3FD2] =	sst s25  }
0xc5: {  	s22 =	sshll.u32 s26, $0x1;
	_ =	strace $0x80000046;
	[dreg:$0x1] =	wrdreg $0xFFFFFFFF  }
0xc6: {  	s28 =	simm.s32 $_size_execute0_lowered;
	s20 =	sadd.s32 s20, s22;
	[dreg:$0x0] =	wrdreg $0x0  }
0xc7: {  	s22 =	sshll.u32 s28, $0x1;
	[dreg:$0x2] =	wrdreg s20  }
0xc8: {  	[dreg:$0x3] =	wrdreg s22  }
0xc9: {  	[dreg:$0x4] =	wrdreg $0xC0  }
0xca: {  	_ =	task [dreg:s15], $0x5FFFF  }
0xcb: {  	[dreg:$0x1] =	wrdreg $0xFFFFFFFF  }
0xcc: {  	[dreg:$0x0] =	wrdreg $0x30  }
0xcd: {  	[dreg:$0x2] =	wrdreg $0x0  }
0xce: {  	[dreg:$0x3] =	wrdreg s16  }
0xcf: {  	[dreg:$0x4] =	wrdreg s17  }
0xd0: {  	[dreg:$0x5] =	wrdreg s18  }
0xd1: {  	[dreg:$0x6] =	wrdreg s19  }
0xd2: {  	[dreg:$0x7] =	wrdreg $0x9  }
0xd3: {  	_ =	task [dreg:s15], $0x8FFFF  }
0xd4: {  	[dreg:$0x1] =	wrdreg $0xFFFFFFFF  }
0xd5: {  	[dreg:$0x0] =	wrdreg $0x60  }
0xd6: {  	[dreg:$0x2] =	wrdreg s24  }
0xd7: {  	[dreg:$0x3] =	wrdreg s2  }
0xd8: {  	[dreg:$0x4] =	wrdreg s3  }
0xd9: {  	[dreg:$0x5] =	wrdreg s4  }
0xda: {  	[dreg:$0x6] =	wrdreg s5  }
0xdb: {  	[dreg:$0x7] =	wrdreg s6  }
0xdc: {  	[dreg:$0x8] =	wrdreg s7  }
0xdd: {  	[dreg:$0x9] =	wrdreg s8  }
0xde: {  	[dreg:$0xa] =	wrdreg s9  }
0xdf: {  	[dreg:$0xb] =	wrdreg s10  }
0xe0: {  	[dreg:$0xc] =	wrdreg s11  }
0xe1: {  	[dreg:$0xd] =	wrdreg s12  }
0xe2: {  	[dreg:$0xe] =	wrdreg s13  }
0xe3: {  	[dreg:$0xf] =	wrdreg s14  }
0xe4: {  	_ =	task.clear_ibuf [dreg:s15], $0x10FFFF;
	_ =	strace $0x90000046  }
0xe5: {  	s29 =	simm.s32 $0x9;
	_ =	strace $0x80000048  }
0xe6: {  	_ =	swait.ge [sflag:s29], $0x1  }
0xe7: {  	[sflag:s29] =	ssyncadd.s32 $0xFFFFFFFF  }
0xe8: {  	_ =	strace $0x90000048  }
0xe9: {  	_ =	sfence  }
0xea: {  	s30 =	sld [smem:$0x0];
	_ =	sdelay $0x2  }
0xeb: {  	s31 =	sshll.u32 s1, $0xD;
	s1 =	sshrl.u32 s1, $0x2  }
0xec: {  	s3 =	sand.u32 $0x4000, s31;
	s1 =	sadd.s32 s1, s30  }
0xed: {  	s0 =	sor.u32 s3, s0;
	s1 =	sshll.u32 s1, $0x11  }
0xee: {  	s0 =	sor.u32 s1, s0  }
0xef: {  	s0 =	sadd.s32 $0x8F2B, s0  }
0xf0: {  	[sflag:s0] =	ssyncadd.remote.s32 $0x1  }
0xf1: {  	_ =	sfence.sel $0xFFFF  }
0xf2: {  	[dreg:$0x0] =	wrdreg $0xFFFFFFFF;
	(pc) =	sbr.abs _section_cstart, $3  }
0xf3: {  	[dreg:$0x1] =	wrdreg $0xFFFFFFFF  }
0xf4: {  	_ =	task.clear_ibuf [dreg:s15], $0x2FFFF;
	_ =	strace $0x9FFFFFFF  }
0xf5: {  	(tm) =	ssettm $0x7FFFFFFF  }
tec
_tile_task_arg_handler_lowered:
.L_overlay_start_1:
0x0: {  	(tag) =	ssettag $0x1  }
0x1: {  	s0 =	rddreg [dreg:$0x0]  }
0x2: {  	s1 =	rddreg [dreg:$0x1]  }
0x3: {  	s2 =	rddreg [dreg:$0x2]  }
0x4: {  	s3 =	rddreg [dreg:$0x3]  }
0x5: {  	s4 =	rddreg [dreg:$0x4]  }
0x6: {  	s5 =	rddreg [dreg:$0x5]  }
0x7: {  	s6 =	rddreg [dreg:$0x6]  }
0x8: {  	s7 =	rddreg [dreg:$0x7]  }
0x9: {  	s8 =	rddreg [dreg:$0x8]  }
0xa: {  	s9 =	rddreg [dreg:$0x9]  }
0xb: {  	s10 =	rddreg [dreg:$0xa]  }
0xc: {  	s11 =	rddreg [dreg:$0xb]  }
0xd: {  	s12 =	rddreg [dreg:$0xc]  }
0xe: {  	s13 =	rddreg [dreg:$0xd]  }
0xf: {  	[smem:s0] =	sst s1  }
0x10: {  	[smem:s0+$0x1] =	sst s2  }
0x11: {  	[smem:s0+$0x2] =	sst s3  }
0x12: {  	[smem:s0+$0x3] =	sst s4  }
0x13: {  	[smem:s0+$0x4] =	sst s5  }
0x14: {  	[smem:s0+$0x5] =	sst s6  }
0x15: {  	[smem:s0+$0x6] =	sst s7  }
0x16: {  	[smem:s0+$0x7] =	sst s8  }
0x17: {  	[smem:s0+$0x8] =	sst s9  }
0x18: {  	[smem:s0+$0x9] =	sst s10  }
0x19: {  	[smem:s0+$0xA] =	sst s11  }
0x1a: {  	[smem:s0+$0xB] =	sst s12  }
0x1b: {  	[smem:s0+$0xC] =	sst s13;
	_ =	shalt  }
.Lfunc_end2:
execute0_lowered:
.L_overlay_start_2:
0x1c: {  	(tag) =	ssettag $0x2  }
0x1d: {  	s4 =	rddreg [dreg:$0x0]  }
0x1e: {  	s5 =	rddreg [dreg:$0x1];
	s15 =	simm.s32 $0x0  }
0x1f: {  	[smem:$0x7FF] =	sst s15  }
0x20: {  	s0 =	sld [smem:$0x0]  }
0x21: {  	s1 =	sld [smem:$0x1]  }
0x22: {  	s2 =	sld [smem:$0x2]  }
0x23: {  	s3 =	sld [smem:$0x3]  }
0x24: {  	s6 =	sld [smem:$0x4]  }
0x25: {  	[dreg:$0xf] =	wrdreg s0  }
0x26: {  	[dreg:$0x10] =	wrdreg s1  }
0x27: {  	[dreg:$0x11] =	wrdreg s2  }
0x28: {  	[dreg:$0x12] =	wrdreg s3  }
0x29: {  	[dreg:$0xe] =	wrdreg s6;
	s1 =	sadd.s32 $0x1F000, s4  }
0x2a: {  	s9 =	sadd.s32 $0x17000, s4;
	_ =	strace $0x80000047;
	[dreg:$0x13] =	wrdreg s1  }
0x2b: {  	s10 =	sadd.s32 $0x200, s4;
	[dreg:$0x14] =	wrdreg s9  }
0x2c: {  	s12 =	sadd.s32 $0x600, s4;
	[dreg:$0x16] =	wrdreg s10  }
0x2d: {  	s13 =	sadd.s32 $0xA00, s4;
	[dreg:$0x18] =	wrdreg s12  }
0x2e: {  	s14 =	sadd.s32 $0xE00, s4;
	[dreg:$0x19] =	wrdreg s13  }
0x2f: {  	s16 =	sadd.s32 $0x1200, s4;
	[dreg:$0x1a] =	wrdreg s14  }
0x30: {  	s17 =	sadd.s32 $0x1800, s4;
	[dreg:$0x1b] =	wrdreg s16  }
0x31: {  	s18 =	sadd.s32 $0x2400, s4;
	[dreg:$0x1c] =	wrdreg s17  }
0x32: {  	s19 =	sadd.s32 $0x3800, s4;
	[dreg:$0x1d] =	wrdreg s18  }
0x33: {  	s20 =	sadd.s32 $0x5C00, s4;
	[dreg:$0x1e] =	wrdreg s19  }
0x34: {  	s21 =	sadd.s32 $0xA000, s4;
	[dreg:$0x1f] =	wrdreg s20  }
0x35: {  	s22 =	sadd.s32 $0x11E00, s4;
	[smem:$0x7E1] =	sst s21  }
0x36: {  	s23 =	sadd.s32 $0x30C00, s4;
	[smem:$0x7E2] =	sst s22  }
0x37: {  	s24 =	sadd.s32 $0x4A800, s4;
	[smem:$0x7E3] =	sst s23  }
0x38: {  	s25 =	sadd.s32 $0x6A800, s4;
	[smem:$0x7E4] =	sst s24  }
0x39: {  	s26 =	sadd.s32 $0x8A800, s4;
	[smem:$0x7E5] =	sst s25  }
0x3a: {  	s7 =	srdreg.scid;
	s6 =	sadd.s32 $0xC00, s4;
	[smem:$0x7E6] =	sst s26  }
0x3b: {  	v0 =	vimm.f32 $2.639175180e+00;
	s0 =	sand.u32 $0x1, s7;
	s7 =	sadd.s32 $0x1000, s4;
	[smem:$0x7EA] =	sst s6  }
0x3c: {  	[smem:$0x7EB] =	sst s7;
	s9 =	sadd.s32 $0x1C00, s4;
	(erf) = vrcp.f32 v0;
	v0 =	vimm.f32 $1.910447720e+00  }
0x3d: {  	s10 =	sadd.s32 $0x2C00, s4;
	[smem:$0x7ED] =	sst s9;
	(erf) = vrcp.f32 v0;
	v0 =	vimm.f32 $1.381916280e+00  }
0x3e: {  	s12 =	sadd.s32 $0x7400, s4;
	[smem:$0x7EE] =	sst s10;
	(erf) = vrcp.f32 v0;
	v0 =	vimm.f32 $1.000488520e+00  }
0x3f: {  	s13 =	sadd.s32 $0xCC00, s4;
	[smem:$0x7F0] =	sst s12;
	(erf) = vrcp.f32 v0;
	v0 =	vimm.f32 $1.280000000e+02  }
0x40: {  	s14 =	sadd.s32 $0x27000, s4;
	[smem:$0x7F1] =	sst s13;
	(erf) = vrcp.f32 v0;
	v0 =	vimm.f32 $9.309091180e+01  }
0x41: {  	s28 =	simm.s32 $0xC980;
	s16 =	sadd.s32 $0x3A800, s4;
	[smem:$0x7F2] =	sst s14;
	(erf) = vrcp.f32 v0;
	v0 =	vimm.f32 $6.826667020e+01  }
0x42: {  	s29 =	simm.s32 $0x13200;
	s17 =	sadd.s32 $0x5A800, s4;
	[smem:$0x7F3] =	sst s16;
	(erf) = vrcp.f32 v0;
	v0 =	vimm.f32 $4.876190570e+01  }
0x43: {  	s30 =	simm.s32 $0xD780;
	s18 =	sadd.s32 $0x7A800, s4;
	[smem:$0x7F4] =	sst s17;
	(erf) = vrcp.f32 v0;
	v0 =	vimm.f32 $3.531034470e+01  }
0x44: {  	v1 =	vimm.f32 $2.560000040e+01;
	s31 =	simm.s32 $0x14000;
	s19 =	sadd.s32 $0x9A800, s4;
	[smem:$0x7F5] =	sst s18  }
0x45: {  	v2 =	vimm.f32 $1.845045090e+01;
	s3 =	stileid.u32;
	s20 =	sadd.s32 $0xEA800, s4;
	[smem:$0x7F6] =	sst s19;
	(erf) = vrcp.f32 v0  }
0x46: {  	v3 =	vimm.f32 $1.338562110e+01;
	s8 =	ssub.s32 $0x2, s0;
	s21 =	sadd.s32 $0xDA800, s4;
	[smem:$0x7F7] =	sst s20;
	v0 =	vpop (erf);
	(erf) = vrcp.f32 v1  }
0x47: {  	v4 =	vimm.f32 $9.660377500e+00;
	s3 =	sshll.u32 s3, $0x6;
	s22 =	sadd.s32 $0xCA800, s4;
	[smem:$0x7F8] =	sst s21;
	v1 =	vpop (erf);
	(erf) = vrcp.f32 v2  }
0x48: {  	v5 =	vimm.f32 $6.965986250e+00;
	s0 =	sshll.u32 s0, $0x5;
	s23 =	sadd.s32 $0xBA800, s4;
	[smem:$0x7F9] =	sst s22;
	v2 =	vpop (erf);
	(erf) = vrcp.f32 v3  }
0x49: {  	v6 =	vimm.f32 $5.044334890e+00;
	s24 =	sadd.s32 $0x40000, s5;
	s25 =	sadd.s32 $0x80000, s5;
	[smem:$0x7FA] =	sst s23;
	v3 =	vpop (erf);
	(erf) = vrcp.f32 v4  }
0x4a: {  	v7 =	vimm.f32 $3.650623800e+00;
	s26 =	sadd.s32 $0xC0000, s5;
	s7 =	simm.s32 $0x5A00;
	[smem:$0x7FB] =	sst s24;
	v4 =	vpop (erf);
	(erf) = vrcp.f32 v5  }
0x4b: {  	s2 =	sshrl.u32 s8, $0x1;
	s0 =	sor.u32 s0, s3;
	[smem:$0x7FC] =	sst s25;
	v5 =	vpop (erf);
	(erf) = vrcp.f32 v6  }
0x4c: {  	s3 =	sadd.s32 $0x800, s4;
	[smem:$0x7FD] =	sst s26;
	s18 =	simm.s32 $0xBA00;
	v6 =	vpop (erf);
	(erf) = vrcp.f32 v7  }
0x4d: {  	s21 =	simm.s32 $0x12280;
	s22 =	simm.s32 $0xBB80;
	s23 =	simm.s32 $0x12400;
	v7 =	vpop (erf)  }
0x4e: {  	s14 =	simm.s32 $0xBE00;
	s24 =	simm.s32 $0x12680;
	s25 =	simm.s32 $0xC200;
	v8 =	vpop (erf)  }
0x4f: {  	s26 =	simm.s32 $0x12A80;
	s20 =	simm.s32 $0xF180;
	[dreg:$0x15] =	wrdreg s0;
	v9 =	vpop (erf)  }
0x50: {  	s1 =	ssub.s32 s8, s2;
	s2 =	sadd.s32 $0x400, s4;
	[smem:$0x7E9] =	sst s3;
	v10 =	vpop (erf)  }
0x51: {  	s19 =	simm.s32 $0x5E00;
	s8 =	sadd.s32 $0x1400, s4;
	[smem:$0x7E8] =	sst s2;
	v11 =	vpop (erf)  }
0x52: {  	s12 =	simm.s32 $0x1;
	s11 =	smax.u32 s1, $0x1;
	[smem:$0x7EC] =	sst s8;
	v12 =	vpop (erf)  }
0x53: {  	s13 =	simm.s32 $0x2;
	s1 =	sadd.s32 $0xAA800, s4;
	[dreg:$0x17] =	wrdreg s11;
	v13 =	vpop (erf)  }
0x54: {  	s0 =	simm.s32 $0x15A00;
	[smem:$0x7E7] =	sst s1;
	s11 =	sadd.s32 $0x4400, s4;
	v14 =	vpop (erf)  }
0x55: {  	s3 =	simm.s32 $0x400;
	s2 =	simm.s32 $0x0;
	[smem:$0x7EF] =	sst s11;
	v15 =	vpop (erf)  }
.LBB3_1:
0x56: {  	[smem:$0x7E0] =	sst s2  }
0x57: {  	s1 =	rddreg [dreg:$0x16];
	s2 =	simm.s32 $0x3  }
0x58: {  	[tilespmem:s18], [sflag:$0x3] =	stream.linear.gather [hbm4b:s1+s15], $0x180, $0x38;
	[tilespmem:$0x18B00] =	vst v63  }
0x59: {  	_ =	swait.ge [sflag:s2], $0x180  }
0x5a: {  	[sflag:s2] =	ssyncset.done $0x0  }
0x5b: {  	[sflag:s2] =	ssyncadd.s32 $0xFFFFFE80  }
0x5c: {  	s10 =	rddreg [dreg:$0x0]  }
0x5d: {  	[tilespmem:s21], [sflag:$0x3] =	stream.linear.gather [hbm4b:s10+s15], $0x180, $0x38;
	[tilespmem:$0x18B00] =	vst v63  }
0x5e: {  	_ =	swait.ge [sflag:s2], $0x180  }
0x5f: {  	[sflag:s2] =	ssyncset.done $0x0  }
0x60: {  	s11 =	rddreg [dreg:$0x18];
	[sflag:s2] =	ssyncadd.s32 $0xFFFFFE80  }
0x61: {  	[tilespmem:s22], [sflag:$0x3] =	stream.linear.gather [hbm4b:s11+s15], $0x280, $0x38;
	[tilespmem:$0x18B00] =	vst v63  }
0x62: {  	_ =	swait.ge [sflag:s2], $0x280  }
0x63: {  	s16 =	sld [smem:$0x7E8]  }
0x64: {  	[sflag:s2] =	ssyncset.done $0x0  }
0x65: {  	[sflag:s2] =	ssyncadd.s32 $0xFFFFFD80  }
0x66: {  	[tilespmem:s23], [sflag:$0x3] =	stream.linear.gather [hbm4b:s16+s15], $0x280, $0x38;
	[tilespmem:$0x18B00] =	vst v63  }
0x67: {  	_ =	swait.ge [sflag:s2], $0x280  }
0x68: {  	[sflag:s2] =	ssyncset.done $0x0  }
0x69: {  	s17 =	rddreg [dreg:$0x19];
	[sflag:s2] =	ssyncadd.s32 $0xFFFFFD80  }
0x6a: {  	[tilespmem:s14], [sflag:$0x3] =	stream.linear.gather [hbm4b:s17+s15], $0x400, $0x38;
	[tilespmem:$0x18B00] =	vst v63  }
0x6b: {  	_ =	swait.ge [sflag:s2], $0x400  }
0x6c: {  	s4 =	sld [smem:$0x7E9]  }
0x6d: {  	[sflag:s2] =	ssyncset.done $0x0  }
0x6e: {  	[sflag:s2] =	ssyncadd.s32 $0xFFFFFC00  }
0x6f: {  	[tilespmem:s24], [sflag:$0x3] =	stream.linear.gather [hbm4b:s4+s15], $0x400, $0x38;
	[tilespmem:$0x18B00] =	vst v63  }
0x70: {  	_ =	swait.ge [sflag:s2], $0x400  }
0x71: {  	[sflag:s2] =	ssyncset.done $0x0  }
0x72: {  	s5 =	rddreg [dreg:$0x1a];
	[sflag:s2] =	ssyncadd.s32 $0xFFFFFC00  }
0x73: {  	[tilespmem:s25], [sflag:$0x3] =	stream.linear.gather [hbm4b:s5+s15], $0x780, $0x38;
	[tilespmem:$0x18B00] =	vst v63  }
0x74: {  	_ =	swait.ge [sflag:s2], $0x780  }
0x75: {  	s6 =	sld [smem:$0x7EA]  }
0x76: {  	[sflag:s2] =	ssyncset.done $0x0  }
0x77: {  	[sflag:s2] =	ssyncadd.s32 $0xFFFFF880  }
0x78: {  	[tilespmem:s26], [sflag:$0x3] =	stream.linear.gather [hbm4b:s6+s15], $0x780, $0x38;
	[tilespmem:$0x18B00] =	vst v63  }
0x79: {  	_ =	swait.ge [sflag:s2], $0x780  }
0x7a: {  	[sflag:s2] =	ssyncset.done $0x0  }
0x7b: {  	s8 =	rddreg [dreg:$0x1b];
	[sflag:s2] =	ssyncadd.s32 $0xFFFFF880  }
0x7c: {  	[tilespmem:s28], [sflag:$0x3] =	stream.linear.gather [hbm4b:s8+s15], $0xE00, $0x38;
	[tilespmem:$0x18B00] =	vst v63  }
0x7d: {  	_ =	swait.ge [sflag:s2], $0xE00  }
0x7e: {  	s9 =	sld [smem:$0x7EB]  }
0x7f: {  	[sflag:s2] =	ssyncset.done $0x0  }
0x80: {  	[sflag:s2] =	ssyncadd.s32 $0xFFFFF200  }
0x81: {  	[tilespmem:s29], [sflag:$0x3] =	stream.linear.gather [hbm4b:s9+s15], $0xE00, $0x38;
	[tilespmem:$0x18B00] =	vst v63  }
0x82: {  	_ =	swait.ge [sflag:s2], $0xE00  }
0x83: {  	[sflag:s2] =	ssyncset.done $0x0  }
0x84: {  	s10 =	rddreg [dreg:$0x1c];
	[sflag:s2] =	ssyncadd.s32 $0xFFFFF200  }
0x85: {  	[tilespmem:s30], [sflag:$0x3] =	stream.linear.gather [hbm4b:s10+s15], $0x1A00, $0x38;
	[tilespmem:$0x18B00] =	vst v63  }
0x86: {  	_ =	swait.ge [sflag:s2], $0x1A00  }
0x87: {  	s11 =	sld [smem:$0x7EC]  }
0x88: {  	[sflag:s2] =	ssyncset.done $0x0  }
0x89: {  	[sflag:s2] =	ssyncadd.s32 $0xFFFFE600  }
0x8a: {  	[tilespmem:s31], [sflag:$0x3] =	stream.linear.gather [hbm4b:s11+s15], $0x1A00, $0x38;
	[tilespmem:$0x18B00] =	vst v63  }
0x8b: {  	_ =	swait.ge [sflag:s2], $0x1A00  }
0x8c: {  	[sflag:s2] =	ssyncset.done $0x0  }
0x8d: {  	s16 =	rddreg [dreg:$0x1d];
	[sflag:s2] =	ssyncadd.s32 $0xFFFFE600  }
0x8e: {  	[tilespmem:s20], [sflag:$0x3] =	stream.linear.gather [hbm4b:s16+s15], $0x3100, $0x38;
	[tilespmem:$0x18B00] =	vst v63  }
0x8f: {  	_ =	swait.ge [sflag:s2], $0x3100  }
0x90: {  	s17 =	sld [smem:$0x7ED]  }
0x91: {  	[sflag:s2] =	ssyncset.done $0x0  }
0x92: {  	[sflag:s2] =	ssyncadd.s32 $0xFFFFCF00  }
0x93: {  	[tilespmem:s0], [sflag:$0x3] =	stream.linear.gather [hbm4b:s17+s15], $0x3100, $0x38;
	[tilespmem:$0x18B00] =	vst v63  }
0x94: {  	_ =	swait.ge [sflag:s2], $0x3100  }
0x95: {  	[sflag:s2] =	ssyncset.done $0x0  }
0x96: {  	s16 =	simm.s32 $0x0;
	[sflag:s2] =	ssyncadd.s32 $0xFFFFCF00  }
.LBB3_2:
0x97: {  	s1 =	rddreg [dreg:$0x15]  }
0x98: {  	s17 =	sadd.s32 s1, s16  }
0x99: {  	s2 =	sshll.u32 s16, $0x4;
	s1 =	sshll.u32 s17, $0x5  }
0x9a: {  	s2 =	sand.u32 $0x70, s2;
	s1 =	sand.u32 $0x7F00, s1  }
0x9b: {  	s9 =	rddreg [dreg:$0x13];
	s5 =	simm.s32 $0x80;
	s2 =	sor.u32 s2, s1  }
0x9c: {  	s6 =	simm.s32 $0x3;
	s1 =	simm.s32 $0x0;
	s4 =	sadd.s32 s9, s2  }
0x9d: {  	[tilespmem:s1], [sflag:$0x3] =	stream.strided.gather [hbm4b:s4+s5], $0x100, s3, s5, $0x38;
	[tilespmem:$0x18B00] =	vst v63  }
0x9e: {  	_ =	swait.ge [sflag:s6], $0x100  }
0x9f: {  	[sflag:s6] =	ssyncset.done $0x0;
	s10 =	rddreg [dreg:$0x14]  }
0xa0: {  	s11 =	simm.s32 $0x100;
	[sflag:s6] =	ssyncadd.s32 $0xFFFFFF00;
	s2 =	sadd.s32 s10, s2  }
0xa1: {  	[tilespmem:s11], [sflag:$0x3] =	stream.strided.gather [hbm4b:s2+s5], $0x100, s3, s5, $0x38;
	[tilespmem:$0x18B00] =	vst v63  }
0xa2: {  	_ =	swait.ge [sflag:s6], $0x100  }
0xa3: {  	[sflag:s6] =	ssyncset.done $0x0  }
0xa4: {  	s8 =	simm.s32 $0x0;
	[sflag:s6] =	ssyncadd.s32 $0xFFFFFF00  }
0xa5: {  	v23 =	vld [tilespmem:s8+$0x100]  }
0xa6: {  	v16 =	vld [tilespmem:s8+$0x0];
	_ =	sdelay $0x3  }
0xa7: {  	v17 =	vmul.f32 v23, v0;
	v18 =	vmul.f32 v23, v1  }
0xa8: {  	v19 =	vmul.f32 v16, v0;
	v24 =	vmul.f32 v16, v1  }
0xa9: {  	v28 =	vmul.f32 v23, v2;
	v23 =	vmul.f32 v23, v3  }
0xaa: {  	v17 =	vtrunc.f32 v17;
	v18 =	vtrunc.f32 v18  }
0xab: {  	v19 =	vtrunc.f32 v19;
	v20 =	vcvt.f32.s32 v17  }
0xac: {  	v24 =	vtrunc.f32 v24;
	v18 =	vcvt.f32.s32 v18  }
0xad: {  	v28 =	vtrunc.f32 v28;
	v19 =	vcvt.f32.s32 v19;
	v22 =	vmul.u32 $0x9E3779B1, v20  }
0xae: {  	v17 =	vmul.f32 v16, v2;
	v27 =	vcvt.f32.s32 v24;
	v18 =	vmul.u32 $0x9E3779B1, v18  }
0xaf: {  	v28 =	vcvt.f32.s32 v28;
	v20 =	vadd.s32 $0x1, v19;
	v21 =	vadd.s32 $0x9E3779B1, v22  }
0xb0: {  	s9 =	sand.u32 $0x200, s1;
	s10 =	sand.u32 $0x70, s1;
	v25 =	vxor.u32 v19, v22;
	v26 =	vadd.s32 $0x9E3779B1, v18;
	v19 =	vxor.u32 v19, v21  }
0xb1: {  	s2 =	sor.u32 s10, s9;
	s11 =	sand.u32 $0xFFFFFE00, s1;
	v29 =	vand.u32 $0x7FFFF, v25;
	v25 =	vand.u32 $0x7FFFF, v19;
	v19 =	vxor.u32 v20, v22  }
0xb2: {  	s4 =	simm.s32 $0x40;
	s9 =	sadd.s32 $0x0, s11;
	[tilespmem:s2+$0x6200] =	vst v29;
	v22 =	vxor.u32 v27, v18;
	v24 =	vand.u32 $0x7FFFF, v19;
	v19 =	vxor.u32 v27, v26  }
.LBB3_3:
0xb3: {  	p0 =	sne.s32 s4, $0x3C0;
	s8 =	sor.u32 $0x80, s9;
	v20 =	vxor.u32 v20, v21;
	v21 =	vadd.s32 $0x1, v27;
	v16 =	vmul.f32 v16, v3;
	s1 =	sadd.s32 $0x10, s1  }
0xb4: {  	v17 =	vtrunc.f32 v17;
	s5 =	smov.u32 s4;
	s4 =	sadd.s32 $0x40, s4;
	[tilespmem:s8+$0x6200] =	vst v25;
	v18 =	vxor.u32 v21, v18;
	v21 =	vxor.u32 v21, v26  }
0xb5: {  	s6 =	sor.u32 $0x180, s9;
	v20 =	vand.u32 $0x7FFFF, v20;
	v17 =	vcvt.f32.s32 v17;
	[tilespmem:s2+$0x6300] =	vst v24;
	v24 =	vmul.u32 $0x9E3779B1, v28  }
0xb6: {  	s9 =	sshra.s32 s5, $0x2;
	v16 =	vtrunc.f32 v16;
	[tilespmem:s6+$0x6200] =	vst v20;
	v20 =	vand.u32 $0x7FFFF, v22;
	v22 =	vtrunc.f32 v23  }
0xb7: {  	v19 =	vand.u32 $0x7FFFF, v19;
	v16 =	vcvt.f32.s32 v16;
	[tilespmem:s2+$0x6600] =	vst v20;
	v20 =	vadd.s32 $0x9E3779B1, v24  }
0xb8: {  	v18 =	vand.u32 $0x7FFFF, v18;
	v22 =	vcvt.f32.s32 v22;
	[tilespmem:s8+$0x6600] =	vst v19;
	v19 =	vxor.u32 v17, v20  }
0xb9: {  	[tilespmem:s2+$0x6700] =	vst v18;
	v18 =	vand.u32 $0x7FFFF, v21;
	v21 =	vxor.u32 v17, v24;
	v17 =	vadd.s32 $0x1, v17  }
0xba: {  	v19 =	vand.u32 $0x7FFFF, v19;
	[tilespmem:s6+$0x6600] =	vst v18;
	v18 =	vand.u32 $0x7FFFF, v21;
	v21 =	vxor.u32 v17, v24  }
0xbb: {  	v17 =	vxor.u32 v17, v20;
	v20 =	vmul.u32 $0x9E3779B1, v22;
	[tilespmem:s2+$0x6A00] =	vst v18;
	v18 =	vand.u32 $0x7FFFF, v21  }
0xbc: {  	v17 =	vand.u32 $0x7FFFF, v17;
	[tilespmem:s8+$0x6A00] =	vst v19;
	v19 =	vadd.s32 $0x1, v16  }
0xbd: {  	v21 =	vxor.u32 v16, v20;
	[tilespmem:s2+$0x6B00] =	vst v18;
	v18 =	vadd.s32 $0x9E3779B1, v20;
	v20 =	vxor.u32 v19, v20  }
0xbe: {  	[tilespmem:s6+$0x6A00] =	vst v17;
	v17 =	vand.u32 $0x7FFFF, v21;
	v16 =	vxor.u32 v16, v18;
	v18 =	vxor.u32 v19, v18  }
0xbf: {  	[tilespmem:s2+$0x6E00] =	vst v17;
	v16 =	vand.u32 $0x7FFFF, v16;
	v17 =	vand.u32 $0x7FFFF, v20  }
0xc0: {  	[tilespmem:s8+$0x6E00] =	vst v16  }
0xc1: {  	v16 =	vand.u32 $0x7FFFF, v18;
	[tilespmem:s2+$0x6F00] =	vst v17  }
0xc2: {  	[tilespmem:s6+$0x6E00] =	vst v16  }
0xc3: {  	v23 =	vld [tilespmem:s9+$0x100]  }
0xc4: {  	v16 =	vld [tilespmem:s9+$0x0];
	_ =	sdelay $0x3  }
0xc5: {  	v18 =	vmul.f32 v23, v0;
	v19 =	vmul.f32 v23, v1  }
0xc6: {  	v20 =	vmul.f32 v16, v0;
	v17 =	vmul.f32 v16, v2  }
0xc7: {  	v18 =	vtrunc.f32 v18;
	v19 =	vtrunc.f32 v19  }
0xc8: {  	v20 =	vtrunc.f32 v20;
	v18 =	vcvt.f32.s32 v18  }
0xc9: {  	v19 =	vcvt.f32.s32 v19;
	v22 =	vcvt.f32.s32 v20  }
0xca: {  	v28 =	vmul.f32 v23, v2;
	v25 =	vmul.f32 v16, v1;
	v24 =	vmul.u32 $0x9E3779B1, v18  }
0xcb: {  	v18 =	vmul.u32 $0x9E3779B1, v19;
	v20 =	vadd.s32 $0x1, v22  }
.Ltmp0:
0xcc: {  	s2 =	sand.u32 $0x200, s5;
	s6 =	sand.u32 $0x70, s1;
	v25 =	vtrunc.f32 v25;
	v21 =	vadd.s32 $0x9E3779B1, v24;
	v19 =	vxor.u32 v22, v24;
	(pc) =	sbr.rel @p0 .LBB3_3-.Ltmp0, $4  }
0xcd: {  	s2 =	sor.u32 s6, s2;
	v27 =	vcvt.f32.s32 v25;
	v19 =	vand.u32 $0x7FFFF, v19;
	v22 =	vxor.u32 v22, v21  }
0xce: {  	v26 =	vadd.s32 $0x9E3779B1, v18;
	[tilespmem:s2+$0x6200] =	vst v19;
	v25 =	vand.u32 $0x7FFFF, v22;
	v19 =	vxor.u32 v20, v24  }
0xcf: {  	s5 =	sand.u32 $0xFFFFFE00, s5;
	v28 =	vtrunc.f32 v28;
	v24 =	vand.u32 $0x7FFFF, v19;
	v19 =	vxor.u32 v27, v26  }
0xd0: {  	s9 =	sadd.s32 s5, s1;
	v23 =	vmul.f32 v23, v3;
	v28 =	vcvt.f32.s32 v28;
	v22 =	vxor.u32 v27, v18  }
0xd1: {  	s1 =	sor.u32 $0x80, s9;
	v27 =	vadd.s32 $0x1, v27  }
0xd2: {  	v20 =	vxor.u32 v20, v21;
	v16 =	vmul.f32 v16, v3;
	v17 =	vtrunc.f32 v17;
	[tilespmem:s1+$0x6200] =	vst v25  }
0xd3: {  	s4 =	sor.u32 $0x180, s9;
	v19 =	vand.u32 $0x7FFFF, v19;
	v18 =	vxor.u32 v27, v18;
	v20 =	vand.u32 $0x7FFFF, v20;
	[tilespmem:s2+$0x6300] =	vst v24  }
0xd4: {  	v21 =	vxor.u32 v27, v26;
	v63 =	vmul.u32 $0x9E3779B1, v28;
	[tilespmem:s4+$0x6200] =	vst v20;
	v20 =	vand.u32 $0x7FFFF, v22  }
0xd5: {  	v17 =	vcvt.f32.s32 v17;
	v16 =	vtrunc.f32 v16;
	v18 =	vand.u32 $0x7FFFF, v18;
	[tilespmem:s2+$0x6600] =	vst v20  }
0xd6: {  	v22 =	vtrunc.f32 v23;
	v16 =	vcvt.f32.s32 v16;
	v20 =	vadd.s32 $0x9E3779B1, v63;
	[tilespmem:s1+$0x6600] =	vst v19  }
0xd7: {  	v19 =	vcvt.f32.s32 v22;
	[tilespmem:s2+$0x6700] =	vst v18;
	v18 =	vand.u32 $0x7FFFF, v21;
	v21 =	vxor.u32 v17, v63  }
0xd8: {  	v22 =	vxor.u32 v17, v20;
	v17 =	vadd.s32 $0x1, v17;
	[tilespmem:s4+$0x6600] =	vst v18;
	v18 =	vand.u32 $0x7FFFF, v21  }
0xd9: {  	v21 =	vand.u32 $0x7FFFF, v22;
	v22 =	vxor.u32 v17, v63;
	[tilespmem:s2+$0x6A00] =	vst v18;
	v18 =	vmul.u32 $0x9E3779B1, v19  }
0xda: {  	v17 =	vxor.u32 v17, v20;
	v19 =	vand.u32 $0x7FFFF, v22;
	[tilespmem:s1+$0x6A00] =	vst v21  }
0xdb: {  	v17 =	vand.u32 $0x7FFFF, v17;
	[tilespmem:s2+$0x6B00] =	vst v19;
	v19 =	vadd.s32 $0x9E3779B1, v18;
	v20 =	vxor.u32 v16, v18  }
0xdc: {  	v21 =	vadd.s32 $0x1, v16;
	[tilespmem:s4+$0x6A00] =	vst v17;
	v17 =	vand.u32 $0x7FFFF, v20;
	v16 =	vxor.u32 v16, v19  }
0xdd: {  	v18 =	vxor.u32 v21, v18;
	[tilespmem:s2+$0x6E00] =	vst v17;
	v16 =	vand.u32 $0x7FFFF, v16  }
0xde: {  	s5 =	sld [smem:$0x7F7];
	v18 =	vand.u32 $0x7FFFF, v18;
	v17 =	vxor.u32 v21, v19;
	[tilespmem:s1+$0x6E00] =	vst v16  }
0xdf: {  	v16 =	vand.u32 $0x7FFFF, v17;
	[tilespmem:s2+$0x6F00] =	vst v18  }
0xe0: {  	s6 =	simm.s32 $0x6200;
	s8 =	simm.s32 $0x5200;
	s9 =	sld [smem:$0x7F8];
	[tilespmem:s4+$0x6E00] =	vst v16  }
0xe1: {  	[tilespmem:s8], [sflag:$0x1] =	stream.indirect.gather [hbm4b:s5+s3], $0x1, s6, s3, $0xb8;
	[tilespmem:$0x18B00] =	vst v63  }
0xe2: {  	s10 =	simm.s32 $0x6600;
	s11 =	simm.s32 $0x5600;
	s5 =	sld [smem:$0x7F9]  }
0xe3: {  	[tilespmem:s11], [sflag:$0x1] =	stream.indirect.gather [hbm4b:s9+s3], $0x1, s10, s3, $0xb8;
	[tilespmem:$0x18B00] =	vst v63  }
0xe4: {  	s6 =	simm.s32 $0x6A00;
	s8 =	sld [smem:$0x7FA]  }
0xe5: {  	[tilespmem:s7], [sflag:$0x1] =	stream.indirect.gather [hbm4b:s5+s3], $0x1, s6, s3, $0xb8;
	[tilespmem:$0x18B00] =	vst v63  }
0xe6: {  	s9 =	simm.s32 $0x6E00;
	s10 =	simm.s32 $0x0  }
0xe7: {  	[tilespmem:s19], [sflag:$0x1] =	stream.indirect.gather [hbm4b:s8+s3], $0x1, s9, s3, $0xb8;
	[tilespmem:$0x18B00] =	vst v63  }
0xe8: {  	v17 =	vld [tilespmem:s10+$0x0]  }
0xe9: {  	v16 =	vld [tilespmem:s10+$0x100];
	_ =	sdelay $0x3  }
0xea: {  	v18 =	vmul.f32 v17, v4;
	v19 =	vmul.f32 v17, v5  }
0xeb: {  	v20 =	vmul.f32 v16, v4;
	v22 =	vmul.f32 v16, v5  }
0xec: {  	s11 =	simm.s32 $0x0;
	v18 =	vtrunc.f32 v18;
	v19 =	vtrunc.f32 v19  }
0xed: {  	s1 =	simm.s32 $0x40;
	s2 =	sand.u32 $0x70, s11;
	v21 =	vcvt.f32.s32 v18;
	v18 =	vtrunc.f32 v20  }
0xee: {  	s5 =	simm.s32 $0x80;
	s6 =	sand.u32 $0xFFFFFE00, s11;
	s19 =	sand.u32 $0x200, s11;
	v22 =	vtrunc.f32 v22;
	v20 =	vcvt.f32.s32 v18  }
0xef: {  	s11 =	sadd.s32 $0x0, s6;
	s4 =	sor.u32 s2, s19;
	s2 =	simm.s32 $0x10;
	v18 =	vcvt.f32.s32 v19;
	v19 =	vmul.f32 v17, v6;
	v21 =	vshll.u32 v21, $0x4  }
.LBB3_5:
0xf0: {  	s9 =	sshra.s32 s1, $0x2;
	s10 =	sor.u32 $0x80, s11  }
0xf1: {  	v20 =	vadd.s32 v20, v21;
	v21 =	vcvt.f32.s32 v22;
	v22 =	vmul.f32 v16, v6;
	s8 =	smov.u32 s1;
	s1 =	smov.u32 s5;
	s6 =	sadd.s32 $0x40, s5  }
0xf2: {  	p0 =	sne.s32 s5, $0x3C0;
	v18 =	vmul.u32 $0x16, v18;
	[tilespmem:s4+$0x2200] =	vst v20;
	v23 =	vadd.s32 $0x1, v20;
	v24 =	vadd.s32 $0x10, v20  }
0xf3: {  	s11 =	sor.u32 $0x180, s11;
	v20 =	vadd.s32 $0x11, v20;
	v19 =	vtrunc.f32 v19;
	[tilespmem:s10+$0x2200] =	vst v23;
	v22 =	vtrunc.f32 v22  }
0xf4: {  	v18 =	vadd.s32 v21, v18;
	v19 =	vcvt.f32.s32 v19;
	v21 =	vmul.f32 v17, v7;
	[tilespmem:s4+$0x2300] =	vst v24  }
0xf5: {  	v23 =	vmul.f32 v16, v7;
	v24 =	vmul.f32 v17, v8;
	[tilespmem:s11+$0x2200] =	vst v20;
	v20 =	vadd.s32 $0x1, v18  }
0xf6: {  	v25 =	vadd.s32 $0x16, v18;
	v22 =	vcvt.f32.s32 v22;
	v19 =	vmul.u32 $0x1E, v19;
	[tilespmem:s4+$0x2600] =	vst v18  }
0xf7: {  	v18 =	vadd.s32 $0x17, v18;
	[tilespmem:s10+$0x2600] =	vst v20;
	v20 =	vtrunc.f32 v21;
	v21 =	vtrunc.f32 v23  }
0xf8: {  	v19 =	vadd.s32 v22, v19;
	v22 =	vtrunc.f32 v24;
	[tilespmem:s4+$0x2700] =	vst v25;
	v20 =	vcvt.f32.s32 v20  }
0xf9: {  	v23 =	vmul.f32 v16, v8;
	v22 =	vcvt.f32.s32 v22;
	[tilespmem:s11+$0x2600] =	vst v18;
	v18 =	vadd.s32 $0x1, v19  }
0xfa: {  	v24 =	vadd.s32 $0x1E, v19;
	v21 =	vcvt.f32.s32 v21;
	[tilespmem:s4+$0x2A00] =	vst v19;
	v20 =	vmul.u32 $0x2A, v20  }
0xfb: {  	v22 =	vmul.u32 $0x3A, v22;
	[tilespmem:s10+$0x2A00] =	vst v18;
	v18 =	vadd.s32 $0x1F, v19;
	v19 =	vtrunc.f32 v23  }
0xfc: {  	v23 =	vmul.f32 v16, v9;
	[tilespmem:s4+$0x2B00] =	vst v24;
	v20 =	vadd.s32 v21, v20;
	v21 =	vmul.f32 v17, v9  }
0xfd: {  	v25 =	vmul.f32 v16, v10;
	v24 =	vmul.f32 v17, v10;
	[tilespmem:s11+$0x2A00] =	vst v18;
	v18 =	vadd.s32 $0x1, v20  }
0xfe: {  	v19 =	vcvt.f32.s32 v19;
	v26 =	vadd.s32 $0x2A, v20;
	[tilespmem:s4+$0x2E00] =	vst v20;
	v21 =	vtrunc.f32 v21  }
0xff: {  	[tilespmem:s10+$0x2E00] =	vst v18;
	v18 =	vadd.s32 $0x2B, v20;
	v20 =	vcvt.f32.s32 v21;
	v21 =	vtrunc.f32 v23  }
0x100: {  	v19 =	vadd.s32 v19, v22;
	v22 =	vtrunc.f32 v24;
	v23 =	vtrunc.f32 v25;
	[tilespmem:s4+$0x2F00] =	vst v26  }
0x101: {  	v22 =	vcvt.f32.s32 v22;
	[tilespmem:s11+$0x2E00] =	vst v18;
	v18 =	vadd.s32 $0x1, v19;
	v20 =	vmul.u32 $0x50, v20  }
0x102: {  	v24 =	vadd.s32 $0x3A, v19;
	v25 =	vmul.f32 v17, v11;
	v21 =	vcvt.f32.s32 v21;
	[tilespmem:s4+$0x3200] =	vst v19  }
0x103: {  	[tilespmem:s10+$0x3200] =	vst v18;
	v18 =	vadd.s32 $0x3B, v19;
	v19 =	vmul.u32 $0x6F, v22;
	v22 =	vmul.f32 v16, v11  }
0x104: {  	v20 =	vadd.s32 v21, v20;
	v21 =	vtrunc.f32 v25;
	[tilespmem:s4+$0x3300] =	vst v24;
	v24 =	vmul.f32 v17, v12  }
0x105: {  	v21 =	vcvt.f32.s32 v21;
	[tilespmem:s11+$0x3200] =	vst v18;
	v18 =	vadd.s32 $0x1, v20;
	v22 =	vtrunc.f32 v22  }
0x106: {  	v23 =	vcvt.f32.s32 v23;
	v25 =	vadd.s32 $0x50, v20;
	[tilespmem:s4+$0x3600] =	vst v20;
	v24 =	vtrunc.f32 v24  }
0x107: {  	[tilespmem:s10+$0x3600] =	vst v18;
	v18 =	vadd.s32 $0x51, v20;
	v20 =	vmul.u32 $0x99, v21;
	v21 =	vcvt.f32.s32 v24  }
0x108: {  	v19 =	vadd.s32 v23, v19;
	v23 =	vmul.f32 v16, v12;
	v24 =	vmul.f32 v17, v13;
	[tilespmem:s4+$0x3700] =	vst v25  }
0x109: {  	v25 =	vmul.f32 v16, v13;
	[tilespmem:s11+$0x3600] =	vst v18;
	v18 =	vadd.s32 $0x1, v19;
	v21 =	vmul.u32 $0xD4, v21  }
0x10a: {  	v26 =	vadd.s32 $0x6F, v19;
	v22 =	vcvt.f32.s32 v22;
	v23 =	vtrunc.f32 v23;
	[tilespmem:s4+$0x3A00] =	vst v19  }
0x10b: {  	[tilespmem:s10+$0x3A00] =	vst v18;
	v18 =	vadd.s32 $0x70, v19;
	v19 =	vtrunc.f32 v24;
	v24 =	vtrunc.f32 v25  }
0x10c: {  	v20 =	vadd.s32 v22, v20;
	v22 =	vmul.f32 v17, v14;
	[tilespmem:s4+$0x3B00] =	vst v26;
	v19 =	vcvt.f32.s32 v19  }
0x10d: {  	v17 =	vmul.f32 v17, v15;
	v25 =	vmul.f32 v16, v14;
	[tilespmem:s11+$0x3A00] =	vst v18;
	v18 =	vadd.s32 $0x1, v20  }
0x10e: {  	v23 =	vcvt.f32.s32 v23;
	v26 =	vadd.s32 $0x99, v20;
	[tilespmem:s4+$0x3E00] =	vst v20;
	v19 =	vmul.u32 $0x126, v19  }
0x10f: {  	[tilespmem:s10+$0x3E00] =	vst v18;
	v18 =	vadd.s32 $0x9A, v20;
	v20 =	vtrunc.f32 v22;
	v22 =	vtrunc.f32 v25  }
0x110: {  	v21 =	vadd.s32 v23, v21;
	v17 =	vtrunc.f32 v17;
	[tilespmem:s4+$0x3F00] =	vst v26;
	v20 =	vcvt.f32.s32 v20  }
0x111: {  	v16 =	vmul.f32 v16, v15;
	v17 =	vcvt.f32.s32 v17;
	[tilespmem:s11+$0x3E00] =	vst v18;
	v18 =	vadd.s32 $0x1, v21  }
0x112: {  	v23 =	vadd.s32 $0xD4, v21;
	v24 =	vcvt.f32.s32 v24;
	[tilespmem:s4+$0x4200] =	vst v21;
	v20 =	vmul.u32 $0x196, v20  }
0x113: {  	v16 =	vtrunc.f32 v16;
	v17 =	vmul.u32 $0x231, v17;
	[tilespmem:s10+$0x4200] =	vst v18;
	v18 =	vadd.s32 $0xD5, v21  }
0x114: {  	v19 =	vadd.s32 v24, v19;
	[tilespmem:s4+$0x4300] =	vst v23  }
0x115: {  	[tilespmem:s11+$0x4200] =	vst v18;
	v18 =	vadd.s32 $0x1, v19  }
0x116: {  	v22 =	vcvt.f32.s32 v22;
	v21 =	vadd.s32 $0x126, v19;
	[tilespmem:s4+$0x4600] =	vst v19  }
0x117: {  	[tilespmem:s10+$0x4600] =	vst v18;
	v18 =	vadd.s32 $0x127, v19  }
0x118: {  	v19 =	vadd.s32 v22, v20;
	[tilespmem:s4+$0x4700] =	vst v21  }
0x119: {  	[tilespmem:s11+$0x4600] =	vst v18;
	v18 =	vadd.s32 $0x1, v19  }
0x11a: {  	v16 =	vcvt.f32.s32 v16;
	v20 =	vadd.s32 $0x196, v19;
	[tilespmem:s4+$0x4A00] =	vst v19  }
0x11b: {  	[tilespmem:s10+$0x4A00] =	vst v18;
	v18 =	vadd.s32 $0x197, v19  }
0x11c: {  	v16 =	vadd.s32 v16, v17;
	[tilespmem:s4+$0x4B00] =	vst v20  }
0x11d: {  	v17 =	vadd.s32 $0x1, v16;
	[tilespmem:s11+$0x4A00] =	vst v18  }
0x11e: {  	v18 =	vadd.s32 $0x231, v16;
	[tilespmem:s4+$0x4E00] =	vst v16  }
0x11f: {  	v16 =	vadd.s32 $0x232, v16;
	[tilespmem:s10+$0x4E00] =	vst v17  }
0x120: {  	[tilespmem:s4+$0x4F00] =	vst v18  }
0x121: {  	[tilespmem:s11+$0x4E00] =	vst v16  }
0x122: {  	v17 =	vld [tilespmem:s9+$0x0]  }
0x123: {  	v16 =	vld [tilespmem:s9+$0x100];
	_ =	sdelay $0x3  }
0x124: {  	v18 =	vmul.f32 v17, v4;
	v19 =	vmul.f32 v17, v5  }
.Ltmp1:
0x125: {  	v20 =	vmul.f32 v16, v4;
	v22 =	vmul.f32 v16, v5;
	(pc) =	sbr.rel @p0 .LBB3_5-.Ltmp1, $4  }
0x126: {  	v18 =	vtrunc.f32 v18;
	v19 =	vtrunc.f32 v19  }
0x127: {  	s5 =	sand.u32 $0xFFFFFE00, s8;
	s4 =	sand.u32 $0x200, s8;
	s8 =	sand.u32 $0x70, s2;
	v21 =	vcvt.f32.s32 v18;
	v18 =	vtrunc.f32 v20  }
0x128: {  	s4 =	sor.u32 s8, s4;
	v20 =	vcvt.f32.s32 v18;
	v18 =	vcvt.f32.s32 v19  }
0x129: {  	s11 =	sadd.s32 s5, s2;
	s2 =	sadd.s32 $0x10, s2;
	s5 =	smov.u32 s6;
	v22 =	vtrunc.f32 v22;
	v19 =	vmul.f32 v17, v6;
	v21 =	vshll.u32 v21, $0x4  }
0x12a: {  	v20 =	vadd.s32 v20, v21  }
0x12b: {  	s5 =	sor.u32 $0x80, s11;
	[tilespmem:s4+$0x2200] =	vst v20;
	v21 =	vadd.s32 $0x1, v20  }
0x12c: {  	v22 =	vcvt.f32.s32 v22;
	v18 =	vmul.u32 $0x16, v18;
	v23 =	vadd.s32 $0x10, v20;
	[tilespmem:s5+$0x2200] =	vst v21  }
0x12d: {  	v41 =	vmul.f32 v16, v6;
	s8 =	sor.u32 $0x180, s11;
	v20 =	vadd.s32 $0x11, v20;
	v19 =	vtrunc.f32 v19;
	[tilespmem:s4+$0x2300] =	vst v23  }
0x12e: {  	v18 =	vadd.s32 v22, v18;
	v19 =	vcvt.f32.s32 v19;
	[tilespmem:s8+$0x2200] =	vst v20  }
0x12f: {  	v43 =	vmul.f32 v17, v7;
	v42 =	vtrunc.f32 v41;
	v22 =	vadd.s32 $0x1, v18;
	[tilespmem:s4+$0x2600] =	vst v18  }
0x130: {  	v44 =	vadd.s32 $0x16, v18;
	v20 =	vcvt.f32.s32 v42;
	v19 =	vmul.u32 $0x1E, v19;
	[tilespmem:s5+$0x2600] =	vst v22  }
0x131: {  	v45 =	vmul.f32 v16, v7;
	v21 =	vtrunc.f32 v43;
	v18 =	vadd.s32 $0x17, v18;
	[tilespmem:s4+$0x2700] =	vst v44  }
0x132: {  	v46 =	vcvt.f32.s32 v21;
	v19 =	vadd.s32 v20, v19;
	[tilespmem:s8+$0x2600] =	vst v18  }
0x133: {  	v47 =	vmul.f32 v17, v8;
	v48 =	vtrunc.f32 v45;
	v49 =	vadd.s32 $0x1, v19;
	[tilespmem:s4+$0x2A00] =	vst v19  }
0x134: {  	v21 =	vcvt.f32.s32 v48;
	v20 =	vmul.u32 $0x2A, v46;
	v50 =	vadd.s32 $0x1E, v19;
	[tilespmem:s5+$0x2A00] =	vst v49  }
0x135: {  	v51 =	vmul.f32 v16, v8;
	v18 =	vtrunc.f32 v47;
	v19 =	vadd.s32 $0x1F, v19;
	[tilespmem:s4+$0x2B00] =	vst v50  }
0x136: {  	v20 =	vadd.s32 v21, v20;
	v18 =	vcvt.f32.s32 v18;
	[tilespmem:s8+$0x2A00] =	vst v19  }
0x137: {  	v53 =	vmul.f32 v17, v9;
	v52 =	vtrunc.f32 v51;
	v54 =	vadd.s32 $0x1, v20;
	[tilespmem:s4+$0x2E00] =	vst v20  }
0x138: {  	v55 =	vadd.s32 $0x2A, v20;
	v18 =	vmul.u32 $0x3A, v18;
	v19 =	vcvt.f32.s32 v52;
	[tilespmem:s5+$0x2E00] =	vst v54  }
0x139: {  	v56 =	vmul.f32 v16, v9;
	v21 =	vtrunc.f32 v53;
	v20 =	vadd.s32 $0x2B, v20;
	[tilespmem:s4+$0x2F00] =	vst v55  }
0x13a: {  	v21 =	vcvt.f32.s32 v21;
	v18 =	vadd.s32 v19, v18;
	[tilespmem:s8+$0x2E00] =	vst v20  }
0x13b: {  	v57 =	vmul.f32 v17, v10;
	v58 =	vtrunc.f32 v56;
	v59 =	vadd.s32 $0x1, v18;
	[tilespmem:s4+$0x3200] =	vst v18  }
0x13c: {  	v21 =	vmul.u32 $0x50, v21;
	v60 =	vadd.s32 $0x3A, v18;
	v20 =	vcvt.f32.s32 v58;
	[tilespmem:s5+$0x3200] =	vst v59  }
0x13d: {  	v61 =	vmul.f32 v16, v10;
	v19 =	vtrunc.f32 v57;
	v18 =	vadd.s32 $0x3B, v18;
	[tilespmem:s4+$0x3300] =	vst v60  }
0x13e: {  	v19 =	vcvt.f32.s32 v19;
	v20 =	vadd.s32 v20, v21;
	[tilespmem:s8+$0x3200] =	vst v18  }
0x13f: {  	v63 =	vmul.f32 v17, v11;
	v62 =	vtrunc.f32 v61;
	v24 =	vadd.s32 $0x1, v20;
	[tilespmem:s4+$0x3600] =	vst v20  }
0x140: {  	v19 =	vmul.u32 $0x6F, v19;
	v25 =	vadd.s32 $0x50, v20;
	v18 =	vcvt.f32.s32 v62;
	[tilespmem:s5+$0x3600] =	vst v24  }
0x141: {  	v26 =	vmul.f32 v16, v11;
	v21 =	vtrunc.f32 v63;
	v20 =	vadd.s32 $0x51, v20;
	[tilespmem:s4+$0x3700] =	vst v25  }
0x142: {  	v21 =	vcvt.f32.s32 v21;
	v18 =	vadd.s32 v18, v19;
	[tilespmem:s8+$0x3600] =	vst v20  }
0x143: {  	v27 =	vmul.f32 v17, v12;
	v28 =	vtrunc.f32 v26;
	v29 =	vadd.s32 $0x1, v18;
	[tilespmem:s4+$0x3A00] =	vst v18  }
0x144: {  	v21 =	vmul.u32 $0x99, v21;
	v30 =	vadd.s32 $0x6F, v18;
	v20 =	vcvt.f32.s32 v28;
	[tilespmem:s5+$0x3A00] =	vst v29  }
0x145: {  	v31 =	vmul.f32 v16, v12;
	v19 =	vtrunc.f32 v27;
	v18 =	vadd.s32 $0x70, v18;
	[tilespmem:s4+$0x3B00] =	vst v30  }
0x146: {  	v19 =	vcvt.f32.s32 v19;
	v20 =	vadd.s32 v20, v21;
	[tilespmem:s8+$0x3A00] =	vst v18  }
0x147: {  	v32 =	vmul.f32 v17, v13;
	v33 =	vtrunc.f32 v31;
	v34 =	vadd.s32 $0x1, v20;
	[tilespmem:s4+$0x3E00] =	vst v20  }
0x148: {  	v19 =	vmul.u32 $0xD4, v19;
	v21 =	vcvt.f32.s32 v33;
	v35 =	vadd.s32 $0x99, v20;
	[tilespmem:s5+$0x3E00] =	vst v34  }
0x149: {  	v36 =	vmul.f32 v16, v13;
	v18 =	vtrunc.f32 v32;
	v20 =	vadd.s32 $0x9A, v20;
	[tilespmem:s4+$0x3F00] =	vst v35  }
0x14a: {  	v19 =	vadd.s32 v21, v19;
	v18 =	vcvt.f32.s32 v18;
	[tilespmem:s8+$0x3E00] =	vst v20  }
0x14b: {  	v38 =	vmul.f32 v17, v14;
	v37 =	vtrunc.f32 v36;
	v39 =	vadd.s32 $0x1, v19;
	[tilespmem:s4+$0x4200] =	vst v19  }
0x14c: {  	v40 =	vadd.s32 $0xD4, v19;
	v18 =	vmul.u32 $0x126, v18;
	v20 =	vcvt.f32.s32 v37;
	[tilespmem:s5+$0x4200] =	vst v39  }
0x14d: {  	v41 =	vmul.f32 v16, v14;
	v21 =	vtrunc.f32 v38;
	v19 =	vadd.s32 $0xD5, v19;
	[tilespmem:s4+$0x4300] =	vst v40  }
0x14e: {  	v21 =	vcvt.f32.s32 v21;
	v18 =	vadd.s32 v20, v18;
	[tilespmem:s8+$0x4200] =	vst v19  }
0x14f: {  	v17 =	vmul.f32 v17, v15;
	v42 =	vtrunc.f32 v41;
	v20 =	vadd.s32 $0x1, v18;
	[tilespmem:s4+$0x4600] =	vst v18  }
0x150: {  	v21 =	vmul.u32 $0x196, v21;
	v43 =	vadd.s32 $0x126, v18;
	v19 =	vcvt.f32.s32 v42;
	[tilespmem:s5+$0x4600] =	vst v20  }
0x151: {  	v17 =	vtrunc.f32 v17;
	v16 =	vmul.f32 v16, v15;
	v18 =	vadd.s32 $0x127, v18;
	[tilespmem:s4+$0x4700] =	vst v43  }
0x152: {  	v17 =	vcvt.f32.s32 v17;
	v19 =	vadd.s32 v19, v21;
	[tilespmem:s8+$0x4600] =	vst v18  }
0x153: {  	v16 =	vtrunc.f32 v16;
	v44 =	vadd.s32 $0x1, v19;
	[tilespmem:s4+$0x4A00] =	vst v19  }
0x154: {  	v17 =	vmul.u32 $0x231, v17;
	v16 =	vcvt.f32.s32 v16;
	v45 =	vadd.s32 $0x196, v19;
	[tilespmem:s5+$0x4A00] =	vst v44  }
0x155: {  	v46 =	vadd.s32 $0x197, v19;
	[tilespmem:s4+$0x4B00] =	vst v45  }
0x156: {  	v16 =	vadd.s32 v16, v17;
	[tilespmem:s8+$0x4A00] =	vst v46  }
0x157: {  	v17 =	vadd.s32 $0x1, v16;
	[tilespmem:s4+$0x4E00] =	vst v16  }
0x158: {  	[tilespmem:s5+$0x4E00] =	vst v17;
	v17 =	vadd.s32 $0x231, v16  }
0x159: {  	v16 =	vadd.s32 $0x232, v16;
	[tilespmem:s4+$0x4F00] =	vst v17  }
0x15a: {  	s9 =	sshra.s32 s1, $0x2;
	[tilespmem:s8+$0x4E00] =	vst v16  }
0x15b: {  	v17 =	vld [tilespmem:s9+$0x0]  }
0x15c: {  	v16 =	vld [tilespmem:s9+$0x100];
	_ =	sdelay $0x3  }
0x15d: {  	v47 =	vmul.f32 v17, v4  }
0x15e: {  	v48 =	vmul.f32 v16, v4  }
0x15f: {  	v49 =	vmul.f32 v17, v5;
	v18 =	vtrunc.f32 v47  }
0x160: {  	v19 =	vtrunc.f32 v48;
	v18 =	vcvt.f32.s32 v18  }
0x161: {  	v19 =	vcvt.f32.s32 v19  }
0x162: {  	s10 =	sand.u32 $0xFFFFFE00, s1;
	s11 =	sand.u32 $0x200, s1;
	s19 =	sand.u32 $0x70, s2;
	v50 =	vmul.f32 v16, v5;
	v20 =	vtrunc.f32 v49;
	v18 =	vshll.u32 v18, $0x4  }
0x163: {  	s1 =	sor.u32 s19, s11;
	s4 =	sadd.s32 s10, s2;
	v20 =	vcvt.f32.s32 v20;
	v18 =	vadd.s32 v19, v18  }
0x164: {  	s2 =	sor.u32 $0x80, s4;
	v52 =	vmul.f32 v17, v6;
	v51 =	vtrunc.f32 v50;
	[tilespmem:s1+$0x2200] =	vst v18;
	v53 =	vadd.s32 $0x1, v18  }
0x165: {  	v20 =	vmul.u32 $0x16, v20;
	v19 =	vcvt.f32.s32 v51;
	v54 =	vadd.s32 $0x10, v18;
	[tilespmem:s2+$0x2200] =	vst v53  }
0x166: {  	s4 =	sor.u32 $0x180, s4;
	v55 =	vmul.f32 v16, v6;
	v21 =	vtrunc.f32 v52;
	v18 =	vadd.s32 $0x11, v18;
	[tilespmem:s1+$0x2300] =	vst v54  }
0x167: {  	v56 =	vcvt.f32.s32 v21;
	v19 =	vadd.s32 v19, v20;
	[tilespmem:s4+$0x2200] =	vst v18  }
0x168: {  	v58 =	vmul.f32 v17, v7;
	v57 =	vtrunc.f32 v55;
	v59 =	vadd.s32 $0x1, v19;
	[tilespmem:s1+$0x2600] =	vst v19  }
0x169: {  	v20 =	vmul.u32 $0x1E, v56;
	v60 =	vadd.s32 $0x16, v19;
	v18 =	vcvt.f32.s32 v57;
	[tilespmem:s2+$0x2600] =	vst v59  }
0x16a: {  	v61 =	vmul.f32 v16, v7;
	v21 =	vtrunc.f32 v58;
	v19 =	vadd.s32 $0x17, v19;
	[tilespmem:s1+$0x2700] =	vst v60  }
0x16b: {  	v62 =	vcvt.f32.s32 v21;
	v18 =	vadd.s32 v18, v20;
	[tilespmem:s4+$0x2600] =	vst v19  }
0x16c: {  	v63 =	vmul.f32 v17, v8;
	v24 =	vtrunc.f32 v61;
	v25 =	vadd.s32 $0x1, v18;
	[tilespmem:s1+$0x2A00] =	vst v18  }
0x16d: {  	v21 =	vcvt.f32.s32 v24;
	v20 =	vmul.u32 $0x2A, v62;
	v26 =	vadd.s32 $0x1E, v18;
	[tilespmem:s2+$0x2A00] =	vst v25  }
0x16e: {  	v27 =	vmul.f32 v16, v8;
	v19 =	vtrunc.f32 v63;
	v18 =	vadd.s32 $0x1F, v18;
	[tilespmem:s1+$0x2B00] =	vst v26  }
0x16f: {  	v20 =	vadd.s32 v21, v20;
	v19 =	vcvt.f32.s32 v19;
	[tilespmem:s4+$0x2A00] =	vst v18  }
0x170: {  	v29 =	vmul.f32 v17, v9;
	v28 =	vtrunc.f32 v27;
	v30 =	vadd.s32 $0x1, v20;
	[tilespmem:s1+$0x2E00] =	vst v20  }
0x171: {  	v31 =	vadd.s32 $0x2A, v20;
	v19 =	vmul.u32 $0x3A, v19;
	v18 =	vcvt.f32.s32 v28;
	[tilespmem:s2+$0x2E00] =	vst v30  }
0x172: {  	v32 =	vmul.f32 v16, v9;
	v21 =	vtrunc.f32 v29;
	v20 =	vadd.s32 $0x2B, v20;
	[tilespmem:s1+$0x2F00] =	vst v31  }
0x173: {  	v21 =	vcvt.f32.s32 v21;
	v18 =	vadd.s32 v18, v19;
	[tilespmem:s4+$0x2E00] =	vst v20  }
0x174: {  	v33 =	vmul.f32 v17, v10;
	v34 =	vtrunc.f32 v32;
	v35 =	vadd.s32 $0x1, v18;
	[tilespmem:s1+$0x3200] =	vst v18  }
0x175: {  	v21 =	vmul.u32 $0x50, v21;
	v36 =	vadd.s32 $0x3A, v18;
	v20 =	vcvt.f32.s32 v34;
	[tilespmem:s2+$0x3200] =	vst v35  }
0x176: {  	v37 =	vmul.f32 v16, v10;
	v19 =	vtrunc.f32 v33;
	v18 =	vadd.s32 $0x3B, v18;
	[tilespmem:s1+$0x3300] =	vst v36  }
0x177: {  	v19 =	vcvt.f32.s32 v19;
	v20 =	vadd.s32 v20, v21;
	[tilespmem:s4+$0x3200] =	vst v18  }
0x178: {  	v39 =	vmul.f32 v17, v11;
	v38 =	vtrunc.f32 v37;
	v40 =	vadd.s32 $0x1, v20;
	[tilespmem:s1+$0x3600] =	vst v20  }
0x179: {  	v19 =	vmul.u32 $0x6F, v19;
	v41 =	vadd.s32 $0x50, v20;
	v18 =	vcvt.f32.s32 v38;
	[tilespmem:s2+$0x3600] =	vst v40  }
0x17a: {  	v42 =	vmul.f32 v16, v11;
	v21 =	vtrunc.f32 v39;
	v20 =	vadd.s32 $0x51, v20;
	[tilespmem:s1+$0x3700] =	vst v41  }
0x17b: {  	v21 =	vcvt.f32.s32 v21;
	v18 =	vadd.s32 v18, v19;
	[tilespmem:s4+$0x3600] =	vst v20  }
0x17c: {  	v43 =	vmul.f32 v17, v12;
	v44 =	vtrunc.f32 v42;
	v45 =	vadd.s32 $0x1, v18;
	[tilespmem:s1+$0x3A00] =	vst v18  }
0x17d: {  	v21 =	vmul.u32 $0x99, v21;
	v46 =	vadd.s32 $0x6F, v18;
	v20 =	vcvt.f32.s32 v44;
	[tilespmem:s2+$0x3A00] =	vst v45  }
0x17e: {  	v47 =	vmul.f32 v16, v12;
	v19 =	vtrunc.f32 v43;
	v18 =	vadd.s32 $0x70, v18;
	[tilespmem:s1+$0x3B00] =	vst v46  }
0x17f: {  	v19 =	vcvt.f32.s32 v19;
	v20 =	vadd.s32 v20, v21;
	[tilespmem:s4+$0x3A00] =	vst v18  }
0x180: {  	v48 =	vmul.f32 v17, v13;
	v49 =	vtrunc.f32 v47;
	v50 =	vadd.s32 $0x1, v20;
	[tilespmem:s1+$0x3E00] =	vst v20  }
0x181: {  	v19 =	vmul.u32 $0xD4, v19;
	v21 =	vcvt.f32.s32 v49;
	v51 =	vadd.s32 $0x99, v20;
	[tilespmem:s2+$0x3E00] =	vst v50  }
0x182: {  	v52 =	vmul.f32 v16, v13;
	v18 =	vtrunc.f32 v48;
	v20 =	vadd.s32 $0x9A, v20;
	[tilespmem:s1+$0x3F00] =	vst v51  }
0x183: {  	v19 =	vadd.s32 v21, v19;
	v18 =	vcvt.f32.s32 v18;
	[tilespmem:s4+$0x3E00] =	vst v20  }
0x184: {  	v53 =	vtrunc.f32 v52;
	v54 =	vmul.f32 v17, v14;
	v55 =	vadd.s32 $0x1, v19;
	[tilespmem:s1+$0x4200] =	vst v19  }
0x185: {  	v56 =	vadd.s32 $0xD4, v19;
	v18 =	vmul.u32 $0x126, v18;
	v20 =	vcvt.f32.s32 v53;
	[tilespmem:s2+$0x4200] =	vst v55  }
0x186: {  	v57 =	vmul.f32 v16, v14;
	v21 =	vtrunc.f32 v54;
	v19 =	vadd.s32 $0xD5, v19;
	[tilespmem:s1+$0x4300] =	vst v56  }
0x187: {  	v21 =	vcvt.f32.s32 v21;
	v18 =	vadd.s32 v20, v18;
	[tilespmem:s4+$0x4200] =	vst v19  }
0x188: {  	v17 =	vmul.f32 v17, v15;
	v58 =	vtrunc.f32 v57;
	v20 =	vadd.s32 $0x1, v18;
	[tilespmem:s1+$0x4600] =	vst v18  }
0x189: {  	v21 =	vmul.u32 $0x196, v21;
	v59 =	vadd.s32 $0x126, v18;
	v19 =	vcvt.f32.s32 v58;
	[tilespmem:s2+$0x4600] =	vst v20  }
0x18a: {  	v16 =	vmul.f32 v16, v15;
	v17 =	vtrunc.f32 v17;
	v18 =	vadd.s32 $0x127, v18;
	[tilespmem:s1+$0x4700] =	vst v59  }
0x18b: {  	v17 =	vcvt.f32.s32 v17;
	v19 =	vadd.s32 v19, v21;
	[tilespmem:s4+$0x4600] =	vst v18  }
0x18c: {  	v16 =	vtrunc.f32 v16;
	v60 =	vadd.s32 $0x1, v19;
	[tilespmem:s1+$0x4A00] =	vst v19  }
0x18d: {  	v16 =	vcvt.f32.s32 v16;
	v17 =	vmul.u32 $0x231, v17;
	v61 =	vadd.s32 $0x196, v19;
	[tilespmem:s2+$0x4A00] =	vst v60  }
0x18e: {  	v62 =	vadd.s32 $0x197, v19;
	[tilespmem:s1+$0x4B00] =	vst v61  }
0x18f: {  	v16 =	vadd.s32 v16, v17;
	[tilespmem:s4+$0x4A00] =	vst v62  }
0x190: {  	v17 =	vadd.s32 $0x1, v16;
	[tilespmem:s1+$0x4E00] =	vst v16  }
0x191: {  	v63 =	vadd.s32 $0x231, v16;
	[tilespmem:s2+$0x4E00] =	vst v17  }
0x192: {  	s5 =	sld [smem:$0x7EE];
	v16 =	vadd.s32 $0x232, v16;
	[tilespmem:s1+$0x4F00] =	vst v63  }
0x193: {  	s6 =	simm.s32 $0x3E00;
	s2 =	rddreg [dreg:$0x1e];
	[tilespmem:s4+$0x4E00] =	vst v16;
	s4 =	simm.s32 $0x7200  }
0x194: {  	[tilespmem:s4], [sflag:$0x1] =	stream.indirect.gather [hbm4b:s2+s3], $0x1, s6, s3, $0xb8;
	[tilespmem:$0x18B00] =	vst v63  }
0x195: {  	s7 =	simm.s32 $0x9600;
	s11 =	sld [smem:$0x7EF]  }
0x196: {  	[tilespmem:s7], [sflag:$0x1] =	stream.indirect.gather [hbm4b:s5+s3], $0x1, s6, s3, $0xb8;
	[tilespmem:$0x18B00] =	vst v63  }
0x197: {  	s10 =	simm.s32 $0x7600;
	s8 =	rddreg [dreg:$0x1f];
	s9 =	simm.s32 $0x4200  }
0x198: {  	[tilespmem:s10], [sflag:$0x1] =	stream.indirect.gather [hbm4b:s8+s3], $0x1, s9, s3, $0xb8;
	[tilespmem:$0x18B00] =	vst v63  }
0x199: {  	s19 =	simm.s32 $0x9A00;
	s4 =	sld [smem:$0x7E1]  }
0x19a: {  	[tilespmem:s19], [sflag:$0x1] =	stream.indirect.gather [hbm4b:s11+s3], $0x1, s9, s3, $0xb8;
	[tilespmem:$0x18B00] =	vst v63  }
0x19b: {  	s5 =	simm.s32 $0x4600;
	s7 =	simm.s32 $0x7A00;
	s8 =	sld [smem:$0x7F0]  }
0x19c: {  	[tilespmem:s7], [sflag:$0x1] =	stream.indirect.gather [hbm4b:s4+s3], $0x1, s5, s3, $0xb8;
	[tilespmem:$0x18B00] =	vst v63  }
0x19d: {  	s10 =	sld [smem:$0x7E2];
	s9 =	simm.s32 $0x9E00  }
0x19e: {  	[tilespmem:s9], [sflag:$0x1] =	stream.indirect.gather [hbm4b:s8+s3], $0x1, s5, s3, $0xb8;
	[tilespmem:$0x18B00] =	vst v63  }
0x19f: {  	s11 =	simm.s32 $0x4A00;
	s19 =	simm.s32 $0x7E00;
	s5 =	sld [smem:$0x7F1]  }
0x1a0: {  	[tilespmem:s19], [sflag:$0x1] =	stream.indirect.gather [hbm4b:s10+s3], $0x1, s11, s3, $0xb8;
	[tilespmem:$0x18B00] =	vst v63  }
0x1a1: {  	s7 =	simm.s32 $0xA200;
	s8 =	sld [smem:$0x7E3]  }
0x1a2: {  	[tilespmem:s7], [sflag:$0x1] =	stream.indirect.gather [hbm4b:s5+s3], $0x1, s11, s3, $0xb8;
	[tilespmem:$0x18B00] =	vst v63  }
0x1a3: {  	s9 =	simm.s32 $0x4E00;
	s10 =	simm.s32 $0x8200;
	s11 =	sld [smem:$0x7F2]  }
0x1a4: {  	[tilespmem:s10], [sflag:$0x1] =	stream.indirect.gather [hbm4b:s8+s3], $0x1, s9, s3, $0xb8;
	[tilespmem:$0x18B00] =	vst v63  }
0x1a5: {  	s19 =	simm.s32 $0xA600  }
0x1a6: {  	[tilespmem:s19], [sflag:$0x1] =	stream.indirect.gather [hbm4b:s11+s3], $0x1, s9, s3, $0xb8;
	[tilespmem:$0x18B00] =	vst v63  }
0x1a7: {  	_ =	swait.ge [sflag:s12], $0x400  }
0x1a8: {  	[sflag:s12] =	ssyncset.done $0x0  }
0x1a9: {  	[sflag:s12] =	ssyncadd.s32 $0xFFFFFC00  }
0x1aa: {  	_ =	swait.ge [sflag:s12], $0x400  }
0x1ab: {  	[sflag:s12] =	ssyncset.done $0x0  }
0x1ac: {  	[sflag:s12] =	ssyncadd.s32 $0xFFFFFC00  }
0x1ad: {  	_ =	swait.ge [sflag:s12], $0x400  }
0x1ae: {  	[sflag:s12] =	ssyncset.done $0x0  }
0x1af: {  	[sflag:s12] =	ssyncadd.s32 $0xFFFFFC00  }
0x1b0: {  	_ =	swait.ge [sflag:s12], $0x400  }
0x1b1: {  	s4 =	sld [smem:$0x7E4]  }
0x1b2: {  	s5 =	simm.s32 $0x5200;
	[sflag:s12] =	ssyncset.done $0x0  }
0x1b3: {  	s7 =	simm.s32 $0x8600;
	s8 =	sld [smem:$0x7F3];
	[sflag:s12] =	ssyncadd.s32 $0xFFFFFC00  }
0x1b4: {  	[tilespmem:s7], [sflag:$0x1] =	stream.indirect.gather [hbm4b:s4+s3], $0x1, s5, s3, $0xb8;
	[tilespmem:$0x18B00] =	vst v63  }
0x1b5: {  	s9 =	simm.s32 $0xAA00;
	s10 =	sld [smem:$0x7E5]  }
0x1b6: {  	[tilespmem:s9], [sflag:$0x1] =	stream.indirect.gather [hbm4b:s8+s3], $0x1, s5, s3, $0xb8;
	[tilespmem:$0x18B00] =	vst v63  }
0x1b7: {  	s11 =	simm.s32 $0x5600;
	s19 =	simm.s32 $0x8A00;
	s5 =	sld [smem:$0x7F4]  }
0x1b8: {  	[tilespmem:s19], [sflag:$0x1] =	stream.indirect.gather [hbm4b:s10+s3], $0x1, s11, s3, $0xb8;
	[tilespmem:$0x18B00] =	vst v63  }
0x1b9: {  	s7 =	simm.s32 $0xAE00;
	s8 =	sld [smem:$0x7E6]  }
0x1ba: {  	[tilespmem:s7], [sflag:$0x1] =	stream.indirect.gather [hbm4b:s5+s3], $0x1, s11, s3, $0xb8;
	[tilespmem:$0x18B00] =	vst v63  }
0x1bb: {  	s9 =	simm.s32 $0x5A00;
	s10 =	simm.s32 $0x8E00;
	s11 =	sld [smem:$0x7F5]  }
0x1bc: {  	[tilespmem:s10], [sflag:$0x1] =	stream.indirect.gather [hbm4b:s8+s3], $0x1, s9, s3, $0xb8;
	[tilespmem:$0x18B00] =	vst v63  }
0x1bd: {  	s19 =	simm.s32 $0xB200;
	s5 =	sld [smem:$0x7E7]  }
0x1be: {  	[tilespmem:s19], [sflag:$0x1] =	stream.indirect.gather [hbm4b:s11+s3], $0x1, s9, s3, $0xb8;
	[tilespmem:$0x18B00] =	vst v63  }
0x1bf: {  	s8 =	simm.s32 $0x5E00;
	s10 =	sld [smem:$0x7F6];
	s9 =	simm.s32 $0x9200  }
0x1c0: {  	[tilespmem:s9], [sflag:$0x1] =	stream.indirect.gather [hbm4b:s5+s3], $0x1, s8, s3, $0xb8;
	[tilespmem:$0x18B00] =	vst v63  }
0x1c1: {  	s11 =	simm.s32 $0xB600  }
0x1c2: {  	[tilespmem:s11], [sflag:$0x1] =	stream.indirect.gather [hbm4b:s10+s3], $0x1, s8, s3, $0xb8;
	[tilespmem:$0x18B00] =	vst v63  }
0x1c3: {  	_ =	swait.ge [sflag:s12], $0x400  }
0x1c4: {  	[sflag:s12] =	ssyncset.done $0x0  }
0x1c5: {  	[sflag:s12] =	ssyncadd.s32 $0xFFFFFC00  }
0x1c6: {  	_ =	swait.ge [sflag:s12], $0x400  }
0x1c7: {  	[sflag:s12] =	ssyncset.done $0x0  }
0x1c8: {  	[sflag:s12] =	ssyncadd.s32 $0xFFFFFC00  }
0x1c9: {  	_ =	swait.ge [sflag:s12], $0x400  }
0x1ca: {  	[sflag:s12] =	ssyncset.done $0x0  }
0x1cb: {  	[sflag:s12] =	ssyncadd.s32 $0xFFFFFC00  }
0x1cc: {  	_ =	swait.ge [sflag:s12], $0x400  }
0x1cd: {  	[sflag:s12] =	ssyncset.done $0x0  }
0x1ce: {  	[sflag:s12] =	ssyncadd.s32 $0xFFFFFC00  }
0x1cf: {  	_ =	swait.ge [sflag:s12], $0x400  }
0x1d0: {  	[sflag:s12] =	ssyncset.done $0x0  }
0x1d1: {  	[sflag:s12] =	ssyncadd.s32 $0xFFFFFC00  }
0x1d2: {  	_ =	swait.ge [sflag:s12], $0x400  }
0x1d3: {  	[sflag:s12] =	ssyncset.done $0x0  }
0x1d4: {  	[sflag:s12] =	ssyncadd.s32 $0xFFFFFC00  }
0x1d5: {  	_ =	swait.ge [sflag:s12], $0x400  }
0x1d6: {  	[sflag:s12] =	ssyncset.done $0x0  }
0x1d7: {  	[sflag:s12] =	ssyncadd.s32 $0xFFFFFC00  }
0x1d8: {  	_ =	swait.ge [sflag:s12], $0x400  }
0x1d9: {  	[sflag:s12] =	ssyncset.done $0x0  }
0x1da: {  	[sflag:s12] =	ssyncadd.s32 $0xFFFFFC00  }
0x1db: {  	_ =	swait.ge [sflag:s12], $0x400  }
0x1dc: {  	[sflag:s12] =	ssyncset.done $0x0  }
0x1dd: {  	[sflag:s12] =	ssyncadd.s32 $0xFFFFFC00  }
0x1de: {  	_ =	swait.ge [sflag:s12], $0x400  }
0x1df: {  	[sflag:s12] =	ssyncset.done $0x0  }
0x1e0: {  	[sflag:s12] =	ssyncadd.s32 $0xFFFFFC00  }
0x1e1: {  	_ =	swait.ge [sflag:s12], $0x400  }
0x1e2: {  	[sflag:s12] =	ssyncset.done $0x0  }
0x1e3: {  	[sflag:s12] =	ssyncadd.s32 $0xFFFFFC00  }
0x1e4: {  	_ =	swait.ge [sflag:s12], $0x400  }
0x1e5: {  	[sflag:s12] =	ssyncset.done $0x0  }
0x1e6: {  	[sflag:s12] =	ssyncadd.s32 $0xFFFFFC00  }
0x1e7: {  	_ =	swait.ge [sflag:s12], $0x400  }
0x1e8: {  	[sflag:s12] =	ssyncset.done $0x0  }
0x1e9: {  	[sflag:s12] =	ssyncadd.s32 $0xFFFFFC00  }
0x1ea: {  	_ =	swait.ge [sflag:s12], $0x400  }
0x1eb: {  	[sflag:s12] =	ssyncset.done $0x0  }
0x1ec: {  	[sflag:s12] =	ssyncadd.s32 $0xFFFFFC00  }
0x1ed: {  	_ =	swait.ge [sflag:s12], $0x400  }
0x1ee: {  	[sflag:s12] =	ssyncset.done $0x0  }
0x1ef: {  	[sflag:s12] =	ssyncadd.s32 $0xFFFFFC00  }
0x1f0: {  	_ =	swait.ge [sflag:s12], $0x400  }
0x1f1: {  	[sflag:s12] =	ssyncset.done $0x0  }
0x1f2: {  	[sflag:s12] =	ssyncadd.s32 $0xFFFFFC00  }
0x1f3: {  	_ =	swait.ge [sflag:s12], $0x400  }
0x1f4: {  	[sflag:s12] =	ssyncset.done $0x0  }
0x1f5: {  	[sflag:s12] =	ssyncadd.s32 $0xFFFFFC00  }
0x1f6: {  	s1 =	simm.s32 $0x100;
	s2 =	simm.s32 $0x0;
	_ =	swait.ge [sflag:s12], $0x400  }
0x1f7: {  	s7 =	simm.s32 $0x5A00;
	s19 =	simm.s32 $0x5E00;
	[sflag:s12] =	ssyncset.done $0x0  }
0x1f8: {  	s9 =	simm.s32 $0x0;
	s8 =	simm.s32 $0x0;
	[sflag:s12] =	ssyncadd.s32 $0xFFFFFC00  }
.LBB3_7:
0x1f9: {  	v16 =	vld [tilespmem:s2+$0x0]  }
0x1fa: {  	v17 =	vld [tilespmem:s1+$0x0];
	_ =	sdelay $0x3  }
0x1fb: {  	v18 =	vmul.f32 v16, v4  }
0x1fc: {  	v19 =	vmul.f32 v17, v4  }
0x1fd: {  	v18 =	vtrunc.f32 v18  }
0x1fe: {  	v19 =	vtrunc.f32 v19;
	v18 =	vcvt.f32.s32 v18  }
0x1ff: {  	v19 =	vcvt.f32.s32 v19  }
0x200: {  	v20 =	vcvt.s32.f32 v18  }
0x201: {  	v21 =	vcvt.s32.f32 v19  }
0x202: {  	v20 =	vmul.f32 $1.280000000e+02, v20  }
0x203: {  	v21 =	vmul.f32 $1.280000000e+02, v21  }
0x204: {  	v22 =	vadd.f32 $1.280000000e+02, v20  }
0x205: {  	v23 =	vadd.f32 $1.280000000e+02, v21  }
0x206: {  	v18 =	vshll.u32 v18, $0x4;
	v22 =	vsub.f32 v22, v20  }
0x207: {  	v18 =	vadd.s32 v19, v18;
	v23 =	vsub.f32 v23, v21  }
0x208: {  	(erf) = vrcp.f32 v22  }
0x209: {  	v25 =	vmul.f32 v17, v5;
	v19 =	vadd.s32 $0x1, v18;
	(erf) = vrcp.f32 v23  }
0x20a: {  	v24 =	vadd.s32 $0x11, v18  }
0x20b: {  	v53 =	vmul.f32 v16, v5;
	v25 =	vtrunc.f32 v25  }
0x20c: {  	v25 =	vcvt.f32.s32 v25;
	v26 =	vld.idx.msk [tilespmem:v18+s18+$0x0], $0xffff  }
0x20d: {  	v52 =	vadd.s32 $0x10, v18;
	v18 =	vld.idx.msk [tilespmem:v18+s21+$0x0], $0xffff;
	v23 =	vtrunc.f32 v53  }
0x20e: {  	v32 =	vcvt.s32.f32 v25;
	v28 =	vld.idx.msk [tilespmem:v19+s18+$0x0], $0xffff;
	v23 =	vcvt.f32.s32 v23  }
0x20f: {  	v54 =	vld.idx.msk [tilespmem:v24+s18+$0x0], $0xffff  }
0x210: {  	v32 =	vmul.f32 $9.309091180e+01, v32;
	v19 =	vld.idx.msk [tilespmem:v19+s21+$0x0], $0xffff;
	v31 =	vcvt.s32.f32 v23  }
0x211: {  	v21 =	vsub.f32 v17, v21;
	v24 =	vld.idx.msk [tilespmem:v24+s21+$0x0], $0xffff;
	v27 =	vpop (erf)  }
0x212: {  	v34 =	vadd.f32 $9.309091180e+01, v32;
	v20 =	vsub.f32 v16, v20;
	v30 =	vld.idx.msk [tilespmem:v52+s18+$0x0], $0xffff;
	v31 =	vmul.f32 $9.309091180e+01, v31;
	v29 =	vpop (erf)  }
0x213: {  	v22 =	vld.idx.msk [tilespmem:v52+s21+$0x0], $0xffff;
	v21 =	vmul.f32 v29, v21  }
0x214: {  	v34 =	vsub.f32 v34, v32;
	v55 =	vadd.f32 $9.309091180e+01, v31;
	v20 =	vmul.f32 v27, v20  }
0x215: {  	v33 =	vsub.f32 $1.000000000e+00, v21;
	v28 =	vmul.f32 v21, v28;
	v29 =	vmul.f32 v21, v54  }
0x216: {  	v60 =	vmul.u32 $0x16, v23;
	v19 =	vmul.f32 v21, v19;
	v21 =	vmul.f32 v21, v24  }
0x217: {  	v27 =	vsub.f32 v55, v31;
	v26 =	vmul.f32 v33, v26;
	v30 =	vmul.f32 v33, v30  }
0x218: {  	v56 =	vsub.f32 $1.000000000e+00, v20;
	v18 =	vmul.f32 v33, v18;
	v22 =	vmul.f32 v33, v22  }
0x219: {  	(erf) = vrcp.f32 v27;
	v57 =	vadd.f32 v26, v28;
	v58 =	vadd.f32 v30, v29  }
0x21a: {  	(erf) = vrcp.f32 v34;
	v18 =	vadd.f32 v18, v19;
	v59 =	vadd.f32 v22, v21  }
0x21b: {  	v61 =	vmul.f32 v57, v56;
	v62 =	vmul.f32 v58, v20  }
0x21c: {  	s5 =	sshll.u32 s9, $0x7;
	v63 =	vadd.s32 v25, v60;
	v18 =	vmul.f32 v18, v56;
	v19 =	vmul.f32 v59, v20  }
0x21d: {  	s4 =	sand.u32 $0x70, s8;
	s5 =	sand.u32 $0x3FFFFC00, s5;
	v33 =	vadd.s32 $0x1, v63;
	v30 =	vadd.f32 v62, v61  }
0x21e: {  	s10 =	sor.u32 s4, s5;
	v34 =	vadd.s32 $0x16, v63;
	v18 =	vadd.f32 v19, v18  }
0x21f: {  	v41 =	vmul.f32 v16, v6;
	v35 =	vadd.s32 $0x17, v63;
	[tilespmem:s10+$0x200] =	vst v30  }
0x220: {  	[tilespmem:s10+$0x280] =	vst v18  }
0x221: {  	v27 =	vtrunc.f32 v41;
	v25 =	vld.idx.msk [tilespmem:v63+s22+$0x0], $0xffff  }
0x222: {  	v43 =	vmul.f32 v17, v6;
	v27 =	vcvt.f32.s32 v27;
	v40 =	vld.idx.msk [tilespmem:v33+s22+$0x0], $0xffff  }
0x223: {  	v42 =	vld.idx.msk [tilespmem:v34+s22+$0x0], $0xffff  }
0x224: {  	v37 =	vsub.f32 v17, v32;
	v46 =	vcvt.s32.f32 v27;
	v29 =	vtrunc.f32 v43;
	v36 =	vpop (erf);
	v44 =	vld.idx.msk [tilespmem:v35+s22+$0x0], $0xffff  }
0x225: {  	v29 =	vcvt.f32.s32 v29;
	v38 =	vpop (erf);
	v20 =	vld.idx.msk [tilespmem:v63+s23+$0x0], $0xffff  }
0x226: {  	v39 =	vsub.f32 v16, v31;
	v31 =	vmul.f32 $6.826667020e+01, v46;
	v23 =	vmul.f32 v38, v37;
	v22 =	vld.idx.msk [tilespmem:v33+s23+$0x0], $0xffff  }
0x227: {  	v47 =	vcvt.s32.f32 v29;
	v19 =	vld.idx.msk [tilespmem:v34+s23+$0x0], $0xffff  }
0x228: {  	v50 =	vadd.f32 $6.826667020e+01, v31;
	v21 =	vld.idx.msk [tilespmem:v35+s23+$0x0], $0xffff;
	v45 =	vsub.f32 $1.000000000e+00, v23  }
0x229: {  	v53 =	vmul.u32 $0x1E, v27;
	v49 =	vmul.f32 $6.826667020e+01, v47;
	v18 =	vmul.f32 v36, v39  }
0x22a: {  	v51 =	vsub.f32 v50, v31;
	v25 =	vmul.f32 v25, v45;
	v24 =	vmul.f32 v40, v23  }
0x22b: {  	v32 =	vadd.f32 $6.826667020e+01, v49;
	v28 =	vmul.f32 v42, v45;
	v26 =	vmul.f32 v44, v23  }
0x22c: {  	v48 =	vsub.f32 $1.000000000e+00, v18;
	v20 =	vmul.f32 v20, v45;
	v22 =	vmul.f32 v22, v23  }
0x22d: {  	v52 =	vsub.f32 v32, v49;
	v19 =	vmul.f32 v19, v45;
	v21 =	vmul.f32 v21, v23  }
0x22e: {  	(erf) = vrcp.f32 v51;
	v24 =	vadd.f32 v24, v25;
	v26 =	vadd.f32 v26, v28  }
0x22f: {  	(erf) = vrcp.f32 v52;
	v20 =	vadd.f32 v22, v20;
	v19 =	vadd.f32 v21, v19  }
0x230: {  	v24 =	vmul.f32 v24, v48;
	v54 =	vmul.f32 v26, v18  }
0x231: {  	v55 =	vadd.s32 v29, v53;
	v20 =	vmul.f32 v20, v48;
	v18 =	vmul.f32 v19, v18  }
0x232: {  	v56 =	vadd.f32 v54, v24  }
0x233: {  	v57 =	vadd.s32 $0x1, v55;
	v18 =	vadd.f32 v18, v20  }
0x234: {  	v58 =	vadd.s32 $0x1E, v55;
	[tilespmem:s10+$0x300] =	vst v56  }
0x235: {  	v60 =	vadd.s32 $0x1F, v55;
	[tilespmem:s10+$0x380] =	vst v18  }
0x236: {  	v59 =	vmul.f32 v16, v7;
	v62 =	vld.idx.msk [tilespmem:v55+s14+$0x0], $0xffff  }
0x237: {  	v61 =	vmul.f32 v17, v7;
	v19 =	vld.idx.msk [tilespmem:v55+s24+$0x0], $0xffff  }
0x238: {  	v22 =	vtrunc.f32 v59;
	v36 =	vld.idx.msk [tilespmem:v57+s14+$0x0], $0xffff  }
0x239: {  	v23 =	vtrunc.f32 v61;
	v25 =	vsub.f32 v17, v49;
	v22 =	vcvt.f32.s32 v22;
	v63 =	vpop (erf);
	v38 =	vld.idx.msk [tilespmem:v58+s14+$0x0], $0xffff  }
0x23a: {  	v31 =	vsub.f32 v16, v31;
	v23 =	vcvt.f32.s32 v23;
	v37 =	vpop (erf);
	v40 =	vld.idx.msk [tilespmem:v60+s14+$0x0], $0xffff  }
0x23b: {  	v39 =	vcvt.s32.f32 v22;
	v25 =	vmul.f32 v37, v25;
	v20 =	vld.idx.msk [tilespmem:v57+s24+$0x0], $0xffff  }
0x23c: {  	v41 =	vcvt.s32.f32 v23;
	v26 =	vmul.f32 v63, v31;
	v21 =	vld.idx.msk [tilespmem:v58+s24+$0x0], $0xffff  }
0x23d: {  	v30 =	vmul.f32 $4.876190570e+01, v39;
	v18 =	vld.idx.msk [tilespmem:v60+s24+$0x0], $0xffff;
	v42 =	vsub.f32 $1.000000000e+00, v25  }
0x23e: {  	v32 =	vmul.f32 $4.876190570e+01, v41;
	v47 =	vmul.u32 $0x2A, v22;
	v45 =	vsub.f32 $1.000000000e+00, v26  }
0x23f: {  	v43 =	vadd.f32 $4.876190570e+01, v30;
	v24 =	vmul.f32 v62, v42;
	v27 =	vmul.f32 v36, v25  }
0x240: {  	v44 =	vadd.f32 $4.876190570e+01, v32;
	v29 =	vmul.f32 v38, v42;
	v28 =	vmul.f32 v40, v25  }
0x241: {  	v31 =	vsub.f32 v43, v30;
	v19 =	vmul.f32 v19, v42;
	v20 =	vmul.f32 v20, v25  }
0x242: {  	v34 =	vsub.f32 v44, v32;
	v21 =	vmul.f32 v21, v42;
	v18 =	vmul.f32 v18, v25  }
0x243: {  	(erf) = vrcp.f32 v31;
	v24 =	vadd.f32 v27, v24;
	v46 =	vadd.f32 v28, v29  }
0x244: {  	(erf) = vrcp.f32 v34;
	v19 =	vadd.f32 v20, v19;
	v18 =	vadd.f32 v18, v21  }
0x245: {  	v48 =	vmul.f32 v24, v45;
	v49 =	vmul.f32 v46, v26  }
0x246: {  	v20 =	vadd.s32 v23, v47;
	v19 =	vmul.f32 v19, v45;
	v18 =	vmul.f32 v18, v26  }
0x247: {  	v50 =	vadd.s32 $0x1, v20;
	v21 =	vadd.f32 v49, v48  }
0x248: {  	v51 =	vadd.s32 $0x2A, v20;
	v18 =	vadd.f32 v18, v19  }
0x249: {  	v52 =	vadd.s32 $0x2B, v20;
	[tilespmem:s10+$0x400] =	vst v21  }
0x24a: {  	v59 =	vmul.f32 v16, v8;
	[tilespmem:s10+$0x480] =	vst v18  }
0x24b: {  	v61 =	vmul.f32 v17, v8;
	v56 =	vld.idx.msk [tilespmem:v20+s25+$0x0], $0xffff  }
0x24c: {  	v27 =	vtrunc.f32 v59;
	v58 =	vld.idx.msk [tilespmem:v50+s25+$0x0], $0xffff  }
0x24d: {  	v29 =	vtrunc.f32 v61;
	v27 =	vcvt.f32.s32 v27;
	v60 =	vld.idx.msk [tilespmem:v51+s25+$0x0], $0xffff  }
0x24e: {  	v54 =	vsub.f32 v17, v32;
	v29 =	vcvt.f32.s32 v29;
	v53 =	vpop (erf);
	v62 =	vld.idx.msk [tilespmem:v52+s25+$0x0], $0xffff  }
0x24f: {  	v36 =	vcvt.s32.f32 v27;
	v55 =	vpop (erf);
	v20 =	vld.idx.msk [tilespmem:v20+s26+$0x0], $0xffff  }
0x250: {  	v37 =	vcvt.s32.f32 v29;
	v22 =	vld.idx.msk [tilespmem:v50+s26+$0x0], $0xffff;
	v23 =	vmul.f32 v55, v54  }
0x251: {  	v57 =	vsub.f32 v16, v30;
	v31 =	vmul.f32 $3.531034470e+01, v36;
	v19 =	vld.idx.msk [tilespmem:v51+s26+$0x0], $0xffff  }
0x252: {  	v39 =	vmul.f32 $3.531034470e+01, v37;
	v21 =	vld.idx.msk [tilespmem:v52+s26+$0x0], $0xffff;
	v63 =	vsub.f32 $1.000000000e+00, v23  }
0x253: {  	v43 =	vmul.u32 $0x3A, v27;
	v18 =	vmul.f32 v53, v57;
	v40 =	vadd.f32 $3.531034470e+01, v31  }
0x254: {  	v32 =	vadd.f32 $3.531034470e+01, v39;
	v25 =	vmul.f32 v56, v63;
	v24 =	vmul.f32 v58, v23  }
0x255: {  	v38 =	vsub.f32 $1.000000000e+00, v18;
	v28 =	vmul.f32 v60, v63;
	v26 =	vmul.f32 v62, v23  }
0x256: {  	v41 =	vsub.f32 v40, v31;
	v20 =	vmul.f32 v20, v63;
	v22 =	vmul.f32 v22, v23  }
0x257: {  	v42 =	vsub.f32 v32, v39;
	v19 =	vmul.f32 v19, v63;
	v21 =	vmul.f32 v21, v23  }
0x258: {  	(erf) = vrcp.f32 v41;
	v24 =	vadd.f32 v24, v25;
	v26 =	vadd.f32 v26, v28  }
0x259: {  	(erf) = vrcp.f32 v42;
	v20 =	vadd.f32 v22, v20;
	v19 =	vadd.f32 v21, v19  }
0x25a: {  	v24 =	vmul.f32 v24, v38;
	v44 =	vmul.f32 v26, v18  }
0x25b: {  	v45 =	vadd.s32 v29, v43;
	v20 =	vmul.f32 v20, v38;
	v18 =	vmul.f32 v19, v18  }
0x25c: {  	v46 =	vadd.f32 v44, v24  }
0x25d: {  	v47 =	vadd.s32 $0x1, v45;
	v18 =	vadd.f32 v18, v20  }
0x25e: {  	v48 =	vadd.s32 $0x3A, v45;
	[tilespmem:s10+$0x500] =	vst v46  }
0x25f: {  	v49 =	vmul.f32 v16, v9;
	[tilespmem:s10+$0x580] =	vst v18  }
0x260: {  	v51 =	vadd.s32 $0x3B, v45;
	v52 =	vld.idx.msk [tilespmem:v45+s28+$0x0], $0xffff  }
0x261: {  	v50 =	vmul.f32 v17, v9;
	v22 =	vtrunc.f32 v49;
	v19 =	vld.idx.msk [tilespmem:v45+s29+$0x0], $0xffff  }
0x262: {  	v22 =	vcvt.f32.s32 v22;
	v54 =	vld.idx.msk [tilespmem:v47+s28+$0x0], $0xffff  }
0x263: {  	v25 =	vsub.f32 v17, v39;
	v18 =	vtrunc.f32 v50;
	v53 =	vpop (erf);
	v56 =	vld.idx.msk [tilespmem:v48+s28+$0x0], $0xffff  }
0x264: {  	v57 =	vcvt.s32.f32 v22;
	v18 =	vcvt.f32.s32 v18;
	v55 =	vpop (erf);
	v21 =	vld.idx.msk [tilespmem:v48+s29+$0x0], $0xffff  }
0x265: {  	v59 =	vld.idx.msk [tilespmem:v51+s28+$0x0], $0xffff;
	v25 =	vmul.f32 v55, v25  }
0x266: {  	v31 =	vsub.f32 v16, v31;
	v30 =	vmul.f32 $2.560000040e+01, v57;
	v20 =	vld.idx.msk [tilespmem:v47+s29+$0x0], $0xffff;
	v58 =	vcvt.s32.f32 v18  }
0x267: {  	v23 =	vld.idx.msk [tilespmem:v51+s29+$0x0], $0xffff;
	v60 =	vsub.f32 $1.000000000e+00, v25  }
0x268: {  	v26 =	vmul.f32 v53, v31;
	v61 =	vadd.f32 $2.560000040e+01, v30;
	v28 =	vmul.f32 $2.560000040e+01, v58  }
0x269: {  	v39 =	vmul.u32 $0x50, v22;
	v24 =	vmul.f32 v52, v60;
	v29 =	vmul.f32 v56, v60  }
0x26a: {  	v31 =	vsub.f32 v61, v30;
	v19 =	vmul.f32 v19, v60;
	v21 =	vmul.f32 v21, v60  }
0x26b: {  	v36 =	vsub.f32 $1.000000000e+00, v26;
	v27 =	vmul.f32 v54, v25;
	v32 =	vmul.f32 v59, v25  }
0x26c: {  	v20 =	vmul.f32 v20, v25;
	v23 =	vmul.f32 v23, v25;
	v62 =	vadd.f32 $2.560000040e+01, v28  }
0x26d: {  	v18 =	vadd.s32 v18, v39;
	v24 =	vadd.f32 v27, v24;
	v37 =	vadd.f32 v32, v29  }
0x26e: {  	v52 =	vmul.f32 v16, v10;
	v19 =	vadd.f32 v20, v19;
	v38 =	vadd.f32 v23, v21  }
0x26f: {  	v43 =	vadd.s32 $0x1, v18;
	v40 =	vmul.f32 v24, v36;
	v41 =	vmul.f32 v37, v26  }
0x270: {  	v63 =	vsub.f32 v62, v28;
	v19 =	vmul.f32 v19, v36;
	v20 =	vmul.f32 v38, v26  }
0x271: {  	v44 =	vadd.s32 $0x50, v18;
	(erf) = vrcp.f32 v31;
	v42 =	vadd.f32 v41, v40  }
0x272: {  	v27 =	vtrunc.f32 v52;
	(erf) = vrcp.f32 v63;
	v19 =	vadd.f32 v20, v19  }
0x273: {  	v45 =	vadd.s32 $0x51, v18;
	v27 =	vcvt.f32.s32 v27;
	[tilespmem:s10+$0xA00] =	vst v42  }
0x274: {  	v54 =	vmul.f32 v17, v10;
	[tilespmem:s10+$0xA80] =	vst v19  }
0x275: {  	v57 =	vcvt.s32.f32 v27;
	v49 =	vld.idx.msk [tilespmem:v18+s30+$0x0], $0xffff  }
0x276: {  	v29 =	vtrunc.f32 v54;
	v51 =	vld.idx.msk [tilespmem:v43+s30+$0x0], $0xffff  }
0x277: {  	v29 =	vcvt.f32.s32 v29;
	v31 =	vmul.f32 $1.845045090e+01, v57;
	v53 =	vld.idx.msk [tilespmem:v44+s30+$0x0], $0xffff  }
0x278: {  	v55 =	vld.idx.msk [tilespmem:v45+s30+$0x0], $0xffff  }
0x279: {  	v58 =	vcvt.s32.f32 v29;
	v22 =	vld.idx.msk [tilespmem:v43+s31+$0x0], $0xffff;
	v61 =	vadd.f32 $1.845045090e+01, v31  }
0x27a: {  	v47 =	vsub.f32 v17, v28;
	v46 =	vpop (erf);
	v21 =	vld.idx.msk [tilespmem:v45+s31+$0x0], $0xffff  }
0x27b: {  	v50 =	vsub.f32 v16, v30;
	v60 =	vmul.f32 $1.845045090e+01, v58;
	v18 =	vld.idx.msk [tilespmem:v18+s31+$0x0], $0xffff;
	v62 =	vsub.f32 v61, v31;
	v48 =	vpop (erf)  }
0x27c: {  	v20 =	vld.idx.msk [tilespmem:v44+s31+$0x0], $0xffff;
	v23 =	vmul.f32 v48, v47  }
0x27d: {  	v19 =	vmul.f32 v46, v50;
	v32 =	vadd.f32 $1.845045090e+01, v60;
	(erf) = vrcp.f32 v62  }
0x27e: {  	v56 =	vsub.f32 $1.000000000e+00, v23;
	v24 =	vmul.f32 v51, v23;
	v26 =	vmul.f32 v55, v23  }
0x27f: {  	v22 =	vmul.f32 v22, v23;
	v21 =	vmul.f32 v21, v23  }
0x280: {  	v63 =	vsub.f32 v32, v60;
	v25 =	vmul.f32 v49, v56;
	v28 =	vmul.f32 v53, v56  }
0x281: {  	v59 =	vsub.f32 $1.000000000e+00, v19;
	v18 =	vmul.f32 v18, v56;
	v20 =	vmul.f32 v20, v56  }
0x282: {  	(erf) = vrcp.f32 v63;
	v24 =	vadd.f32 v24, v25;
	v26 =	vadd.f32 v26, v28  }
0x283: {  	v18 =	vadd.f32 v22, v18;
	v20 =	vadd.f32 v21, v20;
	v28 =	vmul.u32 $0x6F, v27  }
0x284: {  	v24 =	vmul.f32 v24, v59;
	v30 =	vmul.f32 v26, v19  }
0x285: {  	v18 =	vmul.f32 v18, v59;
	v19 =	vmul.f32 v20, v19;
	v32 =	vadd.s32 v29, v28  }
0x286: {  	v33 =	vadd.f32 v30, v24  }
0x287: {  	v34 =	vadd.s32 $0x1, v32;
	v18 =	vadd.f32 v19, v18  }
0x288: {  	[tilespmem:s10+$0xB00] =	vst v33  }
0x289: {  	v35 =	vadd.s32 $0x6F, v32;
	[tilespmem:s10+$0xB80] =	vst v18  }
0x28a: {  	v37 =	vadd.s32 $0x70, v32;
	v38 =	vld.idx.msk [tilespmem:v32+s20+$0x0], $0xffff  }
0x28b: {  	v39 =	vmul.f32 v17, v11;
	v36 =	vmul.f32 v16, v11;
	v20 =	vld.idx.msk [tilespmem:v32+s0+$0x0], $0xffff  }
0x28c: {  	v41 =	vld.idx.msk [tilespmem:v34+s20+$0x0], $0xffff  }
0x28d: {  	v21 =	vtrunc.f32 v36;
	v25 =	vsub.f32 v17, v60;
	v40 =	vpop (erf);
	v24 =	vtrunc.f32 v39;
	v19 =	vld.idx.msk [tilespmem:v34+s0+$0x0], $0xffff  }
0x28e: {  	v21 =	vcvt.f32.s32 v21;
	v42 =	vpop (erf);
	v24 =	vcvt.f32.s32 v24;
	v43 =	vld.idx.msk [tilespmem:v35+s20+$0x0], $0xffff  }
0x28f: {  	v45 =	vsub.f32 v16, v31;
	v25 =	vmul.f32 v42, v25;
	v44 =	vld.idx.msk [tilespmem:v37+s20+$0x0], $0xffff  }
0x290: {  	v21 =	vcvt.s32.f32 v21;
	v24 =	vcvt.s32.f32 v24;
	v18 =	vld.idx.msk [tilespmem:v35+s0+$0x0], $0xffff  }
0x291: {  	v26 =	vmul.f32 v40, v45;
	v46 =	vsub.f32 $1.000000000e+00, v25;
	v22 =	vld.idx.msk [tilespmem:v37+s0+$0x0], $0xffff  }
0x292: {  	v21 =	vmul.f32 $1.338562110e+01, v21;
	v24 =	vmul.f32 $1.338562110e+01, v24  }
0x293: {  	v23 =	vmul.f32 v38, v46;
	v20 =	vmul.f32 v20, v46  }
0x294: {  	v50 =	vsub.f32 $1.000000000e+00, v26;
	v27 =	vmul.f32 v41, v25;
	v28 =	vmul.f32 v43, v46  }
0x295: {  	v47 =	vadd.f32 $1.338562110e+01, v21;
	v29 =	vmul.f32 v44, v25;
	v19 =	vmul.f32 v19, v25  }
0x296: {  	v48 =	vadd.f32 $1.338562110e+01, v24;
	v18 =	vmul.f32 v18, v46;
	v22 =	vmul.f32 v22, v25  }
0x297: {  	v23 =	vadd.f32 v27, v23;
	v51 =	vadd.f32 v29, v28  }
0x298: {  	v19 =	vadd.f32 v19, v20;
	v18 =	vadd.f32 v22, v18  }
0x299: {  	v30 =	vsub.f32 v47, v21;
	v52 =	vmul.f32 v23, v50;
	v53 =	vmul.f32 v51, v26  }
0x29a: {  	v49 =	vsub.f32 v48, v24;
	v19 =	vmul.f32 v19, v50;
	v18 =	vmul.f32 v18, v26  }
0x29b: {  	(erf) = vrcp.f32 v30;
	v20 =	vadd.f32 v53, v52  }
0x29c: {  	s11 =	sshll.u32 s9, $0x6;
	(erf) = vrcp.f32 v49;
	v18 =	vadd.f32 v18, v19  }
0x29d: {  	s5 =	sand.u32 $0xFFFFFE00, s11;
	[tilespmem:s10+$0xC00] =	vst v20  }
0x29e: {  	s11 =	sor.u32 s4, s5;
	v58 =	vmul.f32 v16, v12;
	v60 =	vmul.f32 v17, v12;
	[tilespmem:s10+$0xC80] =	vst v18  }
0x29f: {  	s5 =	sadd.s32 s5, s8;
	v20 =	vld [tilespmem:s11+$0x7200]  }
0x2a0: {  	s4 =	sor.u32 $0x80, s5;
	v55 =	vsub.f32 v17, v24;
	v24 =	vtrunc.f32 v58;
	v25 =	vtrunc.f32 v60;
	v57 =	vld [tilespmem:s11+$0x9600]  }
0x2a1: {  	v24 =	vcvt.f32.s32 v24;
	v25 =	vcvt.f32.s32 v25;
	v59 =	vld [tilespmem:s4+$0x7200]  }
0x2a2: {  	s5 =	sor.u32 $0x180, s5;
	v61 =	vld [tilespmem:s4+$0x9600]  }
0x2a3: {  	v24 =	vcvt.s32.f32 v24;
	v25 =	vcvt.s32.f32 v25;
	v36 =	vld [tilespmem:s5+$0x7200]  }
0x2a4: {  	v54 =	vpop (erf);
	v38 =	vld [tilespmem:s5+$0x9600]  }
0x2a5: {  	v21 =	vsub.f32 v16, v21;
	v24 =	vmul.f32 $9.660377500e+00, v24;
	v40 =	vmul.f32 $9.660377500e+00, v25;
	v62 =	vld [tilespmem:s11+$0x7300];
	v56 =	vpop (erf)  }
0x2a6: {  	v37 =	vld [tilespmem:s11+$0x9700];
	v19 =	vmul.f32 v56, v55  }
0x2a7: {  	v42 =	vadd.f32 $9.660377500e+00, v24;
	v43 =	vadd.f32 $9.660377500e+00, v40;
	v18 =	vmul.f32 v54, v21  }
0x2a8: {  	v63 =	vsub.f32 $1.000000000e+00, v19;
	v22 =	vmul.f32 v59, v19;
	v21 =	vmul.f32 v36, v19  }
0x2a9: {  	v27 =	vsub.f32 v42, v24;
	v26 =	vmul.f32 v61, v19;
	v19 =	vmul.f32 v38, v19  }
0x2aa: {  	v44 =	vsub.f32 v43, v40;
	v20 =	vmul.f32 v20, v63;
	v41 =	vmul.f32 v62, v63  }
0x2ab: {  	v39 =	vsub.f32 $1.000000000e+00, v18;
	v23 =	vmul.f32 v57, v63;
	v28 =	vmul.f32 v37, v63  }
0x2ac: {  	(erf) = vrcp.f32 v27;
	v20 =	vadd.f32 v22, v20;
	v21 =	vadd.f32 v21, v41  }
0x2ad: {  	(erf) = vrcp.f32 v44;
	v23 =	vadd.f32 v26, v23;
	v19 =	vadd.f32 v19, v28  }
0x2ae: {  	v20 =	vmul.f32 v20, v39;
	v21 =	vmul.f32 v21, v18  }
0x2af: {  	v23 =	vmul.f32 v23, v39;
	v18 =	vmul.f32 v19, v18  }
0x2b0: {  	v45 =	vadd.f32 v21, v20  }
0x2b1: {  	v18 =	vadd.f32 v18, v23  }
0x2b2: {  	[tilespmem:s10+$0xD00] =	vst v45  }
0x2b3: {  	[tilespmem:s10+$0xD80] =	vst v18  }
0x2b4: {  	v47 =	vmul.f32 v17, v13;
	v19 =	vld [tilespmem:s11+$0x7600]  }
0x2b5: {  	v46 =	vmul.f32 v16, v13;
	v48 =	vld [tilespmem:s11+$0x9A00]  }
0x2b6: {  	v22 =	vsub.f32 v17, v40;
	v49 =	vpop (erf);
	v20 =	vtrunc.f32 v47;
	v50 =	vld [tilespmem:s4+$0x7600]  }
0x2b7: {  	v51 =	vpop (erf);
	v20 =	vcvt.f32.s32 v20;
	v18 =	vtrunc.f32 v46;
	v52 =	vld [tilespmem:s4+$0x9A00]  }
0x2b8: {  	v22 =	vmul.f32 v51, v22;
	v18 =	vcvt.f32.s32 v18;
	v54 =	vld [tilespmem:s5+$0x7600]  }
0x2b9: {  	v24 =	vsub.f32 v16, v24;
	v20 =	vcvt.s32.f32 v20;
	v55 =	vld [tilespmem:s11+$0x9B00]  }
0x2ba: {  	v56 =	vsub.f32 $1.000000000e+00, v22;
	v57 =	vld [tilespmem:s5+$0x9A00];
	v18 =	vcvt.s32.f32 v18  }
0x2bb: {  	v23 =	vmul.f32 v49, v24;
	v53 =	vld [tilespmem:s11+$0x7700];
	v20 =	vmul.f32 $6.965986250e+00, v20  }
0x2bc: {  	v18 =	vmul.f32 $6.965986250e+00, v18;
	v19 =	vmul.f32 v19, v56  }
0x2bd: {  	v25 =	vmul.f32 v50, v22;
	v28 =	vmul.f32 v54, v22  }
0x2be: {  	v61 =	vsub.f32 $1.000000000e+00, v23;
	v21 =	vmul.f32 v48, v56;
	v27 =	vmul.f32 v52, v22  }
0x2bf: {  	v59 =	vadd.f32 $6.965986250e+00, v20;
	v29 =	vmul.f32 v55, v56;
	v22 =	vmul.f32 v57, v22  }
0x2c0: {  	v26 =	vmul.f32 v53, v56;
	v58 =	vadd.f32 $6.965986250e+00, v18;
	v19 =	vadd.f32 v25, v19  }
0x2c1: {  	v21 =	vadd.f32 v27, v21;
	v22 =	vadd.f32 v22, v29  }
0x2c2: {  	v62 =	vadd.f32 v28, v26;
	v24 =	vsub.f32 v58, v18;
	v19 =	vmul.f32 v19, v61  }
0x2c3: {  	v21 =	vmul.f32 v21, v61;
	v22 =	vmul.f32 v22, v23  }
0x2c4: {  	v60 =	vsub.f32 v59, v20;
	(erf) = vrcp.f32 v24;
	v24 =	vmul.f32 v62, v23  }
0x2c5: {  	v21 =	vadd.f32 v22, v21  }
0x2c6: {  	(erf) = vrcp.f32 v60;
	v19 =	vadd.f32 v24, v19  }
0x2c7: {  	[tilespmem:s10+$0x1280] =	vst v21  }
0x2c8: {  	v34 =	vmul.f32 v16, v14;
	v36 =	vmul.f32 v17, v14;
	[tilespmem:s10+$0x1200] =	vst v19  }
0x2c9: {  	v21 =	vld [tilespmem:s11+$0x7A00]  }
0x2ca: {  	v25 =	vtrunc.f32 v36;
	v24 =	vtrunc.f32 v34;
	v33 =	vld [tilespmem:s11+$0x9E00]  }
0x2cb: {  	v25 =	vcvt.f32.s32 v25;
	v24 =	vcvt.f32.s32 v24;
	v35 =	vld [tilespmem:s4+$0x7A00]  }
0x2cc: {  	v37 =	vld [tilespmem:s4+$0x9E00]  }
0x2cd: {  	v25 =	vcvt.s32.f32 v25;
	v40 =	vld [tilespmem:s5+$0x7A00];
	v24 =	vcvt.s32.f32 v24  }
0x2ce: {  	v20 =	vsub.f32 v17, v20;
	v42 =	vld [tilespmem:s5+$0x9E00];
	v63 =	vpop (erf)  }
0x2cf: {  	v18 =	vsub.f32 v16, v18;
	v44 =	vmul.f32 $5.044334890e+00, v25;
	v38 =	vld [tilespmem:s11+$0x7B00];
	v24 =	vmul.f32 $5.044334890e+00, v24;
	v32 =	vpop (erf)  }
0x2d0: {  	v41 =	vld [tilespmem:s11+$0x9F00];
	v20 =	vmul.f32 v32, v20  }
0x2d1: {  	v47 =	vadd.f32 $5.044334890e+00, v44;
	v46 =	vadd.f32 $5.044334890e+00, v24;
	v18 =	vmul.f32 v63, v18  }
0x2d2: {  	v39 =	vsub.f32 $1.000000000e+00, v20;
	v22 =	vmul.f32 v35, v20;
	v19 =	vmul.f32 v40, v20  }
0x2d3: {  	v48 =	vsub.f32 v47, v44;
	v26 =	vmul.f32 v37, v20;
	v20 =	vmul.f32 v42, v20  }
0x2d4: {  	v27 =	vsub.f32 v46, v24;
	v21 =	vmul.f32 v21, v39;
	v45 =	vmul.f32 v38, v39  }
0x2d5: {  	v43 =	vsub.f32 $1.000000000e+00, v18;
	v23 =	vmul.f32 v33, v39;
	v28 =	vmul.f32 v41, v39  }
0x2d6: {  	(erf) = vrcp.f32 v27;
	v21 =	vadd.f32 v22, v21;
	v19 =	vadd.f32 v19, v45  }
0x2d7: {  	(erf) = vrcp.f32 v48;
	v23 =	vadd.f32 v26, v23;
	v20 =	vadd.f32 v20, v28  }
0x2d8: {  	v21 =	vmul.f32 v21, v43;
	v19 =	vmul.f32 v19, v18  }
0x2d9: {  	v23 =	vmul.f32 v23, v43;
	v18 =	vmul.f32 v20, v18  }
0x2da: {  	v19 =	vadd.f32 v19, v21  }
0x2db: {  	v18 =	vadd.f32 v18, v23  }
0x2dc: {  	[tilespmem:s10+$0x1300] =	vst v19  }
0x2dd: {  	[tilespmem:s10+$0x1380] =	vst v18  }
0x2de: {  	v49 =	vmul.f32 v16, v15;
	v51 =	vld [tilespmem:s11+$0x7E00]  }
0x2df: {  	v50 =	vmul.f32 v17, v15;
	v52 =	vld [tilespmem:s11+$0xA200]  }
0x2e0: {  	v22 =	vsub.f32 v17, v44;
	v53 =	vpop (erf);
	v19 =	vtrunc.f32 v49;
	v54 =	vld [tilespmem:s4+$0x7E00]  }
0x2e1: {  	v18 =	vtrunc.f32 v50;
	v55 =	vpop (erf);
	v19 =	vcvt.f32.s32 v19;
	v56 =	vld [tilespmem:s11+$0x7F00]  }
0x2e2: {  	v18 =	vcvt.f32.s32 v18;
	v22 =	vmul.f32 v55, v22;
	v57 =	vld [tilespmem:s5+$0x7E00]  }
0x2e3: {  	v24 =	vsub.f32 v16, v24;
	v58 =	vld [tilespmem:s4+$0xA200];
	v19 =	vcvt.s32.f32 v19  }
0x2e4: {  	v59 =	vld [tilespmem:s11+$0xA300];
	v18 =	vcvt.s32.f32 v18;
	v60 =	vsub.f32 $1.000000000e+00, v22  }
0x2e5: {  	v23 =	vmul.f32 v53, v24;
	v61 =	vld [tilespmem:s5+$0xA200];
	v19 =	vmul.f32 $3.650623800e+00, v19  }
0x2e6: {  	v18 =	vmul.f32 $3.650623800e+00, v18;
	v20 =	vmul.f32 v51, v60  }
0x2e7: {  	v25 =	vmul.f32 v54, v22;
	v27 =	vmul.f32 v56, v60  }
0x2e8: {  	v26 =	vmul.f32 v57, v22;
	v21 =	vmul.f32 v52, v60  }
0x2e9: {  	v34 =	vsub.f32 $1.000000000e+00, v23;
	v28 =	vmul.f32 v58, v22;
	v29 =	vmul.f32 v59, v60  }
0x2ea: {  	v22 =	vmul.f32 v61, v22;
	v62 =	vadd.f32 $3.650623800e+00, v19;
	v63 =	vadd.f32 $3.650623800e+00, v18  }
0x2eb: {  	v20 =	vadd.f32 v25, v20;
	v35 =	vadd.f32 v26, v27  }
0x2ec: {  	v21 =	vadd.f32 v28, v21;
	v22 =	vadd.f32 v22, v29  }
0x2ed: {  	v31 =	vsub.f32 v62, v19;
	v20 =	vmul.f32 v20, v34;
	v24 =	vmul.f32 v35, v23  }
0x2ee: {  	v32 =	vsub.f32 v63, v18;
	v21 =	vmul.f32 v21, v34;
	v22 =	vmul.f32 v22, v23  }
0x2ef: {  	(erf) = vrcp.f32 v31;
	v20 =	vadd.f32 v24, v20  }
0x2f0: {  	(erf) = vrcp.f32 v32;
	v21 =	vadd.f32 v22, v21  }
0x2f1: {  	[tilespmem:s10+$0x1400] =	vst v20  }
0x2f2: {  	v42 =	vmul.f32 v16, v0;
	v44 =	vmul.f32 v17, v0;
	[tilespmem:s10+$0x1480] =	vst v21  }
0x2f3: {  	v38 =	vld [tilespmem:s11+$0x8200]  }
0x2f4: {  	v25 =	vtrunc.f32 v42;
	v26 =	vtrunc.f32 v44;
	v39 =	vld [tilespmem:s4+$0x8200]  }
0x2f5: {  	v25 =	vcvt.f32.s32 v25;
	v26 =	vcvt.f32.s32 v26;
	v40 =	vld [tilespmem:s11+$0x8300]  }
0x2f6: {  	v43 =	vld [tilespmem:s5+$0x8200]  }
0x2f7: {  	v25 =	vcvt.s32.f32 v25;
	v26 =	vcvt.s32.f32 v26;
	v46 =	vld [tilespmem:s4+$0xA600]  }
0x2f8: {  	v18 =	vsub.f32 v17, v18;
	v48 =	vld [tilespmem:s5+$0xA600];
	v36 =	vpop (erf)  }
0x2f9: {  	v19 =	vsub.f32 v16, v19;
	v25 =	vmul.f32 $2.639175180e+00, v25;
	v50 =	vmul.f32 $2.639175180e+00, v26;
	v45 =	vld [tilespmem:s11+$0xA600];
	v37 =	vpop (erf)  }
0x2fa: {  	v47 =	vld [tilespmem:s11+$0xA700];
	v18 =	vmul.f32 v37, v18  }
0x2fb: {  	v53 =	vadd.f32 $2.639175180e+00, v25;
	v54 =	vadd.f32 $2.639175180e+00, v50;
	v19 =	vmul.f32 v36, v19  }
0x2fc: {  	v41 =	vsub.f32 $1.000000000e+00, v18;
	v21 =	vmul.f32 v39, v18;
	v20 =	vmul.f32 v43, v18  }
0x2fd: {  	v55 =	vsub.f32 v53, v25;
	v52 =	vmul.f32 v46, v18;
	v18 =	vmul.f32 v48, v18  }
0x2fe: {  	v56 =	vsub.f32 v54, v50;
	v22 =	vmul.f32 v38, v41;
	v23 =	vmul.f32 v40, v41  }
0x2ff: {  	v49 =	vsub.f32 $1.000000000e+00, v19;
	v51 =	vmul.f32 v45, v41;
	v24 =	vmul.f32 v47, v41  }
0x300: {  	(erf) = vrcp.f32 v55;
	v21 =	vadd.f32 v21, v22;
	v20 =	vadd.f32 v20, v23  }
0x301: {  	(erf) = vrcp.f32 v56;
	v23 =	vadd.f32 v52, v51;
	v18 =	vadd.f32 v18, v24  }
0x302: {  	v21 =	vmul.f32 v21, v49;
	v20 =	vmul.f32 v20, v19  }
0x303: {  	v23 =	vmul.f32 v23, v49;
	v18 =	vmul.f32 v18, v19  }
0x304: {  	v57 =	vadd.f32 v20, v21  }
0x305: {  	v18 =	vadd.f32 v18, v23  }
0x306: {  	[tilespmem:s10+$0x1500] =	vst v57  }
0x307: {  	[tilespmem:s10+$0x1580] =	vst v18  }
0x308: {  	v18 =	vld [tilespmem:s11+$0x8600]  }
0x309: {  	v58 =	vmul.f32 v16, v1;
	v60 =	vmul.f32 v17, v1;
	v59 =	vld [tilespmem:s11+$0xAA00]  }
0x30a: {  	v61 =	vld [tilespmem:s4+$0x8600]  }
0x30b: {  	v22 =	vsub.f32 v17, v50;
	v62 =	vpop (erf);
	v19 =	vtrunc.f32 v58;
	v21 =	vtrunc.f32 v60;
	v63 =	vld [tilespmem:s4+$0xAA00]  }
0x30c: {  	v35 =	vpop (erf);
	v19 =	vcvt.f32.s32 v19;
	v21 =	vcvt.f32.s32 v21;
	v36 =	vld [tilespmem:s11+$0x8700]  }
0x30d: {  	v25 =	vsub.f32 v16, v25;
	v22 =	vmul.f32 v35, v22;
	v37 =	vld [tilespmem:s11+$0xAB00]  }
0x30e: {  	v19 =	vcvt.s32.f32 v19;
	v38 =	vld [tilespmem:s5+$0x8600];
	v21 =	vcvt.s32.f32 v21  }
0x30f: {  	v24 =	vmul.f32 v62, v25;
	v40 =	vsub.f32 $1.000000000e+00, v22;
	v39 =	vld [tilespmem:s5+$0xAA00]  }
0x310: {  	v19 =	vmul.f32 $1.910447720e+00, v19;
	v21 =	vmul.f32 $1.910447720e+00, v21  }
0x311: {  	v18 =	vmul.f32 v18, v40;
	v28 =	vmul.f32 v36, v40  }
0x312: {  	v41 =	vsub.f32 $1.000000000e+00, v24;
	v20 =	vmul.f32 v59, v40;
	v27 =	vmul.f32 v37, v40  }
0x313: {  	v42 =	vadd.f32 $1.910447720e+00, v19;
	v23 =	vmul.f32 v61, v22;
	v25 =	vmul.f32 v38, v22  }
0x314: {  	v43 =	vadd.f32 $1.910447720e+00, v21;
	v26 =	vmul.f32 v63, v22;
	v22 =	vmul.f32 v39, v22  }
0x315: {  	v18 =	vadd.f32 v23, v18;
	v45 =	vadd.f32 v25, v28  }
0x316: {  	v20 =	vadd.f32 v26, v20;
	v22 =	vadd.f32 v22, v27  }
0x317: {  	v32 =	vsub.f32 v42, v19;
	v18 =	vmul.f32 v18, v41;
	v23 =	vmul.f32 v45, v24  }
0x318: {  	v44 =	vsub.f32 v43, v21;
	v20 =	vmul.f32 v20, v41;
	v22 =	vmul.f32 v22, v24  }
0x319: {  	(erf) = vrcp.f32 v32;
	v18 =	vadd.f32 v23, v18  }
0x31a: {  	(erf) = vrcp.f32 v44;
	v20 =	vadd.f32 v22, v20  }
0x31b: {  	[tilespmem:s10+$0x1A00] =	vst v18  }
0x31c: {  	[tilespmem:s10+$0x1A80] =	vst v20  }
0x31d: {  	v49 =	vld [tilespmem:s11+$0x8A00]  }
0x31e: {  	v46 =	vmul.f32 v16, v2;
	v48 =	vmul.f32 v17, v2;
	v51 =	vld [tilespmem:s11+$0xAE00]  }
0x31f: {  	v53 =	vld [tilespmem:s4+$0x8A00]  }
0x320: {  	v47 =	vtrunc.f32 v46;
	v20 =	vtrunc.f32 v48;
	v56 =	vld [tilespmem:s4+$0xAE00]  }
0x321: {  	v18 =	vcvt.f32.s32 v47;
	v20 =	vcvt.f32.s32 v20;
	v58 =	vld [tilespmem:s5+$0x8A00]  }
0x322: {  	v19 =	vsub.f32 v16, v19;
	v21 =	vsub.f32 v17, v21;
	v60 =	vld [tilespmem:s5+$0xAE00];
	v50 =	vpop (erf)  }
0x323: {  	v54 =	vld [tilespmem:s11+$0x8B00];
	v18 =	vcvt.s32.f32 v18;
	v20 =	vcvt.s32.f32 v20;
	v52 =	vpop (erf)  }
0x324: {  	v55 =	vld [tilespmem:s11+$0xAF00];
	v19 =	vmul.f32 v50, v19;
	v21 =	vmul.f32 v52, v21  }
0x325: {  	v18 =	vmul.f32 $1.381916280e+00, v18;
	v20 =	vmul.f32 $1.381916280e+00, v20  }
0x326: {  	v57 =	vsub.f32 $1.000000000e+00, v21;
	v26 =	vmul.f32 v53, v21;
	v30 =	vmul.f32 v58, v21  }
0x327: {  	v63 =	vsub.f32 $1.000000000e+00, v19;
	v28 =	vmul.f32 v56, v21;
	v21 =	vmul.f32 v60, v21  }
0x328: {  	v59 =	vadd.f32 $1.381916280e+00, v18;
	v22 =	vmul.f32 v49, v57;
	v25 =	vmul.f32 v54, v57  }
0x329: {  	v61 =	vadd.f32 $1.381916280e+00, v20;
	v24 =	vmul.f32 v51, v57;
	v27 =	vmul.f32 v55, v57  }
0x32a: {  	v22 =	vadd.f32 v26, v22;
	v25 =	vadd.f32 v30, v25  }
0x32b: {  	v24 =	vadd.f32 v28, v24;
	v21 =	vadd.f32 v21, v27  }
0x32c: {  	v31 =	vsub.f32 v59, v18;
	v22 =	vmul.f32 v22, v63;
	v25 =	vmul.f32 v25, v19  }
0x32d: {  	v62 =	vsub.f32 v61, v20;
	v23 =	vmul.f32 v24, v63;
	v19 =	vmul.f32 v21, v19  }
0x32e: {  	(erf) = vrcp.f32 v31;
	v30 =	vadd.f32 v25, v22  }
0x32f: {  	(erf) = vrcp.f32 v62;
	v19 =	vadd.f32 v19, v23  }
0x330: {  	[tilespmem:s10+$0x1B00] =	vst v30  }
0x331: {  	[tilespmem:s10+$0x1B80] =	vst v19  }
0x332: {  	v39 =	vmul.f32 v17, v3;
	v33 =	vld [tilespmem:s11+$0x8E00]  }
0x333: {  	v37 =	vmul.f32 v16, v3;
	v34 =	vld [tilespmem:s4+$0x8E00]  }
0x334: {  	v26 =	vtrunc.f32 v39;
	v35 =	vld [tilespmem:s11+$0x8F00]  }
0x335: {  	v26 =	vcvt.f32.s32 v26;
	v25 =	vtrunc.f32 v37;
	v38 =	vld [tilespmem:s5+$0x8E00]  }
0x336: {  	v25 =	vcvt.f32.s32 v25;
	v41 =	vld [tilespmem:s4+$0xB200]  }
0x337: {  	v20 =	vsub.f32 v17, v20;
	v26 =	vcvt.s32.f32 v26;
	v43 =	vld [tilespmem:s5+$0xB200];
	v31 =	vpop (erf)  }
0x338: {  	v18 =	vsub.f32 v16, v18;
	v40 =	vld [tilespmem:s11+$0xB200];
	v25 =	vcvt.s32.f32 v25;
	v32 =	vpop (erf)  }
0x339: {  	v46 =	vmul.f32 $1.000488520e+00, v26;
	v42 =	vld [tilespmem:s11+$0xB300];
	v20 =	vmul.f32 v32, v20  }
0x33a: {  	v18 =	vmul.f32 v31, v18;
	v44 =	vmul.f32 $1.000488520e+00, v25  }
0x33b: {  	v36 =	vsub.f32 $1.000000000e+00, v20;
	v21 =	vmul.f32 v34, v20;
	v19 =	vmul.f32 v38, v20  }
0x33c: {  	v50 =	vadd.f32 $1.000488520e+00, v46;
	v48 =	vmul.f32 v41, v20;
	v20 =	vmul.f32 v43, v20  }
0x33d: {  	v45 =	vsub.f32 $1.000000000e+00, v18;
	v22 =	vmul.f32 v33, v36;
	v23 =	vmul.f32 v35, v36  }
0x33e: {  	v49 =	vadd.f32 $1.000488520e+00, v44;
	v47 =	vmul.f32 v40, v36;
	v24 =	vmul.f32 v42, v36  }
0x33f: {  	v21 =	vadd.f32 v21, v22;
	v19 =	vadd.f32 v19, v23  }
0x340: {  	v26 =	vadd.f32 v48, v47;
	v20 =	vadd.f32 v20, v24  }
0x341: {  	v51 =	vsub.f32 v49, v44;
	v21 =	vmul.f32 v21, v45;
	v19 =	vmul.f32 v19, v18  }
0x342: {  	v52 =	vsub.f32 v50, v46;
	v25 =	vmul.f32 v26, v45;
	v18 =	vmul.f32 v20, v18  }
0x343: {  	(erf) = vrcp.f32 v51;
	v19 =	vadd.f32 v19, v21  }
0x344: {  	(erf) = vrcp.f32 v52;
	v18 =	vadd.f32 v18, v25  }
0x345: {  	[tilespmem:s10+$0x1C00] =	vst v19  }
0x346: {  	[tilespmem:s10+$0x1C80] =	vst v18  }
0x347: {  	v18 =	vld [tilespmem:s11+$0x9200]  }
0x348: {  	v19 =	vld [tilespmem:s11+$0xB600]  }
0x349: {  	v53 =	vld [tilespmem:s4+$0x9200]  }
0x34a: {  	v55 =	vld [tilespmem:s4+$0xB600]  }
0x34b: {  	v57 =	vld [tilespmem:s5+$0x9200]  }
0x34c: {  	v17 =	vsub.f32 v17, v46;
	v59 =	vld [tilespmem:s5+$0xB600];
	v54 =	vpop (erf)  }
0x34d: {  	v16 =	vsub.f32 v16, v44;
	v56 =	vld [tilespmem:s11+$0x9300];
	v24 =	vpop (erf)  }
0x34e: {  	v58 =	vld [tilespmem:s11+$0xB700];
	v17 =	vmul.f32 v24, v17  }
0x34f: {  	v16 =	vmul.f32 v54, v16  }
0x350: {  	v60 =	vsub.f32 $1.000000000e+00, v17;
	v20 =	vmul.f32 v53, v17;
	v24 =	vmul.f32 v57, v17  }
0x351: {  	v23 =	vmul.f32 v55, v17;
	v17 =	vmul.f32 v59, v17  }
0x352: {  	v18 =	vmul.f32 v18, v60;
	v61 =	vmul.f32 v56, v60  }
0x353: {  	v62 =	vsub.f32 $1.000000000e+00, v16;
	v19 =	vmul.f32 v19, v60;
	v22 =	vmul.f32 v58, v60  }
0x354: {  	v18 =	vadd.f32 v20, v18;
	v63 =	vadd.f32 v24, v61  }
0x355: {  	v19 =	vadd.f32 v23, v19;
	v17 =	vadd.f32 v17, v22  }
0x356: {  	p0 =	sne.s32 s9, $0xF;
	v18 =	vmul.f32 v18, v62;
	v20 =	vmul.f32 v63, v16  }
.Ltmp2:
0x357: {  	v19 =	vmul.f32 v19, v62;
	v16 =	vmul.f32 v17, v16;
	(pc) =	sbr.rel @p0 .LBB3_7-.Ltmp2, $4  }
0x358: {  	v17 =	vadd.f32 v20, v18  }
0x359: {  	v16 =	vadd.f32 v16, v19  }
0x35a: {  	s2 =	sadd.s32 $0x10, s2;
	[tilespmem:s10+$0x1D00] =	vst v17  }
0x35b: {  	s1 =	sadd.s32 $0x10, s1;
	s9 =	sadd.s32 $0x1, s9;
	s8 =	sadd.s32 $0x10, s8;
	[tilespmem:s10+$0x1D80] =	vst v16  }
0x35c: {  	s2 =	rddreg [dreg:$0x1]  }
0x35d: {  	s1 =	sshll.u32 s17, $0x8;
	s10 =	sld [smem:$0x7FB]  }
0x35e: {  	s4 =	simm.s32 $0x200;
	s5 =	sld [smem:$0x7FC];
	s2 =	sadd.s32 s2, s1  }
0x35f: {  	[hbm4b:s2+s15] =	stream.linear.scatter [tilespmem:s4], [sflag:$0x2], $0x800, $0x38;
	[tilespmem:$0x18B00] =	vst v63  }
0x360: {  	s11 =	simm.s32 $0xA00;
	s9 =	sld [smem:$0x7FD];
	s2 =	sadd.s32 s1, s10  }
0x361: {  	[hbm4b:s2+s15] =	stream.linear.scatter [tilespmem:s11], [sflag:$0x2], $0x800, $0x38;
	[tilespmem:$0x18B00] =	vst v63  }
0x362: {  	s8 =	simm.s32 $0x1200;
	s2 =	sadd.s32 s1, s5  }
0x363: {  	[hbm4b:s2+s15] =	stream.linear.scatter [tilespmem:s8], [sflag:$0x2], $0x800, $0x38;
	[tilespmem:$0x18B00] =	vst v63  }
0x364: {  	s10 =	simm.s32 $0x1A00;
	s1 =	sadd.s32 s1, s9  }
0x365: {  	[hbm4b:s1+s15] =	stream.linear.scatter [tilespmem:s10], [sflag:$0x2], $0x800, $0x38;
	[tilespmem:$0x18B00] =	vst v63  }
0x366: {  	s11 =	rddreg [dreg:$0x2];
	s1 =	sshll.u32 s17, $0x7  }
0x367: {  	s5 =	rddreg [dreg:$0x3];
	s17 =	simm.s32 $0x2200;
	s2 =	sadd.s32 s11, s1  }
0x368: {  	[hbm4b:s2+s15] =	stream.linear.scatter [tilespmem:s17], [sflag:$0x2], $0x400, $0x38;
	[tilespmem:$0x18B00] =	vst v63  }
0x369: {  	s9 =	rddreg [dreg:$0x4];
	s8 =	simm.s32 $0x2600;
	s2 =	sadd.s32 s5, s1  }
0x36a: {  	[hbm4b:s2+s15] =	stream.linear.scatter [tilespmem:s8], [sflag:$0x2], $0x400, $0x38;
	[tilespmem:$0x18B00] =	vst v63  }
0x36b: {  	s10 =	simm.s32 $0x2A00;
	s11 =	rddreg [dreg:$0x5];
	s2 =	sadd.s32 s9, s1  }
0x36c: {  	[hbm4b:s2+s15] =	stream.linear.scatter [tilespmem:s10], [sflag:$0x2], $0x400, $0x38;
	[tilespmem:$0x18B00] =	vst v63  }
0x36d: {  	s17 =	simm.s32 $0x2E00;
	s5 =	rddreg [dreg:$0x6];
	s2 =	sadd.s32 s11, s1  }
0x36e: {  	[hbm4b:s2+s15] =	stream.linear.scatter [tilespmem:s17], [sflag:$0x2], $0x400, $0x38;
	[tilespmem:$0x18B00] =	vst v63  }
0x36f: {  	s8 =	simm.s32 $0x3200;
	s9 =	rddreg [dreg:$0x7];
	s2 =	sadd.s32 s5, s1  }
0x370: {  	[hbm4b:s2+s15] =	stream.linear.scatter [tilespmem:s8], [sflag:$0x2], $0x400, $0x38;
	[tilespmem:$0x18B00] =	vst v63  }
0x371: {  	s10 =	simm.s32 $0x3600;
	s11 =	rddreg [dreg:$0x8];
	s2 =	sadd.s32 s9, s1  }
0x372: {  	[hbm4b:s2+s15] =	stream.linear.scatter [tilespmem:s10], [sflag:$0x2], $0x400, $0x38;
	[tilespmem:$0x18B00] =	vst v63  }
0x373: {  	s17 =	simm.s32 $0x3A00;
	s5 =	rddreg [dreg:$0x9];
	s2 =	sadd.s32 s11, s1  }
0x374: {  	[hbm4b:s2+s15] =	stream.linear.scatter [tilespmem:s17], [sflag:$0x2], $0x400, $0x38;
	[tilespmem:$0x18B00] =	vst v63  }
0x375: {  	s2 =	sadd.s32 s5, s1  }
0x376: {  	[hbm4b:s2+s15] =	stream.linear.scatter [tilespmem:s6], [sflag:$0x2], $0x400, $0x38;
	[tilespmem:$0x18B00] =	vst v63  }
0x377: {  	s6 =	rddreg [dreg:$0xa]  }
0x378: {  	s8 =	simm.s32 $0x4200;
	s9 =	rddreg [dreg:$0xb];
	s2 =	sadd.s32 s6, s1  }
0x379: {  	[hbm4b:s2+s15] =	stream.linear.scatter [tilespmem:s8], [sflag:$0x2], $0x400, $0x38;
	[tilespmem:$0x18B00] =	vst v63  }
0x37a: {  	s10 =	simm.s32 $0x4600;
	s11 =	rddreg [dreg:$0xc];
	s2 =	sadd.s32 s9, s1  }
0x37b: {  	[hbm4b:s2+s15] =	stream.linear.scatter [tilespmem:s10], [sflag:$0x2], $0x400, $0x38;
	[tilespmem:$0x18B00] =	vst v63  }
0x37c: {  	s4 =	rddreg [dreg:$0xd];
	s17 =	simm.s32 $0x4A00;
	s2 =	sadd.s32 s11, s1  }
0x37d: {  	[hbm4b:s2+s15] =	stream.linear.scatter [tilespmem:s17], [sflag:$0x2], $0x400, $0x38;
	[tilespmem:$0x18B00] =	vst v63  }
0x37e: {  	s5 =	simm.s32 $0x4E00;
	s6 =	rddreg [dreg:$0xf];
	s2 =	sadd.s32 s4, s1  }
0x37f: {  	[hbm4b:s2+s15] =	stream.linear.scatter [tilespmem:s5], [sflag:$0x2], $0x400, $0x38;
	[tilespmem:$0x18B00] =	vst v63  }
0x380: {  	s8 =	simm.s32 $0x5200;
	s9 =	rddreg [dreg:$0x10];
	s2 =	sadd.s32 s6, s1  }
0x381: {  	[hbm4b:s2+s15] =	stream.linear.scatter [tilespmem:s8], [sflag:$0x2], $0x400, $0x38;
	[tilespmem:$0x18B00] =	vst v63  }
0x382: {  	s10 =	simm.s32 $0x5600;
	s11 =	rddreg [dreg:$0x11];
	s2 =	sadd.s32 s9, s1  }
0x383: {  	[hbm4b:s2+s15] =	stream.linear.scatter [tilespmem:s10], [sflag:$0x2], $0x400, $0x38;
	[tilespmem:$0x18B00] =	vst v63  }
0x384: {  	s17 =	rddreg [dreg:$0x12];
	s2 =	sadd.s32 s11, s1  }
0x385: {  	[hbm4b:s2+s15] =	stream.linear.scatter [tilespmem:s7], [sflag:$0x2], $0x400, $0x38;
	[tilespmem:$0x18B00] =	vst v63  }
0x386: {  	s1 =	sadd.s32 s17, s1  }
0x387: {  	[hbm4b:s1+s15] =	stream.linear.scatter [tilespmem:s19], [sflag:$0x2], $0x400, $0x38;
	[tilespmem:$0x18B00] =	vst v63  }
0x388: {  	_ =	swait.ge [sflag:s13], $0x800  }
0x389: {  	[sflag:s13] =	ssyncset.done $0x0  }
0x38a: {  	[sflag:s13] =	ssyncadd.s32 $0xFFFFF800  }
0x38b: {  	_ =	swait.ge [sflag:s13], $0x800  }
0x38c: {  	[sflag:s13] =	ssyncset.done $0x0  }
0x38d: {  	[sflag:s13] =	ssyncadd.s32 $0xFFFFF800  }
0x38e: {  	_ =	swait.ge [sflag:s13], $0x800  }
0x38f: {  	[sflag:s13] =	ssyncset.done $0x0  }
0x390: {  	[sflag:s13] =	ssyncadd.s32 $0xFFFFF800  }
0x391: {  	_ =	swait.ge [sflag:s13], $0x800  }
0x392: {  	[sflag:s13] =	ssyncset.done $0x0  }
0x393: {  	[sflag:s13] =	ssyncadd.s32 $0xFFFFF800  }
0x394: {  	_ =	swait.ge [sflag:s13], $0x400  }
0x395: {  	[sflag:s13] =	ssyncset.done $0x0  }
0x396: {  	[sflag:s13] =	ssyncadd.s32 $0xFFFFFC00  }
0x397: {  	_ =	swait.ge [sflag:s13], $0x400  }
0x398: {  	[sflag:s13] =	ssyncset.done $0x0  }
0x399: {  	[sflag:s13] =	ssyncadd.s32 $0xFFFFFC00  }
0x39a: {  	_ =	swait.ge [sflag:s13], $0x400  }
0x39b: {  	[sflag:s13] =	ssyncset.done $0x0  }
0x39c: {  	[sflag:s13] =	ssyncadd.s32 $0xFFFFFC00  }
0x39d: {  	_ =	swait.ge [sflag:s13], $0x400  }
0x39e: {  	[sflag:s13] =	ssyncset.done $0x0  }
0x39f: {  	[sflag:s13] =	ssyncadd.s32 $0xFFFFFC00  }
0x3a0: {  	_ =	swait.ge [sflag:s13], $0x400  }
0x3a1: {  	[sflag:s13] =	ssyncset.done $0x0  }
0x3a2: {  	[sflag:s13] =	ssyncadd.s32 $0xFFFFFC00  }
0x3a3: {  	_ =	swait.ge [sflag:s13], $0x400  }
0x3a4: {  	[sflag:s13] =	ssyncset.done $0x0  }
0x3a5: {  	[sflag:s13] =	ssyncadd.s32 $0xFFFFFC00  }
0x3a6: {  	_ =	swait.ge [sflag:s13], $0x400  }
0x3a7: {  	[sflag:s13] =	ssyncset.done $0x0  }
0x3a8: {  	[sflag:s13] =	ssyncadd.s32 $0xFFFFFC00  }
0x3a9: {  	_ =	swait.ge [sflag:s13], $0x400  }
0x3aa: {  	[sflag:s13] =	ssyncset.done $0x0  }
0x3ab: {  	[sflag:s13] =	ssyncadd.s32 $0xFFFFFC00  }
0x3ac: {  	_ =	swait.ge [sflag:s13], $0x400  }
0x3ad: {  	[sflag:s13] =	ssyncset.done $0x0  }
0x3ae: {  	[sflag:s13] =	ssyncadd.s32 $0xFFFFFC00  }
0x3af: {  	_ =	swait.ge [sflag:s13], $0x400  }
0x3b0: {  	[sflag:s13] =	ssyncset.done $0x0  }
0x3b1: {  	[sflag:s13] =	ssyncadd.s32 $0xFFFFFC00  }
0x3b2: {  	_ =	swait.ge [sflag:s13], $0x400  }
0x3b3: {  	[sflag:s13] =	ssyncset.done $0x0  }
0x3b4: {  	[sflag:s13] =	ssyncadd.s32 $0xFFFFFC00  }
0x3b5: {  	_ =	swait.ge [sflag:s13], $0x400  }
0x3b6: {  	[sflag:s13] =	ssyncset.done $0x0  }
0x3b7: {  	[sflag:s13] =	ssyncadd.s32 $0xFFFFFC00  }
0x3b8: {  	_ =	swait.ge [sflag:s13], $0x400  }
0x3b9: {  	[sflag:s13] =	ssyncset.done $0x0  }
0x3ba: {  	[sflag:s13] =	ssyncadd.s32 $0xFFFFFC00  }
0x3bb: {  	_ =	swait.ge [sflag:s13], $0x400  }
0x3bc: {  	[sflag:s13] =	ssyncset.done $0x0  }
0x3bd: {  	s16 =	sadd.s32 $0x1, s16;
	[sflag:s13] =	ssyncadd.s32 $0xFFFFFC00  }
0x3be: {  	p0 =	sne.s32 s16, $0x20;
	_ =	swait.ge [sflag:s13], $0x400  }
.Ltmp3:
0x3bf: {  	[sflag:s13] =	ssyncset.done $0x0;
	(pc) =	sbr.rel @p0 .LBB3_2-.Ltmp3, $4  }
0x3c0: {  	[sflag:s13] =	ssyncadd.s32 $0xFFFFFC00  }
0x3c1: {  	_ =	swait.ge [sflag:s13], $0x400  }
0x3c2: {  	[sflag:s13] =	ssyncset.done $0x0  }
0x3c3: {  	[sflag:s13] =	ssyncadd.s32 $0xFFFFFC00  }
0x3c4: {  	s2 =	sld [smem:$0x7E0];
	_ =	sdelay $0x2  }
0x3c5: {  	s1 =	rddreg [dreg:$0x17];
	s2 =	sadd.s32 $0x1, s2  }
0x3c6: {  	p0 =	sne.s32 s2, s1  }
.Ltmp4:
0x3c7: {  	_ = 	snop;
	(pc) =	sbr.rel @p0 .LBB3_1-.Ltmp4, $1  }
0x3c8: {  	_ =	sdelay $0x3  }
0x3c9: {  	_ =	sfence.sel $0x180000  }
0x3ca: {  	[bflag:$0x0] =	sbarrier.arrive $0xFFFF  }
0x3cb: {  	_ =	strace $0x90000047  }
0x3cc: {  	s0 =	stileid.u32;
	[bflag:$0x2] =	sbarrier.arrive $0xFFFF  }
0x3cd: {  	p0 =	sne.s32 s0, $0x0;
	s0 =	rddreg [dreg:$0xe]  }
0x3ce: {  	s0 =	sadd.s32 @!p0 $0x100000, s0  }
0x3cf: {  	[sflag:s0] =	ssyncadd.tile.s32 @!p0 $0x1;
	_ =	shalt  }
.Lfunc_end3:
_tile_overlayer_lowered:
.L_overlay_start_3:
0x3d0: {  	(tag) =	ssettag $0x3  }
0x3d1: {  	s0 =	rddreg [dreg:$0x0];
	s2 =	stileid.u32  }
0x3d2: {  	s1 =	rddreg [dreg:$0x1];
	p0 =	sne.s32 s2, $0x0  }
0x3d3: {  	s3 =	rddreg [dreg:$0x2];
	[bflag:$0x3] =	sbarrier.arrive $0xFFFF;
	s2 =	simm.s32 @!p0 $0x1C03  }
0x3d4: {  	[timem:s3], [sflag:s2] =	dma.local @!p0 [hbm:s0], s1  }
0x3d5: {  	s0 =	simm.s32 @!p0 $0x3  }
0x3d6: {  	_ =	swait.ge @!p0 [sflag:s0], s1  }
0x3d7: {  	s1 =	ssub.s32 @!p0 $0x0, s1;
	[sflag:s0] =	ssyncset.done @!p0 $0x0  }
0x3d8: {  	[sflag:s0] =	ssyncadd.s32 @!p0 s1  }
0x3d9: {  	[bflag:$0x3] =	sbarrier.arrive $0xFFFF  }
0x3da: {  	_ =	shalt  }

</sc_bundles>
